<compile_context>
chip_gen: v7x
topology: tpu7x:2x2x1
jax: 0.10.2.dev20260603
libtpu: 0.0.44.dev20260713+nightly
codegen_flags: <defaults>
</compile_context>

<pallas_src>
import functools

import jax
import jax.numpy as jnp
from jax import lax
from jax.experimental import pallas as pl
from jax.experimental.pallas import tpu as pltpu
from jax.experimental.pallas import tpu_sc as plsc

N = 10000
E = 160000
D = 256
DH = 128
NS = 16
EPS = E // NS
CH = 80
NCHUNK = EPS // CH
ROWS_PS = N // NS
ZROWS = 25
MM_BLK = 1000


def _mm_body(x_ref, w_ref, o_ref):
    r = lax.dot_general(x_ref[...], w_ref[...], (((1,), (1,)), ((), ())),
                        preferred_element_type=jnp.float32)
    o_ref[0] = r[:, :DH]
    o_ref[1] = r[:, DH:]


def _matmul_halves(features, W):
    return pl.pallas_call(
        _mm_body,
        grid=(N // MM_BLK,),
        in_specs=[
            pl.BlockSpec((MM_BLK, D), lambda i: (i, 0)),
            pl.BlockSpec((D, D), lambda i: (0, 0)),
        ],
        out_specs=pl.BlockSpec((2, MM_BLK, DH), lambda i: (0, i, 0)),
        out_shape=jax.ShapeDtypeStruct((2, N, DH), jnp.float32),
    )(features, W)


def _sc_body(seq_hbm, src_hbm, dst_hbm, adj_hbm, out_hbm,
             src_v, dst_v, adj_v, rows0_v, rows1_v, agg_s, gsem, ssem):
    c = lax.axis_index("c")
    s = lax.axis_index("s")

    def zrow(r, carry):
        for j in range(DH // 16):
            rows0_v[r, pl.ds(j * 16, 16)] = jnp.zeros((16,), jnp.float32)
        return carry
    lax.fori_loop(0, ZROWS, zrow, 0)
    for k in range(ROWS_PS // ZROWS):
        pltpu.sync_copy(rows0_v.at[pl.ds(0, ZROWS)],
                        agg_s.at[pl.ds(s * ROWS_PS + k * ZROWS, ZROWS)])

    pltpu.sync_copy(src_hbm.at[s], src_v)
    pltpu.sync_copy(dst_hbm.at[s], dst_v)
    pltpu.sync_copy(adj_hbm.at[s], adj_v)
    plsc.subcore_barrier()

    def core_body(seq_plane):
        rows = (rows0_v, rows1_v)
        pltpu.async_copy(seq_plane.at[src_v.at[0]], rows0_v, gsem).wait()

        def chunk(i, carry):
            for b in range(2):
                @pl.when(i % 2 == b)
                def _():
                    rb, rnb = rows[b], rows[1 - b]
                    dogather = i + 1 < NCHUNK

                    @pl.when(i >= 1)
                    def _():
                        pltpu.make_async_copy(
                            rnb, agg_s.at[dst_v.at[i - 1]], ssem).wait()

                    @pl.when(dogather)
                    def _():
                        pltpu.async_copy(
                            seq_plane.at[src_v.at[i + 1]], rnb, gsem)

                    def edge(e, carry2):
                        a = plsc.load_gather(
                            adj_v, [jnp.full((16,), i * CH, jnp.int32) + e])
                        for j in range(DH // 16):
                            sl = pl.ds(j * 16, 16)
                            rb[e, sl] = rb[e, sl] * a
                        return carry2
                    lax.fori_loop(0, CH, edge, 0, unroll=4)
                    pltpu.async_copy(rb, agg_s.at[dst_v.at[i]], ssem,
                                     add=True)

                    @pl.when(dogather)
                    def _():
                        pltpu.make_async_copy(
                            seq_plane.at[src_v.at[i + 1]], rnb, gsem).wait()
            return carry
        lax.fori_loop(0, NCHUNK, chunk, 0)
        pltpu.make_async_copy(rows[(NCHUNK - 1) % 2],
                              agg_s.at[dst_v.at[NCHUNK - 1]], ssem).wait()

    @pl.when(c == 0)
    def _():
        core_body(seq_hbm.at[0])

    @pl.when(c == 1)
    def _():
        core_body(seq_hbm.at[1])

    plsc.subcore_barrier()

    @pl.when(c == 0)
    def _():
        pltpu.sync_copy(agg_s.at[pl.ds(s * ROWS_PS, ROWS_PS)],
                        out_hbm.at[0].at[pl.ds(s * ROWS_PS, ROWS_PS)])

    @pl.when(c == 1)
    def _():
        pltpu.sync_copy(agg_s.at[pl.ds(s * ROWS_PS, ROWS_PS)],
                        out_hbm.at[1].at[pl.ds(s * ROWS_PS, ROWS_PS)])


def _sc_aggregate(seq, src, dst, adj):
    mesh = plsc.VectorSubcoreMesh(core_axis_name="c", subcore_axis_name="s")
    return pl.kernel(
        _sc_body,
        out_type=jax.ShapeDtypeStruct((2, N, DH), jnp.float32),
        mesh=mesh,
        scratch_types=[
            pltpu.VMEM((NCHUNK, CH), jnp.int32),
            pltpu.VMEM((NCHUNK, CH), jnp.int32),
            pltpu.VMEM((EPS,), jnp.float32),
            pltpu.VMEM((CH, DH), jnp.float32),
            pltpu.VMEM((CH, DH), jnp.float32),
            pltpu.VMEM_SHARED((N, DH), jnp.float32),
            pltpu.SemaphoreType.DMA,
            pltpu.SemaphoreType.DMA,
        ],
        compiler_params=pltpu.CompilerParams(use_tc_tiling_on_sc=False,
                                             needs_layout_passes=False),
    )(seq, src, dst, adj)


def _act_body(agg_ref, b_ref, a_ref, o_ref):
    x = jnp.concatenate([agg_ref[0], agg_ref[1]], axis=1) + b_ref[...]
    alpha = a_ref[0]
    o_ref[...] = jnp.where(x >= 0, x, alpha * x)


def _epilogue(agg, bias, prelu_a):
    return pl.pallas_call(
        _act_body,
        grid=(N // MM_BLK,),
        in_specs=[
            pl.BlockSpec((2, MM_BLK, DH), lambda i: (0, i, 0)),
            pl.BlockSpec((1, D), lambda i: (0, 0)),
            pl.BlockSpec(memory_space=pltpu.SMEM),
        ],
        out_specs=pl.BlockSpec((MM_BLK, D), lambda i: (i, 0)),
        out_shape=jax.ShapeDtypeStruct((N, D), jnp.float32),
    )(agg, bias.reshape(1, D), prelu_a)


@jax.jit
def kernel(features, edge_index, adj_values, W, bias, prelu_a):
    src = edge_index[0].reshape(NS, NCHUNK, CH)
    dst = edge_index[1].reshape(NS, NCHUNK, CH)
    adj = adj_values.reshape(NS, EPS)
    seq = _matmul_halves(features, W)
    agg = _sc_aggregate(seq, src, dst, adj)
    return _epilogue(agg, bias, prelu_a)

# --- scband reference (transcript-rebuilt; emitter-appended) ---
"""Pipeline reference for scband-planetoid-gcn-27977416966232 (READ-ONLY COPY).

The authoritative reference and input builder live on the scoring server;
editing this copy changes nothing except your own understanding.
"""

import jax, jax.numpy as jnp
import numpy as np

N = 10000
E = 160000
D_IN = 256
D_OUT = 256


def setup_inputs(seed: int = 0) -> dict:
    key = jax.random.key(seed)
    k1, k2, k3, k4 = jax.random.split(key, 4)
    features = jax.random.normal(k1, (N, D_IN), dtype=jnp.float32)
    edge_index = jax.random.randint(k2, (2, E), 0, N, dtype=jnp.int32)
    adj_values = jax.random.uniform(k3, (E,), dtype=jnp.float32)
    # nn.Linear(in_ft, out_ft, bias=False) with xavier_uniform init: weight shape (out_ft, in_ft)
    limit = float(np.sqrt(6.0 / (D_IN + D_OUT)))
    W = jax.random.uniform(k4, (D_OUT, D_IN), dtype=jnp.float32, minval=-limit, maxval=limit)
    bias = jnp.zeros((D_OUT,), dtype=jnp.float32)  # bias.data.fill_(0.0)
    prelu_a = jnp.full((1,), 0.25, dtype=jnp.float32)  # nn.PReLU default
    return {
        "features": features,
        "edge_index": edge_index,
        "adj_values": adj_values,
        "W": W,
        "bias": bias,
        "prelu_a": prelu_a,
    }


def reference(features, edge_index, adj_values, W, bias, prelu_a):
    # seq_fts = self.fc(features)  (Linear without bias)
    seq_fts = features @ W.T
    # out = torch.spmm(adjacency, seq_fts): sparse COO adjacency with
    # rows = edge_index[1] (dst), cols = edge_index[0] (src), values = adj_values
    src = edge_index[0]
    dst = edge_index[1]
    msgs = adj_values[:, None] * jnp.take(seq_fts, src, axis=0)
    agg = jnp.zeros((N, D_OUT), dtype=seq_fts.dtype).at[dst].add(msgs)
    # out += self.bias
    out = agg + bias
    # PReLU activation (single shared parameter), then squeeze(0) of unsqueeze(0) is identity
    out = jnp.where(out >= 0, out, prelu_a[0] * out)
    return out

if __name__ == "__main__":
    import jax
    _d = setup_inputs()
    print(jax.jit(kernel)(*tuple(_d.values())))

</pallas_src>

<mosaic_0001>
#map = affine_map<(d0, d1) -> (0, 0, 0)>
#map1 = affine_map<(d0, d1) -> (0, 0)>
module attributes {stable_mosaic.version = 14 : i64} {
  func.func @_sc_body(%arg0: i32, %arg1: i32, %arg2: memref<2x10000x128xf32, #tpu.memory_space<hbm>>, %arg3: memref<16x125x80xi32, #tpu.memory_space<hbm>>, %arg4: memref<16x125x80xi32, #tpu.memory_space<hbm>>, %arg5: memref<16x10000xf32, #tpu.memory_space<hbm>>, %arg6: memref<2x10000x128xf32, #tpu.memory_space<hbm>>, %arg7: memref<125x80xi32, #tpu.memory_space<vmem>>, %arg8: memref<125x80xi32, #tpu.memory_space<vmem>>, %arg9: memref<10000xf32, #tpu.memory_space<vmem>>, %arg10: memref<80x128xf32, #tpu.memory_space<vmem>>, %arg11: memref<80x128xf32, #tpu.memory_space<vmem>>, %arg12: memref<10000x128xf32, #tpu.memory_space<vmem_shared>>, %arg13: memref<!tpu.dma_semaphore, #tpu.memory_space<semaphore_mem>>, %arg14: memref<!tpu.dma_semaphore, #tpu.memory_space<semaphore_mem>>) attributes {dimension_semantics = [#tpu.dimension_semantics<core_parallel>, #tpu.dimension_semantics<subcore_parallel>], iteration_bounds = array<i64: 2, 16>, scalar_prefetch = 0 : i64, scratch_operands = 8 : i64, tpu.core_type = #tpu.core_type<sc_vector_subcore>, window_params = [{transform_indices = #map}, {transform_indices = #map}, {transform_indices = #map}, {transform_indices = #map1}, {transform_indices = #map}]} {
    %scan3A = arith.constant 0 : i32
    %scan3A_0 = arith.constant 0 : i32
    %scan3A_1 = arith.constant 25 : i32
    %scan3A_2 = arith.addi %scan3A_0, %scan3A_1 : i32
    %scan3A_3 = arith.constant 1 : i32
    scf.for %scan3A_121 = %scan3A_0 to %scan3A_2 step %scan3A_3  : i32 {
      %broadcast_in_dim3A = arith.constant 0.000000e+00 : f32
      %broadcast_in_dim3A_122 = vector.broadcast %broadcast_in_dim3A : f32 to vector<16xf32>
      %swap3A = arith.index_cast %scan3A_121 : i32 to index
      %swap3A_123 = arith.constant 0 : index
      %swap3A_124 = tpu.vector_load %arg10[%swap3A, %swap3A_123] {strides = array<i32>} : memref<80x128xf32, #tpu.memory_space<vmem>>, vector<16xf32>,
      tpu.vector_store %arg10[%swap3A, %swap3A_123], %broadcast_in_dim3A_122 {strides = array<i32>} : memref<80x128xf32, #tpu.memory_space<vmem>>, vector<16xf32>,
      %broadcast_in_dim3A_125 = arith.constant 0.000000e+00 : f32
      %broadcast_in_dim3A_126 = vector.broadcast %broadcast_in_dim3A_125 : f32 to vector<16xf32>
      %swap3A_127 = arith.index_cast %scan3A_121 : i32 to index
      %swap3A_128 = arith.constant 16 : index
      %swap3A_129 = tpu.vector_load %arg10[%swap3A_127, %swap3A_128] {strides = array<i32>} : memref<80x128xf32, #tpu.memory_space<vmem>>, vector<16xf32>,
      tpu.vector_store %arg10[%swap3A_127, %swap3A_128], %broadcast_in_dim3A_126 {strides = array<i32>} : memref<80x128xf32, #tpu.memory_space<vmem>>, vector<16xf32>,
      %broadcast_in_dim3A_130 = arith.constant 0.000000e+00 : f32
      %broadcast_in_dim3A_131 = vector.broadcast %broadcast_in_dim3A_130 : f32 to vector<16xf32>
      %swap3A_132 = arith.index_cast %scan3A_121 : i32 to index
      %swap3A_133 = arith.constant 32 : index
      %swap3A_134 = tpu.vector_load %arg10[%swap3A_132, %swap3A_133] {strides = array<i32>} : memref<80x128xf32, #tpu.memory_space<vmem>>, vector<16xf32>,
      tpu.vector_store %arg10[%swap3A_132, %swap3A_133], %broadcast_in_dim3A_131 {strides = array<i32>} : memref<80x128xf32, #tpu.memory_space<vmem>>, vector<16xf32>,
      %broadcast_in_dim3A_135 = arith.constant 0.000000e+00 : f32
      %broadcast_in_dim3A_136 = vector.broadcast %broadcast_in_dim3A_135 : f32 to vector<16xf32>
      %swap3A_137 = arith.index_cast %scan3A_121 : i32 to index
      %swap3A_138 = arith.constant 48 : index
      %swap3A_139 = tpu.vector_load %arg10[%swap3A_137, %swap3A_138] {strides = array<i32>} : memref<80x128xf32, #tpu.memory_space<vmem>>, vector<16xf32>,
      tpu.vector_store %arg10[%swap3A_137, %swap3A_138], %broadcast_in_dim3A_136 {strides = array<i32>} : memref<80x128xf32, #tpu.memory_space<vmem>>, vector<16xf32>,
      %broadcast_in_dim3A_140 = arith.constant 0.000000e+00 : f32
      %broadcast_in_dim3A_141 = vector.broadcast %broadcast_in_dim3A_140 : f32 to vector<16xf32>
      %swap3A_142 = arith.index_cast %scan3A_121 : i32 to index
      %swap3A_143 = arith.constant 64 : index
      %swap3A_144 = tpu.vector_load %arg10[%swap3A_142, %swap3A_143] {strides = array<i32>} : memref<80x128xf32, #tpu.memory_space<vmem>>, vector<16xf32>,
      tpu.vector_store %arg10[%swap3A_142, %swap3A_143], %broadcast_in_dim3A_141 {strides = array<i32>} : memref<80x128xf32, #tpu.memory_space<vmem>>, vector<16xf32>,
      %broadcast_in_dim3A_145 = arith.constant 0.000000e+00 : f32
      %broadcast_in_dim3A_146 = vector.broadcast %broadcast_in_dim3A_145 : f32 to vector<16xf32>
      %swap3A_147 = arith.index_cast %scan3A_121 : i32 to index
      %swap3A_148 = arith.constant 80 : index
      %swap3A_149 = tpu.vector_load %arg10[%swap3A_147, %swap3A_148] {strides = array<i32>} : memref<80x128xf32, #tpu.memory_space<vmem>>, vector<16xf32>,
      tpu.vector_store %arg10[%swap3A_147, %swap3A_148], %broadcast_in_dim3A_146 {strides = array<i32>} : memref<80x128xf32, #tpu.memory_space<vmem>>, vector<16xf32>,
      %broadcast_in_dim3A_150 = arith.constant 0.000000e+00 : f32
      %broadcast_in_dim3A_151 = vector.broadcast %broadcast_in_dim3A_150 : f32 to vector<16xf32>
      %swap3A_152 = arith.index_cast %scan3A_121 : i32 to index
      %swap3A_153 = arith.constant 96 : index
      %swap3A_154 = tpu.vector_load %arg10[%swap3A_152, %swap3A_153] {strides = array<i32>} : memref<80x128xf32, #tpu.memory_space<vmem>>, vector<16xf32>,
      tpu.vector_store %arg10[%swap3A_152, %swap3A_153], %broadcast_in_dim3A_151 {strides = array<i32>} : memref<80x128xf32, #tpu.memory_space<vmem>>, vector<16xf32>,
      %broadcast_in_dim3A_155 = arith.constant 0.000000e+00 : f32
      %broadcast_in_dim3A_156 = vector.broadcast %broadcast_in_dim3A_155 : f32 to vector<16xf32>
      %swap3A_157 = arith.index_cast %scan3A_121 : i32 to index
      %swap3A_158 = arith.constant 112 : index
      %swap3A_159 = tpu.vector_load %arg10[%swap3A_157, %swap3A_158] {strides = array<i32>} : memref<80x128xf32, #tpu.memory_space<vmem>>, vector<16xf32>,
      tpu.vector_store %arg10[%swap3A_157, %swap3A_158], %broadcast_in_dim3A_156 {strides = array<i32>} : memref<80x128xf32, #tpu.memory_space<vmem>>, vector<16xf32>,
    }
    %scan3A_4 = arith.constant 25 : i32
    %mul3A = arith.constant 625 : i32
    %mul3A_5 = arith.muli %arg1, %mul3A : i32
    %add3A = arith.constant 0 : i32
    %add3A_6 = arith.addi %mul3A_5, %add3A : i32
    "tpu.region"() ({
      %run_scoped3A = tpu.sem_alloc : memref<!tpu.dma_semaphore, #tpu.memory_space<semaphore_mem>>
      %dma_start3A = arith.constant 0 : i32
      %dma_start3A_121 = arith.constant 0 : i32
      %dma_start3A_122 = tpu.memref_slice %arg10[%dma_start3A, %dma_start3A_121] : memref<80x128xf32, #tpu.memory_space<vmem>> -> memref<25x128xf32, #tpu.memory_space<vmem>>
      %dma_start3A_123 = arith.constant 0 : i32
      %dma_start3A_124 = tpu.memref_slice %arg12[%add3A_6, %dma_start3A_123] : memref<10000x128xf32, #tpu.memory_space<vmem_shared>> -> memref<25x128xf32, #tpu.memory_space<vmem_shared>>
      %dma_start3A_125 = arith.constant 0 : i32
      %dma_start3A_126 = tpu.memref_slice %arg12[%add3A_6, %dma_start3A_125] : memref<10000x128xf32, #tpu.memory_space<vmem_shared>> -> memref<25x128xf32, #tpu.memory_space<vmem_shared>>
      %dma_start3A_127 = arith.constant 0 : i32
      %dma_start3A_128 = arith.constant 0 : i32
      %dma_start3A_129 = tpu.memref_slice %arg10[%dma_start3A_127, %dma_start3A_128] : memref<80x128xf32, #tpu.memory_space<vmem>> -> memref<25x128xf32, #tpu.memory_space<vmem>>
      tpu.enqueue_dma source(%dma_start3A_129 : memref<25x128xf32, #tpu.memory_space<vmem>>) target(%dma_start3A_126 : memref<25x128xf32, #tpu.memory_space<vmem_shared>>) target_semaphore(%run_scoped3A : memref<!tpu.dma_semaphore, #tpu.memory_space<semaphore_mem>>)
      %dma_wait3A = arith.constant 0 : i32
      %dma_wait3A_130 = arith.constant 0 : i32
      %dma_wait3A_131 = tpu.memref_slice %arg10[%dma_wait3A, %dma_wait3A_130] : memref<80x128xf32, #tpu.memory_space<vmem>> -> memref<25x128xf32, #tpu.memory_space<vmem>>
      %dma_wait3A_132 = arith.constant 0 : i32
      %dma_wait3A_133 = tpu.memref_slice %arg12[%add3A_6, %dma_wait3A_132] : memref<10000x128xf32, #tpu.memory_space<vmem_shared>> -> memref<25x128xf32, #tpu.memory_space<vmem_shared>>
      %dma_wait3A_134 = arith.constant 0 : i32
      %dma_wait3A_135 = tpu.memref_slice %arg12[%add3A_6, %dma_wait3A_134] : memref<10000x128xf32, #tpu.memory_space<vmem_shared>> -> memref<25x128xf32, #tpu.memory_space<vmem_shared>>
      %dma_wait3A_136 = arith.constant 0 : i32
      %dma_wait3A_137 = arith.constant 0 : i32
      %dma_wait3A_138 = tpu.memref_slice %arg10[%dma_wait3A_136, %dma_wait3A_137] : memref<80x128xf32, #tpu.memory_space<vmem>> -> memref<25x128xf32, #tpu.memory_space<vmem>>
      tpu.wait_dma2 semaphore(%run_scoped3A : memref<!tpu.dma_semaphore, #tpu.memory_space<semaphore_mem>>) src(%dma_wait3A_138 : memref<25x128xf32, #tpu.memory_space<vmem>>) dst(%dma_wait3A_135 : memref<25x128xf32, #tpu.memory_space<vmem_shared>>)
      tpu.yield
    }) : () -> ()
    %mul3A_7 = arith.constant 625 : i32
    %mul3A_8 = arith.muli %arg1, %mul3A_7 : i32
    %add3A_9 = arith.constant 25 : i32
    %add3A_10 = arith.addi %mul3A_8, %add3A_9 : i32
    "tpu.region"() ({
      %run_scoped3A = tpu.sem_alloc : memref<!tpu.dma_semaphore, #tpu.memory_space<semaphore_mem>>
      %dma_start3A = arith.constant 0 : i32
      %dma_start3A_121 = arith.constant 0 : i32
      %dma_start3A_122 = tpu.memref_slice %arg10[%dma_start3A, %dma_start3A_121] : memref<80x128xf32, #tpu.memory_space<vmem>> -> memref<25x128xf32, #tpu.memory_space<vmem>>
      %dma_start3A_123 = arith.constant 0 : i32
      %dma_start3A_124 = tpu.memref_slice %arg12[%add3A_10, %dma_start3A_123] : memref<10000x128xf32, #tpu.memory_space<vmem_shared>> -> memref<25x128xf32, #tpu.memory_space<vmem_shared>>
      %dma_start3A_125 = arith.constant 0 : i32
      %dma_start3A_126 = tpu.memref_slice %arg12[%add3A_10, %dma_start3A_125] : memref<10000x128xf32, #tpu.memory_space<vmem_shared>> -> memref<25x128xf32, #tpu.memory_space<vmem_shared>>
      %dma_start3A_127 = arith.constant 0 : i32
      %dma_start3A_128 = arith.constant 0 : i32
      %dma_start3A_129 = tpu.memref_slice %arg10[%dma_start3A_127, %dma_start3A_128] : memref<80x128xf32, #tpu.memory_space<vmem>> -> memref<25x128xf32, #tpu.memory_space<vmem>>
      tpu.enqueue_dma source(%dma_start3A_129 : memref<25x128xf32, #tpu.memory_space<vmem>>) target(%dma_start3A_126 : memref<25x128xf32, #tpu.memory_space<vmem_shared>>) target_semaphore(%run_scoped3A : memref<!tpu.dma_semaphore, #tpu.memory_space<semaphore_mem>>)
      %dma_wait3A = arith.constant 0 : i32
      %dma_wait3A_130 = arith.constant 0 : i32
      %dma_wait3A_131 = tpu.memref_slice %arg10[%dma_wait3A, %dma_wait3A_130] : memref<80x128xf32, #tpu.memory_space<vmem>> -> memref<25x128xf32, #tpu.memory_space<vmem>>
      %dma_wait3A_132 = arith.constant 0 : i32
      %dma_wait3A_133 = tpu.memref_slice %arg12[%add3A_10, %dma_wait3A_132] : memref<10000x128xf32, #tpu.memory_space<vmem_shared>> -> memref<25x128xf32, #tpu.memory_space<vmem_shared>>
      %dma_wait3A_134 = arith.constant 0 : i32
      %dma_wait3A_135 = tpu.memref_slice %arg12[%add3A_10, %dma_wait3A_134] : memref<10000x128xf32, #tpu.memory_space<vmem_shared>> -> memref<25x128xf32, #tpu.memory_space<vmem_shared>>
      %dma_wait3A_136 = arith.constant 0 : i32
      %dma_wait3A_137 = arith.constant 0 : i32
      %dma_wait3A_138 = tpu.memref_slice %arg10[%dma_wait3A_136, %dma_wait3A_137] : memref<80x128xf32, #tpu.memory_space<vmem>> -> memref<25x128xf32, #tpu.memory_space<vmem>>
      tpu.wait_dma2 semaphore(%run_scoped3A : memref<!tpu.dma_semaphore, #tpu.memory_space<semaphore_mem>>) src(%dma_wait3A_138 : memref<25x128xf32, #tpu.memory_space<vmem>>) dst(%dma_wait3A_135 : memref<25x128xf32, #tpu.memory_space<vmem_shared>>)
      tpu.yield
    }) : () -> ()
    %mul3A_11 = arith.constant 625 : i32
    %mul3A_12 = arith.muli %arg1, %mul3A_11 : i32
    %add3A_13 = arith.constant 50 : i32
    %add3A_14 = arith.addi %mul3A_12, %add3A_13 : i32
    "tpu.region"() ({
      %run_scoped3A = tpu.sem_alloc : memref<!tpu.dma_semaphore, #tpu.memory_space<semaphore_mem>>
      %dma_start3A = arith.constant 0 : i32
      %dma_start3A_121 = arith.constant 0 : i32
      %dma_start3A_122 = tpu.memref_slice %arg10[%dma_start3A, %dma_start3A_121] : memref<80x128xf32, #tpu.memory_space<vmem>> -> memref<25x128xf32, #tpu.memory_space<vmem>>
      %dma_start3A_123 = arith.constant 0 : i32
      %dma_start3A_124 = tpu.memref_slice %arg12[%add3A_14, %dma_start3A_123] : memref<10000x128xf32, #tpu.memory_space<vmem_shared>> -> memref<25x128xf32, #tpu.memory_space<vmem_shared>>
      %dma_start3A_125 = arith.constant 0 : i32
      %dma_start3A_126 = tpu.memref_slice %arg12[%add3A_14, %dma_start3A_125] : memref<10000x128xf32, #tpu.memory_space<vmem_shared>> -> memref<25x128xf32, #tpu.memory_space<vmem_shared>>
      %dma_start3A_127 = arith.constant 0 : i32
      %dma_start3A_128 = arith.constant 0 : i32
      %dma_start3A_129 = tpu.memref_slice %arg10[%dma_start3A_127, %dma_start3A_128] : memref<80x128xf32, #tpu.memory_space<vmem>> -> memref<25x128xf32, #tpu.memory_space<vmem>>
      tpu.enqueue_dma source(%dma_start3A_129 : memref<25x128xf32, #tpu.memory_space<vmem>>) target(%dma_start3A_126 : memref<25x128xf32, #tpu.memory_space<vmem_shared>>) target_semaphore(%run_scoped3A : memref<!tpu.dma_semaphore, #tpu.memory_space<semaphore_mem>>)
      %dma_wait3A = arith.constant 0 : i32
      %dma_wait3A_130 = arith.constant 0 : i32
      %dma_wait3A_131 = tpu.memref_slice %arg10[%dma_wait3A, %dma_wait3A_130] : memref<80x128xf32, #tpu.memory_space<vmem>> -> memref<25x128xf32, #tpu.memory_space<vmem>>
      %dma_wait3A_132 = arith.constant 0 : i32
      %dma_wait3A_133 = tpu.memref_slice %arg12[%add3A_14, %dma_wait3A_132] : memref<10000x128xf32, #tpu.memory_space<vmem_shared>> -> memref<25x128xf32, #tpu.memory_space<vmem_shared>>
      %dma_wait3A_134 = arith.constant 0 : i32
      %dma_wait3A_135 = tpu.memref_slice %arg12[%add3A_14, %dma_wait3A_134] : memref<10000x128xf32, #tpu.memory_space<vmem_shared>> -> memref<25x128xf32, #tpu.memory_space<vmem_shared>>
      %dma_wait3A_136 = arith.constant 0 : i32
      %dma_wait3A_137 = arith.constant 0 : i32
      %dma_wait3A_138 = tpu.memref_slice %arg10[%dma_wait3A_136, %dma_wait3A_137] : memref<80x128xf32, #tpu.memory_space<vmem>> -> memref<25x128xf32, #tpu.memory_space<vmem>>
      tpu.wait_dma2 semaphore(%run_scoped3A : memref<!tpu.dma_semaphore, #tpu.memory_space<semaphore_mem>>) src(%dma_wait3A_138 : memref<25x128xf32, #tpu.memory_space<vmem>>) dst(%dma_wait3A_135 : memref<25x128xf32, #tpu.memory_space<vmem_shared>>)
      tpu.yield
    }) : () -> ()
    %mul3A_15 = arith.constant 625 : i32
    %mul3A_16 = arith.muli %arg1, %mul3A_15 : i32
    %add3A_17 = arith.constant 75 : i32
    %add3A_18 = arith.addi %mul3A_16, %add3A_17 : i32
    "tpu.region"() ({
      %run_scoped3A = tpu.sem_alloc : memref<!tpu.dma_semaphore, #tpu.memory_space<semaphore_mem>>
      %dma_start3A = arith.constant 0 : i32
      %dma_start3A_121 = arith.constant 0 : i32
      %dma_start3A_122 = tpu.memref_slice %arg10[%dma_start3A, %dma_start3A_121] : memref<80x128xf32, #tpu.memory_space<vmem>> -> memref<25x128xf32, #tpu.memory_space<vmem>>
      %dma_start3A_123 = arith.constant 0 : i32
      %dma_start3A_124 = tpu.memref_slice %arg12[%add3A_18, %dma_start3A_123] : memref<10000x128xf32, #tpu.memory_space<vmem_shared>> -> memref<25x128xf32, #tpu.memory_space<vmem_shared>>
      %dma_start3A_125 = arith.constant 0 : i32
      %dma_start3A_126 = tpu.memref_slice %arg12[%add3A_18, %dma_start3A_125] : memref<10000x128xf32, #tpu.memory_space<vmem_shared>> -> memref<25x128xf32, #tpu.memory_space<vmem_shared>>
      %dma_start3A_127 = arith.constant 0 : i32
      %dma_start3A_128 = arith.constant 0 : i32
      %dma_start3A_129 = tpu.memref_slice %arg10[%dma_start3A_127, %dma_start3A_128] : memref<80x128xf32, #tpu.memory_space<vmem>> -> memref<25x128xf32, #tpu.memory_space<vmem>>
      tpu.enqueue_dma source(%dma_start3A_129 : memref<25x128xf32, #tpu.memory_space<vmem>>) target(%dma_start3A_126 : memref<25x128xf32, #tpu.memory_space<vmem_shared>>) target_semaphore(%run_scoped3A : memref<!tpu.dma_semaphore, #tpu.memory_space<semaphore_mem>>)
      %dma_wait3A = arith.constant 0 : i32
      %dma_wait3A_130 = arith.constant 0 : i32
      %dma_wait3A_131 = tpu.memref_slice %arg10[%dma_wait3A, %dma_wait3A_130] : memref<80x128xf32, #tpu.memory_space<vmem>> -> memref<25x128xf32, #tpu.memory_space<vmem>>
      %dma_wait3A_132 = arith.constant 0 : i32
      %dma_wait3A_133 = tpu.memref_slice %arg12[%add3A_18, %dma_wait3A_132] : memref<10000x128xf32, #tpu.memory_space<vmem_shared>> -> memref<25x128xf32, #tpu.memory_space<vmem_shared>>
      %dma_wait3A_134 = arith.constant 0 : i32
      %dma_wait3A_135 = tpu.memref_slice %arg12[%add3A_18, %dma_wait3A_134] : memref<10000x128xf32, #tpu.memory_space<vmem_shared>> -> memref<25x128xf32, #tpu.memory_space<vmem_shared>>
      %dma_wait3A_136 = arith.constant 0 : i32
      %dma_wait3A_137 = arith.constant 0 : i32
      %dma_wait3A_138 = tpu.memref_slice %arg10[%dma_wait3A_136, %dma_wait3A_137] : memref<80x128xf32, #tpu.memory_space<vmem>> -> memref<25x128xf32, #tpu.memory_space<vmem>>
      tpu.wait_dma2 semaphore(%run_scoped3A : memref<!tpu.dma_semaphore, #tpu.memory_space<semaphore_mem>>) src(%dma_wait3A_138 : memref<25x128xf32, #tpu.memory_space<vmem>>) dst(%dma_wait3A_135 : memref<25x128xf32, #tpu.memory_space<vmem_shared>>)
      tpu.yield
    }) : () -> ()
    %mul3A_19 = arith.constant 625 : i32
    %mul3A_20 = arith.muli %arg1, %mul3A_19 : i32
    %add3A_21 = arith.constant 100 : i32
    %add3A_22 = arith.addi %mul3A_20, %add3A_21 : i32
    "tpu.region"() ({
      %run_scoped3A = tpu.sem_alloc : memref<!tpu.dma_semaphore, #tpu.memory_space<semaphore_mem>>
      %dma_start3A = arith.constant 0 : i32
      %dma_start3A_121 = arith.constant 0 : i32
      %dma_start3A_122 = tpu.memref_slice %arg10[%dma_start3A, %dma_start3A_121] : memref<80x128xf32, #tpu.memory_space<vmem>> -> memref<25x128xf32, #tpu.memory_space<vmem>>
      %dma_start3A_123 = arith.constant 0 : i32
      %dma_start3A_124 = tpu.memref_slice %arg12[%add3A_22, %dma_start3A_123] : memref<10000x128xf32, #tpu.memory_space<vmem_shared>> -> memref<25x128xf32, #tpu.memory_space<vmem_shared>>
      %dma_start3A_125 = arith.constant 0 : i32
      %dma_start3A_126 = tpu.memref_slice %arg12[%add3A_22, %dma_start3A_125] : memref<10000x128xf32, #tpu.memory_space<vmem_shared>> -> memref<25x128xf32, #tpu.memory_space<vmem_shared>>
      %dma_start3A_127 = arith.constant 0 : i32
      %dma_start3A_128 = arith.constant 0 : i32
      %dma_start3A_129 = tpu.memref_slice %arg10[%dma_start3A_127, %dma_start3A_128] : memref<80x128xf32, #tpu.memory_space<vmem>> -> memref<25x128xf32, #tpu.memory_space<vmem>>
      tpu.enqueue_dma source(%dma_start3A_129 : memref<25x128xf32, #tpu.memory_space<vmem>>) target(%dma_start3A_126 : memref<25x128xf32, #tpu.memory_space<vmem_shared>>) target_semaphore(%run_scoped3A : memref<!tpu.dma_semaphore, #tpu.memory_space<semaphore_mem>>)
      %dma_wait3A = arith.constant 0 : i32
      %dma_wait3A_130 = arith.constant 0 : i32
      %dma_wait3A_131 = tpu.memref_slice %arg10[%dma_wait3A, %dma_wait3A_130] : memref<80x128xf32, #tpu.memory_space<vmem>> -> memref<25x128xf32, #tpu.memory_space<vmem>>
      %dma_wait3A_132 = arith.constant 0 : i32
      %dma_wait3A_133 = tpu.memref_slice %arg12[%add3A_22, %dma_wait3A_132] : memref<10000x128xf32, #tpu.memory_space<vmem_shared>> -> memref<25x128xf32, #tpu.memory_space<vmem_shared>>
      %dma_wait3A_134 = arith.constant 0 : i32
      %dma_wait3A_135 = tpu.memref_slice %arg12[%add3A_22, %dma_wait3A_134] : memref<10000x128xf32, #tpu.memory_space<vmem_shared>> -> memref<25x128xf32, #tpu.memory_space<vmem_shared>>
      %dma_wait3A_136 = arith.constant 0 : i32
      %dma_wait3A_137 = arith.constant 0 : i32
      %dma_wait3A_138 = tpu.memref_slice %arg10[%dma_wait3A_136, %dma_wait3A_137] : memref<80x128xf32, #tpu.memory_space<vmem>> -> memref<25x128xf32, #tpu.memory_space<vmem>>
      tpu.wait_dma2 semaphore(%run_scoped3A : memref<!tpu.dma_semaphore, #tpu.memory_space<semaphore_mem>>) src(%dma_wait3A_138 : memref<25x128xf32, #tpu.memory_space<vmem>>) dst(%dma_wait3A_135 : memref<25x128xf32, #tpu.memory_space<vmem_shared>>)
      tpu.yield
    }) : () -> ()
    %mul3A_23 = arith.constant 625 : i32
    %mul3A_24 = arith.muli %arg1, %mul3A_23 : i32
    %add3A_25 = arith.constant 125 : i32
    %add3A_26 = arith.addi %mul3A_24, %add3A_25 : i32
    "tpu.region"() ({
      %run_scoped3A = tpu.sem_alloc : memref<!tpu.dma_semaphore, #tpu.memory_space<semaphore_mem>>
      %dma_start3A = arith.constant 0 : i32
      %dma_start3A_121 = arith.constant 0 : i32
      %dma_start3A_122 = tpu.memref_slice %arg10[%dma_start3A, %dma_start3A_121] : memref<80x128xf32, #tpu.memory_space<vmem>> -> memref<25x128xf32, #tpu.memory_space<vmem>>
      %dma_start3A_123 = arith.constant 0 : i32
      %dma_start3A_124 = tpu.memref_slice %arg12[%add3A_26, %dma_start3A_123] : memref<10000x128xf32, #tpu.memory_space<vmem_shared>> -> memref<25x128xf32, #tpu.memory_space<vmem_shared>>
      %dma_start3A_125 = arith.constant 0 : i32
      %dma_start3A_126 = tpu.memref_slice %arg12[%add3A_26, %dma_start3A_125] : memref<10000x128xf32, #tpu.memory_space<vmem_shared>> -> memref<25x128xf32, #tpu.memory_space<vmem_shared>>
      %dma_start3A_127 = arith.constant 0 : i32
      %dma_start3A_128 = arith.constant 0 : i32
      %dma_start3A_129 = tpu.memref_slice %arg10[%dma_start3A_127, %dma_start3A_128] : memref<80x128xf32, #tpu.memory_space<vmem>> -> memref<25x128xf32, #tpu.memory_space<vmem>>
      tpu.enqueue_dma source(%dma_start3A_129 : memref<25x128xf32, #tpu.memory_space<vmem>>) target(%dma_start3A_126 : memref<25x128xf32, #tpu.memory_space<vmem_shared>>) target_semaphore(%run_scoped3A : memref<!tpu.dma_semaphore, #tpu.memory_space<semaphore_mem>>)
      %dma_wait3A = arith.constant 0 : i32
      %dma_wait3A_130 = arith.constant 0 : i32
      %dma_wait3A_131 = tpu.memref_slice %arg10[%dma_wait3A, %dma_wait3A_130] : memref<80x128xf32, #tpu.memory_space<vmem>> -> memref<25x128xf32, #tpu.memory_space<vmem>>
      %dma_wait3A_132 = arith.constant 0 : i32
      %dma_wait3A_133 = tpu.memref_slice %arg12[%add3A_26, %dma_wait3A_132] : memref<10000x128xf32, #tpu.memory_space<vmem_shared>> -> memref<25x128xf32, #tpu.memory_space<vmem_shared>>
      %dma_wait3A_134 = arith.constant 0 : i32
      %dma_wait3A_135 = tpu.memref_slice %arg12[%add3A_26, %dma_wait3A_134] : memref<10000x128xf32, #tpu.memory_space<vmem_shared>> -> memref<25x128xf32, #tpu.memory_space<vmem_shared>>
      %dma_wait3A_136 = arith.constant 0 : i32
      %dma_wait3A_137 = arith.constant 0 : i32
      %dma_wait3A_138 = tpu.memref_slice %arg10[%dma_wait3A_136, %dma_wait3A_137] : memref<80x128xf32, #tpu.memory_space<vmem>> -> memref<25x128xf32, #tpu.memory_space<vmem>>
      tpu.wait_dma2 semaphore(%run_scoped3A : memref<!tpu.dma_semaphore, #tpu.memory_space<semaphore_mem>>) src(%dma_wait3A_138 : memref<25x128xf32, #tpu.memory_space<vmem>>) dst(%dma_wait3A_135 : memref<25x128xf32, #tpu.memory_space<vmem_shared>>)
      tpu.yield
    }) : () -> ()
    %mul3A_27 = arith.constant 625 : i32
    %mul3A_28 = arith.muli %arg1, %mul3A_27 : i32
    %add3A_29 = arith.constant 150 : i32
    %add3A_30 = arith.addi %mul3A_28, %add3A_29 : i32
    "tpu.region"() ({
      %run_scoped3A = tpu.sem_alloc : memref<!tpu.dma_semaphore, #tpu.memory_space<semaphore_mem>>
      %dma_start3A = arith.constant 0 : i32
      %dma_start3A_121 = arith.constant 0 : i32
      %dma_start3A_122 = tpu.memref_slice %arg10[%dma_start3A, %dma_start3A_121] : memref<80x128xf32, #tpu.memory_space<vmem>> -> memref<25x128xf32, #tpu.memory_space<vmem>>
      %dma_start3A_123 = arith.constant 0 : i32
      %dma_start3A_124 = tpu.memref_slice %arg12[%add3A_30, %dma_start3A_123] : memref<10000x128xf32, #tpu.memory_space<vmem_shared>> -> memref<25x128xf32, #tpu.memory_space<vmem_shared>>
      %dma_start3A_125 = arith.constant 0 : i32
      %dma_start3A_126 = tpu.memref_slice %arg12[%add3A_30, %dma_start3A_125] : memref<10000x128xf32, #tpu.memory_space<vmem_shared>> -> memref<25x128xf32, #tpu.memory_space<vmem_shared>>
      %dma_start3A_127 = arith.constant 0 : i32
      %dma_start3A_128 = arith.constant 0 : i32
      %dma_start3A_129 = tpu.memref_slice %arg10[%dma_start3A_127, %dma_start3A_128] : memref<80x128xf32, #tpu.memory_space<vmem>> -> memref<25x128xf32, #tpu.memory_space<vmem>>
      tpu.enqueue_dma source(%dma_start3A_129 : memref<25x128xf32, #tpu.memory_space<vmem>>) target(%dma_start3A_126 : memref<25x128xf32, #tpu.memory_space<vmem_shared>>) target_semaphore(%run_scoped3A : memref<!tpu.dma_semaphore, #tpu.memory_space<semaphore_mem>>)
      %dma_wait3A = arith.constant 0 : i32
      %dma_wait3A_130 = arith.constant 0 : i32
      %dma_wait3A_131 = tpu.memref_slice %arg10[%dma_wait3A, %dma_wait3A_130] : memref<80x128xf32, #tpu.memory_space<vmem>> -> memref<25x128xf32, #tpu.memory_space<vmem>>
      %dma_wait3A_132 = arith.constant 0 : i32
      %dma_wait3A_133 = tpu.memref_slice %arg12[%add3A_30, %dma_wait3A_132] : memref<10000x128xf32, #tpu.memory_space<vmem_shared>> -> memref<25x128xf32, #tpu.memory_space<vmem_shared>>
      %dma_wait3A_134 = arith.constant 0 : i32
      %dma_wait3A_135 = tpu.memref_slice %arg12[%add3A_30, %dma_wait3A_134] : memref<10000x128xf32, #tpu.memory_space<vmem_shared>> -> memref<25x128xf32, #tpu.memory_space<vmem_shared>>
      %dma_wait3A_136 = arith.constant 0 : i32
      %dma_wait3A_137 = arith.constant 0 : i32
      %dma_wait3A_138 = tpu.memref_slice %arg10[%dma_wait3A_136, %dma_wait3A_137] : memref<80x128xf32, #tpu.memory_space<vmem>> -> memref<25x128xf32, #tpu.memory_space<vmem>>
      tpu.wait_dma2 semaphore(%run_scoped3A : memref<!tpu.dma_semaphore, #tpu.memory_space<semaphore_mem>>) src(%dma_wait3A_138 : memref<25x128xf32, #tpu.memory_space<vmem>>) dst(%dma_wait3A_135 : memref<25x128xf32, #tpu.memory_space<vmem_shared>>)
      tpu.yield
    }) : () -> ()
    %mul3A_31 = arith.constant 625 : i32
    %mul3A_32 = arith.muli %arg1, %mul3A_31 : i32
    %add3A_33 = arith.constant 175 : i32
    %add3A_34 = arith.addi %mul3A_32, %add3A_33 : i32
    "tpu.region"() ({
      %run_scoped3A = tpu.sem_alloc : memref<!tpu.dma_semaphore, #tpu.memory_space<semaphore_mem>>
      %dma_start3A = arith.constant 0 : i32
      %dma_start3A_121 = arith.constant 0 : i32
      %dma_start3A_122 = tpu.memref_slice %arg10[%dma_start3A, %dma_start3A_121] : memref<80x128xf32, #tpu.memory_space<vmem>> -> memref<25x128xf32, #tpu.memory_space<vmem>>
      %dma_start3A_123 = arith.constant 0 : i32
      %dma_start3A_124 = tpu.memref_slice %arg12[%add3A_34, %dma_start3A_123] : memref<10000x128xf32, #tpu.memory_space<vmem_shared>> -> memref<25x128xf32, #tpu.memory_space<vmem_shared>>
      %dma_start3A_125 = arith.constant 0 : i32
      %dma_start3A_126 = tpu.memref_slice %arg12[%add3A_34, %dma_start3A_125] : memref<10000x128xf32, #tpu.memory_space<vmem_shared>> -> memref<25x128xf32, #tpu.memory_space<vmem_shared>>
      %dma_start3A_127 = arith.constant 0 : i32
      %dma_start3A_128 = arith.constant 0 : i32
      %dma_start3A_129 = tpu.memref_slice %arg10[%dma_start3A_127, %dma_start3A_128] : memref<80x128xf32, #tpu.memory_space<vmem>> -> memref<25x128xf32, #tpu.memory_space<vmem>>
      tpu.enqueue_dma source(%dma_start3A_129 : memref<25x128xf32, #tpu.memory_space<vmem>>) target(%dma_start3A_126 : memref<25x128xf32, #tpu.memory_space<vmem_shared>>) target_semaphore(%run_scoped3A : memref<!tpu.dma_semaphore, #tpu.memory_space<semaphore_mem>>)
      %dma_wait3A = arith.constant 0 : i32
      %dma_wait3A_130 = arith.constant 0 : i32
      %dma_wait3A_131 = tpu.memref_slice %arg10[%dma_wait3A, %dma_wait3A_130] : memref<80x128xf32, #tpu.memory_space<vmem>> -> memref<25x128xf32, #tpu.memory_space<vmem>>
      %dma_wait3A_132 = arith.constant 0 : i32
      %dma_wait3A_133 = tpu.memref_slice %arg12[%add3A_34, %dma_wait3A_132] : memref<10000x128xf32, #tpu.memory_space<vmem_shared>> -> memref<25x128xf32, #tpu.memory_space<vmem_shared>>
      %dma_wait3A_134 = arith.constant 0 : i32
      %dma_wait3A_135 = tpu.memref_slice %arg12[%add3A_34, %dma_wait3A_134] : memref<10000x128xf32, #tpu.memory_space<vmem_shared>> -> memref<25x128xf32, #tpu.memory_space<vmem_shared>>
      %dma_wait3A_136 = arith.constant 0 : i32
      %dma_wait3A_137 = arith.constant 0 : i32
      %dma_wait3A_138 = tpu.memref_slice %arg10[%dma_wait3A_136, %dma_wait3A_137] : memref<80x128xf32, #tpu.memory_space<vmem>> -> memref<25x128xf32, #tpu.memory_space<vmem>>
      tpu.wait_dma2 semaphore(%run_scoped3A : memref<!tpu.dma_semaphore, #tpu.memory_space<semaphore_mem>>) src(%dma_wait3A_138 : memref<25x128xf32, #tpu.memory_space<vmem>>) dst(%dma_wait3A_135 : memref<25x128xf32, #tpu.memory_space<vmem_shared>>)
      tpu.yield
    }) : () -> ()
    %mul3A_35 = arith.constant 625 : i32
    %mul3A_36 = arith.muli %arg1, %mul3A_35 : i32
    %add3A_37 = arith.constant 200 : i32
    %add3A_38 = arith.addi %mul3A_36, %add3A_37 : i32
    "tpu.region"() ({
      %run_scoped3A = tpu.sem_alloc : memref<!tpu.dma_semaphore, #tpu.memory_space<semaphore_mem>>
      %dma_start3A = arith.constant 0 : i32
      %dma_start3A_121 = arith.constant 0 : i32
      %dma_start3A_122 = tpu.memref_slice %arg10[%dma_start3A, %dma_start3A_121] : memref<80x128xf32, #tpu.memory_space<vmem>> -> memref<25x128xf32, #tpu.memory_space<vmem>>
      %dma_start3A_123 = arith.constant 0 : i32
      %dma_start3A_124 = tpu.memref_slice %arg12[%add3A_38, %dma_start3A_123] : memref<10000x128xf32, #tpu.memory_space<vmem_shared>> -> memref<25x128xf32, #tpu.memory_space<vmem_shared>>
      %dma_start3A_125 = arith.constant 0 : i32
      %dma_start3A_126 = tpu.memref_slice %arg12[%add3A_38, %dma_start3A_125] : memref<10000x128xf32, #tpu.memory_space<vmem_shared>> -> memref<25x128xf32, #tpu.memory_space<vmem_shared>>
      %dma_start3A_127 = arith.constant 0 : i32
      %dma_start3A_128 = arith.constant 0 : i32
      %dma_start3A_129 = tpu.memref_slice %arg10[%dma_start3A_127, %dma_start3A_128] : memref<80x128xf32, #tpu.memory_space<vmem>> -> memref<25x128xf32, #tpu.memory_space<vmem>>
      tpu.enqueue_dma source(%dma_start3A_129 : memref<25x128xf32, #tpu.memory_space<vmem>>) target(%dma_start3A_126 : memref<25x128xf32, #tpu.memory_space<vmem_shared>>) target_semaphore(%run_scoped3A : memref<!tpu.dma_semaphore, #tpu.memory_space<semaphore_mem>>)
      %dma_wait3A = arith.constant 0 : i32
      %dma_wait3A_130 = arith.constant 0 : i32
      %dma_wait3A_131 = tpu.memref_slice %arg10[%dma_wait3A, %dma_wait3A_130] : memref<80x128xf32, #tpu.memory_space<vmem>> -> memref<25x128xf32, #tpu.memory_space<vmem>>
      %dma_wait3A_132 = arith.constant 0 : i32
      %dma_wait3A_133 = tpu.memref_slice %arg12[%add3A_38, %dma_wait3A_132] : memref<10000x128xf32, #tpu.memory_space<vmem_shared>> -> memref<25x128xf32, #tpu.memory_space<vmem_shared>>
      %dma_wait3A_134 = arith.constant 0 : i32
      %dma_wait3A_135 = tpu.memref_slice %arg12[%add3A_38, %dma_wait3A_134] : memref<10000x128xf32, #tpu.memory_space<vmem_shared>> -> memref<25x128xf32, #tpu.memory_space<vmem_shared>>
      %dma_wait3A_136 = arith.constant 0 : i32
      %dma_wait3A_137 = arith.constant 0 : i32
      %dma_wait3A_138 = tpu.memref_slice %arg10[%dma_wait3A_136, %dma_wait3A_137] : memref<80x128xf32, #tpu.memory_space<vmem>> -> memref<25x128xf32, #tpu.memory_space<vmem>>
      tpu.wait_dma2 semaphore(%run_scoped3A : memref<!tpu.dma_semaphore, #tpu.memory_space<semaphore_mem>>) src(%dma_wait3A_138 : memref<25x128xf32, #tpu.memory_space<vmem>>) dst(%dma_wait3A_135 : memref<25x128xf32, #tpu.memory_space<vmem_shared>>)
      tpu.yield
    }) : () -> ()
    %mul3A_39 = arith.constant 625 : i32
    %mul3A_40 = arith.muli %arg1, %mul3A_39 : i32
    %add3A_41 = arith.constant 225 : i32
    %add3A_42 = arith.addi %mul3A_40, %add3A_41 : i32
    "tpu.region"() ({
      %run_scoped3A = tpu.sem_alloc : memref<!tpu.dma_semaphore, #tpu.memory_space<semaphore_mem>>
      %dma_start3A = arith.constant 0 : i32
      %dma_start3A_121 = arith.constant 0 : i32
      %dma_start3A_122 = tpu.memref_slice %arg10[%dma_start3A, %dma_start3A_121] : memref<80x128xf32, #tpu.memory_space<vmem>> -> memref<25x128xf32, #tpu.memory_space<vmem>>
      %dma_start3A_123 = arith.constant 0 : i32
      %dma_start3A_124 = tpu.memref_slice %arg12[%add3A_42, %dma_start3A_123] : memref<10000x128xf32, #tpu.memory_space<vmem_shared>> -> memref<25x128xf32, #tpu.memory_space<vmem_shared>>
      %dma_start3A_125 = arith.constant 0 : i32
      %dma_start3A_126 = tpu.memref_slice %arg12[%add3A_42, %dma_start3A_125] : memref<10000x128xf32, #tpu.memory_space<vmem_shared>> -> memref<25x128xf32, #tpu.memory_space<vmem_shared>>
      %dma_start3A_127 = arith.constant 0 : i32
      %dma_start3A_128 = arith.constant 0 : i32
      %dma_start3A_129 = tpu.memref_slice %arg10[%dma_start3A_127, %dma_start3A_128] : memref<80x128xf32, #tpu.memory_space<vmem>> -> memref<25x128xf32, #tpu.memory_space<vmem>>
      tpu.enqueue_dma source(%dma_start3A_129 : memref<25x128xf32, #tpu.memory_space<vmem>>) target(%dma_start3A_126 : memref<25x128xf32, #tpu.memory_space<vmem_shared>>) target_semaphore(%run_scoped3A : memref<!tpu.dma_semaphore, #tpu.memory_space<semaphore_mem>>)
      %dma_wait3A = arith.constant 0 : i32
      %dma_wait3A_130 = arith.constant 0 : i32
      %dma_wait3A_131 = tpu.memref_slice %arg10[%dma_wait3A, %dma_wait3A_130] : memref<80x128xf32, #tpu.memory_space<vmem>> -> memref<25x128xf32, #tpu.memory_space<vmem>>
      %dma_wait3A_132 = arith.constant 0 : i32
      %dma_wait3A_133 = tpu.memref_slice %arg12[%add3A_42, %dma_wait3A_132] : memref<10000x128xf32, #tpu.memory_space<vmem_shared>> -> memref<25x128xf32, #tpu.memory_space<vmem_shared>>
      %dma_wait3A_134 = arith.constant 0 : i32
      %dma_wait3A_135 = tpu.memref_slice %arg12[%add3A_42, %dma_wait3A_134] : memref<10000x128xf32, #tpu.memory_space<vmem_shared>> -> memref<25x128xf32, #tpu.memory_space<vmem_shared>>
      %dma_wait3A_136 = arith.constant 0 : i32
      %dma_wait3A_137 = arith.constant 0 : i32
      %dma_wait3A_138 = tpu.memref_slice %arg10[%dma_wait3A_136, %dma_wait3A_137] : memref<80x128xf32, #tpu.memory_space<vmem>> -> memref<25x128xf32, #tpu.memory_space<vmem>>
      tpu.wait_dma2 semaphore(%run_scoped3A : memref<!tpu.dma_semaphore, #tpu.memory_space<semaphore_mem>>) src(%dma_wait3A_138 : memref<25x128xf32, #tpu.memory_space<vmem>>) dst(%dma_wait3A_135 : memref<25x128xf32, #tpu.memory_space<vmem_shared>>)
      tpu.yield
    }) : () -> ()
    %mul3A_43 = arith.constant 625 : i32
    %mul3A_44 = arith.muli %arg1, %mul3A_43 : i32
    %add3A_45 = arith.constant 250 : i32
    %add3A_46 = arith.addi %mul3A_44, %add3A_45 : i32
    "tpu.region"() ({
      %run_scoped3A = tpu.sem_alloc : memref<!tpu.dma_semaphore, #tpu.memory_space<semaphore_mem>>
      %dma_start3A = arith.constant 0 : i32
      %dma_start3A_121 = arith.constant 0 : i32
      %dma_start3A_122 = tpu.memref_slice %arg10[%dma_start3A, %dma_start3A_121] : memref<80x128xf32, #tpu.memory_space<vmem>> -> memref<25x128xf32, #tpu.memory_space<vmem>>
      %dma_start3A_123 = arith.constant 0 : i32
      %dma_start3A_124 = tpu.memref_slice %arg12[%add3A_46, %dma_start3A_123] : memref<10000x128xf32, #tpu.memory_space<vmem_shared>> -> memref<25x128xf32, #tpu.memory_space<vmem_shared>>
      %dma_start3A_125 = arith.constant 0 : i32
      %dma_start3A_126 = tpu.memref_slice %arg12[%add3A_46, %dma_start3A_125] : memref<10000x128xf32, #tpu.memory_space<vmem_shared>> -> memref<25x128xf32, #tpu.memory_space<vmem_shared>>
      %dma_start3A_127 = arith.constant 0 : i32
      %dma_start3A_128 = arith.constant 0 : i32
      %dma_start3A_129 = tpu.memref_slice %arg10[%dma_start3A_127, %dma_start3A_128] : memref<80x128xf32, #tpu.memory_space<vmem>> -> memref<25x128xf32, #tpu.memory_space<vmem>>
      tpu.enqueue_dma source(%dma_start3A_129 : memref<25x128xf32, #tpu.memory_space<vmem>>) target(%dma_start3A_126 : memref<25x128xf32, #tpu.memory_space<vmem_shared>>) target_semaphore(%run_scoped3A : memref<!tpu.dma_semaphore, #tpu.memory_space<semaphore_mem>>)
      %dma_wait3A = arith.constant 0 : i32
      %dma_wait3A_130 = arith.constant 0 : i32
      %dma_wait3A_131 = tpu.memref_slice %arg10[%dma_wait3A, %dma_wait3A_130] : memref<80x128xf32, #tpu.memory_space<vmem>> -> memref<25x128xf32, #tpu.memory_space<vmem>>
      %dma_wait3A_132 = arith.constant 0 : i32
      %dma_wait3A_133 = tpu.memref_slice %arg12[%add3A_46, %dma_wait3A_132] : memref<10000x128xf32, #tpu.memory_space<vmem_shared>> -> memref<25x128xf32, #tpu.memory_space<vmem_shared>>
      %dma_wait3A_134 = arith.constant 0 : i32
      %dma_wait3A_135 = tpu.memref_slice %arg12[%add3A_46, %dma_wait3A_134] : memref<10000x128xf32, #tpu.memory_space<vmem_shared>> -> memref<25x128xf32, #tpu.memory_space<vmem_shared>>
      %dma_wait3A_136 = arith.constant 0 : i32
      %dma_wait3A_137 = arith.constant 0 : i32
      %dma_wait3A_138 = tpu.memref_slice %arg10[%dma_wait3A_136, %dma_wait3A_137] : memref<80x128xf32, #tpu.memory_space<vmem>> -> memref<25x128xf32, #tpu.memory_space<vmem>>
      tpu.wait_dma2 semaphore(%run_scoped3A : memref<!tpu.dma_semaphore, #tpu.memory_space<semaphore_mem>>) src(%dma_wait3A_138 : memref<25x128xf32, #tpu.memory_space<vmem>>) dst(%dma_wait3A_135 : memref<25x128xf32, #tpu.memory_space<vmem_shared>>)
      tpu.yield
    }) : () -> ()
    %mul3A_47 = arith.constant 625 : i32
    %mul3A_48 = arith.muli %arg1, %mul3A_47 : i32
    %add3A_49 = arith.constant 275 : i32
    %add3A_50 = arith.addi %mul3A_48, %add3A_49 : i32
    "tpu.region"() ({
      %run_scoped3A = tpu.sem_alloc : memref<!tpu.dma_semaphore, #tpu.memory_space<semaphore_mem>>
      %dma_start3A = arith.constant 0 : i32
      %dma_start3A_121 = arith.constant 0 : i32
      %dma_start3A_122 = tpu.memref_slice %arg10[%dma_start3A, %dma_start3A_121] : memref<80x128xf32, #tpu.memory_space<vmem>> -> memref<25x128xf32, #tpu.memory_space<vmem>>
      %dma_start3A_123 = arith.constant 0 : i32
      %dma_start3A_124 = tpu.memref_slice %arg12[%add3A_50, %dma_start3A_123] : memref<10000x128xf32, #tpu.memory_space<vmem_shared>> -> memref<25x128xf32, #tpu.memory_space<vmem_shared>>
      %dma_start3A_125 = arith.constant 0 : i32
      %dma_start3A_126 = tpu.memref_slice %arg12[%add3A_50, %dma_start3A_125] : memref<10000x128xf32, #tpu.memory_space<vmem_shared>> -> memref<25x128xf32, #tpu.memory_space<vmem_shared>>
      %dma_start3A_127 = arith.constant 0 : i32
      %dma_start3A_128 = arith.constant 0 : i32
      %dma_start3A_129 = tpu.memref_slice %arg10[%dma_start3A_127, %dma_start3A_128] : memref<80x128xf32, #tpu.memory_space<vmem>> -> memref<25x128xf32, #tpu.memory_space<vmem>>
      tpu.enqueue_dma source(%dma_start3A_129 : memref<25x128xf32, #tpu.memory_space<vmem>>) target(%dma_start3A_126 : memref<25x128xf32, #tpu.memory_space<vmem_shared>>) target_semaphore(%run_scoped3A : memref<!tpu.dma_semaphore, #tpu.memory_space<semaphore_mem>>)
      %dma_wait3A = arith.constant 0 : i32
      %dma_wait3A_130 = arith.constant 0 : i32
      %dma_wait3A_131 = tpu.memref_slice %arg10[%dma_wait3A, %dma_wait3A_130] : memref<80x128xf32, #tpu.memory_space<vmem>> -> memref<25x128xf32, #tpu.memory_space<vmem>>
      %dma_wait3A_132 = arith.constant 0 : i32
      %dma_wait3A_133 = tpu.memref_slice %arg12[%add3A_50, %dma_wait3A_132] : memref<10000x128xf32, #tpu.memory_space<vmem_shared>> -> memref<25x128xf32, #tpu.memory_space<vmem_shared>>
      %dma_wait3A_134 = arith.constant 0 : i32
      %dma_wait3A_135 = tpu.memref_slice %arg12[%add3A_50, %dma_wait3A_134] : memref<10000x128xf32, #tpu.memory_space<vmem_shared>> -> memref<25x128xf32, #tpu.memory_space<vmem_shared>>
      %dma_wait3A_136 = arith.constant 0 : i32
      %dma_wait3A_137 = arith.constant 0 : i32
      %dma_wait3A_138 = tpu.memref_slice %arg10[%dma_wait3A_136, %dma_wait3A_137] : memref<80x128xf32, #tpu.memory_space<vmem>> -> memref<25x128xf32, #tpu.memory_space<vmem>>
      tpu.wait_dma2 semaphore(%run_scoped3A : memref<!tpu.dma_semaphore, #tpu.memory_space<semaphore_mem>>) src(%dma_wait3A_138 : memref<25x128xf32, #tpu.memory_space<vmem>>) dst(%dma_wait3A_135 : memref<25x128xf32, #tpu.memory_space<vmem_shared>>)
      tpu.yield
    }) : () -> ()
    %mul3A_51 = arith.constant 625 : i32
    %mul3A_52 = arith.muli %arg1, %mul3A_51 : i32
    %add3A_53 = arith.constant 300 : i32
    %add3A_54 = arith.addi %mul3A_52, %add3A_53 : i32
    "tpu.region"() ({
      %run_scoped3A = tpu.sem_alloc : memref<!tpu.dma_semaphore, #tpu.memory_space<semaphore_mem>>
      %dma_start3A = arith.constant 0 : i32
      %dma_start3A_121 = arith.constant 0 : i32
      %dma_start3A_122 = tpu.memref_slice %arg10[%dma_start3A, %dma_start3A_121] : memref<80x128xf32, #tpu.memory_space<vmem>> -> memref<25x128xf32, #tpu.memory_space<vmem>>
      %dma_start3A_123 = arith.constant 0 : i32
      %dma_start3A_124 = tpu.memref_slice %arg12[%add3A_54, %dma_start3A_123] : memref<10000x128xf32, #tpu.memory_space<vmem_shared>> -> memref<25x128xf32, #tpu.memory_space<vmem_shared>>
      %dma_start3A_125 = arith.constant 0 : i32
      %dma_start3A_126 = tpu.memref_slice %arg12[%add3A_54, %dma_start3A_125] : memref<10000x128xf32, #tpu.memory_space<vmem_shared>> -> memref<25x128xf32, #tpu.memory_space<vmem_shared>>
      %dma_start3A_127 = arith.constant 0 : i32
      %dma_start3A_128 = arith.constant 0 : i32
      %dma_start3A_129 = tpu.memref_slice %arg10[%dma_start3A_127, %dma_start3A_128] : memref<80x128xf32, #tpu.memory_space<vmem>> -> memref<25x128xf32, #tpu.memory_space<vmem>>
      tpu.enqueue_dma source(%dma_start3A_129 : memref<25x128xf32, #tpu.memory_space<vmem>>) target(%dma_start3A_126 : memref<25x128xf32, #tpu.memory_space<vmem_shared>>) target_semaphore(%run_scoped3A : memref<!tpu.dma_semaphore, #tpu.memory_space<semaphore_mem>>)
      %dma_wait3A = arith.constant 0 : i32
      %dma_wait3A_130 = arith.constant 0 : i32
      %dma_wait3A_131 = tpu.memref_slice %arg10[%dma_wait3A, %dma_wait3A_130] : memref<80x128xf32, #tpu.memory_space<vmem>> -> memref<25x128xf32, #tpu.memory_space<vmem>>
      %dma_wait3A_132 = arith.constant 0 : i32
      %dma_wait3A_133 = tpu.memref_slice %arg12[%add3A_54, %dma_wait3A_132] : memref<10000x128xf32, #tpu.memory_space<vmem_shared>> -> memref<25x128xf32, #tpu.memory_space<vmem_shared>>
      %dma_wait3A_134 = arith.constant 0 : i32
      %dma_wait3A_135 = tpu.memref_slice %arg12[%add3A_54, %dma_wait3A_134] : memref<10000x128xf32, #tpu.memory_space<vmem_shared>> -> memref<25x128xf32, #tpu.memory_space<vmem_shared>>
      %dma_wait3A_136 = arith.constant 0 : i32
      %dma_wait3A_137 = arith.constant 0 : i32
      %dma_wait3A_138 = tpu.memref_slice %arg10[%dma_wait3A_136, %dma_wait3A_137] : memref<80x128xf32, #tpu.memory_space<vmem>> -> memref<25x128xf32, #tpu.memory_space<vmem>>
      tpu.wait_dma2 semaphore(%run_scoped3A : memref<!tpu.dma_semaphore, #tpu.memory_space<semaphore_mem>>) src(%dma_wait3A_138 : memref<25x128xf32, #tpu.memory_space<vmem>>) dst(%dma_wait3A_135 : memref<25x128xf32, #tpu.memory_space<vmem_shared>>)
      tpu.yield
    }) : () -> ()
    %mul3A_55 = arith.constant 625 : i32
    %mul3A_56 = arith.muli %arg1, %mul3A_55 : i32
    %add3A_57 = arith.constant 325 : i32
    %add3A_58 = arith.addi %mul3A_56, %add3A_57 : i32
    "tpu.region"() ({
      %run_scoped3A = tpu.sem_alloc : memref<!tpu.dma_semaphore, #tpu.memory_space<semaphore_mem>>
      %dma_start3A = arith.constant 0 : i32
      %dma_start3A_121 = arith.constant 0 : i32
      %dma_start3A_122 = tpu.memref_slice %arg10[%dma_start3A, %dma_start3A_121] : memref<80x128xf32, #tpu.memory_space<vmem>> -> memref<25x128xf32, #tpu.memory_space<vmem>>
      %dma_start3A_123 = arith.constant 0 : i32
      %dma_start3A_124 = tpu.memref_slice %arg12[%add3A_58, %dma_start3A_123] : memref<10000x128xf32, #tpu.memory_space<vmem_shared>> -> memref<25x128xf32, #tpu.memory_space<vmem_shared>>
      %dma_start3A_125 = arith.constant 0 : i32
      %dma_start3A_126 = tpu.memref_slice %arg12[%add3A_58, %dma_start3A_125] : memref<10000x128xf32, #tpu.memory_space<vmem_shared>> -> memref<25x128xf32, #tpu.memory_space<vmem_shared>>
      %dma_start3A_127 = arith.constant 0 : i32
      %dma_start3A_128 = arith.constant 0 : i32
      %dma_start3A_129 = tpu.memref_slice %arg10[%dma_start3A_127, %dma_start3A_128] : memref<80x128xf32, #tpu.memory_space<vmem>> -> memref<25x128xf32, #tpu.memory_space<vmem>>
      tpu.enqueue_dma source(%dma_start3A_129 : memref<25x128xf32, #tpu.memory_space<vmem>>) target(%dma_start3A_126 : memref<25x128xf32, #tpu.memory_space<vmem_shared>>) target_semaphore(%run_scoped3A : memref<!tpu.dma_semaphore, #tpu.memory_space<semaphore_mem>>)
      %dma_wait3A = arith.constant 0 : i32
      %dma_wait3A_130 = arith.constant 0 : i32
      %dma_wait3A_131 = tpu.memref_slice %arg10[%dma_wait3A, %dma_wait3A_130] : memref<80x128xf32, #tpu.memory_space<vmem>> -> memref<25x128xf32, #tpu.memory_space<vmem>>
      %dma_wait3A_132 = arith.constant 0 : i32
      %dma_wait3A_133 = tpu.memref_slice %arg12[%add3A_58, %dma_wait3A_132] : memref<10000x128xf32, #tpu.memory_space<vmem_shared>> -> memref<25x128xf32, #tpu.memory_space<vmem_shared>>
      %dma_wait3A_134 = arith.constant 0 : i32
      %dma_wait3A_135 = tpu.memref_slice %arg12[%add3A_58, %dma_wait3A_134] : memref<10000x128xf32, #tpu.memory_space<vmem_shared>> -> memref<25x128xf32, #tpu.memory_space<vmem_shared>>
      %dma_wait3A_136 = arith.constant 0 : i32
      %dma_wait3A_137 = arith.constant 0 : i32
      %dma_wait3A_138 = tpu.memref_slice %arg10[%dma_wait3A_136, %dma_wait3A_137] : memref<80x128xf32, #tpu.memory_space<vmem>> -> memref<25x128xf32, #tpu.memory_space<vmem>>
      tpu.wait_dma2 semaphore(%run_scoped3A : memref<!tpu.dma_semaphore, #tpu.memory_space<semaphore_mem>>) src(%dma_wait3A_138 : memref<25x128xf32, #tpu.memory_space<vmem>>) dst(%dma_wait3A_135 : memref<25x128xf32, #tpu.memory_space<vmem_shared>>)
      tpu.yield
    }) : () -> ()
    %mul3A_59 = arith.constant 625 : i32
    %mul3A_60 = arith.muli %arg1, %mul3A_59 : i32
    %add3A_61 = arith.constant 350 : i32
    %add3A_62 = arith.addi %mul3A_60, %add3A_61 : i32
    "tpu.region"() ({
      %run_scoped3A = tpu.sem_alloc : memref<!tpu.dma_semaphore, #tpu.memory_space<semaphore_mem>>
      %dma_start3A = arith.constant 0 : i32
      %dma_start3A_121 = arith.constant 0 : i32
      %dma_start3A_122 = tpu.memref_slice %arg10[%dma_start3A, %dma_start3A_121] : memref<80x128xf32, #tpu.memory_space<vmem>> -> memref<25x128xf32, #tpu.memory_space<vmem>>
      %dma_start3A_123 = arith.constant 0 : i32
      %dma_start3A_124 = tpu.memref_slice %arg12[%add3A_62, %dma_start3A_123] : memref<10000x128xf32, #tpu.memory_space<vmem_shared>> -> memref<25x128xf32, #tpu.memory_space<vmem_shared>>
      %dma_start3A_125 = arith.constant 0 : i32
      %dma_start3A_126 = tpu.memref_slice %arg12[%add3A_62, %dma_start3A_125] : memref<10000x128xf32, #tpu.memory_space<vmem_shared>> -> memref<25x128xf32, #tpu.memory_space<vmem_shared>>
      %dma_start3A_127 = arith.constant 0 : i32
      %dma_start3A_128 = arith.constant 0 : i32
      %dma_start3A_129 = tpu.memref_slice %arg10[%dma_start3A_127, %dma_start3A_128] : memref<80x128xf32, #tpu.memory_space<vmem>> -> memref<25x128xf32, #tpu.memory_space<vmem>>
      tpu.enqueue_dma source(%dma_start3A_129 : memref<25x128xf32, #tpu.memory_space<vmem>>) target(%dma_start3A_126 : memref<25x128xf32, #tpu.memory_space<vmem_shared>>) target_semaphore(%run_scoped3A : memref<!tpu.dma_semaphore, #tpu.memory_space<semaphore_mem>>)
      %dma_wait3A = arith.constant 0 : i32
      %dma_wait3A_130 = arith.constant 0 : i32
      %dma_wait3A_131 = tpu.memref_slice %arg10[%dma_wait3A, %dma_wait3A_130] : memref<80x128xf32, #tpu.memory_space<vmem>> -> memref<25x128xf32, #tpu.memory_space<vmem>>
      %dma_wait3A_132 = arith.constant 0 : i32
      %dma_wait3A_133 = tpu.memref_slice %arg12[%add3A_62, %dma_wait3A_132] : memref<10000x128xf32, #tpu.memory_space<vmem_shared>> -> memref<25x128xf32, #tpu.memory_space<vmem_shared>>
      %dma_wait3A_134 = arith.constant 0 : i32
      %dma_wait3A_135 = tpu.memref_slice %arg12[%add3A_62, %dma_wait3A_134] : memref<10000x128xf32, #tpu.memory_space<vmem_shared>> -> memref<25x128xf32, #tpu.memory_space<vmem_shared>>
      %dma_wait3A_136 = arith.constant 0 : i32
      %dma_wait3A_137 = arith.constant 0 : i32
      %dma_wait3A_138 = tpu.memref_slice %arg10[%dma_wait3A_136, %dma_wait3A_137] : memref<80x128xf32, #tpu.memory_space<vmem>> -> memref<25x128xf32, #tpu.memory_space<vmem>>
      tpu.wait_dma2 semaphore(%run_scoped3A : memref<!tpu.dma_semaphore, #tpu.memory_space<semaphore_mem>>) src(%dma_wait3A_138 : memref<25x128xf32, #tpu.memory_space<vmem>>) dst(%dma_wait3A_135 : memref<25x128xf32, #tpu.memory_space<vmem_shared>>)
      tpu.yield
    }) : () -> ()
    %mul3A_63 = arith.constant 625 : i32
    %mul3A_64 = arith.muli %arg1, %mul3A_63 : i32
    %add3A_65 = arith.constant 375 : i32
    %add3A_66 = arith.addi %mul3A_64, %add3A_65 : i32
    "tpu.region"() ({
      %run_scoped3A = tpu.sem_alloc : memref<!tpu.dma_semaphore, #tpu.memory_space<semaphore_mem>>
      %dma_start3A = arith.constant 0 : i32
      %dma_start3A_121 = arith.constant 0 : i32
      %dma_start3A_122 = tpu.memref_slice %arg10[%dma_start3A, %dma_start3A_121] : memref<80x128xf32, #tpu.memory_space<vmem>> -> memref<25x128xf32, #tpu.memory_space<vmem>>
      %dma_start3A_123 = arith.constant 0 : i32
      %dma_start3A_124 = tpu.memref_slice %arg12[%add3A_66, %dma_start3A_123] : memref<10000x128xf32, #tpu.memory_space<vmem_shared>> -> memref<25x128xf32, #tpu.memory_space<vmem_shared>>
      %dma_start3A_125 = arith.constant 0 : i32
      %dma_start3A_126 = tpu.memref_slice %arg12[%add3A_66, %dma_start3A_125] : memref<10000x128xf32, #tpu.memory_space<vmem_shared>> -> memref<25x128xf32, #tpu.memory_space<vmem_shared>>
      %dma_start3A_127 = arith.constant 0 : i32
      %dma_start3A_128 = arith.constant 0 : i32
      %dma_start3A_129 = tpu.memref_slice %arg10[%dma_start3A_127, %dma_start3A_128] : memref<80x128xf32, #tpu.memory_space<vmem>> -> memref<25x128xf32, #tpu.memory_space<vmem>>
      tpu.enqueue_dma source(%dma_start3A_129 : memref<25x128xf32, #tpu.memory_space<vmem>>) target(%dma_start3A_126 : memref<25x128xf32, #tpu.memory_space<vmem_shared>>) target_semaphore(%run_scoped3A : memref<!tpu.dma_semaphore, #tpu.memory_space<semaphore_mem>>)
      %dma_wait3A = arith.constant 0 : i32
      %dma_wait3A_130 = arith.constant 0 : i32
      %dma_wait3A_131 = tpu.memref_slice %arg10[%dma_wait3A, %dma_wait3A_130] : memref<80x128xf32, #tpu.memory_space<vmem>> -> memref<25x128xf32, #tpu.memory_space<vmem>>
      %dma_wait3A_132 = arith.constant 0 : i32
      %dma_wait3A_133 = tpu.memref_slice %arg12[%add3A_66, %dma_wait3A_132] : memref<10000x128xf32, #tpu.memory_space<vmem_shared>> -> memref<25x128xf32, #tpu.memory_space<vmem_shared>>
      %dma_wait3A_134 = arith.constant 0 : i32
      %dma_wait3A_135 = tpu.memref_slice %arg12[%add3A_66, %dma_wait3A_134] : memref<10000x128xf32, #tpu.memory_space<vmem_shared>> -> memref<25x128xf32, #tpu.memory_space<vmem_shared>>
      %dma_wait3A_136 = arith.constant 0 : i32
      %dma_wait3A_137 = arith.constant 0 : i32
      %dma_wait3A_138 = tpu.memref_slice %arg10[%dma_wait3A_136, %dma_wait3A_137] : memref<80x128xf32, #tpu.memory_space<vmem>> -> memref<25x128xf32, #tpu.memory_space<vmem>>
      tpu.wait_dma2 semaphore(%run_scoped3A : memref<!tpu.dma_semaphore, #tpu.memory_space<semaphore_mem>>) src(%dma_wait3A_138 : memref<25x128xf32, #tpu.memory_space<vmem>>) dst(%dma_wait3A_135 : memref<25x128xf32, #tpu.memory_space<vmem_shared>>)
      tpu.yield
    }) : () -> ()
    %mul3A_67 = arith.constant 625 : i32
    %mul3A_68 = arith.muli %arg1, %mul3A_67 : i32
    %add3A_69 = arith.constant 400 : i32
    %add3A_70 = arith.addi %mul3A_68, %add3A_69 : i32
    "tpu.region"() ({
      %run_scoped3A = tpu.sem_alloc : memref<!tpu.dma_semaphore, #tpu.memory_space<semaphore_mem>>
      %dma_start3A = arith.constant 0 : i32
      %dma_start3A_121 = arith.constant 0 : i32
      %dma_start3A_122 = tpu.memref_slice %arg10[%dma_start3A, %dma_start3A_121] : memref<80x128xf32, #tpu.memory_space<vmem>> -> memref<25x128xf32, #tpu.memory_space<vmem>>
      %dma_start3A_123 = arith.constant 0 : i32
      %dma_start3A_124 = tpu.memref_slice %arg12[%add3A_70, %dma_start3A_123] : memref<10000x128xf32, #tpu.memory_space<vmem_shared>> -> memref<25x128xf32, #tpu.memory_space<vmem_shared>>
      %dma_start3A_125 = arith.constant 0 : i32
      %dma_start3A_126 = tpu.memref_slice %arg12[%add3A_70, %dma_start3A_125] : memref<10000x128xf32, #tpu.memory_space<vmem_shared>> -> memref<25x128xf32, #tpu.memory_space<vmem_shared>>
      %dma_start3A_127 = arith.constant 0 : i32
      %dma_start3A_128 = arith.constant 0 : i32
      %dma_start3A_129 = tpu.memref_slice %arg10[%dma_start3A_127, %dma_start3A_128] : memref<80x128xf32, #tpu.memory_space<vmem>> -> memref<25x128xf32, #tpu.memory_space<vmem>>
      tpu.enqueue_dma source(%dma_start3A_129 : memref<25x128xf32, #tpu.memory_space<vmem>>) target(%dma_start3A_126 : memref<25x128xf32, #tpu.memory_space<vmem_shared>>) target_semaphore(%run_scoped3A : memref<!tpu.dma_semaphore, #tpu.memory_space<semaphore_mem>>)
      %dma_wait3A = arith.constant 0 : i32
      %dma_wait3A_130 = arith.constant 0 : i32
      %dma_wait3A_131 = tpu.memref_slice %arg10[%dma_wait3A, %dma_wait3A_130] : memref<80x128xf32, #tpu.memory_space<vmem>> -> memref<25x128xf32, #tpu.memory_space<vmem>>
      %dma_wait3A_132 = arith.constant 0 : i32
      %dma_wait3A_133 = tpu.memref_slice %arg12[%add3A_70, %dma_wait3A_132] : memref<10000x128xf32, #tpu.memory_space<vmem_shared>> -> memref<25x128xf32, #tpu.memory_space<vmem_shared>>
      %dma_wait3A_134 = arith.constant 0 : i32
      %dma_wait3A_135 = tpu.memref_slice %arg12[%add3A_70, %dma_wait3A_134] : memref<10000x128xf32, #tpu.memory_space<vmem_shared>> -> memref<25x128xf32, #tpu.memory_space<vmem_shared>>
      %dma_wait3A_136 = arith.constant 0 : i32
      %dma_wait3A_137 = arith.constant 0 : i32
      %dma_wait3A_138 = tpu.memref_slice %arg10[%dma_wait3A_136, %dma_wait3A_137] : memref<80x128xf32, #tpu.memory_space<vmem>> -> memref<25x128xf32, #tpu.memory_space<vmem>>
      tpu.wait_dma2 semaphore(%run_scoped3A : memref<!tpu.dma_semaphore, #tpu.memory_space<semaphore_mem>>) src(%dma_wait3A_138 : memref<25x128xf32, #tpu.memory_space<vmem>>) dst(%dma_wait3A_135 : memref<25x128xf32, #tpu.memory_space<vmem_shared>>)
      tpu.yield
    }) : () -> ()
    %mul3A_71 = arith.constant 625 : i32
    %mul3A_72 = arith.muli %arg1, %mul3A_71 : i32
    %add3A_73 = arith.constant 425 : i32
    %add3A_74 = arith.addi %mul3A_72, %add3A_73 : i32
    "tpu.region"() ({
      %run_scoped3A = tpu.sem_alloc : memref<!tpu.dma_semaphore, #tpu.memory_space<semaphore_mem>>
      %dma_start3A = arith.constant 0 : i32
      %dma_start3A_121 = arith.constant 0 : i32
      %dma_start3A_122 = tpu.memref_slice %arg10[%dma_start3A, %dma_start3A_121] : memref<80x128xf32, #tpu.memory_space<vmem>> -> memref<25x128xf32, #tpu.memory_space<vmem>>
      %dma_start3A_123 = arith.constant 0 : i32
      %dma_start3A_124 = tpu.memref_slice %arg12[%add3A_74, %dma_start3A_123] : memref<10000x128xf32, #tpu.memory_space<vmem_shared>> -> memref<25x128xf32, #tpu.memory_space<vmem_shared>>
      %dma_start3A_125 = arith.constant 0 : i32
      %dma_start3A_126 = tpu.memref_slice %arg12[%add3A_74, %dma_start3A_125] : memref<10000x128xf32, #tpu.memory_space<vmem_shared>> -> memref<25x128xf32, #tpu.memory_space<vmem_shared>>
      %dma_start3A_127 = arith.constant 0 : i32
      %dma_start3A_128 = arith.constant 0 : i32
      %dma_start3A_129 = tpu.memref_slice %arg10[%dma_start3A_127, %dma_start3A_128] : memref<80x128xf32, #tpu.memory_space<vmem>> -> memref<25x128xf32, #tpu.memory_space<vmem>>
      tpu.enqueue_dma source(%dma_start3A_129 : memref<25x128xf32, #tpu.memory_space<vmem>>) target(%dma_start3A_126 : memref<25x128xf32, #tpu.memory_space<vmem_shared>>) target_semaphore(%run_scoped3A : memref<!tpu.dma_semaphore, #tpu.memory_space<semaphore_mem>>)
      %dma_wait3A = arith.constant 0 : i32
      %dma_wait3A_130 = arith.constant 0 : i32
      %dma_wait3A_131 = tpu.memref_slice %arg10[%dma_wait3A, %dma_wait3A_130] : memref<80x128xf32, #tpu.memory_space<vmem>> -> memref<25x128xf32, #tpu.memory_space<vmem>>
      %dma_wait3A_132 = arith.constant 0 : i32
      %dma_wait3A_133 = tpu.memref_slice %arg12[%add3A_74, %dma_wait3A_132] : memref<10000x128xf32, #tpu.memory_space<vmem_shared>> -> memref<25x128xf32, #tpu.memory_space<vmem_shared>>
      %dma_wait3A_134 = arith.constant 0 : i32
      %dma_wait3A_135 = tpu.memref_slice %arg12[%add3A_74, %dma_wait3A_134] : memref<10000x128xf32, #tpu.memory_space<vmem_shared>> -> memref<25x128xf32, #tpu.memory_space<vmem_shared>>
      %dma_wait3A_136 = arith.constant 0 : i32
      %dma_wait3A_137 = arith.constant 0 : i32
      %dma_wait3A_138 = tpu.memref_slice %arg10[%dma_wait3A_136, %dma_wait3A_137] : memref<80x128xf32, #tpu.memory_space<vmem>> -> memref<25x128xf32, #tpu.memory_space<vmem>>
      tpu.wait_dma2 semaphore(%run_scoped3A : memref<!tpu.dma_semaphore, #tpu.memory_space<semaphore_mem>>) src(%dma_wait3A_138 : memref<25x128xf32, #tpu.memory_space<vmem>>) dst(%dma_wait3A_135 : memref<25x128xf32, #tpu.memory_space<vmem_shared>>)
      tpu.yield
    }) : () -> ()
    %mul3A_75 = arith.constant 625 : i32
    %mul3A_76 = arith.muli %arg1, %mul3A_75 : i32
    %add3A_77 = arith.constant 450 : i32
    %add3A_78 = arith.addi %mul3A_76, %add3A_77 : i32
    "tpu.region"() ({
      %run_scoped3A = tpu.sem_alloc : memref<!tpu.dma_semaphore, #tpu.memory_space<semaphore_mem>>
      %dma_start3A = arith.constant 0 : i32
      %dma_start3A_121 = arith.constant 0 : i32
      %dma_start3A_122 = tpu.memref_slice %arg10[%dma_start3A, %dma_start3A_121] : memref<80x128xf32, #tpu.memory_space<vmem>> -> memref<25x128xf32, #tpu.memory_space<vmem>>
      %dma_start3A_123 = arith.constant 0 : i32
      %dma_start3A_124 = tpu.memref_slice %arg12[%add3A_78, %dma_start3A_123] : memref<10000x128xf32, #tpu.memory_space<vmem_shared>> -> memref<25x128xf32, #tpu.memory_space<vmem_shared>>
      %dma_start3A_125 = arith.constant 0 : i32
      %dma_start3A_126 = tpu.memref_slice %arg12[%add3A_78, %dma_start3A_125] : memref<10000x128xf32, #tpu.memory_space<vmem_shared>> -> memref<25x128xf32, #tpu.memory_space<vmem_shared>>
      %dma_start3A_127 = arith.constant 0 : i32
      %dma_start3A_128 = arith.constant 0 : i32
      %dma_start3A_129 = tpu.memref_slice %arg10[%dma_start3A_127, %dma_start3A_128] : memref<80x128xf32, #tpu.memory_space<vmem>> -> memref<25x128xf32, #tpu.memory_space<vmem>>
      tpu.enqueue_dma source(%dma_start3A_129 : memref<25x128xf32, #tpu.memory_space<vmem>>) target(%dma_start3A_126 : memref<25x128xf32, #tpu.memory_space<vmem_shared>>) target_semaphore(%run_scoped3A : memref<!tpu.dma_semaphore, #tpu.memory_space<semaphore_mem>>)
      %dma_wait3A = arith.constant 0 : i32
      %dma_wait3A_130 = arith.constant 0 : i32
      %dma_wait3A_131 = tpu.memref_slice %arg10[%dma_wait3A, %dma_wait3A_130] : memref<80x128xf32, #tpu.memory_space<vmem>> -> memref<25x128xf32, #tpu.memory_space<vmem>>
      %dma_wait3A_132 = arith.constant 0 : i32
      %dma_wait3A_133 = tpu.memref_slice %arg12[%add3A_78, %dma_wait3A_132] : memref<10000x128xf32, #tpu.memory_space<vmem_shared>> -> memref<25x128xf32, #tpu.memory_space<vmem_shared>>
      %dma_wait3A_134 = arith.constant 0 : i32
      %dma_wait3A_135 = tpu.memref_slice %arg12[%add3A_78, %dma_wait3A_134] : memref<10000x128xf32, #tpu.memory_space<vmem_shared>> -> memref<25x128xf32, #tpu.memory_space<vmem_shared>>
      %dma_wait3A_136 = arith.constant 0 : i32
      %dma_wait3A_137 = arith.constant 0 : i32
      %dma_wait3A_138 = tpu.memref_slice %arg10[%dma_wait3A_136, %dma_wait3A_137] : memref<80x128xf32, #tpu.memory_space<vmem>> -> memref<25x128xf32, #tpu.memory_space<vmem>>
      tpu.wait_dma2 semaphore(%run_scoped3A : memref<!tpu.dma_semaphore, #tpu.memory_space<semaphore_mem>>) src(%dma_wait3A_138 : memref<25x128xf32, #tpu.memory_space<vmem>>) dst(%dma_wait3A_135 : memref<25x128xf32, #tpu.memory_space<vmem_shared>>)
      tpu.yield
    }) : () -> ()
    %mul3A_79 = arith.constant 625 : i32
    %mul3A_80 = arith.muli %arg1, %mul3A_79 : i32
    %add3A_81 = arith.constant 475 : i32
    %add3A_82 = arith.addi %mul3A_80, %add3A_81 : i32
    "tpu.region"() ({
      %run_scoped3A = tpu.sem_alloc : memref<!tpu.dma_semaphore, #tpu.memory_space<semaphore_mem>>
      %dma_start3A = arith.constant 0 : i32
      %dma_start3A_121 = arith.constant 0 : i32
      %dma_start3A_122 = tpu.memref_slice %arg10[%dma_start3A, %dma_start3A_121] : memref<80x128xf32, #tpu.memory_space<vmem>> -> memref<25x128xf32, #tpu.memory_space<vmem>>
      %dma_start3A_123 = arith.constant 0 : i32
      %dma_start3A_124 = tpu.memref_slice %arg12[%add3A_82, %dma_start3A_123] : memref<10000x128xf32, #tpu.memory_space<vmem_shared>> -> memref<25x128xf32, #tpu.memory_space<vmem_shared>>
      %dma_start3A_125 = arith.constant 0 : i32
      %dma_start3A_126 = tpu.memref_slice %arg12[%add3A_82, %dma_start3A_125] : memref<10000x128xf32, #tpu.memory_space<vmem_shared>> -> memref<25x128xf32, #tpu.memory_space<vmem_shared>>
      %dma_start3A_127 = arith.constant 0 : i32
      %dma_start3A_128 = arith.constant 0 : i32
      %dma_start3A_129 = tpu.memref_slice %arg10[%dma_start3A_127, %dma_start3A_128] : memref<80x128xf32, #tpu.memory_space<vmem>> -> memref<25x128xf32, #tpu.memory_space<vmem>>
      tpu.enqueue_dma source(%dma_start3A_129 : memref<25x128xf32, #tpu.memory_space<vmem>>) target(%dma_start3A_126 : memref<25x128xf32, #tpu.memory_space<vmem_shared>>) target_semaphore(%run_scoped3A : memref<!tpu.dma_semaphore, #tpu.memory_space<semaphore_mem>>)
      %dma_wait3A = arith.constant 0 : i32
      %dma_wait3A_130 = arith.constant 0 : i32
      %dma_wait3A_131 = tpu.memref_slice %arg10[%dma_wait3A, %dma_wait3A_130] : memref<80x128xf32, #tpu.memory_space<vmem>> -> memref<25x128xf32, #tpu.memory_space<vmem>>
      %dma_wait3A_132 = arith.constant 0 : i32
      %dma_wait3A_133 = tpu.memref_slice %arg12[%add3A_82, %dma_wait3A_132] : memref<10000x128xf32, #tpu.memory_space<vmem_shared>> -> memref<25x128xf32, #tpu.memory_space<vmem_shared>>
      %dma_wait3A_134 = arith.constant 0 : i32
      %dma_wait3A_135 = tpu.memref_slice %arg12[%add3A_82, %dma_wait3A_134] : memref<10000x128xf32, #tpu.memory_space<vmem_shared>> -> memref<25x128xf32, #tpu.memory_space<vmem_shared>>
      %dma_wait3A_136 = arith.constant 0 : i32
      %dma_wait3A_137 = arith.constant 0 : i32
      %dma_wait3A_138 = tpu.memref_slice %arg10[%dma_wait3A_136, %dma_wait3A_137] : memref<80x128xf32, #tpu.memory_space<vmem>> -> memref<25x128xf32, #tpu.memory_space<vmem>>
      tpu.wait_dma2 semaphore(%run_scoped3A : memref<!tpu.dma_semaphore, #tpu.memory_space<semaphore_mem>>) src(%dma_wait3A_138 : memref<25x128xf32, #tpu.memory_space<vmem>>) dst(%dma_wait3A_135 : memref<25x128xf32, #tpu.memory_space<vmem_shared>>)
      tpu.yield
    }) : () -> ()
    %mul3A_83 = arith.constant 625 : i32
    %mul3A_84 = arith.muli %arg1, %mul3A_83 : i32
    %add3A_85 = arith.constant 500 : i32
    %add3A_86 = arith.addi %mul3A_84, %add3A_85 : i32
    "tpu.region"() ({
      %run_scoped3A = tpu.sem_alloc : memref<!tpu.dma_semaphore, #tpu.memory_space<semaphore_mem>>
      %dma_start3A = arith.constant 0 : i32
      %dma_start3A_121 = arith.constant 0 : i32
      %dma_start3A_122 = tpu.memref_slice %arg10[%dma_start3A, %dma_start3A_121] : memref<80x128xf32, #tpu.memory_space<vmem>> -> memref<25x128xf32, #tpu.memory_space<vmem>>
      %dma_start3A_123 = arith.constant 0 : i32
      %dma_start3A_124 = tpu.memref_slice %arg12[%add3A_86, %dma_start3A_123] : memref<10000x128xf32, #tpu.memory_space<vmem_shared>> -> memref<25x128xf32, #tpu.memory_space<vmem_shared>>
      %dma_start3A_125 = arith.constant 0 : i32
      %dma_start3A_126 = tpu.memref_slice %arg12[%add3A_86, %dma_start3A_125] : memref<10000x128xf32, #tpu.memory_space<vmem_shared>> -> memref<25x128xf32, #tpu.memory_space<vmem_shared>>
      %dma_start3A_127 = arith.constant 0 : i32
      %dma_start3A_128 = arith.constant 0 : i32
      %dma_start3A_129 = tpu.memref_slice %arg10[%dma_start3A_127, %dma_start3A_128] : memref<80x128xf32, #tpu.memory_space<vmem>> -> memref<25x128xf32, #tpu.memory_space<vmem>>
      tpu.enqueue_dma source(%dma_start3A_129 : memref<25x128xf32, #tpu.memory_space<vmem>>) target(%dma_start3A_126 : memref<25x128xf32, #tpu.memory_space<vmem_shared>>) target_semaphore(%run_scoped3A : memref<!tpu.dma_semaphore, #tpu.memory_space<semaphore_mem>>)
      %dma_wait3A = arith.constant 0 : i32
      %dma_wait3A_130 = arith.constant 0 : i32
      %dma_wait3A_131 = tpu.memref_slice %arg10[%dma_wait3A, %dma_wait3A_130] : memref<80x128xf32, #tpu.memory_space<vmem>> -> memref<25x128xf32, #tpu.memory_space<vmem>>
      %dma_wait3A_132 = arith.constant 0 : i32
      %dma_wait3A_133 = tpu.memref_slice %arg12[%add3A_86, %dma_wait3A_132] : memref<10000x128xf32, #tpu.memory_space<vmem_shared>> -> memref<25x128xf32, #tpu.memory_space<vmem_shared>>
      %dma_wait3A_134 = arith.constant 0 : i32
      %dma_wait3A_135 = tpu.memref_slice %arg12[%add3A_86, %dma_wait3A_134] : memref<10000x128xf32, #tpu.memory_space<vmem_shared>> -> memref<25x128xf32, #tpu.memory_space<vmem_shared>>
      %dma_wait3A_136 = arith.constant 0 : i32
      %dma_wait3A_137 = arith.constant 0 : i32
      %dma_wait3A_138 = tpu.memref_slice %arg10[%dma_wait3A_136, %dma_wait3A_137] : memref<80x128xf32, #tpu.memory_space<vmem>> -> memref<25x128xf32, #tpu.memory_space<vmem>>
      tpu.wait_dma2 semaphore(%run_scoped3A : memref<!tpu.dma_semaphore, #tpu.memory_space<semaphore_mem>>) src(%dma_wait3A_138 : memref<25x128xf32, #tpu.memory_space<vmem>>) dst(%dma_wait3A_135 : memref<25x128xf32, #tpu.memory_space<vmem_shared>>)
      tpu.yield
    }) : () -> ()
    %mul3A_87 = arith.constant 625 : i32
    %mul3A_88 = arith.muli %arg1, %mul3A_87 : i32
    %add3A_89 = arith.constant 525 : i32
    %add3A_90 = arith.addi %mul3A_88, %add3A_89 : i32
    "tpu.region"() ({
      %run_scoped3A = tpu.sem_alloc : memref<!tpu.dma_semaphore, #tpu.memory_space<semaphore_mem>>
      %dma_start3A = arith.constant 0 : i32
      %dma_start3A_121 = arith.constant 0 : i32
      %dma_start3A_122 = tpu.memref_slice %arg10[%dma_start3A, %dma_start3A_121] : memref<80x128xf32, #tpu.memory_space<vmem>> -> memref<25x128xf32, #tpu.memory_space<vmem>>
      %dma_start3A_123 = arith.constant 0 : i32
      %dma_start3A_124 = tpu.memref_slice %arg12[%add3A_90, %dma_start3A_123] : memref<10000x128xf32, #tpu.memory_space<vmem_shared>> -> memref<25x128xf32, #tpu.memory_space<vmem_shared>>
      %dma_start3A_125 = arith.constant 0 : i32
      %dma_start3A_126 = tpu.memref_slice %arg12[%add3A_90, %dma_start3A_125] : memref<10000x128xf32, #tpu.memory_space<vmem_shared>> -> memref<25x128xf32, #tpu.memory_space<vmem_shared>>
      %dma_start3A_127 = arith.constant 0 : i32
      %dma_start3A_128 = arith.constant 0 : i32
      %dma_start3A_129 = tpu.memref_slice %arg10[%dma_start3A_127, %dma_start3A_128] : memref<80x128xf32, #tpu.memory_space<vmem>> -> memref<25x128xf32, #tpu.memory_space<vmem>>
      tpu.enqueue_dma source(%dma_start3A_129 : memref<25x128xf32, #tpu.memory_space<vmem>>) target(%dma_start3A_126 : memref<25x128xf32, #tpu.memory_space<vmem_shared>>) target_semaphore(%run_scoped3A : memref<!tpu.dma_semaphore, #tpu.memory_space<semaphore_mem>>)
      %dma_wait3A = arith.constant 0 : i32
      %dma_wait3A_130 = arith.constant 0 : i32
      %dma_wait3A_131 = tpu.memref_slice %arg10[%dma_wait3A, %dma_wait3A_130] : memref<80x128xf32, #tpu.memory_space<vmem>> -> memref<25x128xf32, #tpu.memory_space<vmem>>
      %dma_wait3A_132 = arith.constant 0 : i32
      %dma_wait3A_133 = tpu.memref_slice %arg12[%add3A_90, %dma_wait3A_132] : memref<10000x128xf32, #tpu.memory_space<vmem_shared>> -> memref<25x128xf32, #tpu.memory_space<vmem_shared>>
      %dma_wait3A_134 = arith.constant 0 : i32
      %dma_wait3A_135 = tpu.memref_slice %arg12[%add3A_90, %dma_wait3A_134] : memref<10000x128xf32, #tpu.memory_space<vmem_shared>> -> memref<25x128xf32, #tpu.memory_space<vmem_shared>>
      %dma_wait3A_136 = arith.constant 0 : i32
      %dma_wait3A_137 = arith.constant 0 : i32
      %dma_wait3A_138 = tpu.memref_slice %arg10[%dma_wait3A_136, %dma_wait3A_137] : memref<80x128xf32, #tpu.memory_space<vmem>> -> memref<25x128xf32, #tpu.memory_space<vmem>>
      tpu.wait_dma2 semaphore(%run_scoped3A : memref<!tpu.dma_semaphore, #tpu.memory_space<semaphore_mem>>) src(%dma_wait3A_138 : memref<25x128xf32, #tpu.memory_space<vmem>>) dst(%dma_wait3A_135 : memref<25x128xf32, #tpu.memory_space<vmem_shared>>)
      tpu.yield
    }) : () -> ()
    %mul3A_91 = arith.constant 625 : i32
    %mul3A_92 = arith.muli %arg1, %mul3A_91 : i32
    %add3A_93 = arith.constant 550 : i32
    %add3A_94 = arith.addi %mul3A_92, %add3A_93 : i32
    "tpu.region"() ({
      %run_scoped3A = tpu.sem_alloc : memref<!tpu.dma_semaphore, #tpu.memory_space<semaphore_mem>>
      %dma_start3A = arith.constant 0 : i32
      %dma_start3A_121 = arith.constant 0 : i32
      %dma_start3A_122 = tpu.memref_slice %arg10[%dma_start3A, %dma_start3A_121] : memref<80x128xf32, #tpu.memory_space<vmem>> -> memref<25x128xf32, #tpu.memory_space<vmem>>
      %dma_start3A_123 = arith.constant 0 : i32
      %dma_start3A_124 = tpu.memref_slice %arg12[%add3A_94, %dma_start3A_123] : memref<10000x128xf32, #tpu.memory_space<vmem_shared>> -> memref<25x128xf32, #tpu.memory_space<vmem_shared>>
      %dma_start3A_125 = arith.constant 0 : i32
      %dma_start3A_126 = tpu.memref_slice %arg12[%add3A_94, %dma_start3A_125] : memref<10000x128xf32, #tpu.memory_space<vmem_shared>> -> memref<25x128xf32, #tpu.memory_space<vmem_shared>>
      %dma_start3A_127 = arith.constant 0 : i32
      %dma_start3A_128 = arith.constant 0 : i32
      %dma_start3A_129 = tpu.memref_slice %arg10[%dma_start3A_127, %dma_start3A_128] : memref<80x128xf32, #tpu.memory_space<vmem>> -> memref<25x128xf32, #tpu.memory_space<vmem>>
      tpu.enqueue_dma source(%dma_start3A_129 : memref<25x128xf32, #tpu.memory_space<vmem>>) target(%dma_start3A_126 : memref<25x128xf32, #tpu.memory_space<vmem_shared>>) target_semaphore(%run_scoped3A : memref<!tpu.dma_semaphore, #tpu.memory_space<semaphore_mem>>)
      %dma_wait3A = arith.constant 0 : i32
      %dma_wait3A_130 = arith.constant 0 : i32
      %dma_wait3A_131 = tpu.memref_slice %arg10[%dma_wait3A, %dma_wait3A_130] : memref<80x128xf32, #tpu.memory_space<vmem>> -> memref<25x128xf32, #tpu.memory_space<vmem>>
      %dma_wait3A_132 = arith.constant 0 : i32
      %dma_wait3A_133 = tpu.memref_slice %arg12[%add3A_94, %dma_wait3A_132] : memref<10000x128xf32, #tpu.memory_space<vmem_shared>> -> memref<25x128xf32, #tpu.memory_space<vmem_shared>>
      %dma_wait3A_134 = arith.constant 0 : i32
      %dma_wait3A_135 = tpu.memref_slice %arg12[%add3A_94, %dma_wait3A_134] : memref<10000x128xf32, #tpu.memory_space<vmem_shared>> -> memref<25x128xf32, #tpu.memory_space<vmem_shared>>
      %dma_wait3A_136 = arith.constant 0 : i32
      %dma_wait3A_137 = arith.constant 0 : i32
      %dma_wait3A_138 = tpu.memref_slice %arg10[%dma_wait3A_136, %dma_wait3A_137] : memref<80x128xf32, #tpu.memory_space<vmem>> -> memref<25x128xf32, #tpu.memory_space<vmem>>
      tpu.wait_dma2 semaphore(%run_scoped3A : memref<!tpu.dma_semaphore, #tpu.memory_space<semaphore_mem>>) src(%dma_wait3A_138 : memref<25x128xf32, #tpu.memory_space<vmem>>) dst(%dma_wait3A_135 : memref<25x128xf32, #tpu.memory_space<vmem_shared>>)
      tpu.yield
    }) : () -> ()
    %mul3A_95 = arith.constant 625 : i32
    %mul3A_96 = arith.muli %arg1, %mul3A_95 : i32
    %add3A_97 = arith.constant 575 : i32
    %add3A_98 = arith.addi %mul3A_96, %add3A_97 : i32
    "tpu.region"() ({
      %run_scoped3A = tpu.sem_alloc : memref<!tpu.dma_semaphore, #tpu.memory_space<semaphore_mem>>
      %dma_start3A = arith.constant 0 : i32
      %dma_start3A_121 = arith.constant 0 : i32
      %dma_start3A_122 = tpu.memref_slice %arg10[%dma_start3A, %dma_start3A_121] : memref<80x128xf32, #tpu.memory_space<vmem>> -> memref<25x128xf32, #tpu.memory_space<vmem>>
      %dma_start3A_123 = arith.constant 0 : i32
      %dma_start3A_124 = tpu.memref_slice %arg12[%add3A_98, %dma_start3A_123] : memref<10000x128xf32, #tpu.memory_space<vmem_shared>> -> memref<25x128xf32, #tpu.memory_space<vmem_shared>>
      %dma_start3A_125 = arith.constant 0 : i32
      %dma_start3A_126 = tpu.memref_slice %arg12[%add3A_98, %dma_start3A_125] : memref<10000x128xf32, #tpu.memory_space<vmem_shared>> -> memref<25x128xf32, #tpu.memory_space<vmem_shared>>
      %dma_start3A_127 = arith.constant 0 : i32
      %dma_start3A_128 = arith.constant 0 : i32
      %dma_start3A_129 = tpu.memref_slice %arg10[%dma_start3A_127, %dma_start3A_128] : memref<80x128xf32, #tpu.memory_space<vmem>> -> memref<25x128xf32, #tpu.memory_space<vmem>>
      tpu.enqueue_dma source(%dma_start3A_129 : memref<25x128xf32, #tpu.memory_space<vmem>>) target(%dma_start3A_126 : memref<25x128xf32, #tpu.memory_space<vmem_shared>>) target_semaphore(%run_scoped3A : memref<!tpu.dma_semaphore, #tpu.memory_space<semaphore_mem>>)
      %dma_wait3A = arith.constant 0 : i32
      %dma_wait3A_130 = arith.constant 0 : i32
      %dma_wait3A_131 = tpu.memref_slice %arg10[%dma_wait3A, %dma_wait3A_130] : memref<80x128xf32, #tpu.memory_space<vmem>> -> memref<25x128xf32, #tpu.memory_space<vmem>>
      %dma_wait3A_132 = arith.constant 0 : i32
      %dma_wait3A_133 = tpu.memref_slice %arg12[%add3A_98, %dma_wait3A_132] : memref<10000x128xf32, #tpu.memory_space<vmem_shared>> -> memref<25x128xf32, #tpu.memory_space<vmem_shared>>
      %dma_wait3A_134 = arith.constant 0 : i32
      %dma_wait3A_135 = tpu.memref_slice %arg12[%add3A_98, %dma_wait3A_134] : memref<10000x128xf32, #tpu.memory_space<vmem_shared>> -> memref<25x128xf32, #tpu.memory_space<vmem_shared>>
      %dma_wait3A_136 = arith.constant 0 : i32
      %dma_wait3A_137 = arith.constant 0 : i32
      %dma_wait3A_138 = tpu.memref_slice %arg10[%dma_wait3A_136, %dma_wait3A_137] : memref<80x128xf32, #tpu.memory_space<vmem>> -> memref<25x128xf32, #tpu.memory_space<vmem>>
      tpu.wait_dma2 semaphore(%run_scoped3A : memref<!tpu.dma_semaphore, #tpu.memory_space<semaphore_mem>>) src(%dma_wait3A_138 : memref<25x128xf32, #tpu.memory_space<vmem>>) dst(%dma_wait3A_135 : memref<25x128xf32, #tpu.memory_space<vmem_shared>>)
      tpu.yield
    }) : () -> ()
    %mul3A_99 = arith.constant 625 : i32
    %mul3A_100 = arith.muli %arg1, %mul3A_99 : i32
    %add3A_101 = arith.constant 600 : i32
    %add3A_102 = arith.addi %mul3A_100, %add3A_101 : i32
    "tpu.region"() ({
      %run_scoped3A = tpu.sem_alloc : memref<!tpu.dma_semaphore, #tpu.memory_space<semaphore_mem>>
      %dma_start3A = arith.constant 0 : i32
      %dma_start3A_121 = arith.constant 0 : i32
      %dma_start3A_122 = tpu.memref_slice %arg10[%dma_start3A, %dma_start3A_121] : memref<80x128xf32, #tpu.memory_space<vmem>> -> memref<25x128xf32, #tpu.memory_space<vmem>>
      %dma_start3A_123 = arith.constant 0 : i32
      %dma_start3A_124 = tpu.memref_slice %arg12[%add3A_102, %dma_start3A_123] : memref<10000x128xf32, #tpu.memory_space<vmem_shared>> -> memref<25x128xf32, #tpu.memory_space<vmem_shared>>
      %dma_start3A_125 = arith.constant 0 : i32
      %dma_start3A_126 = tpu.memref_slice %arg12[%add3A_102, %dma_start3A_125] : memref<10000x128xf32, #tpu.memory_space<vmem_shared>> -> memref<25x128xf32, #tpu.memory_space<vmem_shared>>
      %dma_start3A_127 = arith.constant 0 : i32
      %dma_start3A_128 = arith.constant 0 : i32
      %dma_start3A_129 = tpu.memref_slice %arg10[%dma_start3A_127, %dma_start3A_128] : memref<80x128xf32, #tpu.memory_space<vmem>> -> memref<25x128xf32, #tpu.memory_space<vmem>>
      tpu.enqueue_dma source(%dma_start3A_129 : memref<25x128xf32, #tpu.memory_space<vmem>>) target(%dma_start3A_126 : memref<25x128xf32, #tpu.memory_space<vmem_shared>>) target_semaphore(%run_scoped3A : memref<!tpu.dma_semaphore, #tpu.memory_space<semaphore_mem>>)
      %dma_wait3A = arith.constant 0 : i32
      %dma_wait3A_130 = arith.constant 0 : i32
      %dma_wait3A_131 = tpu.memref_slice %arg10[%dma_wait3A, %dma_wait3A_130] : memref<80x128xf32, #tpu.memory_space<vmem>> -> memref<25x128xf32, #tpu.memory_space<vmem>>
      %dma_wait3A_132 = arith.constant 0 : i32
      %dma_wait3A_133 = tpu.memref_slice %arg12[%add3A_102, %dma_wait3A_132] : memref<10000x128xf32, #tpu.memory_space<vmem_shared>> -> memref<25x128xf32, #tpu.memory_space<vmem_shared>>
      %dma_wait3A_134 = arith.constant 0 : i32
      %dma_wait3A_135 = tpu.memref_slice %arg12[%add3A_102, %dma_wait3A_134] : memref<10000x128xf32, #tpu.memory_space<vmem_shared>> -> memref<25x128xf32, #tpu.memory_space<vmem_shared>>
      %dma_wait3A_136 = arith.constant 0 : i32
      %dma_wait3A_137 = arith.constant 0 : i32
      %dma_wait3A_138 = tpu.memref_slice %arg10[%dma_wait3A_136, %dma_wait3A_137] : memref<80x128xf32, #tpu.memory_space<vmem>> -> memref<25x128xf32, #tpu.memory_space<vmem>>
      tpu.wait_dma2 semaphore(%run_scoped3A : memref<!tpu.dma_semaphore, #tpu.memory_space<semaphore_mem>>) src(%dma_wait3A_138 : memref<25x128xf32, #tpu.memory_space<vmem>>) dst(%dma_wait3A_135 : memref<25x128xf32, #tpu.memory_space<vmem_shared>>)
      tpu.yield
    }) : () -> ()
    "tpu.region"() ({
      %run_scoped3A = tpu.sem_alloc : memref<!tpu.dma_semaphore, #tpu.memory_space<semaphore_mem>>
      %dma_start3A = arith.constant 0 : i32
      %dma_start3A_121 = arith.constant 0 : i32
      %dma_start3A_122 = tpu.memref_slice %arg3[%arg1, %dma_start3A, %dma_start3A_121] : memref<16x125x80xi32, #tpu.memory_space<hbm>> -> memref<1x125x80xi32, #tpu.memory_space<hbm>>
      %dma_start3A_123 = tpu.memref_squeeze %dma_start3A_122 : memref<1x125x80xi32, #tpu.memory_space<hbm>> -> memref<125x80xi32, #tpu.memory_space<hbm>>
      %dma_start3A_124 = arith.constant 0 : i32
      %dma_start3A_125 = arith.constant 0 : i32
      %dma_start3A_126 = tpu.memref_slice %arg3[%arg1, %dma_start3A_124, %dma_start3A_125] : memref<16x125x80xi32, #tpu.memory_space<hbm>> -> memref<1x125x80xi32, #tpu.memory_space<hbm>>
      %dma_start3A_127 = tpu.memref_squeeze %dma_start3A_126 : memref<1x125x80xi32, #tpu.memory_space<hbm>> -> memref<125x80xi32, #tpu.memory_space<hbm>>
      tpu.enqueue_dma source(%dma_start3A_127 : memref<125x80xi32, #tpu.memory_space<hbm>>) target(%arg7 : memref<125x80xi32, #tpu.memory_space<vmem>>) target_semaphore(%run_scoped3A : memref<!tpu.dma_semaphore, #tpu.memory_space<semaphore_mem>>)
      %dma_wait3A = arith.constant 0 : i32
      %dma_wait3A_128 = arith.constant 0 : i32
      %dma_wait3A_129 = tpu.memref_slice %arg3[%arg1, %dma_wait3A, %dma_wait3A_128] : memref<16x125x80xi32, #tpu.memory_space<hbm>> -> memref<1x125x80xi32, #tpu.memory_space<hbm>>
      %dma_wait3A_130 = tpu.memref_squeeze %dma_wait3A_129 : memref<1x125x80xi32, #tpu.memory_space<hbm>> -> memref<125x80xi32, #tpu.memory_space<hbm>>
      %dma_wait3A_131 = arith.constant 0 : i32
      %dma_wait3A_132 = arith.constant 0 : i32
      %dma_wait3A_133 = tpu.memref_slice %arg3[%arg1, %dma_wait3A_131, %dma_wait3A_132] : memref<16x125x80xi32, #tpu.memory_space<hbm>> -> memref<1x125x80xi32, #tpu.memory_space<hbm>>
      %dma_wait3A_134 = tpu.memref_squeeze %dma_wait3A_133 : memref<1x125x80xi32, #tpu.memory_space<hbm>> -> memref<125x80xi32, #tpu.memory_space<hbm>>
      tpu.wait_dma2 semaphore(%run_scoped3A : memref<!tpu.dma_semaphore, #tpu.memory_space<semaphore_mem>>) src(%dma_wait3A_134 : memref<125x80xi32, #tpu.memory_space<hbm>>) dst(%arg7 : memref<125x80xi32, #tpu.memory_space<vmem>>)
      tpu.yield
    }) : () -> ()
    "tpu.region"() ({
      %run_scoped3A = tpu.sem_alloc : memref<!tpu.dma_semaphore, #tpu.memory_space<semaphore_mem>>
      %dma_start3A = arith.constant 0 : i32
      %dma_start3A_121 = arith.constant 0 : i32
      %dma_start3A_122 = tpu.memref_slice %arg4[%arg1, %dma_start3A, %dma_start3A_121] : memref<16x125x80xi32, #tpu.memory_space<hbm>> -> memref<1x125x80xi32, #tpu.memory_space<hbm>>
      %dma_start3A_123 = tpu.memref_squeeze %dma_start3A_122 : memref<1x125x80xi32, #tpu.memory_space<hbm>> -> memref<125x80xi32, #tpu.memory_space<hbm>>
      %dma_start3A_124 = arith.constant 0 : i32
      %dma_start3A_125 = arith.constant 0 : i32
      %dma_start3A_126 = tpu.memref_slice %arg4[%arg1, %dma_start3A_124, %dma_start3A_125] : memref<16x125x80xi32, #tpu.memory_space<hbm>> -> memref<1x125x80xi32, #tpu.memory_space<hbm>>
      %dma_start3A_127 = tpu.memref_squeeze %dma_start3A_126 : memref<1x125x80xi32, #tpu.memory_space<hbm>> -> memref<125x80xi32, #tpu.memory_space<hbm>>
      tpu.enqueue_dma source(%dma_start3A_127 : memref<125x80xi32, #tpu.memory_space<hbm>>) target(%arg8 : memref<125x80xi32, #tpu.memory_space<vmem>>) target_semaphore(%run_scoped3A : memref<!tpu.dma_semaphore, #tpu.memory_space<semaphore_mem>>)
      %dma_wait3A = arith.constant 0 : i32
      %dma_wait3A_128 = arith.constant 0 : i32
      %dma_wait3A_129 = tpu.memref_slice %arg4[%arg1, %dma_wait3A, %dma_wait3A_128] : memref<16x125x80xi32, #tpu.memory_space<hbm>> -> memref<1x125x80xi32, #tpu.memory_space<hbm>>
      %dma_wait3A_130 = tpu.memref_squeeze %dma_wait3A_129 : memref<1x125x80xi32, #tpu.memory_space<hbm>> -> memref<125x80xi32, #tpu.memory_space<hbm>>
      %dma_wait3A_131 = arith.constant 0 : i32
      %dma_wait3A_132 = arith.constant 0 : i32
      %dma_wait3A_133 = tpu.memref_slice %arg4[%arg1, %dma_wait3A_131, %dma_wait3A_132] : memref<16x125x80xi32, #tpu.memory_space<hbm>> -> memref<1x125x80xi32, #tpu.memory_space<hbm>>
      %dma_wait3A_134 = tpu.memref_squeeze %dma_wait3A_133 : memref<1x125x80xi32, #tpu.memory_space<hbm>> -> memref<125x80xi32, #tpu.memory_space<hbm>>
      tpu.wait_dma2 semaphore(%run_scoped3A : memref<!tpu.dma_semaphore, #tpu.memory_space<semaphore_mem>>) src(%dma_wait3A_134 : memref<125x80xi32, #tpu.memory_space<hbm>>) dst(%arg8 : memref<125x80xi32, #tpu.memory_space<vmem>>)
      tpu.yield
    }) : () -> ()
    "tpu.region"() ({
      %run_scoped3A = tpu.sem_alloc : memref<!tpu.dma_semaphore, #tpu.memory_space<semaphore_mem>>
      %dma_start3A = arith.constant 0 : i32
      %dma_start3A_121 = tpu.memref_slice %arg5[%arg1, %dma_start3A] : memref<16x10000xf32, #tpu.memory_space<hbm>> -> memref<1x10000xf32, #tpu.memory_space<hbm>>
      %dma_start3A_122 = tpu.memref_squeeze %dma_start3A_121 : memref<1x10000xf32, #tpu.memory_space<hbm>> -> memref<10000xf32, #tpu.memory_space<hbm>>
      %dma_start3A_123 = arith.constant 0 : i32
      %dma_start3A_124 = tpu.memref_slice %arg5[%arg1, %dma_start3A_123] : memref<16x10000xf32, #tpu.memory_space<hbm>> -> memref<1x10000xf32, #tpu.memory_space<hbm>>
      %dma_start3A_125 = tpu.memref_squeeze %dma_start3A_124 : memref<1x10000xf32, #tpu.memory_space<hbm>> -> memref<10000xf32, #tpu.memory_space<hbm>>
      tpu.enqueue_dma source(%dma_start3A_125 : memref<10000xf32, #tpu.memory_space<hbm>>) target(%arg9 : memref<10000xf32, #tpu.memory_space<vmem>>) target_semaphore(%run_scoped3A : memref<!tpu.dma_semaphore, #tpu.memory_space<semaphore_mem>>)
      %dma_wait3A = arith.constant 0 : i32
      %dma_wait3A_126 = tpu.memref_slice %arg5[%arg1, %dma_wait3A] : memref<16x10000xf32, #tpu.memory_space<hbm>> -> memref<1x10000xf32, #tpu.memory_space<hbm>>
      %dma_wait3A_127 = tpu.memref_squeeze %dma_wait3A_126 : memref<1x10000xf32, #tpu.memory_space<hbm>> -> memref<10000xf32, #tpu.memory_space<hbm>>
      %dma_wait3A_128 = arith.constant 0 : i32
      %dma_wait3A_129 = tpu.memref_slice %arg5[%arg1, %dma_wait3A_128] : memref<16x10000xf32, #tpu.memory_space<hbm>> -> memref<1x10000xf32, #tpu.memory_space<hbm>>
      %dma_wait3A_130 = tpu.memref_squeeze %dma_wait3A_129 : memref<1x10000xf32, #tpu.memory_space<hbm>> -> memref<10000xf32, #tpu.memory_space<hbm>>
      tpu.wait_dma2 semaphore(%run_scoped3A : memref<!tpu.dma_semaphore, #tpu.memory_space<semaphore_mem>>) src(%dma_wait3A_130 : memref<10000xf32, #tpu.memory_space<hbm>>) dst(%arg9 : memref<10000xf32, #tpu.memory_space<vmem>>)
      tpu.yield
    }) : () -> ()
    %barrier3A = arith.constant 0 : index
    tpu.barrier barrier_id(%barrier3A)
    %eq3A = arith.constant 0 : i32
    %eq3A_103 = arith.cmpi eq, %arg0, %eq3A : i32
    %convert_element_type3A = arith.extui %eq3A_103 : i1 to i32
    %cond3A = arith.constant 0 : i32
    %cond3A_104 = arith.cmpi ne, %convert_element_type3A, %cond3A : i32
    scf.if %cond3A_104 {
      %dma_start3A = arith.constant 0 : i32
      %dma_start3A_121 = arith.constant 0 : i32
      %dma_start3A_122 = arith.constant 0 : i32
      %dma_start3A_123 = tpu.memref_slice %arg7[%dma_start3A_121, %dma_start3A_122] : memref<125x80xi32, #tpu.memory_space<vmem>> -> memref<1x80xi32, #tpu.memory_space<vmem>>
      %dma_start3A_124 = tpu.memref_squeeze %dma_start3A_123 : memref<1x80xi32, #tpu.memory_space<vmem>> -> memref<80xi32, #tpu.memory_space<vmem>>
      %dma_start3A_125 = arith.constant 0 : i32
      %dma_start3A_126 = arith.constant 0 : i32
      %dma_start3A_127 = tpu.memref_slice %arg2[%dma_start3A, %dma_start3A_125, %dma_start3A_126] : memref<2x10000x128xf32, #tpu.memory_space<hbm>> -> memref<1x10000x128xf32, #tpu.memory_space<hbm>>
      %dma_start3A_128 = tpu.memref_squeeze %dma_start3A_127 : memref<1x10000x128xf32, #tpu.memory_space<hbm>> -> memref<10000x128xf32, #tpu.memory_space<hbm>>
      %dma_start3A_129 = arith.constant 0 : i32
      %dma_start3A_130 = arith.constant 0 : i32
      %dma_start3A_131 = tpu.memref_slice %dma_start3A_128[%dma_start3A_129, %dma_start3A_130] : memref<10000x128xf32, #tpu.memory_space<hbm>> -> memref<10000x128xf32, #tpu.memory_space<hbm>>
      tpu.enqueue_indirect_dma source(%dma_start3A_131 : memref<10000x128xf32, #tpu.memory_space<hbm>>) target(%arg10 : memref<80x128xf32, #tpu.memory_space<vmem>>) offsets(%dma_start3A_124 : memref<80xi32, #tpu.memory_space<vmem>>) semaphore(%arg13 : memref<!tpu.dma_semaphore, #tpu.memory_space<semaphore_mem>>)
      %dma_wait3A = arith.constant 0 : i32
      %dma_wait3A_132 = arith.constant 0 : i32
      %dma_wait3A_133 = arith.constant 0 : i32
      %dma_wait3A_134 = tpu.memref_slice %arg7[%dma_wait3A_132, %dma_wait3A_133] : memref<125x80xi32, #tpu.memory_space<vmem>> -> memref<1x80xi32, #tpu.memory_space<vmem>>
      %dma_wait3A_135 = tpu.memref_squeeze %dma_wait3A_134 : memref<1x80xi32, #tpu.memory_space<vmem>> -> memref<80xi32, #tpu.memory_space<vmem>>
      %dma_wait3A_136 = arith.constant 0 : i32
      %dma_wait3A_137 = arith.constant 0 : i32
      %dma_wait3A_138 = tpu.memref_slice %arg2[%dma_wait3A, %dma_wait3A_136, %dma_wait3A_137] : memref<2x10000x128xf32, #tpu.memory_space<hbm>> -> memref<1x10000x128xf32, #tpu.memory_space<hbm>>
      %dma_wait3A_139 = tpu.memref_squeeze %dma_wait3A_138 : memref<1x10000x128xf32, #tpu.memory_space<hbm>> -> memref<10000x128xf32, #tpu.memory_space<hbm>>
      %dma_wait3A_140 = arith.constant 0 : i32
      %dma_wait3A_141 = arith.constant 0 : i32
      %dma_wait3A_142 = tpu.memref_slice %dma_wait3A_139[%dma_wait3A_140, %dma_wait3A_141] : memref<10000x128xf32, #tpu.memory_space<hbm>> -> memref<10000x128xf32, #tpu.memory_space<hbm>>
      tpu.wait_indirect_dma semaphore(%arg13 : memref<!tpu.dma_semaphore, #tpu.memory_space<semaphore_mem>>) src(%dma_wait3A_142 : memref<10000x128xf32, #tpu.memory_space<hbm>>) dst(%arg10 : memref<80x128xf32, #tpu.memory_space<vmem>>)
      %scan3A_143 = arith.constant 0 : i32
      %scan3A_144 = arith.constant 0 : i32
      %scan3A_145 = arith.constant 0 : i32
      %scan3A_146 = arith.constant 125 : i32
      %scan3A_147 = arith.addi %scan3A_145, %scan3A_146 : i32
      %scan3A_148 = arith.constant 1 : i32
      scf.for %scan3A_157 = %scan3A_145 to %scan3A_147 step %scan3A_148  : i32 {
        %jit3A = arith.constant 2 : i32
        %eq3A_158 = arith.constant 0 : i32
        %eq3A_159 = arith.cmpi eq, %jit3A, %eq3A_158 : i32
        %jit3A_160 = arith.constant 1 : i32
        %select_n3A = arith.select %eq3A_159, %jit3A_160, %jit3A : i32
        %rem3A = arith.remsi %scan3A_157, %select_n3A : i32
        %ne3A = arith.constant 0 : i32
        %ne3A_161 = arith.cmpi ne, %rem3A, %ne3A : i32
        %lt3A = arith.constant 0 : i32
        %lt3A_162 = arith.cmpi slt, %rem3A, %lt3A : i32
        %lt3A_163 = arith.constant 0 : i32
        %lt3A_164 = arith.cmpi slt, %select_n3A, %lt3A_163 : i32
        %ne3A_165 = arith.xori %lt3A_162, %lt3A_164 : i1
        %and3A = arith.andi %ne3A_165, %ne3A_161 : i1
        %add3A_166 = arith.addi %rem3A, %select_n3A : i32
        %select_n3A_167 = arith.select %and3A, %add3A_166, %rem3A : i32
        %eq3A_168 = arith.constant 0 : i32
        %eq3A_169 = arith.cmpi eq, %select_n3A_167, %eq3A_168 : i32
        %convert_element_type3A_170 = arith.extui %eq3A_169 : i1 to i32
        %cond3A_171 = arith.constant 0 : i32
        %cond3A_172 = arith.cmpi ne, %convert_element_type3A_170, %cond3A_171 : i32
        scf.if %cond3A_172 {
          %add3A_194 = arith.constant 1 : i32
          %add3A_195 = arith.addi %scan3A_157, %add3A_194 : i32
          %lt3A_196 = arith.constant 125 : i32
          %lt3A_197 = arith.cmpi slt, %add3A_195, %lt3A_196 : i32
          %ge3A = arith.constant 1 : i32
          %ge3A_198 = arith.cmpi sge, %scan3A_157, %ge3A : i32
          %convert_element_type3A_199 = arith.extui %ge3A_198 : i1 to i32
          %cond3A_200 = arith.constant 0 : i32
          %cond3A_201 = arith.cmpi ne, %convert_element_type3A_199, %cond3A_200 : i32
          scf.if %cond3A_201 {
            %sub3A = arith.constant 1 : i32
            %sub3A_220 = arith.subi %scan3A_157, %sub3A : i32
            %dma_wait3A_221 = arith.constant 0 : i32
            %dma_wait3A_222 = tpu.memref_slice %arg8[%sub3A_220, %dma_wait3A_221] : memref<125x80xi32, #tpu.memory_space<vmem>> -> memref<1x80xi32, #tpu.memory_space<vmem>>
            %dma_wait3A_223 = tpu.memref_squeeze %dma_wait3A_222 : memref<1x80xi32, #tpu.memory_space<vmem>> -> memref<80xi32, #tpu.memory_space<vmem>>
            %dma_wait3A_224 = arith.constant 0 : i32
            %dma_wait3A_225 = arith.constant 0 : i32
            %dma_wait3A_226 = tpu.memref_slice %arg12[%dma_wait3A_224, %dma_wait3A_225] : memref<10000x128xf32, #tpu.memory_space<vmem_shared>> -> memref<10000x128xf32, #tpu.memory_space<vmem_shared>>
            tpu.wait_indirect_dma semaphore(%arg14 : memref<!tpu.dma_semaphore, #tpu.memory_space<semaphore_mem>>) src(%arg11 : memref<80x128xf32, #tpu.memory_space<vmem>>) dst(%dma_wait3A_226 : memref<10000x128xf32, #tpu.memory_space<vmem_shared>>)
          } else {
          }
          %convert_element_type3A_202 = arith.extui %lt3A_197 : i1 to i32
          %cond3A_203 = arith.constant 0 : i32
          %cond3A_204 = arith.cmpi ne, %convert_element_type3A_202, %cond3A_203 : i32
          scf.if %cond3A_204 {
            %add3A_220 = arith.constant 1 : i32
            %add3A_221 = arith.addi %scan3A_157, %add3A_220 : i32
            %dma_start3A_222 = arith.constant 0 : i32
            %dma_start3A_223 = tpu.memref_slice %arg7[%add3A_221, %dma_start3A_222] : memref<125x80xi32, #tpu.memory_space<vmem>> -> memref<1x80xi32, #tpu.memory_space<vmem>>
            %dma_start3A_224 = tpu.memref_squeeze %dma_start3A_223 : memref<1x80xi32, #tpu.memory_space<vmem>> -> memref<80xi32, #tpu.memory_space<vmem>>
            %dma_start3A_225 = arith.constant 0 : i32
            %dma_start3A_226 = arith.constant 0 : i32
            %dma_start3A_227 = tpu.memref_slice %arg2[%scan3A_144, %dma_start3A_225, %dma_start3A_226] : memref<2x10000x128xf32, #tpu.memory_space<hbm>> -> memref<1x10000x128xf32, #tpu.memory_space<hbm>>
            %dma_start3A_228 = tpu.memref_squeeze %dma_start3A_227 : memref<1x10000x128xf32, #tpu.memory_space<hbm>> -> memref<10000x128xf32, #tpu.memory_space<hbm>>
            %dma_start3A_229 = arith.constant 0 : i32
            %dma_start3A_230 = arith.constant 0 : i32
            %dma_start3A_231 = tpu.memref_slice %dma_start3A_228[%dma_start3A_229, %dma_start3A_230] : memref<10000x128xf32, #tpu.memory_space<hbm>> -> memref<10000x128xf32, #tpu.memory_space<hbm>>
            tpu.enqueue_indirect_dma source(%dma_start3A_231 : memref<10000x128xf32, #tpu.memory_space<hbm>>) target(%arg11 : memref<80x128xf32, #tpu.memory_space<vmem>>) offsets(%dma_start3A_224 : memref<80xi32, #tpu.memory_space<vmem>>) semaphore(%arg13 : memref<!tpu.dma_semaphore, #tpu.memory_space<semaphore_mem>>)
          } else {
          }
          %scan3A_205 = arith.constant 0 : i32
          %scan3A_206 = arith.constant 0 : i32
          %scan3A_207 = arith.constant 80 : i32
          %scan3A_208 = arith.addi %scan3A_206, %scan3A_207 : i32
          %scan3A_209 = arith.constant 4 : i32
          scf.for %scan3A_220 = %scan3A_206 to %scan3A_208 step %scan3A_209  : i32 {
            %mul3A_221 = arith.constant 80 : i32
            %mul3A_222 = arith.muli %scan3A_157, %mul3A_221 : i32
            %broadcast_in_dim3A = vector.broadcast %mul3A_222 : i32 to vector<16xi32>
            %add3A_223 = vector.broadcast %scan3A_220 : i32 to vector<16xi32>
            %add3A_224 = arith.addi %broadcast_in_dim3A, %add3A_223 : vector<16xi32>
            %gather3A = tpu.vector_load_idx %arg9[%add3A_224] : memref<10000xf32, #tpu.memory_space<vmem>>[vector<16xi32>], vector<16xf32>,
            %get3A = arith.index_cast %scan3A_220 : i32 to index
            %get3A_225 = arith.constant 0 : index
            %get3A_226 = tpu.vector_load %arg10[%get3A, %get3A_225] {strides = array<i32>} : memref<80x128xf32, #tpu.memory_space<vmem>>, vector<16xf32>,
            %mul3A_227 = arith.mulf %get3A_226, %gather3A : vector<16xf32>
            %swap3A = arith.index_cast %scan3A_220 : i32 to index
            %swap3A_228 = arith.constant 0 : index
            %swap3A_229 = tpu.vector_load %arg10[%swap3A, %swap3A_228] {strides = array<i32>} : memref<80x128xf32, #tpu.memory_space<vmem>>, vector<16xf32>,
            tpu.vector_store %arg10[%swap3A, %swap3A_228], %mul3A_227 {strides = array<i32>} : memref<80x128xf32, #tpu.memory_space<vmem>>, vector<16xf32>,
            %get3A_230 = arith.index_cast %scan3A_220 : i32 to index
            %get3A_231 = arith.constant 16 : index
            %get3A_232 = tpu.vector_load %arg10[%get3A_230, %get3A_231] {strides = array<i32>} : memref<80x128xf32, #tpu.memory_space<vmem>>, vector<16xf32>,
            %mul3A_233 = arith.mulf %get3A_232, %gather3A : vector<16xf32>
            %swap3A_234 = arith.index_cast %scan3A_220 : i32 to index
            %swap3A_235 = arith.constant 16 : index
            %swap3A_236 = tpu.vector_load %arg10[%swap3A_234, %swap3A_235] {strides = array<i32>} : memref<80x128xf32, #tpu.memory_space<vmem>>, vector<16xf32>,
            tpu.vector_store %arg10[%swap3A_234, %swap3A_235], %mul3A_233 {strides = array<i32>} : memref<80x128xf32, #tpu.memory_space<vmem>>, vector<16xf32>,
            %get3A_237 = arith.index_cast %scan3A_220 : i32 to index
            %get3A_238 = arith.constant 32 : index
            %get3A_239 = tpu.vector_load %arg10[%get3A_237, %get3A_238] {strides = array<i32>} : memref<80x128xf32, #tpu.memory_space<vmem>>, vector<16xf32>,
            %mul3A_240 = arith.mulf %get3A_239, %gather3A : vector<16xf32>
            %swap3A_241 = arith.index_cast %scan3A_220 : i32 to index
            %swap3A_242 = arith.constant 32 : index
            %swap3A_243 = tpu.vector_load %arg10[%swap3A_241, %swap3A_242] {strides = array<i32>} : memref<80x128xf32, #tpu.memory_space<vmem>>, vector<16xf32>,
            tpu.vector_store %arg10[%swap3A_241, %swap3A_242], %mul3A_240 {strides = array<i32>} : memref<80x128xf32, #tpu.memory_space<vmem>>, vector<16xf32>,
            %get3A_244 = arith.index_cast %scan3A_220 : i32 to index
            %get3A_245 = arith.constant 48 : index
            %get3A_246 = tpu.vector_load %arg10[%get3A_244, %get3A_245] {strides = array<i32>} : memref<80x128xf32, #tpu.memory_space<vmem>>, vector<16xf32>,
            %mul3A_247 = arith.mulf %get3A_246, %gather3A : vector<16xf32>
            %swap3A_248 = arith.index_cast %scan3A_220 : i32 to index
            %swap3A_249 = arith.constant 48 : index
            %swap3A_250 = tpu.vector_load %arg10[%swap3A_248, %swap3A_249] {strides = array<i32>} : memref<80x128xf32, #tpu.memory_space<vmem>>, vector<16xf32>,
            tpu.vector_store %arg10[%swap3A_248, %swap3A_249], %mul3A_247 {strides = array<i32>} : memref<80x128xf32, #tpu.memory_space<vmem>>, vector<16xf32>,
            %get3A_251 = arith.index_cast %scan3A_220 : i32 to index
            %get3A_252 = arith.constant 64 : index
            %get3A_253 = tpu.vector_load %arg10[%get3A_251, %get3A_252] {strides = array<i32>} : memref<80x128xf32, #tpu.memory_space<vmem>>, vector<16xf32>,
            %mul3A_254 = arith.mulf %get3A_253, %gather3A : vector<16xf32>
            %swap3A_255 = arith.index_cast %scan3A_220 : i32 to index
            %swap3A_256 = arith.constant 64 : index
            %swap3A_257 = tpu.vector_load %arg10[%swap3A_255, %swap3A_256] {strides = array<i32>} : memref<80x128xf32, #tpu.memory_space<vmem>>, vector<16xf32>,
            tpu.vector_store %arg10[%swap3A_255, %swap3A_256], %mul3A_254 {strides = array<i32>} : memref<80x128xf32, #tpu.memory_space<vmem>>, vector<16xf32>,
            %get3A_258 = arith.index_cast %scan3A_220 : i32 to index
            %get3A_259 = arith.constant 80 : index
            %get3A_260 = tpu.vector_load %arg10[%get3A_258, %get3A_259] {strides = array<i32>} : memref<80x128xf32, #tpu.memory_space<vmem>>, vector<16xf32>,
            %mul3A_261 = arith.mulf %get3A_260, %gather3A : vector<16xf32>
            %swap3A_262 = arith.index_cast %scan3A_220 : i32 to index
            %swap3A_263 = arith.constant 80 : index
            %swap3A_264 = tpu.vector_load %arg10[%swap3A_262, %swap3A_263] {strides = array<i32>} : memref<80x128xf32, #tpu.memory_space<vmem>>, vector<16xf32>,
            tpu.vector_store %arg10[%swap3A_262, %swap3A_263], %mul3A_261 {strides = array<i32>} : memref<80x128xf32, #tpu.memory_space<vmem>>, vector<16xf32>,
            %get3A_265 = arith.index_cast %scan3A_220 : i32 to index
            %get3A_266 = arith.constant 96 : index
            %get3A_267 = tpu.vector_load %arg10[%get3A_265, %get3A_266] {strides = array<i32>} : memref<80x128xf32, #tpu.memory_space<vmem>>, vector<16xf32>,
            %mul3A_268 = arith.mulf %get3A_267, %gather3A : vector<16xf32>
            %swap3A_269 = arith.index_cast %scan3A_220 : i32 to index
            %swap3A_270 = arith.constant 96 : index
            %swap3A_271 = tpu.vector_load %arg10[%swap3A_269, %swap3A_270] {strides = array<i32>} : memref<80x128xf32, #tpu.memory_space<vmem>>, vector<16xf32>,
            tpu.vector_store %arg10[%swap3A_269, %swap3A_270], %mul3A_268 {strides = array<i32>} : memref<80x128xf32, #tpu.memory_space<vmem>>, vector<16xf32>,
            %get3A_272 = arith.index_cast %scan3A_220 : i32 to index
            %get3A_273 = arith.constant 112 : index
            %get3A_274 = tpu.vector_load %arg10[%get3A_272, %get3A_273] {strides = array<i32>} : memref<80x128xf32, #tpu.memory_space<vmem>>, vector<16xf32>,
            %mul3A_275 = arith.mulf %get3A_274, %gather3A : vector<16xf32>
            %swap3A_276 = arith.index_cast %scan3A_220 : i32 to index
            %swap3A_277 = arith.constant 112 : index
            %swap3A_278 = tpu.vector_load %arg10[%swap3A_276, %swap3A_277] {strides = array<i32>} : memref<80x128xf32, #tpu.memory_space<vmem>>, vector<16xf32>,
            tpu.vector_store %arg10[%swap3A_276, %swap3A_277], %mul3A_275 {strides = array<i32>} : memref<80x128xf32, #tpu.memory_space<vmem>>, vector<16xf32>,
            %scan3A_279 = arith.constant 1 : i32
            %scan3A_280 = arith.addi %scan3A_220, %scan3A_279 : i32
            %mul3A_281 = arith.constant 80 : i32
            %mul3A_282 = arith.muli %scan3A_157, %mul3A_281 : i32
            %broadcast_in_dim3A_283 = vector.broadcast %mul3A_282 : i32 to vector<16xi32>
            %add3A_284 = vector.broadcast %scan3A_280 : i32 to vector<16xi32>
            %add3A_285 = arith.addi %broadcast_in_dim3A_283, %add3A_284 : vector<16xi32>
            %gather3A_286 = tpu.vector_load_idx %arg9[%add3A_285] : memref<10000xf32, #tpu.memory_space<vmem>>[vector<16xi32>], vector<16xf32>,
            %get3A_287 = arith.index_cast %scan3A_280 : i32 to index
            %get3A_288 = arith.constant 0 : index
            %get3A_289 = tpu.vector_load %arg10[%get3A_287, %get3A_288] {strides = array<i32>} : memref<80x128xf32, #tpu.memory_space<vmem>>, vector<16xf32>,
            %mul3A_290 = arith.mulf %get3A_289, %gather3A_286 : vector<16xf32>
            %swap3A_291 = arith.index_cast %scan3A_280 : i32 to index
            %swap3A_292 = arith.constant 0 : index
            %swap3A_293 = tpu.vector_load %arg10[%swap3A_291, %swap3A_292] {strides = array<i32>} : memref<80x128xf32, #tpu.memory_space<vmem>>, vector<16xf32>,
            tpu.vector_store %arg10[%swap3A_291, %swap3A_292], %mul3A_290 {strides = array<i32>} : memref<80x128xf32, #tpu.memory_space<vmem>>, vector<16xf32>,
            %get3A_294 = arith.index_cast %scan3A_280 : i32 to index
            %get3A_295 = arith.constant 16 : index
            %get3A_296 = tpu.vector_load %arg10[%get3A_294, %get3A_295] {strides = array<i32>} : memref<80x128xf32, #tpu.memory_space<vmem>>, vector<16xf32>,
            %mul3A_297 = arith.mulf %get3A_296, %gather3A_286 : vector<16xf32>
            %swap3A_298 = arith.index_cast %scan3A_280 : i32 to index
            %swap3A_299 = arith.constant 16 : index
            %swap3A_300 = tpu.vector_load %arg10[%swap3A_298, %swap3A_299] {strides = array<i32>} : memref<80x128xf32, #tpu.memory_space<vmem>>, vector<16xf32>,
            tpu.vector_store %arg10[%swap3A_298, %swap3A_299], %mul3A_297 {strides = array<i32>} : memref<80x128xf32, #tpu.memory_space<vmem>>, vector<16xf32>,
            %get3A_301 = arith.index_cast %scan3A_280 : i32 to index
            %get3A_302 = arith.constant 32 : index
            %get3A_303 = tpu.vector_load %arg10[%get3A_301, %get3A_302] {strides = array<i32>} : memref<80x128xf32, #tpu.memory_space<vmem>>, vector<16xf32>,
            %mul3A_304 = arith.mulf %get3A_303, %gather3A_286 : vector<16xf32>
            %swap3A_305 = arith.index_cast %scan3A_280 : i32 to index
            %swap3A_306 = arith.constant 32 : index
            %swap3A_307 = tpu.vector_load %arg10[%swap3A_305, %swap3A_306] {strides = array<i32>} : memref<80x128xf32, #tpu.memory_space<vmem>>, vector<16xf32>,
            tpu.vector_store %arg10[%swap3A_305, %swap3A_306], %mul3A_304 {strides = array<i32>} : memref<80x128xf32, #tpu.memory_space<vmem>>, vector<16xf32>,
            %get3A_308 = arith.index_cast %scan3A_280 : i32 to index
            %get3A_309 = arith.constant 48 : index
            %get3A_310 = tpu.vector_load %arg10[%get3A_308, %get3A_309] {strides = array<i32>} : memref<80x128xf32, #tpu.memory_space<vmem>>, vector<16xf32>,
            %mul3A_311 = arith.mulf %get3A_310, %gather3A_286 : vector<16xf32>
            %swap3A_312 = arith.index_cast %scan3A_280 : i32 to index
            %swap3A_313 = arith.constant 48 : index
            %swap3A_314 = tpu.vector_load %arg10[%swap3A_312, %swap3A_313] {strides = array<i32>} : memref<80x128xf32, #tpu.memory_space<vmem>>, vector<16xf32>,
            tpu.vector_store %arg10[%swap3A_312, %swap3A_313], %mul3A_311 {strides = array<i32>} : memref<80x128xf32, #tpu.memory_space<vmem>>, vector<16xf32>,
            %get3A_315 = arith.index_cast %scan3A_280 : i32 to index
            %get3A_316 = arith.constant 64 : index
            %get3A_317 = tpu.vector_load %arg10[%get3A_315, %get3A_316] {strides = array<i32>} : memref<80x128xf32, #tpu.memory_space<vmem>>, vector<16xf32>,
            %mul3A_318 = arith.mulf %get3A_317, %gather3A_286 : vector<16xf32>
            %swap3A_319 = arith.index_cast %scan3A_280 : i32 to index
            %swap3A_320 = arith.constant 64 : index
            %swap3A_321 = tpu.vector_load %arg10[%swap3A_319, %swap3A_320] {strides = array<i32>} : memref<80x128xf32, #tpu.memory_space<vmem>>, vector<16xf32>,
            tpu.vector_store %arg10[%swap3A_319, %swap3A_320], %mul3A_318 {strides = array<i32>} : memref<80x128xf32, #tpu.memory_space<vmem>>, vector<16xf32>,
            %get3A_322 = arith.index_cast %scan3A_280 : i32 to index
            %get3A_323 = arith.constant 80 : index
            %get3A_324 = tpu.vector_load %arg10[%get3A_322, %get3A_323] {strides = array<i32>} : memref<80x128xf32, #tpu.memory_space<vmem>>, vector<16xf32>,
            %mul3A_325 = arith.mulf %get3A_324, %gather3A_286 : vector<16xf32>
            %swap3A_326 = arith.index_cast %scan3A_280 : i32 to index
            %swap3A_327 = arith.constant 80 : index
            %swap3A_328 = tpu.vector_load %arg10[%swap3A_326, %swap3A_327] {strides = array<i32>} : memref<80x128xf32, #tpu.memory_space<vmem>>, vector<16xf32>,
            tpu.vector_store %arg10[%swap3A_326, %swap3A_327], %mul3A_325 {strides = array<i32>} : memref<80x128xf32, #tpu.memory_space<vmem>>, vector<16xf32>,
            %get3A_329 = arith.index_cast %scan3A_280 : i32 to index
            %get3A_330 = arith.constant 96 : index
            %get3A_331 = tpu.vector_load %arg10[%get3A_329, %get3A_330] {strides = array<i32>} : memref<80x128xf32, #tpu.memory_space<vmem>>, vector<16xf32>,
            %mul3A_332 = arith.mulf %get3A_331, %gather3A_286 : vector<16xf32>
            %swap3A_333 = arith.index_cast %scan3A_280 : i32 to index
            %swap3A_334 = arith.constant 96 : index
            %swap3A_335 = tpu.vector_load %arg10[%swap3A_333, %swap3A_334] {strides = array<i32>} : memref<80x128xf32, #tpu.memory_space<vmem>>, vector<16xf32>,
            tpu.vector_store %arg10[%swap3A_333, %swap3A_334], %mul3A_332 {strides = array<i32>} : memref<80x128xf32, #tpu.memory_space<vmem>>, vector<16xf32>,
            %get3A_336 = arith.index_cast %scan3A_280 : i32 to index
            %get3A_337 = arith.constant 112 : index
            %get3A_338 = tpu.vector_load %arg10[%get3A_336, %get3A_337] {strides = array<i32>} : memref<80x128xf32, #tpu.memory_space<vmem>>, vector<16xf32>,
            %mul3A_339 = arith.mulf %get3A_338, %gather3A_286 : vector<16xf32>
            %swap3A_340 = arith.index_cast %scan3A_280 : i32 to index
            %swap3A_341 = arith.constant 112 : index
            %swap3A_342 = tpu.vector_load %arg10[%swap3A_340, %swap3A_341] {strides = array<i32>} : memref<80x128xf32, #tpu.memory_space<vmem>>, vector<16xf32>,
            tpu.vector_store %arg10[%swap3A_340, %swap3A_341], %mul3A_339 {strides = array<i32>} : memref<80x128xf32, #tpu.memory_space<vmem>>, vector<16xf32>,
            %scan3A_343 = arith.constant 2 : i32
            %scan3A_344 = arith.addi %scan3A_220, %scan3A_343 : i32
            %mul3A_345 = arith.constant 80 : i32
            %mul3A_346 = arith.muli %scan3A_157, %mul3A_345 : i32
            %broadcast_in_dim3A_347 = vector.broadcast %mul3A_346 : i32 to vector<16xi32>
            %add3A_348 = vector.broadcast %scan3A_344 : i32 to vector<16xi32>
            %add3A_349 = arith.addi %broadcast_in_dim3A_347, %add3A_348 : vector<16xi32>
            %gather3A_350 = tpu.vector_load_idx %arg9[%add3A_349] : memref<10000xf32, #tpu.memory_space<vmem>>[vector<16xi32>], vector<16xf32>,
            %get3A_351 = arith.index_cast %scan3A_344 : i32 to index
            %get3A_352 = arith.constant 0 : index
            %get3A_353 = tpu.vector_load %arg10[%get3A_351, %get3A_352] {strides = array<i32>} : memref<80x128xf32, #tpu.memory_space<vmem>>, vector<16xf32>,
            %mul3A_354 = arith.mulf %get3A_353, %gather3A_350 : vector<16xf32>
            %swap3A_355 = arith.index_cast %scan3A_344 : i32 to index
            %swap3A_356 = arith.constant 0 : index
            %swap3A_357 = tpu.vector_load %arg10[%swap3A_355, %swap3A_356] {strides = array<i32>} : memref<80x128xf32, #tpu.memory_space<vmem>>, vector<16xf32>,
            tpu.vector_store %arg10[%swap3A_355, %swap3A_356], %mul3A_354 {strides = array<i32>} : memref<80x128xf32, #tpu.memory_space<vmem>>, vector<16xf32>,
            %get3A_358 = arith.index_cast %scan3A_344 : i32 to index
            %get3A_359 = arith.constant 16 : index
            %get3A_360 = tpu.vector_load %arg10[%get3A_358, %get3A_359] {strides = array<i32>} : memref<80x128xf32, #tpu.memory_space<vmem>>, vector<16xf32>,
            %mul3A_361 = arith.mulf %get3A_360, %gather3A_350 : vector<16xf32>
            %swap3A_362 = arith.index_cast %scan3A_344 : i32 to index
            %swap3A_363 = arith.constant 16 : index
            %swap3A_364 = tpu.vector_load %arg10[%swap3A_362, %swap3A_363] {strides = array<i32>} : memref<80x128xf32, #tpu.memory_space<vmem>>, vector<16xf32>,
            tpu.vector_store %arg10[%swap3A_362, %swap3A_363], %mul3A_361 {strides = array<i32>} : memref<80x128xf32, #tpu.memory_space<vmem>>, vector<16xf32>,
            %get3A_365 = arith.index_cast %scan3A_344 : i32 to index
            %get3A_366 = arith.constant 32 : index
            %get3A_367 = tpu.vector_load %arg10[%get3A_365, %get3A_366] {strides = array<i32>} : memref<80x128xf32, #tpu.memory_space<vmem>>, vector<16xf32>,
            %mul3A_368 = arith.mulf %get3A_367, %gather3A_350 : vector<16xf32>
            %swap3A_369 = arith.index_cast %scan3A_344 : i32 to index
            %swap3A_370 = arith.constant 32 : index
            %swap3A_371 = tpu.vector_load %arg10[%swap3A_369, %swap3A_370] {strides = array<i32>} : memref<80x128xf32, #tpu.memory_space<vmem>>, vector<16xf32>,
            tpu.vector_store %arg10[%swap3A_369, %swap3A_370], %mul3A_368 {strides = array<i32>} : memref<80x128xf32, #tpu.memory_space<vmem>>, vector<16xf32>,
            %get3A_372 = arith.index_cast %scan3A_344 : i32 to index
            %get3A_373 = arith.constant 48 : index
            %get3A_374 = tpu.vector_load %arg10[%get3A_372, %get3A_373] {strides = array<i32>} : memref<80x128xf32, #tpu.memory_space<vmem>>, vector<16xf32>,
            %mul3A_375 = arith.mulf %get3A_374, %gather3A_350 : vector<16xf32>
            %swap3A_376 = arith.index_cast %scan3A_344 : i32 to index
            %swap3A_377 = arith.constant 48 : index
            %swap3A_378 = tpu.vector_load %arg10[%swap3A_376, %swap3A_377] {strides = array<i32>} : memref<80x128xf32, #tpu.memory_space<vmem>>, vector<16xf32>,
            tpu.vector_store %arg10[%swap3A_376, %swap3A_377], %mul3A_375 {strides = array<i32>} : memref<80x128xf32, #tpu.memory_space<vmem>>, vector<16xf32>,
            %get3A_379 = arith.index_cast %scan3A_344 : i32 to index
            %get3A_380 = arith.constant 64 : index
            %get3A_381 = tpu.vector_load %arg10[%get3A_379, %get3A_380] {strides = array<i32>} : memref<80x128xf32, #tpu.memory_space<vmem>>, vector<16xf32>,
            %mul3A_382 = arith.mulf %get3A_381, %gather3A_350 : vector<16xf32>
            %swap3A_383 = arith.index_cast %scan3A_344 : i32 to index
            %swap3A_384 = arith.constant 64 : index
            %swap3A_385 = tpu.vector_load %arg10[%swap3A_383, %swap3A_384] {strides = array<i32>} : memref<80x128xf32, #tpu.memory_space<vmem>>, vector<16xf32>,
            tpu.vector_store %arg10[%swap3A_383, %swap3A_384], %mul3A_382 {strides = array<i32>} : memref<80x128xf32, #tpu.memory_space<vmem>>, vector<16xf32>,
            %get3A_386 = arith.index_cast %scan3A_344 : i32 to index
            %get3A_387 = arith.constant 80 : index
            %get3A_388 = tpu.vector_load %arg10[%get3A_386, %get3A_387] {strides = array<i32>} : memref<80x128xf32, #tpu.memory_space<vmem>>, vector<16xf32>,
            %mul3A_389 = arith.mulf %get3A_388, %gather3A_350 : vector<16xf32>
            %swap3A_390 = arith.index_cast %scan3A_344 : i32 to index
            %swap3A_391 = arith.constant 80 : index
            %swap3A_392 = tpu.vector_load %arg10[%swap3A_390, %swap3A_391] {strides = array<i32>} : memref<80x128xf32, #tpu.memory_space<vmem>>, vector<16xf32>,
            tpu.vector_store %arg10[%swap3A_390, %swap3A_391], %mul3A_389 {strides = array<i32>} : memref<80x128xf32, #tpu.memory_space<vmem>>, vector<16xf32>,
            %get3A_393 = arith.index_cast %scan3A_344 : i32 to index
            %get3A_394 = arith.constant 96 : index
            %get3A_395 = tpu.vector_load %arg10[%get3A_393, %get3A_394] {strides = array<i32>} : memref<80x128xf32, #tpu.memory_space<vmem>>, vector<16xf32>,
            %mul3A_396 = arith.mulf %get3A_395, %gather3A_350 : vector<16xf32>
            %swap3A_397 = arith.index_cast %scan3A_344 : i32 to index
            %swap3A_398 = arith.constant 96 : index
            %swap3A_399 = tpu.vector_load %arg10[%swap3A_397, %swap3A_398] {strides = array<i32>} : memref<80x128xf32, #tpu.memory_space<vmem>>, vector<16xf32>,
            tpu.vector_store %arg10[%swap3A_397, %swap3A_398], %mul3A_396 {strides = array<i32>} : memref<80x128xf32, #tpu.memory_space<vmem>>, vector<16xf32>,
            %get3A_400 = arith.index_cast %scan3A_344 : i32 to index
            %get3A_401 = arith.constant 112 : index
            %get3A_402 = tpu.vector_load %arg10[%get3A_400, %get3A_401] {strides = array<i32>} : memref<80x128xf32, #tpu.memory_space<vmem>>, vector<16xf32>,
            %mul3A_403 = arith.mulf %get3A_402, %gather3A_350 : vector<16xf32>
            %swap3A_404 = arith.index_cast %scan3A_344 : i32 to index
            %swap3A_405 = arith.constant 112 : index
            %swap3A_406 = tpu.vector_load %arg10[%swap3A_404, %swap3A_405] {strides = array<i32>} : memref<80x128xf32, #tpu.memory_space<vmem>>, vector<16xf32>,
            tpu.vector_store %arg10[%swap3A_404, %swap3A_405], %mul3A_403 {strides = array<i32>} : memref<80x128xf32, #tpu.memory_space<vmem>>, vector<16xf32>,
            %scan3A_407 = arith.constant 3 : i32
            %scan3A_408 = arith.addi %scan3A_220, %scan3A_407 : i32
            %mul3A_409 = arith.constant 80 : i32
            %mul3A_410 = arith.muli %scan3A_157, %mul3A_409 : i32
            %broadcast_in_dim3A_411 = vector.broadcast %mul3A_410 : i32 to vector<16xi32>
            %add3A_412 = vector.broadcast %scan3A_408 : i32 to vector<16xi32>
            %add3A_413 = arith.addi %broadcast_in_dim3A_411, %add3A_412 : vector<16xi32>
            %gather3A_414 = tpu.vector_load_idx %arg9[%add3A_413] : memref<10000xf32, #tpu.memory_space<vmem>>[vector<16xi32>], vector<16xf32>,
            %get3A_415 = arith.index_cast %scan3A_408 : i32 to index
            %get3A_416 = arith.constant 0 : index
            %get3A_417 = tpu.vector_load %arg10[%get3A_415, %get3A_416] {strides = array<i32>} : memref<80x128xf32, #tpu.memory_space<vmem>>, vector<16xf32>,
            %mul3A_418 = arith.mulf %get3A_417, %gather3A_414 : vector<16xf32>
            %swap3A_419 = arith.index_cast %scan3A_408 : i32 to index
            %swap3A_420 = arith.constant 0 : index
            %swap3A_421 = tpu.vector_load %arg10[%swap3A_419, %swap3A_420] {strides = array<i32>} : memref<80x128xf32, #tpu.memory_space<vmem>>, vector<16xf32>,
            tpu.vector_store %arg10[%swap3A_419, %swap3A_420], %mul3A_418 {strides = array<i32>} : memref<80x128xf32, #tpu.memory_space<vmem>>, vector<16xf32>,
            %get3A_422 = arith.index_cast %scan3A_408 : i32 to index
            %get3A_423 = arith.constant 16 : index
            %get3A_424 = tpu.vector_load %arg10[%get3A_422, %get3A_423] {strides = array<i32>} : memref<80x128xf32, #tpu.memory_space<vmem>>, vector<16xf32>,
            %mul3A_425 = arith.mulf %get3A_424, %gather3A_414 : vector<16xf32>
            %swap3A_426 = arith.index_cast %scan3A_408 : i32 to index
            %swap3A_427 = arith.constant 16 : index
            %swap3A_428 = tpu.vector_load %arg10[%swap3A_426, %swap3A_427] {strides = array<i32>} : memref<80x128xf32, #tpu.memory_space<vmem>>, vector<16xf32>,
            tpu.vector_store %arg10[%swap3A_426, %swap3A_427], %mul3A_425 {strides = array<i32>} : memref<80x128xf32, #tpu.memory_space<vmem>>, vector<16xf32>,
            %get3A_429 = arith.index_cast %scan3A_408 : i32 to index
            %get3A_430 = arith.constant 32 : index
            %get3A_431 = tpu.vector_load %arg10[%get3A_429, %get3A_430] {strides = array<i32>} : memref<80x128xf32, #tpu.memory_space<vmem>>, vector<16xf32>,
            %mul3A_432 = arith.mulf %get3A_431, %gather3A_414 : vector<16xf32>
            %swap3A_433 = arith.index_cast %scan3A_408 : i32 to index
            %swap3A_434 = arith.constant 32 : index
            %swap3A_435 = tpu.vector_load %arg10[%swap3A_433, %swap3A_434] {strides = array<i32>} : memref<80x128xf32, #tpu.memory_space<vmem>>, vector<16xf32>,
            tpu.vector_store %arg10[%swap3A_433, %swap3A_434], %mul3A_432 {strides = array<i32>} : memref<80x128xf32, #tpu.memory_space<vmem>>, vector<16xf32>,
            %get3A_436 = arith.index_cast %scan3A_408 : i32 to index
            %get3A_437 = arith.constant 48 : index
            %get3A_438 = tpu.vector_load %arg10[%get3A_436, %get3A_437] {strides = array<i32>} : memref<80x128xf32, #tpu.memory_space<vmem>>, vector<16xf32>,
            %mul3A_439 = arith.mulf %get3A_438, %gather3A_414 : vector<16xf32>
            %swap3A_440 = arith.index_cast %scan3A_408 : i32 to index
            %swap3A_441 = arith.constant 48 : index
            %swap3A_442 = tpu.vector_load %arg10[%swap3A_440, %swap3A_441] {strides = array<i32>} : memref<80x128xf32, #tpu.memory_space<vmem>>, vector<16xf32>,
            tpu.vector_store %arg10[%swap3A_440, %swap3A_441], %mul3A_439 {strides = array<i32>} : memref<80x128xf32, #tpu.memory_space<vmem>>, vector<16xf32>,
            %get3A_443 = arith.index_cast %scan3A_408 : i32 to index
            %get3A_444 = arith.constant 64 : index
            %get3A_445 = tpu.vector_load %arg10[%get3A_443, %get3A_444] {strides = array<i32>} : memref<80x128xf32, #tpu.memory_space<vmem>>, vector<16xf32>,
            %mul3A_446 = arith.mulf %get3A_445, %gather3A_414 : vector<16xf32>
            %swap3A_447 = arith.index_cast %scan3A_408 : i32 to index
            %swap3A_448 = arith.constant 64 : index
            %swap3A_449 = tpu.vector_load %arg10[%swap3A_447, %swap3A_448] {strides = array<i32>} : memref<80x128xf32, #tpu.memory_space<vmem>>, vector<16xf32>,
            tpu.vector_store %arg10[%swap3A_447, %swap3A_448], %mul3A_446 {strides = array<i32>} : memref<80x128xf32, #tpu.memory_space<vmem>>, vector<16xf32>,
            %get3A_450 = arith.index_cast %scan3A_408 : i32 to index
            %get3A_451 = arith.constant 80 : index
            %get3A_452 = tpu.vector_load %arg10[%get3A_450, %get3A_451] {strides = array<i32>} : memref<80x128xf32, #tpu.memory_space<vmem>>, vector<16xf32>,
            %mul3A_453 = arith.mulf %get3A_452, %gather3A_414 : vector<16xf32>
            %swap3A_454 = arith.index_cast %scan3A_408 : i32 to index
            %swap3A_455 = arith.constant 80 : index
            %swap3A_456 = tpu.vector_load %arg10[%swap3A_454, %swap3A_455] {strides = array<i32>} : memref<80x128xf32, #tpu.memory_space<vmem>>, vector<16xf32>,
            tpu.vector_store %arg10[%swap3A_454, %swap3A_455], %mul3A_453 {strides = array<i32>} : memref<80x128xf32, #tpu.memory_space<vmem>>, vector<16xf32>,
            %get3A_457 = arith.index_cast %scan3A_408 : i32 to index
            %get3A_458 = arith.constant 96 : index
            %get3A_459 = tpu.vector_load %arg10[%get3A_457, %get3A_458] {strides = array<i32>} : memref<80x128xf32, #tpu.memory_space<vmem>>, vector<16xf32>,
            %mul3A_460 = arith.mulf %get3A_459, %gather3A_414 : vector<16xf32>
            %swap3A_461 = arith.index_cast %scan3A_408 : i32 to index
            %swap3A_462 = arith.constant 96 : index
            %swap3A_463 = tpu.vector_load %arg10[%swap3A_461, %swap3A_462] {strides = array<i32>} : memref<80x128xf32, #tpu.memory_space<vmem>>, vector<16xf32>,
            tpu.vector_store %arg10[%swap3A_461, %swap3A_462], %mul3A_460 {strides = array<i32>} : memref<80x128xf32, #tpu.memory_space<vmem>>, vector<16xf32>,
            %get3A_464 = arith.index_cast %scan3A_408 : i32 to index
            %get3A_465 = arith.constant 112 : index
            %get3A_466 = tpu.vector_load %arg10[%get3A_464, %get3A_465] {strides = array<i32>} : memref<80x128xf32, #tpu.memory_space<vmem>>, vector<16xf32>,
            %mul3A_467 = arith.mulf %get3A_466, %gather3A_414 : vector<16xf32>
            %swap3A_468 = arith.index_cast %scan3A_408 : i32 to index
            %swap3A_469 = arith.constant 112 : index
            %swap3A_470 = tpu.vector_load %arg10[%swap3A_468, %swap3A_469] {strides = array<i32>} : memref<80x128xf32, #tpu.memory_space<vmem>>, vector<16xf32>,
            tpu.vector_store %arg10[%swap3A_468, %swap3A_469], %mul3A_467 {strides = array<i32>} : memref<80x128xf32, #tpu.memory_space<vmem>>, vector<16xf32>,
          }
          %scan3A_210 = arith.constant 80 : i32
          %dma_start3A_211 = arith.constant 0 : i32
          %dma_start3A_212 = tpu.memref_slice %arg8[%scan3A_157, %dma_start3A_211] : memref<125x80xi32, #tpu.memory_space<vmem>> -> memref<1x80xi32, #tpu.memory_space<vmem>>
          %dma_start3A_213 = tpu.memref_squeeze %dma_start3A_212 : memref<1x80xi32, #tpu.memory_space<vmem>> -> memref<80xi32, #tpu.memory_space<vmem>>
          %dma_start3A_214 = arith.constant 0 : i32
          %dma_start3A_215 = arith.constant 0 : i32
          %dma_start3A_216 = tpu.memref_slice %arg12[%dma_start3A_214, %dma_start3A_215] : memref<10000x128xf32, #tpu.memory_space<vmem_shared>> -> memref<10000x128xf32, #tpu.memory_space<vmem_shared>>
          tpu.enqueue_indirect_dma source(%arg10 : memref<80x128xf32, #tpu.memory_space<vmem>>) target(%dma_start3A_216 : memref<10000x128xf32, #tpu.memory_space<vmem_shared>>) offsets(%dma_start3A_213 : memref<80xi32, #tpu.memory_space<vmem>>) semaphore(%arg14 : memref<!tpu.dma_semaphore, #tpu.memory_space<semaphore_mem>>) {add = true}
          %convert_element_type3A_217 = arith.extui %lt3A_197 : i1 to i32
          %cond3A_218 = arith.constant 0 : i32
          %cond3A_219 = arith.cmpi ne, %convert_element_type3A_217, %cond3A_218 : i32
          scf.if %cond3A_219 {
            %add3A_220 = arith.constant 1 : i32
            %add3A_221 = arith.addi %scan3A_157, %add3A_220 : i32
            %dma_wait3A_222 = arith.constant 0 : i32
            %dma_wait3A_223 = tpu.memref_slice %arg7[%add3A_221, %dma_wait3A_222] : memref<125x80xi32, #tpu.memory_space<vmem>> -> memref<1x80xi32, #tpu.memory_space<vmem>>
            %dma_wait3A_224 = tpu.memref_squeeze %dma_wait3A_223 : memref<1x80xi32, #tpu.memory_space<vmem>> -> memref<80xi32, #tpu.memory_space<vmem>>
            %dma_wait3A_225 = arith.constant 0 : i32
            %dma_wait3A_226 = arith.constant 0 : i32
            %dma_wait3A_227 = tpu.memref_slice %arg2[%scan3A_144, %dma_wait3A_225, %dma_wait3A_226] : memref<2x10000x128xf32, #tpu.memory_space<hbm>> -> memref<1x10000x128xf32, #tpu.memory_space<hbm>>
            %dma_wait3A_228 = tpu.memref_squeeze %dma_wait3A_227 : memref<1x10000x128xf32, #tpu.memory_space<hbm>> -> memref<10000x128xf32, #tpu.memory_space<hbm>>
            %dma_wait3A_229 = arith.constant 0 : i32
            %dma_wait3A_230 = arith.constant 0 : i32
            %dma_wait3A_231 = tpu.memref_slice %dma_wait3A_228[%dma_wait3A_229, %dma_wait3A_230] : memref<10000x128xf32, #tpu.memory_space<hbm>> -> memref<10000x128xf32, #tpu.memory_space<hbm>>
            tpu.wait_indirect_dma semaphore(%arg13 : memref<!tpu.dma_semaphore, #tpu.memory_space<semaphore_mem>>) src(%dma_wait3A_231 : memref<10000x128xf32, #tpu.memory_space<hbm>>) dst(%arg11 : memref<80x128xf32, #tpu.memory_space<vmem>>)
          } else {
          }
        } else {
        }
        %jit3A_173 = arith.constant 2 : i32
        %eq3A_174 = arith.constant 0 : i32
        %eq3A_175 = arith.cmpi eq, %jit3A_173, %eq3A_174 : i32
        %jit3A_176 = arith.constant 1 : i32
        %select_n3A_177 = arith.select %eq3A_175, %jit3A_176, %jit3A_173 : i32
        %rem3A_178 = arith.remsi %scan3A_157, %select_n3A_177 : i32
        %ne3A_179 = arith.constant 0 : i32
        %ne3A_180 = arith.cmpi ne, %rem3A_178, %ne3A_179 : i32
        %lt3A_181 = arith.constant 0 : i32
        %lt3A_182 = arith.cmpi slt, %rem3A_178, %lt3A_181 : i32
        %lt3A_183 = arith.constant 0 : i32
        %lt3A_184 = arith.cmpi slt, %select_n3A_177, %lt3A_183 : i32
        %ne3A_185 = arith.xori %lt3A_182, %lt3A_184 : i1
        %and3A_186 = arith.andi %ne3A_185, %ne3A_180 : i1
        %add3A_187 = arith.addi %rem3A_178, %select_n3A_177 : i32
        %select_n3A_188 = arith.select %and3A_186, %add3A_187, %rem3A_178 : i32
        %eq3A_189 = arith.constant 1 : i32
        %eq3A_190 = arith.cmpi eq, %select_n3A_188, %eq3A_189 : i32
        %convert_element_type3A_191 = arith.extui %eq3A_190 : i1 to i32
        %cond3A_192 = arith.constant 0 : i32
        %cond3A_193 = arith.cmpi ne, %convert_element_type3A_191, %cond3A_192 : i32
        scf.if %cond3A_193 {
          %add3A_194 = arith.constant 1 : i32
          %add3A_195 = arith.addi %scan3A_157, %add3A_194 : i32
          %lt3A_196 = arith.constant 125 : i32
          %lt3A_197 = arith.cmpi slt, %add3A_195, %lt3A_196 : i32
          %ge3A = arith.constant 1 : i32
          %ge3A_198 = arith.cmpi sge, %scan3A_157, %ge3A : i32
          %convert_element_type3A_199 = arith.extui %ge3A_198 : i1 to i32
          %cond3A_200 = arith.constant 0 : i32
          %cond3A_201 = arith.cmpi ne, %convert_element_type3A_199, %cond3A_200 : i32
          scf.if %cond3A_201 {
            %sub3A = arith.constant 1 : i32
            %sub3A_220 = arith.subi %scan3A_157, %sub3A : i32
            %dma_wait3A_221 = arith.constant 0 : i32
            %dma_wait3A_222 = tpu.memref_slice %arg8[%sub3A_220, %dma_wait3A_221] : memref<125x80xi32, #tpu.memory_space<vmem>> -> memref<1x80xi32, #tpu.memory_space<vmem>>
            %dma_wait3A_223 = tpu.memref_squeeze %dma_wait3A_222 : memref<1x80xi32, #tpu.memory_space<vmem>> -> memref<80xi32, #tpu.memory_space<vmem>>
            %dma_wait3A_224 = arith.constant 0 : i32
            %dma_wait3A_225 = arith.constant 0 : i32
            %dma_wait3A_226 = tpu.memref_slice %arg12[%dma_wait3A_224, %dma_wait3A_225] : memref<10000x128xf32, #tpu.memory_space<vmem_shared>> -> memref<10000x128xf32, #tpu.memory_space<vmem_shared>>
            tpu.wait_indirect_dma semaphore(%arg14 : memref<!tpu.dma_semaphore, #tpu.memory_space<semaphore_mem>>) src(%arg10 : memref<80x128xf32, #tpu.memory_space<vmem>>) dst(%dma_wait3A_226 : memref<10000x128xf32, #tpu.memory_space<vmem_shared>>)
          } else {
          }
          %convert_element_type3A_202 = arith.extui %lt3A_197 : i1 to i32
          %cond3A_203 = arith.constant 0 : i32
          %cond3A_204 = arith.cmpi ne, %convert_element_type3A_202, %cond3A_203 : i32
          scf.if %cond3A_204 {
            %add3A_220 = arith.constant 1 : i32
            %add3A_221 = arith.addi %scan3A_157, %add3A_220 : i32
            %dma_start3A_222 = arith.constant 0 : i32
            %dma_start3A_223 = tpu.memref_slice %arg7[%add3A_221, %dma_start3A_222] : memref<125x80xi32, #tpu.memory_space<vmem>> -> memref<1x80xi32, #tpu.memory_space<vmem>>
            %dma_start3A_224 = tpu.memref_squeeze %dma_start3A_223 : memref<1x80xi32, #tpu.memory_space<vmem>> -> memref<80xi32, #tpu.memory_space<vmem>>
            %dma_start3A_225 = arith.constant 0 : i32
            %dma_start3A_226 = arith.constant 0 : i32
            %dma_start3A_227 = tpu.memref_slice %arg2[%scan3A_144, %dma_start3A_225, %dma_start3A_226] : memref<2x10000x128xf32, #tpu.memory_space<hbm>> -> memref<1x10000x128xf32, #tpu.memory_space<hbm>>
            %dma_start3A_228 = tpu.memref_squeeze %dma_start3A_227 : memref<1x10000x128xf32, #tpu.memory_space<hbm>> -> memref<10000x128xf32, #tpu.memory_space<hbm>>
            %dma_start3A_229 = arith.constant 0 : i32
            %dma_start3A_230 = arith.constant 0 : i32
            %dma_start3A_231 = tpu.memref_slice %dma_start3A_228[%dma_start3A_229, %dma_start3A_230] : memref<10000x128xf32, #tpu.memory_space<hbm>> -> memref<10000x128xf32, #tpu.memory_space<hbm>>
            tpu.enqueue_indirect_dma source(%dma_start3A_231 : memref<10000x128xf32, #tpu.memory_space<hbm>>) target(%arg10 : memref<80x128xf32, #tpu.memory_space<vmem>>) offsets(%dma_start3A_224 : memref<80xi32, #tpu.memory_space<vmem>>) semaphore(%arg13 : memref<!tpu.dma_semaphore, #tpu.memory_space<semaphore_mem>>)
          } else {
          }
          %scan3A_205 = arith.constant 0 : i32
          %scan3A_206 = arith.constant 0 : i32
          %scan3A_207 = arith.constant 80 : i32
          %scan3A_208 = arith.addi %scan3A_206, %scan3A_207 : i32
          %scan3A_209 = arith.constant 4 : i32
          scf.for %scan3A_220 = %scan3A_206 to %scan3A_208 step %scan3A_209  : i32 {
            %mul3A_221 = arith.constant 80 : i32
            %mul3A_222 = arith.muli %scan3A_157, %mul3A_221 : i32
            %broadcast_in_dim3A = vector.broadcast %mul3A_222 : i32 to vector<16xi32>
            %add3A_223 = vector.broadcast %scan3A_220 : i32 to vector<16xi32>
            %add3A_224 = arith.addi %broadcast_in_dim3A, %add3A_223 : vector<16xi32>
            %gather3A = tpu.vector_load_idx %arg9[%add3A_224] : memref<10000xf32, #tpu.memory_space<vmem>>[vector<16xi32>], vector<16xf32>,
            %get3A = arith.index_cast %scan3A_220 : i32 to index
            %get3A_225 = arith.constant 0 : index
            %get3A_226 = tpu.vector_load %arg11[%get3A, %get3A_225] {strides = array<i32>} : memref<80x128xf32, #tpu.memory_space<vmem>>, vector<16xf32>,
            %mul3A_227 = arith.mulf %get3A_226, %gather3A : vector<16xf32>
            %swap3A = arith.index_cast %scan3A_220 : i32 to index
            %swap3A_228 = arith.constant 0 : index
            %swap3A_229 = tpu.vector_load %arg11[%swap3A, %swap3A_228] {strides = array<i32>} : memref<80x128xf32, #tpu.memory_space<vmem>>, vector<16xf32>,
            tpu.vector_store %arg11[%swap3A, %swap3A_228], %mul3A_227 {strides = array<i32>} : memref<80x128xf32, #tpu.memory_space<vmem>>, vector<16xf32>,
            %get3A_230 = arith.index_cast %scan3A_220 : i32 to index
            %get3A_231 = arith.constant 16 : index
            %get3A_232 = tpu.vector_load %arg11[%get3A_230, %get3A_231] {strides = array<i32>} : memref<80x128xf32, #tpu.memory_space<vmem>>, vector<16xf32>,
            %mul3A_233 = arith.mulf %get3A_232, %gather3A : vector<16xf32>
            %swap3A_234 = arith.index_cast %scan3A_220 : i32 to index
            %swap3A_235 = arith.constant 16 : index
            %swap3A_236 = tpu.vector_load %arg11[%swap3A_234, %swap3A_235] {strides = array<i32>} : memref<80x128xf32, #tpu.memory_space<vmem>>, vector<16xf32>,
            tpu.vector_store %arg11[%swap3A_234, %swap3A_235], %mul3A_233 {strides = array<i32>} : memref<80x128xf32, #tpu.memory_space<vmem>>, vector<16xf32>,
            %get3A_237 = arith.index_cast %scan3A_220 : i32 to index
            %get3A_238 = arith.constant 32 : index
            %get3A_239 = tpu.vector_load %arg11[%get3A_237, %get3A_238] {strides = array<i32>} : memref<80x128xf32, #tpu.memory_space<vmem>>, vector<16xf32>,
            %mul3A_240 = arith.mulf %get3A_239, %gather3A : vector<16xf32>
            %swap3A_241 = arith.index_cast %scan3A_220 : i32 to index
            %swap3A_242 = arith.constant 32 : index
            %swap3A_243 = tpu.vector_load %arg11[%swap3A_241, %swap3A_242] {strides = array<i32>} : memref<80x128xf32, #tpu.memory_space<vmem>>, vector<16xf32>,
            tpu.vector_store %arg11[%swap3A_241, %swap3A_242], %mul3A_240 {strides = array<i32>} : memref<80x128xf32, #tpu.memory_space<vmem>>, vector<16xf32>,
            %get3A_244 = arith.index_cast %scan3A_220 : i32 to index
            %get3A_245 = arith.constant 48 : index
            %get3A_246 = tpu.vector_load %arg11[%get3A_244, %get3A_245] {strides = array<i32>} : memref<80x128xf32, #tpu.memory_space<vmem>>, vector<16xf32>,
            %mul3A_247 = arith.mulf %get3A_246, %gather3A : vector<16xf32>
            %swap3A_248 = arith.index_cast %scan3A_220 : i32 to index
            %swap3A_249 = arith.constant 48 : index
            %swap3A_250 = tpu.vector_load %arg11[%swap3A_248, %swap3A_249] {strides = array<i32>} : memref<80x128xf32, #tpu.memory_space<vmem>>, vector<16xf32>,
            tpu.vector_store %arg11[%swap3A_248, %swap3A_249], %mul3A_247 {strides = array<i32>} : memref<80x128xf32, #tpu.memory_space<vmem>>, vector<16xf32>,
            %get3A_251 = arith.index_cast %scan3A_220 : i32 to index
            %get3A_252 = arith.constant 64 : index
            %get3A_253 = tpu.vector_load %arg11[%get3A_251, %get3A_252] {strides = array<i32>} : memref<80x128xf32, #tpu.memory_space<vmem>>, vector<16xf32>,
            %mul3A_254 = arith.mulf %get3A_253, %gather3A : vector<16xf32>
            %swap3A_255 = arith.index_cast %scan3A_220 : i32 to index
            %swap3A_256 = arith.constant 64 : index
            %swap3A_257 = tpu.vector_load %arg11[%swap3A_255, %swap3A_256] {strides = array<i32>} : memref<80x128xf32, #tpu.memory_space<vmem>>, vector<16xf32>,
            tpu.vector_store %arg11[%swap3A_255, %swap3A_256], %mul3A_254 {strides = array<i32>} : memref<80x128xf32, #tpu.memory_space<vmem>>, vector<16xf32>,
            %get3A_258 = arith.index_cast %scan3A_220 : i32 to index
            %get3A_259 = arith.constant 80 : index
            %get3A_260 = tpu.vector_load %arg11[%get3A_258, %get3A_259] {strides = array<i32>} : memref<80x128xf32, #tpu.memory_space<vmem>>, vector<16xf32>,
            %mul3A_261 = arith.mulf %get3A_260, %gather3A : vector<16xf32>
            %swap3A_262 = arith.index_cast %scan3A_220 : i32 to index
            %swap3A_263 = arith.constant 80 : index
            %swap3A_264 = tpu.vector_load %arg11[%swap3A_262, %swap3A_263] {strides = array<i32>} : memref<80x128xf32, #tpu.memory_space<vmem>>, vector<16xf32>,
            tpu.vector_store %arg11[%swap3A_262, %swap3A_263], %mul3A_261 {strides = array<i32>} : memref<80x128xf32, #tpu.memory_space<vmem>>, vector<16xf32>,
            %get3A_265 = arith.index_cast %scan3A_220 : i32 to index
            %get3A_266 = arith.constant 96 : index
            %get3A_267 = tpu.vector_load %arg11[%get3A_265, %get3A_266] {strides = array<i32>} : memref<80x128xf32, #tpu.memory_space<vmem>>, vector<16xf32>,
            %mul3A_268 = arith.mulf %get3A_267, %gather3A : vector<16xf32>
            %swap3A_269 = arith.index_cast %scan3A_220 : i32 to index
            %swap3A_270 = arith.constant 96 : index
            %swap3A_271 = tpu.vector_load %arg11[%swap3A_269, %swap3A_270] {strides = array<i32>} : memref<80x128xf32, #tpu.memory_space<vmem>>, vector<16xf32>,
            tpu.vector_store %arg11[%swap3A_269, %swap3A_270], %mul3A_268 {strides = array<i32>} : memref<80x128xf32, #tpu.memory_space<vmem>>, vector<16xf32>,
            %get3A_272 = arith.index_cast %scan3A_220 : i32 to index
            %get3A_273 = arith.constant 112 : index
            %get3A_274 = tpu.vector_load %arg11[%get3A_272, %get3A_273] {strides = array<i32>} : memref<80x128xf32, #tpu.memory_space<vmem>>, vector<16xf32>,
            %mul3A_275 = arith.mulf %get3A_274, %gather3A : vector<16xf32>
            %swap3A_276 = arith.index_cast %scan3A_220 : i32 to index
            %swap3A_277 = arith.constant 112 : index
            %swap3A_278 = tpu.vector_load %arg11[%swap3A_276, %swap3A_277] {strides = array<i32>} : memref<80x128xf32, #tpu.memory_space<vmem>>, vector<16xf32>,
            tpu.vector_store %arg11[%swap3A_276, %swap3A_277], %mul3A_275 {strides = array<i32>} : memref<80x128xf32, #tpu.memory_space<vmem>>, vector<16xf32>,
            %scan3A_279 = arith.constant 1 : i32
            %scan3A_280 = arith.addi %scan3A_220, %scan3A_279 : i32
            %mul3A_281 = arith.constant 80 : i32
            %mul3A_282 = arith.muli %scan3A_157, %mul3A_281 : i32
            %broadcast_in_dim3A_283 = vector.broadcast %mul3A_282 : i32 to vector<16xi32>
            %add3A_284 = vector.broadcast %scan3A_280 : i32 to vector<16xi32>
            %add3A_285 = arith.addi %broadcast_in_dim3A_283, %add3A_284 : vector<16xi32>
            %gather3A_286 = tpu.vector_load_idx %arg9[%add3A_285] : memref<10000xf32, #tpu.memory_space<vmem>>[vector<16xi32>], vector<16xf32>,
            %get3A_287 = arith.index_cast %scan3A_280 : i32 to index
            %get3A_288 = arith.constant 0 : index
            %get3A_289 = tpu.vector_load %arg11[%get3A_287, %get3A_288] {strides = array<i32>} : memref<80x128xf32, #tpu.memory_space<vmem>>, vector<16xf32>,
            %mul3A_290 = arith.mulf %get3A_289, %gather3A_286 : vector<16xf32>
            %swap3A_291 = arith.index_cast %scan3A_280 : i32 to index
            %swap3A_292 = arith.constant 0 : index
            %swap3A_293 = tpu.vector_load %arg11[%swap3A_291, %swap3A_292] {strides = array<i32>} : memref<80x128xf32, #tpu.memory_space<vmem>>, vector<16xf32>,
            tpu.vector_store %arg11[%swap3A_291, %swap3A_292], %mul3A_290 {strides = array<i32>} : memref<80x128xf32, #tpu.memory_space<vmem>>, vector<16xf32>,
            %get3A_294 = arith.index_cast %scan3A_280 : i32 to index
            %get3A_295 = arith.constant 16 : index
            %get3A_296 = tpu.vector_load %arg11[%get3A_294, %get3A_295] {strides = array<i32>} : memref<80x128xf32, #tpu.memory_space<vmem>>, vector<16xf32>,
            %mul3A_297 = arith.mulf %get3A_296, %gather3A_286 : vector<16xf32>
            %swap3A_298 = arith.index_cast %scan3A_280 : i32 to index
            %swap3A_299 = arith.constant 16 : index
            %swap3A_300 = tpu.vector_load %arg11[%swap3A_298, %swap3A_299] {strides = array<i32>} : memref<80x128xf32, #tpu.memory_space<vmem>>, vector<16xf32>,
            tpu.vector_store %arg11[%swap3A_298, %swap3A_299], %mul3A_297 {strides = array<i32>} : memref<80x128xf32, #tpu.memory_space<vmem>>, vector<16xf32>,
            %get3A_301 = arith.index_cast %scan3A_280 : i32 to index
            %get3A_302 = arith.constant 32 : index
            %get3A_303 = tpu.vector_load %arg11[%get3A_301, %get3A_302] {strides = array<i32>} : memref<80x128xf32, #tpu.memory_space<vmem>>, vector<16xf32>,
            %mul3A_304 = arith.mulf %get3A_303, %gather3A_286 : vector<16xf32>
            %swap3A_305 = arith.index_cast %scan3A_280 : i32 to index
            %swap3A_306 = arith.constant 32 : index
            %swap3A_307 = tpu.vector_load %arg11[%swap3A_305, %swap3A_306] {strides = array<i32>} : memref<80x128xf32, #tpu.memory_space<vmem>>, vector<16xf32>,
            tpu.vector_store %arg11[%swap3A_305, %swap3A_306], %mul3A_304 {strides = array<i32>} : memref<80x128xf32, #tpu.memory_space<vmem>>, vector<16xf32>,
            %get3A_308 = arith.index_cast %scan3A_280 : i32 to index
            %get3A_309 = arith.constant 48 : index
            %get3A_310 = tpu.vector_load %arg11[%get3A_308, %get3A_309] {strides = array<i32>} : memref<80x128xf32, #tpu.memory_space<vmem>>, vector<16xf32>,
            %mul3A_311 = arith.mulf %get3A_310, %gather3A_286 : vector<16xf32>
            %swap3A_312 = arith.index_cast %scan3A_280 : i32 to index
            %swap3A_313 = arith.constant 48 : index
            %swap3A_314 = tpu.vector_load %arg11[%swap3A_312, %swap3A_313] {strides = array<i32>} : memref<80x128xf32, #tpu.memory_space<vmem>>, vector<16xf32>,
            tpu.vector_store %arg11[%swap3A_312, %swap3A_313], %mul3A_311 {strides = array<i32>} : memref<80x128xf32, #tpu.memory_space<vmem>>, vector<16xf32>,
            %get3A_315 = arith.index_cast %scan3A_280 : i32 to index
            %get3A_316 = arith.constant 64 : index
            %get3A_317 = tpu.vector_load %arg11[%get3A_315, %get3A_316] {strides = array<i32>} : memref<80x128xf32, #tpu.memory_space<vmem>>, vector<16xf32>,
            %mul3A_318 = arith.mulf %get3A_317, %gather3A_286 : vector<16xf32>
            %swap3A_319 = arith.index_cast %scan3A_280 : i32 to index
            %swap3A_320 = arith.constant 64 : index
            %swap3A_321 = tpu.vector_load %arg11[%swap3A_319, %swap3A_320] {strides = array<i32>} : memref<80x128xf32, #tpu.memory_space<vmem>>, vector<16xf32>,
            tpu.vector_store %arg11[%swap3A_319, %swap3A_320], %mul3A_318 {strides = array<i32>} : memref<80x128xf32, #tpu.memory_space<vmem>>, vector<16xf32>,
            %get3A_322 = arith.index_cast %scan3A_280 : i32 to index
            %get3A_323 = arith.constant 80 : index
            %get3A_324 = tpu.vector_load %arg11[%get3A_322, %get3A_323] {strides = array<i32>} : memref<80x128xf32, #tpu.memory_space<vmem>>, vector<16xf32>,
            %mul3A_325 = arith.mulf %get3A_324, %gather3A_286 : vector<16xf32>
            %swap3A_326 = arith.index_cast %scan3A_280 : i32 to index
            %swap3A_327 = arith.constant 80 : index
            %swap3A_328 = tpu.vector_load %arg11[%swap3A_326, %swap3A_327] {strides = array<i32>} : memref<80x128xf32, #tpu.memory_space<vmem>>, vector<16xf32>,
            tpu.vector_store %arg11[%swap3A_326, %swap3A_327], %mul3A_325 {strides = array<i32>} : memref<80x128xf32, #tpu.memory_space<vmem>>, vector<16xf32>,
            %get3A_329 = arith.index_cast %scan3A_280 : i32 to index
            %get3A_330 = arith.constant 96 : index
            %get3A_331 = tpu.vector_load %arg11[%get3A_329, %get3A_330] {strides = array<i32>} : memref<80x128xf32, #tpu.memory_space<vmem>>, vector<16xf32>,
            %mul3A_332 = arith.mulf %get3A_331, %gather3A_286 : vector<16xf32>
            %swap3A_333 = arith.index_cast %scan3A_280 : i32 to index
            %swap3A_334 = arith.constant 96 : index
            %swap3A_335 = tpu.vector_load %arg11[%swap3A_333, %swap3A_334] {strides = array<i32>} : memref<80x128xf32, #tpu.memory_space<vmem>>, vector<16xf32>,
            tpu.vector_store %arg11[%swap3A_333, %swap3A_334], %mul3A_332 {strides = array<i32>} : memref<80x128xf32, #tpu.memory_space<vmem>>, vector<16xf32>,
            %get3A_336 = arith.index_cast %scan3A_280 : i32 to index
            %get3A_337 = arith.constant 112 : index
            %get3A_338 = tpu.vector_load %arg11[%get3A_336, %get3A_337] {strides = array<i32>} : memref<80x128xf32, #tpu.memory_space<vmem>>, vector<16xf32>,
            %mul3A_339 = arith.mulf %get3A_338, %gather3A_286 : vector<16xf32>
            %swap3A_340 = arith.index_cast %scan3A_280 : i32 to index
            %swap3A_341 = arith.constant 112 : index
            %swap3A_342 = tpu.vector_load %arg11[%swap3A_340, %swap3A_341] {strides = array<i32>} : memref<80x128xf32, #tpu.memory_space<vmem>>, vector<16xf32>,
            tpu.vector_store %arg11[%swap3A_340, %swap3A_341], %mul3A_339 {strides = array<i32>} : memref<80x128xf32, #tpu.memory_space<vmem>>, vector<16xf32>,
            %scan3A_343 = arith.constant 2 : i32
            %scan3A_344 = arith.addi %scan3A_220, %scan3A_343 : i32
            %mul3A_345 = arith.constant 80 : i32
            %mul3A_346 = arith.muli %scan3A_157, %mul3A_345 : i32
            %broadcast_in_dim3A_347 = vector.broadcast %mul3A_346 : i32 to vector<16xi32>
            %add3A_348 = vector.broadcast %scan3A_344 : i32 to vector<16xi32>
            %add3A_349 = arith.addi %broadcast_in_dim3A_347, %add3A_348 : vector<16xi32>
            %gather3A_350 = tpu.vector_load_idx %arg9[%add3A_349] : memref<10000xf32, #tpu.memory_space<vmem>>[vector<16xi32>], vector<16xf32>,
            %get3A_351 = arith.index_cast %scan3A_344 : i32 to index
            %get3A_352 = arith.constant 0 : index
            %get3A_353 = tpu.vector_load %arg11[%get3A_351, %get3A_352] {strides = array<i32>} : memref<80x128xf32, #tpu.memory_space<vmem>>, vector<16xf32>,
            %mul3A_354 = arith.mulf %get3A_353, %gather3A_350 : vector<16xf32>
            %swap3A_355 = arith.index_cast %scan3A_344 : i32 to index
            %swap3A_356 = arith.constant 0 : index
            %swap3A_357 = tpu.vector_load %arg11[%swap3A_355, %swap3A_356] {strides = array<i32>} : memref<80x128xf32, #tpu.memory_space<vmem>>, vector<16xf32>,
            tpu.vector_store %arg11[%swap3A_355, %swap3A_356], %mul3A_354 {strides = array<i32>} : memref<80x128xf32, #tpu.memory_space<vmem>>, vector<16xf32>,
            %get3A_358 = arith.index_cast %scan3A_344 : i32 to index
            %get3A_359 = arith.constant 16 : index
            %get3A_360 = tpu.vector_load %arg11[%get3A_358, %get3A_359] {strides = array<i32>} : memref<80x128xf32, #tpu.memory_space<vmem>>, vector<16xf32>,
            %mul3A_361 = arith.mulf %get3A_360, %gather3A_350 : vector<16xf32>
            %swap3A_362 = arith.index_cast %scan3A_344 : i32 to index
            %swap3A_363 = arith.constant 16 : index
            %swap3A_364 = tpu.vector_load %arg11[%swap3A_362, %swap3A_363] {strides = array<i32>} : memref<80x128xf32, #tpu.memory_space<vmem>>, vector<16xf32>,
            tpu.vector_store %arg11[%swap3A_362, %swap3A_363], %mul3A_361 {strides = array<i32>} : memref<80x128xf32, #tpu.memory_space<vmem>>, vector<16xf32>,
            %get3A_365 = arith.index_cast %scan3A_344 : i32 to index
            %get3A_366 = arith.constant 32 : index
            %get3A_367 = tpu.vector_load %arg11[%get3A_365, %get3A_366] {strides = array<i32>} : memref<80x128xf32, #tpu.memory_space<vmem>>, vector<16xf32>,
            %mul3A_368 = arith.mulf %get3A_367, %gather3A_350 : vector<16xf32>
            %swap3A_369 = arith.index_cast %scan3A_344 : i32 to index
            %swap3A_370 = arith.constant 32 : index
            %swap3A_371 = tpu.vector_load %arg11[%swap3A_369, %swap3A_370] {strides = array<i32>} : memref<80x128xf32, #tpu.memory_space<vmem>>, vector<16xf32>,
            tpu.vector_store %arg11[%swap3A_369, %swap3A_370], %mul3A_368 {strides = array<i32>} : memref<80x128xf32, #tpu.memory_space<vmem>>, vector<16xf32>,
            %get3A_372 = arith.index_cast %scan3A_344 : i32 to index
            %get3A_373 = arith.constant 48 : index
            %get3A_374 = tpu.vector_load %arg11[%get3A_372, %get3A_373] {strides = array<i32>} : memref<80x128xf32, #tpu.memory_space<vmem>>, vector<16xf32>,
            %mul3A_375 = arith.mulf %get3A_374, %gather3A_350 : vector<16xf32>
            %swap3A_376 = arith.index_cast %scan3A_344 : i32 to index
            %swap3A_377 = arith.constant 48 : index
            %swap3A_378 = tpu.vector_load %arg11[%swap3A_376, %swap3A_377] {strides = array<i32>} : memref<80x128xf32, #tpu.memory_space<vmem>>, vector<16xf32>,
            tpu.vector_store %arg11[%swap3A_376, %swap3A_377], %mul3A_375 {strides = array<i32>} : memref<80x128xf32, #tpu.memory_space<vmem>>, vector<16xf32>,
            %get3A_379 = arith.index_cast %scan3A_344 : i32 to index
            %get3A_380 = arith.constant 64 : index
            %get3A_381 = tpu.vector_load %arg11[%get3A_379, %get3A_380] {strides = array<i32>} : memref<80x128xf32, #tpu.memory_space<vmem>>, vector<16xf32>,
            %mul3A_382 = arith.mulf %get3A_381, %gather3A_350 : vector<16xf32>
            %swap3A_383 = arith.index_cast %scan3A_344 : i32 to index
            %swap3A_384 = arith.constant 64 : index
            %swap3A_385 = tpu.vector_load %arg11[%swap3A_383, %swap3A_384] {strides = array<i32>} : memref<80x128xf32, #tpu.memory_space<vmem>>, vector<16xf32>,
            tpu.vector_store %arg11[%swap3A_383, %swap3A_384], %mul3A_382 {strides = array<i32>} : memref<80x128xf32, #tpu.memory_space<vmem>>, vector<16xf32>,
            %get3A_386 = arith.index_cast %scan3A_344 : i32 to index
            %get3A_387 = arith.constant 80 : index
            %get3A_388 = tpu.vector_load %arg11[%get3A_386, %get3A_387] {strides = array<i32>} : memref<80x128xf32, #tpu.memory_space<vmem>>, vector<16xf32>,
            %mul3A_389 = arith.mulf %get3A_388, %gather3A_350 : vector<16xf32>
            %swap3A_390 = arith.index_cast %scan3A_344 : i32 to index
            %swap3A_391 = arith.constant 80 : index
            %swap3A_392 = tpu.vector_load %arg11[%swap3A_390, %swap3A_391] {strides = array<i32>} : memref<80x128xf32, #tpu.memory_space<vmem>>, vector<16xf32>,
            tpu.vector_store %arg11[%swap3A_390, %swap3A_391], %mul3A_389 {strides = array<i32>} : memref<80x128xf32, #tpu.memory_space<vmem>>, vector<16xf32>,
            %get3A_393 = arith.index_cast %scan3A_344 : i32 to index
            %get3A_394 = arith.constant 96 : index
            %get3A_395 = tpu.vector_load %arg11[%get3A_393, %get3A_394] {strides = array<i32>} : memref<80x128xf32, #tpu.memory_space<vmem>>, vector<16xf32>,
            %mul3A_396 = arith.mulf %get3A_395, %gather3A_350 : vector<16xf32>
            %swap3A_397 = arith.index_cast %scan3A_344 : i32 to index
            %swap3A_398 = arith.constant 96 : index
            %swap3A_399 = tpu.vector_load %arg11[%swap3A_397, %swap3A_398] {strides = array<i32>} : memref<80x128xf32, #tpu.memory_space<vmem>>, vector<16xf32>,
            tpu.vector_store %arg11[%swap3A_397, %swap3A_398], %mul3A_396 {strides = array<i32>} : memref<80x128xf32, #tpu.memory_space<vmem>>, vector<16xf32>,
            %get3A_400 = arith.index_cast %scan3A_344 : i32 to index
            %get3A_401 = arith.constant 112 : index
            %get3A_402 = tpu.vector_load %arg11[%get3A_400, %get3A_401] {strides = array<i32>} : memref<80x128xf32, #tpu.memory_space<vmem>>, vector<16xf32>,
            %mul3A_403 = arith.mulf %get3A_402, %gather3A_350 : vector<16xf32>
            %swap3A_404 = arith.index_cast %scan3A_344 : i32 to index
            %swap3A_405 = arith.constant 112 : index
            %swap3A_406 = tpu.vector_load %arg11[%swap3A_404, %swap3A_405] {strides = array<i32>} : memref<80x128xf32, #tpu.memory_space<vmem>>, vector<16xf32>,
            tpu.vector_store %arg11[%swap3A_404, %swap3A_405], %mul3A_403 {strides = array<i32>} : memref<80x128xf32, #tpu.memory_space<vmem>>, vector<16xf32>,
            %scan3A_407 = arith.constant 3 : i32
            %scan3A_408 = arith.addi %scan3A_220, %scan3A_407 : i32
            %mul3A_409 = arith.constant 80 : i32
            %mul3A_410 = arith.muli %scan3A_157, %mul3A_409 : i32
            %broadcast_in_dim3A_411 = vector.broadcast %mul3A_410 : i32 to vector<16xi32>
            %add3A_412 = vector.broadcast %scan3A_408 : i32 to vector<16xi32>
            %add3A_413 = arith.addi %broadcast_in_dim3A_411, %add3A_412 : vector<16xi32>
            %gather3A_414 = tpu.vector_load_idx %arg9[%add3A_413] : memref<10000xf32, #tpu.memory_space<vmem>>[vector<16xi32>], vector<16xf32>,
            %get3A_415 = arith.index_cast %scan3A_408 : i32 to index
            %get3A_416 = arith.constant 0 : index
            %get3A_417 = tpu.vector_load %arg11[%get3A_415, %get3A_416] {strides = array<i32>} : memref<80x128xf32, #tpu.memory_space<vmem>>, vector<16xf32>,
            %mul3A_418 = arith.mulf %get3A_417, %gather3A_414 : vector<16xf32>
            %swap3A_419 = arith.index_cast %scan3A_408 : i32 to index
            %swap3A_420 = arith.constant 0 : index
            %swap3A_421 = tpu.vector_load %arg11[%swap3A_419, %swap3A_420] {strides = array<i32>} : memref<80x128xf32, #tpu.memory_space<vmem>>, vector<16xf32>,
            tpu.vector_store %arg11[%swap3A_419, %swap3A_420], %mul3A_418 {strides = array<i32>} : memref<80x128xf32, #tpu.memory_space<vmem>>, vector<16xf32>,
            %get3A_422 = arith.index_cast %scan3A_408 : i32 to index
            %get3A_423 = arith.constant 16 : index
            %get3A_424 = tpu.vector_load %arg11[%get3A_422, %get3A_423] {strides = array<i32>} : memref<80x128xf32, #tpu.memory_space<vmem>>, vector<16xf32>,
            %mul3A_425 = arith.mulf %get3A_424, %gather3A_414 : vector<16xf32>
            %swap3A_426 = arith.index_cast %scan3A_408 : i32 to index
            %swap3A_427 = arith.constant 16 : index
            %swap3A_428 = tpu.vector_load %arg11[%swap3A_426, %swap3A_427] {strides = array<i32>} : memref<80x128xf32, #tpu.memory_space<vmem>>, vector<16xf32>,
            tpu.vector_store %arg11[%swap3A_426, %swap3A_427], %mul3A_425 {strides = array<i32>} : memref<80x128xf32, #tpu.memory_space<vmem>>, vector<16xf32>,
            %get3A_429 = arith.index_cast %scan3A_408 : i32 to index
            %get3A_430 = arith.constant 32 : index
            %get3A_431 = tpu.vector_load %arg11[%get3A_429, %get3A_430] {strides = array<i32>} : memref<80x128xf32, #tpu.memory_space<vmem>>, vector<16xf32>,
            %mul3A_432 = arith.mulf %get3A_431, %gather3A_414 : vector<16xf32>
            %swap3A_433 = arith.index_cast %scan3A_408 : i32 to index
            %swap3A_434 = arith.constant 32 : index
            %swap3A_435 = tpu.vector_load %arg11[%swap3A_433, %swap3A_434] {strides = array<i32>} : memref<80x128xf32, #tpu.memory_space<vmem>>, vector<16xf32>,
            tpu.vector_store %arg11[%swap3A_433, %swap3A_434], %mul3A_432 {strides = array<i32>} : memref<80x128xf32, #tpu.memory_space<vmem>>, vector<16xf32>,
            %get3A_436 = arith.index_cast %scan3A_408 : i32 to index
            %get3A_437 = arith.constant 48 : index
            %get3A_438 = tpu.vector_load %arg11[%get3A_436, %get3A_437] {strides = array<i32>} : memref<80x128xf32, #tpu.memory_space<vmem>>, vector<16xf32>,
            %mul3A_439 = arith.mulf %get3A_438, %gather3A_414 : vector<16xf32>
            %swap3A_440 = arith.index_cast %scan3A_408 : i32 to index
            %swap3A_441 = arith.constant 48 : index
            %swap3A_442 = tpu.vector_load %arg11[%swap3A_440, %swap3A_441] {strides = array<i32>} : memref<80x128xf32, #tpu.memory_space<vmem>>, vector<16xf32>,
            tpu.vector_store %arg11[%swap3A_440, %swap3A_441], %mul3A_439 {strides = array<i32>} : memref<80x128xf32, #tpu.memory_space<vmem>>, vector<16xf32>,
            %get3A_443 = arith.index_cast %scan3A_408 : i32 to index
            %get3A_444 = arith.constant 64 : index
            %get3A_445 = tpu.vector_load %arg11[%get3A_443, %get3A_444] {strides = array<i32>} : memref<80x128xf32, #tpu.memory_space<vmem>>, vector<16xf32>,
            %mul3A_446 = arith.mulf %get3A_445, %gather3A_414 : vector<16xf32>
            %swap3A_447 = arith.index_cast %scan3A_408 : i32 to index
            %swap3A_448 = arith.constant 64 : index
            %swap3A_449 = tpu.vector_load %arg11[%swap3A_447, %swap3A_448] {strides = array<i32>} : memref<80x128xf32, #tpu.memory_space<vmem>>, vector<16xf32>,
            tpu.vector_store %arg11[%swap3A_447, %swap3A_448], %mul3A_446 {strides = array<i32>} : memref<80x128xf32, #tpu.memory_space<vmem>>, vector<16xf32>,
            %get3A_450 = arith.index_cast %scan3A_408 : i32 to index
            %get3A_451 = arith.constant 80 : index
            %get3A_452 = tpu.vector_load %arg11[%get3A_450, %get3A_451] {strides = array<i32>} : memref<80x128xf32, #tpu.memory_space<vmem>>, vector<16xf32>,
            %mul3A_453 = arith.mulf %get3A_452, %gather3A_414 : vector<16xf32>
            %swap3A_454 = arith.index_cast %scan3A_408 : i32 to index
            %swap3A_455 = arith.constant 80 : index
            %swap3A_456 = tpu.vector_load %arg11[%swap3A_454, %swap3A_455] {strides = array<i32>} : memref<80x128xf32, #tpu.memory_space<vmem>>, vector<16xf32>,
            tpu.vector_store %arg11[%swap3A_454, %swap3A_455], %mul3A_453 {strides = array<i32>} : memref<80x128xf32, #tpu.memory_space<vmem>>, vector<16xf32>,
            %get3A_457 = arith.index_cast %scan3A_408 : i32 to index
            %get3A_458 = arith.constant 96 : index
            %get3A_459 = tpu.vector_load %arg11[%get3A_457, %get3A_458] {strides = array<i32>} : memref<80x128xf32, #tpu.memory_space<vmem>>, vector<16xf32>,
            %mul3A_460 = arith.mulf %get3A_459, %gather3A_414 : vector<16xf32>
            %swap3A_461 = arith.index_cast %scan3A_408 : i32 to index
            %swap3A_462 = arith.constant 96 : index
            %swap3A_463 = tpu.vector_load %arg11[%swap3A_461, %swap3A_462] {strides = array<i32>} : memref<80x128xf32, #tpu.memory_space<vmem>>, vector<16xf32>,
            tpu.vector_store %arg11[%swap3A_461, %swap3A_462], %mul3A_460 {strides = array<i32>} : memref<80x128xf32, #tpu.memory_space<vmem>>, vector<16xf32>,
            %get3A_464 = arith.index_cast %scan3A_408 : i32 to index
            %get3A_465 = arith.constant 112 : index
            %get3A_466 = tpu.vector_load %arg11[%get3A_464, %get3A_465] {strides = array<i32>} : memref<80x128xf32, #tpu.memory_space<vmem>>, vector<16xf32>,
            %mul3A_467 = arith.mulf %get3A_466, %gather3A_414 : vector<16xf32>
            %swap3A_468 = arith.index_cast %scan3A_408 : i32 to index
            %swap3A_469 = arith.constant 112 : index
            %swap3A_470 = tpu.vector_load %arg11[%swap3A_468, %swap3A_469] {strides = array<i32>} : memref<80x128xf32, #tpu.memory_space<vmem>>, vector<16xf32>,
            tpu.vector_store %arg11[%swap3A_468, %swap3A_469], %mul3A_467 {strides = array<i32>} : memref<80x128xf32, #tpu.memory_space<vmem>>, vector<16xf32>,
          }
          %scan3A_210 = arith.constant 80 : i32
          %dma_start3A_211 = arith.constant 0 : i32
          %dma_start3A_212 = tpu.memref_slice %arg8[%scan3A_157, %dma_start3A_211] : memref<125x80xi32, #tpu.memory_space<vmem>> -> memref<1x80xi32, #tpu.memory_space<vmem>>
          %dma_start3A_213 = tpu.memref_squeeze %dma_start3A_212 : memref<1x80xi32, #tpu.memory_space<vmem>> -> memref<80xi32, #tpu.memory_space<vmem>>
          %dma_start3A_214 = arith.constant 0 : i32
          %dma_start3A_215 = arith.constant 0 : i32
          %dma_start3A_216 = tpu.memref_slice %arg12[%dma_start3A_214, %dma_start3A_215] : memref<10000x128xf32, #tpu.memory_space<vmem_shared>> -> memref<10000x128xf32, #tpu.memory_space<vmem_shared>>
          tpu.enqueue_indirect_dma source(%arg11 : memref<80x128xf32, #tpu.memory_space<vmem>>) target(%dma_start3A_216 : memref<10000x128xf32, #tpu.memory_space<vmem_shared>>) offsets(%dma_start3A_213 : memref<80xi32, #tpu.memory_space<vmem>>) semaphore(%arg14 : memref<!tpu.dma_semaphore, #tpu.memory_space<semaphore_mem>>) {add = true}
          %convert_element_type3A_217 = arith.extui %lt3A_197 : i1 to i32
          %cond3A_218 = arith.constant 0 : i32
          %cond3A_219 = arith.cmpi ne, %convert_element_type3A_217, %cond3A_218 : i32
          scf.if %cond3A_219 {
            %add3A_220 = arith.constant 1 : i32
            %add3A_221 = arith.addi %scan3A_157, %add3A_220 : i32
            %dma_wait3A_222 = arith.constant 0 : i32
            %dma_wait3A_223 = tpu.memref_slice %arg7[%add3A_221, %dma_wait3A_222] : memref<125x80xi32, #tpu.memory_space<vmem>> -> memref<1x80xi32, #tpu.memory_space<vmem>>
            %dma_wait3A_224 = tpu.memref_squeeze %dma_wait3A_223 : memref<1x80xi32, #tpu.memory_space<vmem>> -> memref<80xi32, #tpu.memory_space<vmem>>
            %dma_wait3A_225 = arith.constant 0 : i32
            %dma_wait3A_226 = arith.constant 0 : i32
            %dma_wait3A_227 = tpu.memref_slice %arg2[%scan3A_144, %dma_wait3A_225, %dma_wait3A_226] : memref<2x10000x128xf32, #tpu.memory_space<hbm>> -> memref<1x10000x128xf32, #tpu.memory_space<hbm>>
            %dma_wait3A_228 = tpu.memref_squeeze %dma_wait3A_227 : memref<1x10000x128xf32, #tpu.memory_space<hbm>> -> memref<10000x128xf32, #tpu.memory_space<hbm>>
            %dma_wait3A_229 = arith.constant 0 : i32
            %dma_wait3A_230 = arith.constant 0 : i32
            %dma_wait3A_231 = tpu.memref_slice %dma_wait3A_228[%dma_wait3A_229, %dma_wait3A_230] : memref<10000x128xf32, #tpu.memory_space<hbm>> -> memref<10000x128xf32, #tpu.memory_space<hbm>>
            tpu.wait_indirect_dma semaphore(%arg13 : memref<!tpu.dma_semaphore, #tpu.memory_space<semaphore_mem>>) src(%dma_wait3A_231 : memref<10000x128xf32, #tpu.memory_space<hbm>>) dst(%arg10 : memref<80x128xf32, #tpu.memory_space<vmem>>)
          } else {
          }
        } else {
        }
      }
      %scan3A_149 = arith.constant 125 : i32
      %dma_wait3A_150 = arith.constant 124 : i32
      %dma_wait3A_151 = arith.constant 0 : i32
      %dma_wait3A_152 = tpu.memref_slice %arg8[%dma_wait3A_150, %dma_wait3A_151] : memref<125x80xi32, #tpu.memory_space<vmem>> -> memref<1x80xi32, #tpu.memory_space<vmem>>
      %dma_wait3A_153 = tpu.memref_squeeze %dma_wait3A_152 : memref<1x80xi32, #tpu.memory_space<vmem>> -> memref<80xi32, #tpu.memory_space<vmem>>
      %dma_wait3A_154 = arith.constant 0 : i32
      %dma_wait3A_155 = arith.constant 0 : i32
      %dma_wait3A_156 = tpu.memref_slice %arg12[%dma_wait3A_154, %dma_wait3A_155] : memref<10000x128xf32, #tpu.memory_space<vmem_shared>> -> memref<10000x128xf32, #tpu.memory_space<vmem_shared>>
      tpu.wait_indirect_dma semaphore(%arg14 : memref<!tpu.dma_semaphore, #tpu.memory_space<semaphore_mem>>) src(%arg10 : memref<80x128xf32, #tpu.memory_space<vmem>>) dst(%dma_wait3A_156 : memref<10000x128xf32, #tpu.memory_space<vmem_shared>>)
    } else {
    }
    %eq3A_105 = arith.constant 1 : i32
    %eq3A_106 = arith.cmpi eq, %arg0, %eq3A_105 : i32
    %convert_element_type3A_107 = arith.extui %eq3A_106 : i1 to i32
    %cond3A_108 = arith.constant 0 : i32
    %cond3A_109 = arith.cmpi ne, %convert_element_type3A_107, %cond3A_108 : i32
    scf.if %cond3A_109 {
      %dma_start3A = arith.constant 1 : i32
      %dma_start3A_121 = arith.constant 0 : i32
      %dma_start3A_122 = arith.constant 0 : i32
      %dma_start3A_123 = tpu.memref_slice %arg7[%dma_start3A_121, %dma_start3A_122] : memref<125x80xi32, #tpu.memory_space<vmem>> -> memref<1x80xi32, #tpu.memory_space<vmem>>
      %dma_start3A_124 = tpu.memref_squeeze %dma_start3A_123 : memref<1x80xi32, #tpu.memory_space<vmem>> -> memref<80xi32, #tpu.memory_space<vmem>>
      %dma_start3A_125 = arith.constant 0 : i32
      %dma_start3A_126 = arith.constant 0 : i32
      %dma_start3A_127 = tpu.memref_slice %arg2[%dma_start3A, %dma_start3A_125, %dma_start3A_126] : memref<2x10000x128xf32, #tpu.memory_space<hbm>> -> memref<1x10000x128xf32, #tpu.memory_space<hbm>>
      %dma_start3A_128 = tpu.memref_squeeze %dma_start3A_127 : memref<1x10000x128xf32, #tpu.memory_space<hbm>> -> memref<10000x128xf32, #tpu.memory_space<hbm>>
      %dma_start3A_129 = arith.constant 0 : i32
      %dma_start3A_130 = arith.constant 0 : i32
      %dma_start3A_131 = tpu.memref_slice %dma_start3A_128[%dma_start3A_129, %dma_start3A_130] : memref<10000x128xf32, #tpu.memory_space<hbm>> -> memref<10000x128xf32, #tpu.memory_space<hbm>>
      tpu.enqueue_indirect_dma source(%dma_start3A_131 : memref<10000x128xf32, #tpu.memory_space<hbm>>) target(%arg10 : memref<80x128xf32, #tpu.memory_space<vmem>>) offsets(%dma_start3A_124 : memref<80xi32, #tpu.memory_space<vmem>>) semaphore(%arg13 : memref<!tpu.dma_semaphore, #tpu.memory_space<semaphore_mem>>)
      %dma_wait3A = arith.constant 1 : i32
      %dma_wait3A_132 = arith.constant 0 : i32
      %dma_wait3A_133 = arith.constant 0 : i32
      %dma_wait3A_134 = tpu.memref_slice %arg7[%dma_wait3A_132, %dma_wait3A_133] : memref<125x80xi32, #tpu.memory_space<vmem>> -> memref<1x80xi32, #tpu.memory_space<vmem>>
      %dma_wait3A_135 = tpu.memref_squeeze %dma_wait3A_134 : memref<1x80xi32, #tpu.memory_space<vmem>> -> memref<80xi32, #tpu.memory_space<vmem>>
      %dma_wait3A_136 = arith.constant 0 : i32
      %dma_wait3A_137 = arith.constant 0 : i32
      %dma_wait3A_138 = tpu.memref_slice %arg2[%dma_wait3A, %dma_wait3A_136, %dma_wait3A_137] : memref<2x10000x128xf32, #tpu.memory_space<hbm>> -> memref<1x10000x128xf32, #tpu.memory_space<hbm>>
      %dma_wait3A_139 = tpu.memref_squeeze %dma_wait3A_138 : memref<1x10000x128xf32, #tpu.memory_space<hbm>> -> memref<10000x128xf32, #tpu.memory_space<hbm>>
      %dma_wait3A_140 = arith.constant 0 : i32
      %dma_wait3A_141 = arith.constant 0 : i32
      %dma_wait3A_142 = tpu.memref_slice %dma_wait3A_139[%dma_wait3A_140, %dma_wait3A_141] : memref<10000x128xf32, #tpu.memory_space<hbm>> -> memref<10000x128xf32, #tpu.memory_space<hbm>>
      tpu.wait_indirect_dma semaphore(%arg13 : memref<!tpu.dma_semaphore, #tpu.memory_space<semaphore_mem>>) src(%dma_wait3A_142 : memref<10000x128xf32, #tpu.memory_space<hbm>>) dst(%arg10 : memref<80x128xf32, #tpu.memory_space<vmem>>)
      %scan3A_143 = arith.constant 0 : i32
      %scan3A_144 = arith.constant 1 : i32
      %scan3A_145 = arith.constant 0 : i32
      %scan3A_146 = arith.constant 125 : i32
      %scan3A_147 = arith.addi %scan3A_145, %scan3A_146 : i32
      %scan3A_148 = arith.constant 1 : i32
      scf.for %scan3A_157 = %scan3A_145 to %scan3A_147 step %scan3A_148  : i32 {
        %jit3A = arith.constant 2 : i32
        %eq3A_158 = arith.constant 0 : i32
        %eq3A_159 = arith.cmpi eq, %jit3A, %eq3A_158 : i32
        %jit3A_160 = arith.constant 1 : i32
        %select_n3A = arith.select %eq3A_159, %jit3A_160, %jit3A : i32
        %rem3A = arith.remsi %scan3A_157, %select_n3A : i32
        %ne3A = arith.constant 0 : i32
        %ne3A_161 = arith.cmpi ne, %rem3A, %ne3A : i32
        %lt3A = arith.constant 0 : i32
        %lt3A_162 = arith.cmpi slt, %rem3A, %lt3A : i32
        %lt3A_163 = arith.constant 0 : i32
        %lt3A_164 = arith.cmpi slt, %select_n3A, %lt3A_163 : i32
        %ne3A_165 = arith.xori %lt3A_162, %lt3A_164 : i1
        %and3A = arith.andi %ne3A_165, %ne3A_161 : i1
        %add3A_166 = arith.addi %rem3A, %select_n3A : i32
        %select_n3A_167 = arith.select %and3A, %add3A_166, %rem3A : i32
        %eq3A_168 = arith.constant 0 : i32
        %eq3A_169 = arith.cmpi eq, %select_n3A_167, %eq3A_168 : i32
        %convert_element_type3A_170 = arith.extui %eq3A_169 : i1 to i32
        %cond3A_171 = arith.constant 0 : i32
        %cond3A_172 = arith.cmpi ne, %convert_element_type3A_170, %cond3A_171 : i32
        scf.if %cond3A_172 {
          %add3A_194 = arith.constant 1 : i32
          %add3A_195 = arith.addi %scan3A_157, %add3A_194 : i32
          %lt3A_196 = arith.constant 125 : i32
          %lt3A_197 = arith.cmpi slt, %add3A_195, %lt3A_196 : i32
          %ge3A = arith.constant 1 : i32
          %ge3A_198 = arith.cmpi sge, %scan3A_157, %ge3A : i32
          %convert_element_type3A_199 = arith.extui %ge3A_198 : i1 to i32
          %cond3A_200 = arith.constant 0 : i32
          %cond3A_201 = arith.cmpi ne, %convert_element_type3A_199, %cond3A_200 : i32
          scf.if %cond3A_201 {
            %sub3A = arith.constant 1 : i32
            %sub3A_220 = arith.subi %scan3A_157, %sub3A : i32
            %dma_wait3A_221 = arith.constant 0 : i32
            %dma_wait3A_222 = tpu.memref_slice %arg8[%sub3A_220, %dma_wait3A_221] : memref<125x80xi32, #tpu.memory_space<vmem>> -> memref<1x80xi32, #tpu.memory_space<vmem>>
            %dma_wait3A_223 = tpu.memref_squeeze %dma_wait3A_222 : memref<1x80xi32, #tpu.memory_space<vmem>> -> memref<80xi32, #tpu.memory_space<vmem>>
            %dma_wait3A_224 = arith.constant 0 : i32
            %dma_wait3A_225 = arith.constant 0 : i32
            %dma_wait3A_226 = tpu.memref_slice %arg12[%dma_wait3A_224, %dma_wait3A_225] : memref<10000x128xf32, #tpu.memory_space<vmem_shared>> -> memref<10000x128xf32, #tpu.memory_space<vmem_shared>>
            tpu.wait_indirect_dma semaphore(%arg14 : memref<!tpu.dma_semaphore, #tpu.memory_space<semaphore_mem>>) src(%arg11 : memref<80x128xf32, #tpu.memory_space<vmem>>) dst(%dma_wait3A_226 : memref<10000x128xf32, #tpu.memory_space<vmem_shared>>)
          } else {
          }
          %convert_element_type3A_202 = arith.extui %lt3A_197 : i1 to i32
          %cond3A_203 = arith.constant 0 : i32
          %cond3A_204 = arith.cmpi ne, %convert_element_type3A_202, %cond3A_203 : i32
          scf.if %cond3A_204 {
            %add3A_220 = arith.constant 1 : i32
            %add3A_221 = arith.addi %scan3A_157, %add3A_220 : i32
            %dma_start3A_222 = arith.constant 0 : i32
            %dma_start3A_223 = tpu.memref_slice %arg7[%add3A_221, %dma_start3A_222] : memref<125x80xi32, #tpu.memory_space<vmem>> -> memref<1x80xi32, #tpu.memory_space<vmem>>
            %dma_start3A_224 = tpu.memref_squeeze %dma_start3A_223 : memref<1x80xi32, #tpu.memory_space<vmem>> -> memref<80xi32, #tpu.memory_space<vmem>>
            %dma_start3A_225 = arith.constant 0 : i32
            %dma_start3A_226 = arith.constant 0 : i32
            %dma_start3A_227 = tpu.memref_slice %arg2[%scan3A_144, %dma_start3A_225, %dma_start3A_226] : memref<2x10000x128xf32, #tpu.memory_space<hbm>> -> memref<1x10000x128xf32, #tpu.memory_space<hbm>>
            %dma_start3A_228 = tpu.memref_squeeze %dma_start3A_227 : memref<1x10000x128xf32, #tpu.memory_space<hbm>> -> memref<10000x128xf32, #tpu.memory_space<hbm>>
            %dma_start3A_229 = arith.constant 0 : i32
            %dma_start3A_230 = arith.constant 0 : i32
            %dma_start3A_231 = tpu.memref_slice %dma_start3A_228[%dma_start3A_229, %dma_start3A_230] : memref<10000x128xf32, #tpu.memory_space<hbm>> -> memref<10000x128xf32, #tpu.memory_space<hbm>>
            tpu.enqueue_indirect_dma source(%dma_start3A_231 : memref<10000x128xf32, #tpu.memory_space<hbm>>) target(%arg11 : memref<80x128xf32, #tpu.memory_space<vmem>>) offsets(%dma_start3A_224 : memref<80xi32, #tpu.memory_space<vmem>>) semaphore(%arg13 : memref<!tpu.dma_semaphore, #tpu.memory_space<semaphore_mem>>)
          } else {
          }
          %scan3A_205 = arith.constant 0 : i32
          %scan3A_206 = arith.constant 0 : i32
          %scan3A_207 = arith.constant 80 : i32
          %scan3A_208 = arith.addi %scan3A_206, %scan3A_207 : i32
          %scan3A_209 = arith.constant 4 : i32
          scf.for %scan3A_220 = %scan3A_206 to %scan3A_208 step %scan3A_209  : i32 {
            %mul3A_221 = arith.constant 80 : i32
            %mul3A_222 = arith.muli %scan3A_157, %mul3A_221 : i32
            %broadcast_in_dim3A = vector.broadcast %mul3A_222 : i32 to vector<16xi32>
            %add3A_223 = vector.broadcast %scan3A_220 : i32 to vector<16xi32>
            %add3A_224 = arith.addi %broadcast_in_dim3A, %add3A_223 : vector<16xi32>
            %gather3A = tpu.vector_load_idx %arg9[%add3A_224] : memref<10000xf32, #tpu.memory_space<vmem>>[vector<16xi32>], vector<16xf32>,
            %get3A = arith.index_cast %scan3A_220 : i32 to index
            %get3A_225 = arith.constant 0 : index
            %get3A_226 = tpu.vector_load %arg10[%get3A, %get3A_225] {strides = array<i32>} : memref<80x128xf32, #tpu.memory_space<vmem>>, vector<16xf32>,
            %mul3A_227 = arith.mulf %get3A_226, %gather3A : vector<16xf32>
            %swap3A = arith.index_cast %scan3A_220 : i32 to index
            %swap3A_228 = arith.constant 0 : index
            %swap3A_229 = tpu.vector_load %arg10[%swap3A, %swap3A_228] {strides = array<i32>} : memref<80x128xf32, #tpu.memory_space<vmem>>, vector<16xf32>,
            tpu.vector_store %arg10[%swap3A, %swap3A_228], %mul3A_227 {strides = array<i32>} : memref<80x128xf32, #tpu.memory_space<vmem>>, vector<16xf32>,
            %get3A_230 = arith.index_cast %scan3A_220 : i32 to index
            %get3A_231 = arith.constant 16 : index
            %get3A_232 = tpu.vector_load %arg10[%get3A_230, %get3A_231] {strides = array<i32>} : memref<80x128xf32, #tpu.memory_space<vmem>>, vector<16xf32>,
            %mul3A_233 = arith.mulf %get3A_232, %gather3A : vector<16xf32>
            %swap3A_234 = arith.index_cast %scan3A_220 : i32 to index
            %swap3A_235 = arith.constant 16 : index
            %swap3A_236 = tpu.vector_load %arg10[%swap3A_234, %swap3A_235] {strides = array<i32>} : memref<80x128xf32, #tpu.memory_space<vmem>>, vector<16xf32>,
            tpu.vector_store %arg10[%swap3A_234, %swap3A_235], %mul3A_233 {strides = array<i32>} : memref<80x128xf32, #tpu.memory_space<vmem>>, vector<16xf32>,
            %get3A_237 = arith.index_cast %scan3A_220 : i32 to index
            %get3A_238 = arith.constant 32 : index
            %get3A_239 = tpu.vector_load %arg10[%get3A_237, %get3A_238] {strides = array<i32>} : memref<80x128xf32, #tpu.memory_space<vmem>>, vector<16xf32>,
            %mul3A_240 = arith.mulf %get3A_239, %gather3A : vector<16xf32>
            %swap3A_241 = arith.index_cast %scan3A_220 : i32 to index
            %swap3A_242 = arith.constant 32 : index
            %swap3A_243 = tpu.vector_load %arg10[%swap3A_241, %swap3A_242] {strides = array<i32>} : memref<80x128xf32, #tpu.memory_space<vmem>>, vector<16xf32>,
            tpu.vector_store %arg10[%swap3A_241, %swap3A_242], %mul3A_240 {strides = array<i32>} : memref<80x128xf32, #tpu.memory_space<vmem>>, vector<16xf32>,
            %get3A_244 = arith.index_cast %scan3A_220 : i32 to index
            %get3A_245 = arith.constant 48 : index
            %get3A_246 = tpu.vector_load %arg10[%get3A_244, %get3A_245] {strides = array<i32>} : memref<80x128xf32, #tpu.memory_space<vmem>>, vector<16xf32>,
            %mul3A_247 = arith.mulf %get3A_246, %gather3A : vector<16xf32>
            %swap3A_248 = arith.index_cast %scan3A_220 : i32 to index
            %swap3A_249 = arith.constant 48 : index
            %swap3A_250 = tpu.vector_load %arg10[%swap3A_248, %swap3A_249] {strides = array<i32>} : memref<80x128xf32, #tpu.memory_space<vmem>>, vector<16xf32>,
            tpu.vector_store %arg10[%swap3A_248, %swap3A_249], %mul3A_247 {strides = array<i32>} : memref<80x128xf32, #tpu.memory_space<vmem>>, vector<16xf32>,
            %get3A_251 = arith.index_cast %scan3A_220 : i32 to index
            %get3A_252 = arith.constant 64 : index
            %get3A_253 = tpu.vector_load %arg10[%get3A_251, %get3A_252] {strides = array<i32>} : memref<80x128xf32, #tpu.memory_space<vmem>>, vector<16xf32>,
            %mul3A_254 = arith.mulf %get3A_253, %gather3A : vector<16xf32>
            %swap3A_255 = arith.index_cast %scan3A_220 : i32 to index
            %swap3A_256 = arith.constant 64 : index
            %swap3A_257 = tpu.vector_load %arg10[%swap3A_255, %swap3A_256] {strides = array<i32>} : memref<80x128xf32, #tpu.memory_space<vmem>>, vector<16xf32>,
            tpu.vector_store %arg10[%swap3A_255, %swap3A_256], %mul3A_254 {strides = array<i32>} : memref<80x128xf32, #tpu.memory_space<vmem>>, vector<16xf32>,
            %get3A_258 = arith.index_cast %scan3A_220 : i32 to index
            %get3A_259 = arith.constant 80 : index
            %get3A_260 = tpu.vector_load %arg10[%get3A_258, %get3A_259] {strides = array<i32>} : memref<80x128xf32, #tpu.memory_space<vmem>>, vector<16xf32>,
            %mul3A_261 = arith.mulf %get3A_260, %gather3A : vector<16xf32>
            %swap3A_262 = arith.index_cast %scan3A_220 : i32 to index
            %swap3A_263 = arith.constant 80 : index
            %swap3A_264 = tpu.vector_load %arg10[%swap3A_262, %swap3A_263] {strides = array<i32>} : memref<80x128xf32, #tpu.memory_space<vmem>>, vector<16xf32>,
            tpu.vector_store %arg10[%swap3A_262, %swap3A_263], %mul3A_261 {strides = array<i32>} : memref<80x128xf32, #tpu.memory_space<vmem>>, vector<16xf32>,
            %get3A_265 = arith.index_cast %scan3A_220 : i32 to index
            %get3A_266 = arith.constant 96 : index
            %get3A_267 = tpu.vector_load %arg10[%get3A_265, %get3A_266] {strides = array<i32>} : memref<80x128xf32, #tpu.memory_space<vmem>>, vector<16xf32>,
            %mul3A_268 = arith.mulf %get3A_267, %gather3A : vector<16xf32>
            %swap3A_269 = arith.index_cast %scan3A_220 : i32 to index
            %swap3A_270 = arith.constant 96 : index
            %swap3A_271 = tpu.vector_load %arg10[%swap3A_269, %swap3A_270] {strides = array<i32>} : memref<80x128xf32, #tpu.memory_space<vmem>>, vector<16xf32>,
            tpu.vector_store %arg10[%swap3A_269, %swap3A_270], %mul3A_268 {strides = array<i32>} : memref<80x128xf32, #tpu.memory_space<vmem>>, vector<16xf32>,
            %get3A_272 = arith.index_cast %scan3A_220 : i32 to index
            %get3A_273 = arith.constant 112 : index
            %get3A_274 = tpu.vector_load %arg10[%get3A_272, %get3A_273] {strides = array<i32>} : memref<80x128xf32, #tpu.memory_space<vmem>>, vector<16xf32>,
            %mul3A_275 = arith.mulf %get3A_274, %gather3A : vector<16xf32>
            %swap3A_276 = arith.index_cast %scan3A_220 : i32 to index
            %swap3A_277 = arith.constant 112 : index
            %swap3A_278 = tpu.vector_load %arg10[%swap3A_276, %swap3A_277] {strides = array<i32>} : memref<80x128xf32, #tpu.memory_space<vmem>>, vector<16xf32>,
            tpu.vector_store %arg10[%swap3A_276, %swap3A_277], %mul3A_275 {strides = array<i32>} : memref<80x128xf32, #tpu.memory_space<vmem>>, vector<16xf32>,
            %scan3A_279 = arith.constant 1 : i32
            %scan3A_280 = arith.addi %scan3A_220, %scan3A_279 : i32
            %mul3A_281 = arith.constant 80 : i32
            %mul3A_282 = arith.muli %scan3A_157, %mul3A_281 : i32
            %broadcast_in_dim3A_283 = vector.broadcast %mul3A_282 : i32 to vector<16xi32>
            %add3A_284 = vector.broadcast %scan3A_280 : i32 to vector<16xi32>
            %add3A_285 = arith.addi %broadcast_in_dim3A_283, %add3A_284 : vector<16xi32>
            %gather3A_286 = tpu.vector_load_idx %arg9[%add3A_285] : memref<10000xf32, #tpu.memory_space<vmem>>[vector<16xi32>], vector<16xf32>,
            %get3A_287 = arith.index_cast %scan3A_280 : i32 to index
            %get3A_288 = arith.constant 0 : index
            %get3A_289 = tpu.vector_load %arg10[%get3A_287, %get3A_288] {strides = array<i32>} : memref<80x128xf32, #tpu.memory_space<vmem>>, vector<16xf32>,
            %mul3A_290 = arith.mulf %get3A_289, %gather3A_286 : vector<16xf32>
            %swap3A_291 = arith.index_cast %scan3A_280 : i32 to index
            %swap3A_292 = arith.constant 0 : index
            %swap3A_293 = tpu.vector_load %arg10[%swap3A_291, %swap3A_292] {strides = array<i32>} : memref<80x128xf32, #tpu.memory_space<vmem>>, vector<16xf32>,
            tpu.vector_store %arg10[%swap3A_291, %swap3A_292], %mul3A_290 {strides = array<i32>} : memref<80x128xf32, #tpu.memory_space<vmem>>, vector<16xf32>,
            %get3A_294 = arith.index_cast %scan3A_280 : i32 to index
            %get3A_295 = arith.constant 16 : index
            %get3A_296 = tpu.vector_load %arg10[%get3A_294, %get3A_295] {strides = array<i32>} : memref<80x128xf32, #tpu.memory_space<vmem>>, vector<16xf32>,
            %mul3A_297 = arith.mulf %get3A_296, %gather3A_286 : vector<16xf32>
            %swap3A_298 = arith.index_cast %scan3A_280 : i32 to index
            %swap3A_299 = arith.constant 16 : index
            %swap3A_300 = tpu.vector_load %arg10[%swap3A_298, %swap3A_299] {strides = array<i32>} : memref<80x128xf32, #tpu.memory_space<vmem>>, vector<16xf32>,
            tpu.vector_store %arg10[%swap3A_298, %swap3A_299], %mul3A_297 {strides = array<i32>} : memref<80x128xf32, #tpu.memory_space<vmem>>, vector<16xf32>,
            %get3A_301 = arith.index_cast %scan3A_280 : i32 to index
            %get3A_302 = arith.constant 32 : index
            %get3A_303 = tpu.vector_load %arg10[%get3A_301, %get3A_302] {strides = array<i32>} : memref<80x128xf32, #tpu.memory_space<vmem>>, vector<16xf32>,
            %mul3A_304 = arith.mulf %get3A_303, %gather3A_286 : vector<16xf32>
            %swap3A_305 = arith.index_cast %scan3A_280 : i32 to index
            %swap3A_306 = arith.constant 32 : index
            %swap3A_307 = tpu.vector_load %arg10[%swap3A_305, %swap3A_306] {strides = array<i32>} : memref<80x128xf32, #tpu.memory_space<vmem>>, vector<16xf32>,
            tpu.vector_store %arg10[%swap3A_305, %swap3A_306], %mul3A_304 {strides = array<i32>} : memref<80x128xf32, #tpu.memory_space<vmem>>, vector<16xf32>,
            %get3A_308 = arith.index_cast %scan3A_280 : i32 to index
            %get3A_309 = arith.constant 48 : index
            %get3A_310 = tpu.vector_load %arg10[%get3A_308, %get3A_309] {strides = array<i32>} : memref<80x128xf32, #tpu.memory_space<vmem>>, vector<16xf32>,
            %mul3A_311 = arith.mulf %get3A_310, %gather3A_286 : vector<16xf32>
            %swap3A_312 = arith.index_cast %scan3A_280 : i32 to index
            %swap3A_313 = arith.constant 48 : index
            %swap3A_314 = tpu.vector_load %arg10[%swap3A_312, %swap3A_313] {strides = array<i32>} : memref<80x128xf32, #tpu.memory_space<vmem>>, vector<16xf32>,
            tpu.vector_store %arg10[%swap3A_312, %swap3A_313], %mul3A_311 {strides = array<i32>} : memref<80x128xf32, #tpu.memory_space<vmem>>, vector<16xf32>,
            %get3A_315 = arith.index_cast %scan3A_280 : i32 to index
            %get3A_316 = arith.constant 64 : index
            %get3A_317 = tpu.vector_load %arg10[%get3A_315, %get3A_316] {strides = array<i32>} : memref<80x128xf32, #tpu.memory_space<vmem>>, vector<16xf32>,
            %mul3A_318 = arith.mulf %get3A_317, %gather3A_286 : vector<16xf32>
            %swap3A_319 = arith.index_cast %scan3A_280 : i32 to index
            %swap3A_320 = arith.constant 64 : index
            %swap3A_321 = tpu.vector_load %arg10[%swap3A_319, %swap3A_320] {strides = array<i32>} : memref<80x128xf32, #tpu.memory_space<vmem>>, vector<16xf32>,
            tpu.vector_store %arg10[%swap3A_319, %swap3A_320], %mul3A_318 {strides = array<i32>} : memref<80x128xf32, #tpu.memory_space<vmem>>, vector<16xf32>,
            %get3A_322 = arith.index_cast %scan3A_280 : i32 to index
            %get3A_323 = arith.constant 80 : index
            %get3A_324 = tpu.vector_load %arg10[%get3A_322, %get3A_323] {strides = array<i32>} : memref<80x128xf32, #tpu.memory_space<vmem>>, vector<16xf32>,
            %mul3A_325 = arith.mulf %get3A_324, %gather3A_286 : vector<16xf32>
            %swap3A_326 = arith.index_cast %scan3A_280 : i32 to index
            %swap3A_327 = arith.constant 80 : index
            %swap3A_328 = tpu.vector_load %arg10[%swap3A_326, %swap3A_327] {strides = array<i32>} : memref<80x128xf32, #tpu.memory_space<vmem>>, vector<16xf32>,
            tpu.vector_store %arg10[%swap3A_326, %swap3A_327], %mul3A_325 {strides = array<i32>} : memref<80x128xf32, #tpu.memory_space<vmem>>, vector<16xf32>,
            %get3A_329 = arith.index_cast %scan3A_280 : i32 to index
            %get3A_330 = arith.constant 96 : index
            %get3A_331 = tpu.vector_load %arg10[%get3A_329, %get3A_330] {strides = array<i32>} : memref<80x128xf32, #tpu.memory_space<vmem>>, vector<16xf32>,
            %mul3A_332 = arith.mulf %get3A_331, %gather3A_286 : vector<16xf32>
            %swap3A_333 = arith.index_cast %scan3A_280 : i32 to index
            %swap3A_334 = arith.constant 96 : index
            %swap3A_335 = tpu.vector_load %arg10[%swap3A_333, %swap3A_334] {strides = array<i32>} : memref<80x128xf32, #tpu.memory_space<vmem>>, vector<16xf32>,
            tpu.vector_store %arg10[%swap3A_333, %swap3A_334], %mul3A_332 {strides = array<i32>} : memref<80x128xf32, #tpu.memory_space<vmem>>, vector<16xf32>,
            %get3A_336 = arith.index_cast %scan3A_280 : i32 to index
            %get3A_337 = arith.constant 112 : index
            %get3A_338 = tpu.vector_load %arg10[%get3A_336, %get3A_337] {strides = array<i32>} : memref<80x128xf32, #tpu.memory_space<vmem>>, vector<16xf32>,
            %mul3A_339 = arith.mulf %get3A_338, %gather3A_286 : vector<16xf32>
            %swap3A_340 = arith.index_cast %scan3A_280 : i32 to index
            %swap3A_341 = arith.constant 112 : index
            %swap3A_342 = tpu.vector_load %arg10[%swap3A_340, %swap3A_341] {strides = array<i32>} : memref<80x128xf32, #tpu.memory_space<vmem>>, vector<16xf32>,
            tpu.vector_store %arg10[%swap3A_340, %swap3A_341], %mul3A_339 {strides = array<i32>} : memref<80x128xf32, #tpu.memory_space<vmem>>, vector<16xf32>,
            %scan3A_343 = arith.constant 2 : i32
            %scan3A_344 = arith.addi %scan3A_220, %scan3A_343 : i32
            %mul3A_345 = arith.constant 80 : i32
            %mul3A_346 = arith.muli %scan3A_157, %mul3A_345 : i32
            %broadcast_in_dim3A_347 = vector.broadcast %mul3A_346 : i32 to vector<16xi32>
            %add3A_348 = vector.broadcast %scan3A_344 : i32 to vector<16xi32>
            %add3A_349 = arith.addi %broadcast_in_dim3A_347, %add3A_348 : vector<16xi32>
            %gather3A_350 = tpu.vector_load_idx %arg9[%add3A_349] : memref<10000xf32, #tpu.memory_space<vmem>>[vector<16xi32>], vector<16xf32>,
            %get3A_351 = arith.index_cast %scan3A_344 : i32 to index
            %get3A_352 = arith.constant 0 : index
            %get3A_353 = tpu.vector_load %arg10[%get3A_351, %get3A_352] {strides = array<i32>} : memref<80x128xf32, #tpu.memory_space<vmem>>, vector<16xf32>,
            %mul3A_354 = arith.mulf %get3A_353, %gather3A_350 : vector<16xf32>
            %swap3A_355 = arith.index_cast %scan3A_344 : i32 to index
            %swap3A_356 = arith.constant 0 : index
            %swap3A_357 = tpu.vector_load %arg10[%swap3A_355, %swap3A_356] {strides = array<i32>} : memref<80x128xf32, #tpu.memory_space<vmem>>, vector<16xf32>,
            tpu.vector_store %arg10[%swap3A_355, %swap3A_356], %mul3A_354 {strides = array<i32>} : memref<80x128xf32, #tpu.memory_space<vmem>>, vector<16xf32>,
            %get3A_358 = arith.index_cast %scan3A_344 : i32 to index
            %get3A_359 = arith.constant 16 : index
            %get3A_360 = tpu.vector_load %arg10[%get3A_358, %get3A_359] {strides = array<i32>} : memref<80x128xf32, #tpu.memory_space<vmem>>, vector<16xf32>,
            %mul3A_361 = arith.mulf %get3A_360, %gather3A_350 : vector<16xf32>
            %swap3A_362 = arith.index_cast %scan3A_344 : i32 to index
            %swap3A_363 = arith.constant 16 : index
            %swap3A_364 = tpu.vector_load %arg10[%swap3A_362, %swap3A_363] {strides = array<i32>} : memref<80x128xf32, #tpu.memory_space<vmem>>, vector<16xf32>,
            tpu.vector_store %arg10[%swap3A_362, %swap3A_363], %mul3A_361 {strides = array<i32>} : memref<80x128xf32, #tpu.memory_space<vmem>>, vector<16xf32>,
            %get3A_365 = arith.index_cast %scan3A_344 : i32 to index
            %get3A_366 = arith.constant 32 : index
            %get3A_367 = tpu.vector_load %arg10[%get3A_365, %get3A_366] {strides = array<i32>} : memref<80x128xf32, #tpu.memory_space<vmem>>, vector<16xf32>,
            %mul3A_368 = arith.mulf %get3A_367, %gather3A_350 : vector<16xf32>
            %swap3A_369 = arith.index_cast %scan3A_344 : i32 to index
            %swap3A_370 = arith.constant 32 : index
            %swap3A_371 = tpu.vector_load %arg10[%swap3A_369, %swap3A_370] {strides = array<i32>} : memref<80x128xf32, #tpu.memory_space<vmem>>, vector<16xf32>,
            tpu.vector_store %arg10[%swap3A_369, %swap3A_370], %mul3A_368 {strides = array<i32>} : memref<80x128xf32, #tpu.memory_space<vmem>>, vector<16xf32>,
            %get3A_372 = arith.index_cast %scan3A_344 : i32 to index
            %get3A_373 = arith.constant 48 : index
            %get3A_374 = tpu.vector_load %arg10[%get3A_372, %get3A_373] {strides = array<i32>} : memref<80x128xf32, #tpu.memory_space<vmem>>, vector<16xf32>,
            %mul3A_375 = arith.mulf %get3A_374, %gather3A_350 : vector<16xf32>
            %swap3A_376 = arith.index_cast %scan3A_344 : i32 to index
            %swap3A_377 = arith.constant 48 : index
            %swap3A_378 = tpu.vector_load %arg10[%swap3A_376, %swap3A_377] {strides = array<i32>} : memref<80x128xf32, #tpu.memory_space<vmem>>, vector<16xf32>,
            tpu.vector_store %arg10[%swap3A_376, %swap3A_377], %mul3A_375 {strides = array<i32>} : memref<80x128xf32, #tpu.memory_space<vmem>>, vector<16xf32>,
            %get3A_379 = arith.index_cast %scan3A_344 : i32 to index
            %get3A_380 = arith.constant 64 : index
            %get3A_381 = tpu.vector_load %arg10[%get3A_379, %get3A_380] {strides = array<i32>} : memref<80x128xf32, #tpu.memory_space<vmem>>, vector<16xf32>,
            %mul3A_382 = arith.mulf %get3A_381, %gather3A_350 : vector<16xf32>
            %swap3A_383 = arith.index_cast %scan3A_344 : i32 to index
            %swap3A_384 = arith.constant 64 : index
            %swap3A_385 = tpu.vector_load %arg10[%swap3A_383, %swap3A_384] {strides = array<i32>} : memref<80x128xf32, #tpu.memory_space<vmem>>, vector<16xf32>,
            tpu.vector_store %arg10[%swap3A_383, %swap3A_384], %mul3A_382 {strides = array<i32>} : memref<80x128xf32, #tpu.memory_space<vmem>>, vector<16xf32>,
            %get3A_386 = arith.index_cast %scan3A_344 : i32 to index
            %get3A_387 = arith.constant 80 : index
            %get3A_388 = tpu.vector_load %arg10[%get3A_386, %get3A_387] {strides = array<i32>} : memref<80x128xf32, #tpu.memory_space<vmem>>, vector<16xf32>,
            %mul3A_389 = arith.mulf %get3A_388, %gather3A_350 : vector<16xf32>
            %swap3A_390 = arith.index_cast %scan3A_344 : i32 to index
            %swap3A_391 = arith.constant 80 : index
            %swap3A_392 = tpu.vector_load %arg10[%swap3A_390, %swap3A_391] {strides = array<i32>} : memref<80x128xf32, #tpu.memory_space<vmem>>, vector<16xf32>,
            tpu.vector_store %arg10[%swap3A_390, %swap3A_391], %mul3A_389 {strides = array<i32>} : memref<80x128xf32, #tpu.memory_space<vmem>>, vector<16xf32>,
            %get3A_393 = arith.index_cast %scan3A_344 : i32 to index
            %get3A_394 = arith.constant 96 : index
            %get3A_395 = tpu.vector_load %arg10[%get3A_393, %get3A_394] {strides = array<i32>} : memref<80x128xf32, #tpu.memory_space<vmem>>, vector<16xf32>,
            %mul3A_396 = arith.mulf %get3A_395, %gather3A_350 : vector<16xf32>
            %swap3A_397 = arith.index_cast %scan3A_344 : i32 to index
            %swap3A_398 = arith.constant 96 : index
            %swap3A_399 = tpu.vector_load %arg10[%swap3A_397, %swap3A_398] {strides = array<i32>} : memref<80x128xf32, #tpu.memory_space<vmem>>, vector<16xf32>,
            tpu.vector_store %arg10[%swap3A_397, %swap3A_398], %mul3A_396 {strides = array<i32>} : memref<80x128xf32, #tpu.memory_space<vmem>>, vector<16xf32>,
            %get3A_400 = arith.index_cast %scan3A_344 : i32 to index
            %get3A_401 = arith.constant 112 : index
            %get3A_402 = tpu.vector_load %arg10[%get3A_400, %get3A_401] {strides = array<i32>} : memref<80x128xf32, #tpu.memory_space<vmem>>, vector<16xf32>,
            %mul3A_403 = arith.mulf %get3A_402, %gather3A_350 : vector<16xf32>
            %swap3A_404 = arith.index_cast %scan3A_344 : i32 to index
            %swap3A_405 = arith.constant 112 : index
            %swap3A_406 = tpu.vector_load %arg10[%swap3A_404, %swap3A_405] {strides = array<i32>} : memref<80x128xf32, #tpu.memory_space<vmem>>, vector<16xf32>,
            tpu.vector_store %arg10[%swap3A_404, %swap3A_405], %mul3A_403 {strides = array<i32>} : memref<80x128xf32, #tpu.memory_space<vmem>>, vector<16xf32>,
            %scan3A_407 = arith.constant 3 : i32
            %scan3A_408 = arith.addi %scan3A_220, %scan3A_407 : i32
            %mul3A_409 = arith.constant 80 : i32
            %mul3A_410 = arith.muli %scan3A_157, %mul3A_409 : i32
            %broadcast_in_dim3A_411 = vector.broadcast %mul3A_410 : i32 to vector<16xi32>
            %add3A_412 = vector.broadcast %scan3A_408 : i32 to vector<16xi32>
            %add3A_413 = arith.addi %broadcast_in_dim3A_411, %add3A_412 : vector<16xi32>
            %gather3A_414 = tpu.vector_load_idx %arg9[%add3A_413] : memref<10000xf32, #tpu.memory_space<vmem>>[vector<16xi32>], vector<16xf32>,
            %get3A_415 = arith.index_cast %scan3A_408 : i32 to index
            %get3A_416 = arith.constant 0 : index
            %get3A_417 = tpu.vector_load %arg10[%get3A_415, %get3A_416] {strides = array<i32>} : memref<80x128xf32, #tpu.memory_space<vmem>>, vector<16xf32>,
            %mul3A_418 = arith.mulf %get3A_417, %gather3A_414 : vector<16xf32>
            %swap3A_419 = arith.index_cast %scan3A_408 : i32 to index
            %swap3A_420 = arith.constant 0 : index
            %swap3A_421 = tpu.vector_load %arg10[%swap3A_419, %swap3A_420] {strides = array<i32>} : memref<80x128xf32, #tpu.memory_space<vmem>>, vector<16xf32>,
            tpu.vector_store %arg10[%swap3A_419, %swap3A_420], %mul3A_418 {strides = array<i32>} : memref<80x128xf32, #tpu.memory_space<vmem>>, vector<16xf32>,
            %get3A_422 = arith.index_cast %scan3A_408 : i32 to index
            %get3A_423 = arith.constant 16 : index
            %get3A_424 = tpu.vector_load %arg10[%get3A_422, %get3A_423] {strides = array<i32>} : memref<80x128xf32, #tpu.memory_space<vmem>>, vector<16xf32>,
            %mul3A_425 = arith.mulf %get3A_424, %gather3A_414 : vector<16xf32>
            %swap3A_426 = arith.index_cast %scan3A_408 : i32 to index
            %swap3A_427 = arith.constant 16 : index
            %swap3A_428 = tpu.vector_load %arg10[%swap3A_426, %swap3A_427] {strides = array<i32>} : memref<80x128xf32, #tpu.memory_space<vmem>>, vector<16xf32>,
            tpu.vector_store %arg10[%swap3A_426, %swap3A_427], %mul3A_425 {strides = array<i32>} : memref<80x128xf32, #tpu.memory_space<vmem>>, vector<16xf32>,
            %get3A_429 = arith.index_cast %scan3A_408 : i32 to index
            %get3A_430 = arith.constant 32 : index
            %get3A_431 = tpu.vector_load %arg10[%get3A_429, %get3A_430] {strides = array<i32>} : memref<80x128xf32, #tpu.memory_space<vmem>>, vector<16xf32>,
            %mul3A_432 = arith.mulf %get3A_431, %gather3A_414 : vector<16xf32>
            %swap3A_433 = arith.index_cast %scan3A_408 : i32 to index
            %swap3A_434 = arith.constant 32 : index
            %swap3A_435 = tpu.vector_load %arg10[%swap3A_433, %swap3A_434] {strides = array<i32>} : memref<80x128xf32, #tpu.memory_space<vmem>>, vector<16xf32>,
            tpu.vector_store %arg10[%swap3A_433, %swap3A_434], %mul3A_432 {strides = array<i32>} : memref<80x128xf32, #tpu.memory_space<vmem>>, vector<16xf32>,
            %get3A_436 = arith.index_cast %scan3A_408 : i32 to index
            %get3A_437 = arith.constant 48 : index
            %get3A_438 = tpu.vector_load %arg10[%get3A_436, %get3A_437] {strides = array<i32>} : memref<80x128xf32, #tpu.memory_space<vmem>>, vector<16xf32>,
            %mul3A_439 = arith.mulf %get3A_438, %gather3A_414 : vector<16xf32>
            %swap3A_440 = arith.index_cast %scan3A_408 : i32 to index
            %swap3A_441 = arith.constant 48 : index
            %swap3A_442 = tpu.vector_load %arg10[%swap3A_440, %swap3A_441] {strides = array<i32>} : memref<80x128xf32, #tpu.memory_space<vmem>>, vector<16xf32>,
            tpu.vector_store %arg10[%swap3A_440, %swap3A_441], %mul3A_439 {strides = array<i32>} : memref<80x128xf32, #tpu.memory_space<vmem>>, vector<16xf32>,
            %get3A_443 = arith.index_cast %scan3A_408 : i32 to index
            %get3A_444 = arith.constant 64 : index
            %get3A_445 = tpu.vector_load %arg10[%get3A_443, %get3A_444] {strides = array<i32>} : memref<80x128xf32, #tpu.memory_space<vmem>>, vector<16xf32>,
            %mul3A_446 = arith.mulf %get3A_445, %gather3A_414 : vector<16xf32>
            %swap3A_447 = arith.index_cast %scan3A_408 : i32 to index
            %swap3A_448 = arith.constant 64 : index
            %swap3A_449 = tpu.vector_load %arg10[%swap3A_447, %swap3A_448] {strides = array<i32>} : memref<80x128xf32, #tpu.memory_space<vmem>>, vector<16xf32>,
            tpu.vector_store %arg10[%swap3A_447, %swap3A_448], %mul3A_446 {strides = array<i32>} : memref<80x128xf32, #tpu.memory_space<vmem>>, vector<16xf32>,
            %get3A_450 = arith.index_cast %scan3A_408 : i32 to index
            %get3A_451 = arith.constant 80 : index
            %get3A_452 = tpu.vector_load %arg10[%get3A_450, %get3A_451] {strides = array<i32>} : memref<80x128xf32, #tpu.memory_space<vmem>>, vector<16xf32>,
            %mul3A_453 = arith.mulf %get3A_452, %gather3A_414 : vector<16xf32>
            %swap3A_454 = arith.index_cast %scan3A_408 : i32 to index
            %swap3A_455 = arith.constant 80 : index
            %swap3A_456 = tpu.vector_load %arg10[%swap3A_454, %swap3A_455] {strides = array<i32>} : memref<80x128xf32, #tpu.memory_space<vmem>>, vector<16xf32>,
            tpu.vector_store %arg10[%swap3A_454, %swap3A_455], %mul3A_453 {strides = array<i32>} : memref<80x128xf32, #tpu.memory_space<vmem>>, vector<16xf32>,
            %get3A_457 = arith.index_cast %scan3A_408 : i32 to index
            %get3A_458 = arith.constant 96 : index
            %get3A_459 = tpu.vector_load %arg10[%get3A_457, %get3A_458] {strides = array<i32>} : memref<80x128xf32, #tpu.memory_space<vmem>>, vector<16xf32>,
            %mul3A_460 = arith.mulf %get3A_459, %gather3A_414 : vector<16xf32>
            %swap3A_461 = arith.index_cast %scan3A_408 : i32 to index
            %swap3A_462 = arith.constant 96 : index
            %swap3A_463 = tpu.vector_load %arg10[%swap3A_461, %swap3A_462] {strides = array<i32>} : memref<80x128xf32, #tpu.memory_space<vmem>>, vector<16xf32>,
            tpu.vector_store %arg10[%swap3A_461, %swap3A_462], %mul3A_460 {strides = array<i32>} : memref<80x128xf32, #tpu.memory_space<vmem>>, vector<16xf32>,
            %get3A_464 = arith.index_cast %scan3A_408 : i32 to index
            %get3A_465 = arith.constant 112 : index
            %get3A_466 = tpu.vector_load %arg10[%get3A_464, %get3A_465] {strides = array<i32>} : memref<80x128xf32, #tpu.memory_space<vmem>>, vector<16xf32>,
            %mul3A_467 = arith.mulf %get3A_466, %gather3A_414 : vector<16xf32>
            %swap3A_468 = arith.index_cast %scan3A_408 : i32 to index
            %swap3A_469 = arith.constant 112 : index
            %swap3A_470 = tpu.vector_load %arg10[%swap3A_468, %swap3A_469] {strides = array<i32>} : memref<80x128xf32, #tpu.memory_space<vmem>>, vector<16xf32>,
            tpu.vector_store %arg10[%swap3A_468, %swap3A_469], %mul3A_467 {strides = array<i32>} : memref<80x128xf32, #tpu.memory_space<vmem>>, vector<16xf32>,
          }
          %scan3A_210 = arith.constant 80 : i32
          %dma_start3A_211 = arith.constant 0 : i32
          %dma_start3A_212 = tpu.memref_slice %arg8[%scan3A_157, %dma_start3A_211] : memref<125x80xi32, #tpu.memory_space<vmem>> -> memref<1x80xi32, #tpu.memory_space<vmem>>
          %dma_start3A_213 = tpu.memref_squeeze %dma_start3A_212 : memref<1x80xi32, #tpu.memory_space<vmem>> -> memref<80xi32, #tpu.memory_space<vmem>>
          %dma_start3A_214 = arith.constant 0 : i32
          %dma_start3A_215 = arith.constant 0 : i32
          %dma_start3A_216 = tpu.memref_slice %arg12[%dma_start3A_214, %dma_start3A_215] : memref<10000x128xf32, #tpu.memory_space<vmem_shared>> -> memref<10000x128xf32, #tpu.memory_space<vmem_shared>>
          tpu.enqueue_indirect_dma source(%arg10 : memref<80x128xf32, #tpu.memory_space<vmem>>) target(%dma_start3A_216 : memref<10000x128xf32, #tpu.memory_space<vmem_shared>>) offsets(%dma_start3A_213 : memref<80xi32, #tpu.memory_space<vmem>>) semaphore(%arg14 : memref<!tpu.dma_semaphore, #tpu.memory_space<semaphore_mem>>) {add = true}
          %convert_element_type3A_217 = arith.extui %lt3A_197 : i1 to i32
          %cond3A_218 = arith.constant 0 : i32
          %cond3A_219 = arith.cmpi ne, %convert_element_type3A_217, %cond3A_218 : i32
          scf.if %cond3A_219 {
            %add3A_220 = arith.constant 1 : i32
            %add3A_221 = arith.addi %scan3A_157, %add3A_220 : i32
            %dma_wait3A_222 = arith.constant 0 : i32
            %dma_wait3A_223 = tpu.memref_slice %arg7[%add3A_221, %dma_wait3A_222] : memref<125x80xi32, #tpu.memory_space<vmem>> -> memref<1x80xi32, #tpu.memory_space<vmem>>
            %dma_wait3A_224 = tpu.memref_squeeze %dma_wait3A_223 : memref<1x80xi32, #tpu.memory_space<vmem>> -> memref<80xi32, #tpu.memory_space<vmem>>
            %dma_wait3A_225 = arith.constant 0 : i32
            %dma_wait3A_226 = arith.constant 0 : i32
            %dma_wait3A_227 = tpu.memref_slice %arg2[%scan3A_144, %dma_wait3A_225, %dma_wait3A_226] : memref<2x10000x128xf32, #tpu.memory_space<hbm>> -> memref<1x10000x128xf32, #tpu.memory_space<hbm>>
            %dma_wait3A_228 = tpu.memref_squeeze %dma_wait3A_227 : memref<1x10000x128xf32, #tpu.memory_space<hbm>> -> memref<10000x128xf32, #tpu.memory_space<hbm>>
            %dma_wait3A_229 = arith.constant 0 : i32
            %dma_wait3A_230 = arith.constant 0 : i32
            %dma_wait3A_231 = tpu.memref_slice %dma_wait3A_228[%dma_wait3A_229, %dma_wait3A_230] : memref<10000x128xf32, #tpu.memory_space<hbm>> -> memref<10000x128xf32, #tpu.memory_space<hbm>>
            tpu.wait_indirect_dma semaphore(%arg13 : memref<!tpu.dma_semaphore, #tpu.memory_space<semaphore_mem>>) src(%dma_wait3A_231 : memref<10000x128xf32, #tpu.memory_space<hbm>>) dst(%arg11 : memref<80x128xf32, #tpu.memory_space<vmem>>)
          } else {
          }
        } else {
        }
        %jit3A_173 = arith.constant 2 : i32
        %eq3A_174 = arith.constant 0 : i32
        %eq3A_175 = arith.cmpi eq, %jit3A_173, %eq3A_174 : i32
        %jit3A_176 = arith.constant 1 : i32
        %select_n3A_177 = arith.select %eq3A_175, %jit3A_176, %jit3A_173 : i32
        %rem3A_178 = arith.remsi %scan3A_157, %select_n3A_177 : i32
        %ne3A_179 = arith.constant 0 : i32
        %ne3A_180 = arith.cmpi ne, %rem3A_178, %ne3A_179 : i32
        %lt3A_181 = arith.constant 0 : i32
        %lt3A_182 = arith.cmpi slt, %rem3A_178, %lt3A_181 : i32
        %lt3A_183 = arith.constant 0 : i32
        %lt3A_184 = arith.cmpi slt, %select_n3A_177, %lt3A_183 : i32
        %ne3A_185 = arith.xori %lt3A_182, %lt3A_184 : i1
        %and3A_186 = arith.andi %ne3A_185, %ne3A_180 : i1
        %add3A_187 = arith.addi %rem3A_178, %select_n3A_177 : i32
        %select_n3A_188 = arith.select %and3A_186, %add3A_187, %rem3A_178 : i32
        %eq3A_189 = arith.constant 1 : i32
        %eq3A_190 = arith.cmpi eq, %select_n3A_188, %eq3A_189 : i32
        %convert_element_type3A_191 = arith.extui %eq3A_190 : i1 to i32
        %cond3A_192 = arith.constant 0 : i32
        %cond3A_193 = arith.cmpi ne, %convert_element_type3A_191, %cond3A_192 : i32
        scf.if %cond3A_193 {
          %add3A_194 = arith.constant 1 : i32
          %add3A_195 = arith.addi %scan3A_157, %add3A_194 : i32
          %lt3A_196 = arith.constant 125 : i32
          %lt3A_197 = arith.cmpi slt, %add3A_195, %lt3A_196 : i32
          %ge3A = arith.constant 1 : i32
          %ge3A_198 = arith.cmpi sge, %scan3A_157, %ge3A : i32
          %convert_element_type3A_199 = arith.extui %ge3A_198 : i1 to i32
          %cond3A_200 = arith.constant 0 : i32
          %cond3A_201 = arith.cmpi ne, %convert_element_type3A_199, %cond3A_200 : i32
          scf.if %cond3A_201 {
            %sub3A = arith.constant 1 : i32
            %sub3A_220 = arith.subi %scan3A_157, %sub3A : i32
            %dma_wait3A_221 = arith.constant 0 : i32
            %dma_wait3A_222 = tpu.memref_slice %arg8[%sub3A_220, %dma_wait3A_221] : memref<125x80xi32, #tpu.memory_space<vmem>> -> memref<1x80xi32, #tpu.memory_space<vmem>>
            %dma_wait3A_223 = tpu.memref_squeeze %dma_wait3A_222 : memref<1x80xi32, #tpu.memory_space<vmem>> -> memref<80xi32, #tpu.memory_space<vmem>>
            %dma_wait3A_224 = arith.constant 0 : i32
            %dma_wait3A_225 = arith.constant 0 : i32
            %dma_wait3A_226 = tpu.memref_slice %arg12[%dma_wait3A_224, %dma_wait3A_225] : memref<10000x128xf32, #tpu.memory_space<vmem_shared>> -> memref<10000x128xf32, #tpu.memory_space<vmem_shared>>
            tpu.wait_indirect_dma semaphore(%arg14 : memref<!tpu.dma_semaphore, #tpu.memory_space<semaphore_mem>>) src(%arg10 : memref<80x128xf32, #tpu.memory_space<vmem>>) dst(%dma_wait3A_226 : memref<10000x128xf32, #tpu.memory_space<vmem_shared>>)
          } else {
          }
          %convert_element_type3A_202 = arith.extui %lt3A_197 : i1 to i32
          %cond3A_203 = arith.constant 0 : i32
          %cond3A_204 = arith.cmpi ne, %convert_element_type3A_202, %cond3A_203 : i32
          scf.if %cond3A_204 {
            %add3A_220 = arith.constant 1 : i32
            %add3A_221 = arith.addi %scan3A_157, %add3A_220 : i32
            %dma_start3A_222 = arith.constant 0 : i32
            %dma_start3A_223 = tpu.memref_slice %arg7[%add3A_221, %dma_start3A_222] : memref<125x80xi32, #tpu.memory_space<vmem>> -> memref<1x80xi32, #tpu.memory_space<vmem>>
            %dma_start3A_224 = tpu.memref_squeeze %dma_start3A_223 : memref<1x80xi32, #tpu.memory_space<vmem>> -> memref<80xi32, #tpu.memory_space<vmem>>
            %dma_start3A_225 = arith.constant 0 : i32
            %dma_start3A_226 = arith.constant 0 : i32
            %dma_start3A_227 = tpu.memref_slice %arg2[%scan3A_144, %dma_start3A_225, %dma_start3A_226] : memref<2x10000x128xf32, #tpu.memory_space<hbm>> -> memref<1x10000x128xf32, #tpu.memory_space<hbm>>
            %dma_start3A_228 = tpu.memref_squeeze %dma_start3A_227 : memref<1x10000x128xf32, #tpu.memory_space<hbm>> -> memref<10000x128xf32, #tpu.memory_space<hbm>>
            %dma_start3A_229 = arith.constant 0 : i32
            %dma_start3A_230 = arith.constant 0 : i32
            %dma_start3A_231 = tpu.memref_slice %dma_start3A_228[%dma_start3A_229, %dma_start3A_230] : memref<10000x128xf32, #tpu.memory_space<hbm>> -> memref<10000x128xf32, #tpu.memory_space<hbm>>
            tpu.enqueue_indirect_dma source(%dma_start3A_231 : memref<10000x128xf32, #tpu.memory_space<hbm>>) target(%arg10 : memref<80x128xf32, #tpu.memory_space<vmem>>) offsets(%dma_start3A_224 : memref<80xi32, #tpu.memory_space<vmem>>) semaphore(%arg13 : memref<!tpu.dma_semaphore, #tpu.memory_space<semaphore_mem>>)
          } else {
          }
          %scan3A_205 = arith.constant 0 : i32
          %scan3A_206 = arith.constant 0 : i32
          %scan3A_207 = arith.constant 80 : i32
          %scan3A_208 = arith.addi %scan3A_206, %scan3A_207 : i32
          %scan3A_209 = arith.constant 4 : i32
          scf.for %scan3A_220 = %scan3A_206 to %scan3A_208 step %scan3A_209  : i32 {
            %mul3A_221 = arith.constant 80 : i32
            %mul3A_222 = arith.muli %scan3A_157, %mul3A_221 : i32
            %broadcast_in_dim3A = vector.broadcast %mul3A_222 : i32 to vector<16xi32>
            %add3A_223 = vector.broadcast %scan3A_220 : i32 to vector<16xi32>
            %add3A_224 = arith.addi %broadcast_in_dim3A, %add3A_223 : vector<16xi32>
            %gather3A = tpu.vector_load_idx %arg9[%add3A_224] : memref<10000xf32, #tpu.memory_space<vmem>>[vector<16xi32>], vector<16xf32>,
            %get3A = arith.index_cast %scan3A_220 : i32 to index
            %get3A_225 = arith.constant 0 : index
            %get3A_226 = tpu.vector_load %arg11[%get3A, %get3A_225] {strides = array<i32>} : memref<80x128xf32, #tpu.memory_space<vmem>>, vector<16xf32>,
            %mul3A_227 = arith.mulf %get3A_226, %gather3A : vector<16xf32>
            %swap3A = arith.index_cast %scan3A_220 : i32 to index
            %swap3A_228 = arith.constant 0 : index
            %swap3A_229 = tpu.vector_load %arg11[%swap3A, %swap3A_228] {strides = array<i32>} : memref<80x128xf32, #tpu.memory_space<vmem>>, vector<16xf32>,
            tpu.vector_store %arg11[%swap3A, %swap3A_228], %mul3A_227 {strides = array<i32>} : memref<80x128xf32, #tpu.memory_space<vmem>>, vector<16xf32>,
            %get3A_230 = arith.index_cast %scan3A_220 : i32 to index
            %get3A_231 = arith.constant 16 : index
            %get3A_232 = tpu.vector_load %arg11[%get3A_230, %get3A_231] {strides = array<i32>} : memref<80x128xf32, #tpu.memory_space<vmem>>, vector<16xf32>,
            %mul3A_233 = arith.mulf %get3A_232, %gather3A : vector<16xf32>
            %swap3A_234 = arith.index_cast %scan3A_220 : i32 to index
            %swap3A_235 = arith.constant 16 : index
            %swap3A_236 = tpu.vector_load %arg11[%swap3A_234, %swap3A_235] {strides = array<i32>} : memref<80x128xf32, #tpu.memory_space<vmem>>, vector<16xf32>,
            tpu.vector_store %arg11[%swap3A_234, %swap3A_235], %mul3A_233 {strides = array<i32>} : memref<80x128xf32, #tpu.memory_space<vmem>>, vector<16xf32>,
            %get3A_237 = arith.index_cast %scan3A_220 : i32 to index
            %get3A_238 = arith.constant 32 : index
            %get3A_239 = tpu.vector_load %arg11[%get3A_237, %get3A_238] {strides = array<i32>} : memref<80x128xf32, #tpu.memory_space<vmem>>, vector<16xf32>,
            %mul3A_240 = arith.mulf %get3A_239, %gather3A : vector<16xf32>
            %swap3A_241 = arith.index_cast %scan3A_220 : i32 to index
            %swap3A_242 = arith.constant 32 : index
            %swap3A_243 = tpu.vector_load %arg11[%swap3A_241, %swap3A_242] {strides = array<i32>} : memref<80x128xf32, #tpu.memory_space<vmem>>, vector<16xf32>,
            tpu.vector_store %arg11[%swap3A_241, %swap3A_242], %mul3A_240 {strides = array<i32>} : memref<80x128xf32, #tpu.memory_space<vmem>>, vector<16xf32>,
            %get3A_244 = arith.index_cast %scan3A_220 : i32 to index
            %get3A_245 = arith.constant 48 : index
            %get3A_246 = tpu.vector_load %arg11[%get3A_244, %get3A_245] {strides = array<i32>} : memref<80x128xf32, #tpu.memory_space<vmem>>, vector<16xf32>,
            %mul3A_247 = arith.mulf %get3A_246, %gather3A : vector<16xf32>
            %swap3A_248 = arith.index_cast %scan3A_220 : i32 to index
            %swap3A_249 = arith.constant 48 : index
            %swap3A_250 = tpu.vector_load %arg11[%swap3A_248, %swap3A_249] {strides = array<i32>} : memref<80x128xf32, #tpu.memory_space<vmem>>, vector<16xf32>,
            tpu.vector_store %arg11[%swap3A_248, %swap3A_249], %mul3A_247 {strides = array<i32>} : memref<80x128xf32, #tpu.memory_space<vmem>>, vector<16xf32>,
            %get3A_251 = arith.index_cast %scan3A_220 : i32 to index
            %get3A_252 = arith.constant 64 : index
            %get3A_253 = tpu.vector_load %arg11[%get3A_251, %get3A_252] {strides = array<i32>} : memref<80x128xf32, #tpu.memory_space<vmem>>, vector<16xf32>,
            %mul3A_254 = arith.mulf %get3A_253, %gather3A : vector<16xf32>
            %swap3A_255 = arith.index_cast %scan3A_220 : i32 to index
            %swap3A_256 = arith.constant 64 : index
            %swap3A_257 = tpu.vector_load %arg11[%swap3A_255, %swap3A_256] {strides = array<i32>} : memref<80x128xf32, #tpu.memory_space<vmem>>, vector<16xf32>,
            tpu.vector_store %arg11[%swap3A_255, %swap3A_256], %mul3A_254 {strides = array<i32>} : memref<80x128xf32, #tpu.memory_space<vmem>>, vector<16xf32>,
            %get3A_258 = arith.index_cast %scan3A_220 : i32 to index
            %get3A_259 = arith.constant 80 : index
            %get3A_260 = tpu.vector_load %arg11[%get3A_258, %get3A_259] {strides = array<i32>} : memref<80x128xf32, #tpu.memory_space<vmem>>, vector<16xf32>,
            %mul3A_261 = arith.mulf %get3A_260, %gather3A : vector<16xf32>
            %swap3A_262 = arith.index_cast %scan3A_220 : i32 to index
            %swap3A_263 = arith.constant 80 : index
            %swap3A_264 = tpu.vector_load %arg11[%swap3A_262, %swap3A_263] {strides = array<i32>} : memref<80x128xf32, #tpu.memory_space<vmem>>, vector<16xf32>,
            tpu.vector_store %arg11[%swap3A_262, %swap3A_263], %mul3A_261 {strides = array<i32>} : memref<80x128xf32, #tpu.memory_space<vmem>>, vector<16xf32>,
            %get3A_265 = arith.index_cast %scan3A_220 : i32 to index
            %get3A_266 = arith.constant 96 : index
            %get3A_267 = tpu.vector_load %arg11[%get3A_265, %get3A_266] {strides = array<i32>} : memref<80x128xf32, #tpu.memory_space<vmem>>, vector<16xf32>,
            %mul3A_268 = arith.mulf %get3A_267, %gather3A : vector<16xf32>
            %swap3A_269 = arith.index_cast %scan3A_220 : i32 to index
            %swap3A_270 = arith.constant 96 : index
            %swap3A_271 = tpu.vector_load %arg11[%swap3A_269, %swap3A_270] {strides = array<i32>} : memref<80x128xf32, #tpu.memory_space<vmem>>, vector<16xf32>,
            tpu.vector_store %arg11[%swap3A_269, %swap3A_270], %mul3A_268 {strides = array<i32>} : memref<80x128xf32, #tpu.memory_space<vmem>>, vector<16xf32>,
            %get3A_272 = arith.index_cast %scan3A_220 : i32 to index
            %get3A_273 = arith.constant 112 : index
            %get3A_274 = tpu.vector_load %arg11[%get3A_272, %get3A_273] {strides = array<i32>} : memref<80x128xf32, #tpu.memory_space<vmem>>, vector<16xf32>,
            %mul3A_275 = arith.mulf %get3A_274, %gather3A : vector<16xf32>
            %swap3A_276 = arith.index_cast %scan3A_220 : i32 to index
            %swap3A_277 = arith.constant 112 : index
            %swap3A_278 = tpu.vector_load %arg11[%swap3A_276, %swap3A_277] {strides = array<i32>} : memref<80x128xf32, #tpu.memory_space<vmem>>, vector<16xf32>,
            tpu.vector_store %arg11[%swap3A_276, %swap3A_277], %mul3A_275 {strides = array<i32>} : memref<80x128xf32, #tpu.memory_space<vmem>>, vector<16xf32>,
            %scan3A_279 = arith.constant 1 : i32
            %scan3A_280 = arith.addi %scan3A_220, %scan3A_279 : i32
            %mul3A_281 = arith.constant 80 : i32
            %mul3A_282 = arith.muli %scan3A_157, %mul3A_281 : i32
            %broadcast_in_dim3A_283 = vector.broadcast %mul3A_282 : i32 to vector<16xi32>
            %add3A_284 = vector.broadcast %scan3A_280 : i32 to vector<16xi32>
            %add3A_285 = arith.addi %broadcast_in_dim3A_283, %add3A_284 : vector<16xi32>
            %gather3A_286 = tpu.vector_load_idx %arg9[%add3A_285] : memref<10000xf32, #tpu.memory_space<vmem>>[vector<16xi32>], vector<16xf32>,
            %get3A_287 = arith.index_cast %scan3A_280 : i32 to index
            %get3A_288 = arith.constant 0 : index
            %get3A_289 = tpu.vector_load %arg11[%get3A_287, %get3A_288] {strides = array<i32>} : memref<80x128xf32, #tpu.memory_space<vmem>>, vector<16xf32>,
            %mul3A_290 = arith.mulf %get3A_289, %gather3A_286 : vector<16xf32>
            %swap3A_291 = arith.index_cast %scan3A_280 : i32 to index
            %swap3A_292 = arith.constant 0 : index
            %swap3A_293 = tpu.vector_load %arg11[%swap3A_291, %swap3A_292] {strides = array<i32>} : memref<80x128xf32, #tpu.memory_space<vmem>>, vector<16xf32>,
            tpu.vector_store %arg11[%swap3A_291, %swap3A_292], %mul3A_290 {strides = array<i32>} : memref<80x128xf32, #tpu.memory_space<vmem>>, vector<16xf32>,
            %get3A_294 = arith.index_cast %scan3A_280 : i32 to index
            %get3A_295 = arith.constant 16 : index
            %get3A_296 = tpu.vector_load %arg11[%get3A_294, %get3A_295] {strides = array<i32>} : memref<80x128xf32, #tpu.memory_space<vmem>>, vector<16xf32>,
            %mul3A_297 = arith.mulf %get3A_296, %gather3A_286 : vector<16xf32>
            %swap3A_298 = arith.index_cast %scan3A_280 : i32 to index
            %swap3A_299 = arith.constant 16 : index
            %swap3A_300 = tpu.vector_load %arg11[%swap3A_298, %swap3A_299] {strides = array<i32>} : memref<80x128xf32, #tpu.memory_space<vmem>>, vector<16xf32>,
            tpu.vector_store %arg11[%swap3A_298, %swap3A_299], %mul3A_297 {strides = array<i32>} : memref<80x128xf32, #tpu.memory_space<vmem>>, vector<16xf32>,
            %get3A_301 = arith.index_cast %scan3A_280 : i32 to index
            %get3A_302 = arith.constant 32 : index
            %get3A_303 = tpu.vector_load %arg11[%get3A_301, %get3A_302] {strides = array<i32>} : memref<80x128xf32, #tpu.memory_space<vmem>>, vector<16xf32>,
            %mul3A_304 = arith.mulf %get3A_303, %gather3A_286 : vector<16xf32>
            %swap3A_305 = arith.index_cast %scan3A_280 : i32 to index
            %swap3A_306 = arith.constant 32 : index
            %swap3A_307 = tpu.vector_load %arg11[%swap3A_305, %swap3A_306] {strides = array<i32>} : memref<80x128xf32, #tpu.memory_space<vmem>>, vector<16xf32>,
            tpu.vector_store %arg11[%swap3A_305, %swap3A_306], %mul3A_304 {strides = array<i32>} : memref<80x128xf32, #tpu.memory_space<vmem>>, vector<16xf32>,
            %get3A_308 = arith.index_cast %scan3A_280 : i32 to index
            %get3A_309 = arith.constant 48 : index
            %get3A_310 = tpu.vector_load %arg11[%get3A_308, %get3A_309] {strides = array<i32>} : memref<80x128xf32, #tpu.memory_space<vmem>>, vector<16xf32>,
            %mul3A_311 = arith.mulf %get3A_310, %gather3A_286 : vector<16xf32>
            %swap3A_312 = arith.index_cast %scan3A_280 : i32 to index
            %swap3A_313 = arith.constant 48 : index
            %swap3A_314 = tpu.vector_load %arg11[%swap3A_312, %swap3A_313] {strides = array<i32>} : memref<80x128xf32, #tpu.memory_space<vmem>>, vector<16xf32>,
            tpu.vector_store %arg11[%swap3A_312, %swap3A_313], %mul3A_311 {strides = array<i32>} : memref<80x128xf32, #tpu.memory_space<vmem>>, vector<16xf32>,
            %get3A_315 = arith.index_cast %scan3A_280 : i32 to index
            %get3A_316 = arith.constant 64 : index
            %get3A_317 = tpu.vector_load %arg11[%get3A_315, %get3A_316] {strides = array<i32>} : memref<80x128xf32, #tpu.memory_space<vmem>>, vector<16xf32>,
            %mul3A_318 = arith.mulf %get3A_317, %gather3A_286 : vector<16xf32>
            %swap3A_319 = arith.index_cast %scan3A_280 : i32 to index
            %swap3A_320 = arith.constant 64 : index
            %swap3A_321 = tpu.vector_load %arg11[%swap3A_319, %swap3A_320] {strides = array<i32>} : memref<80x128xf32, #tpu.memory_space<vmem>>, vector<16xf32>,
            tpu.vector_store %arg11[%swap3A_319, %swap3A_320], %mul3A_318 {strides = array<i32>} : memref<80x128xf32, #tpu.memory_space<vmem>>, vector<16xf32>,
            %get3A_322 = arith.index_cast %scan3A_280 : i32 to index
            %get3A_323 = arith.constant 80 : index
            %get3A_324 = tpu.vector_load %arg11[%get3A_322, %get3A_323] {strides = array<i32>} : memref<80x128xf32, #tpu.memory_space<vmem>>, vector<16xf32>,
            %mul3A_325 = arith.mulf %get3A_324, %gather3A_286 : vector<16xf32>
            %swap3A_326 = arith.index_cast %scan3A_280 : i32 to index
            %swap3A_327 = arith.constant 80 : index
            %swap3A_328 = tpu.vector_load %arg11[%swap3A_326, %swap3A_327] {strides = array<i32>} : memref<80x128xf32, #tpu.memory_space<vmem>>, vector<16xf32>,
            tpu.vector_store %arg11[%swap3A_326, %swap3A_327], %mul3A_325 {strides = array<i32>} : memref<80x128xf32, #tpu.memory_space<vmem>>, vector<16xf32>,
            %get3A_329 = arith.index_cast %scan3A_280 : i32 to index
            %get3A_330 = arith.constant 96 : index
            %get3A_331 = tpu.vector_load %arg11[%get3A_329, %get3A_330] {strides = array<i32>} : memref<80x128xf32, #tpu.memory_space<vmem>>, vector<16xf32>,
            %mul3A_332 = arith.mulf %get3A_331, %gather3A_286 : vector<16xf32>
            %swap3A_333 = arith.index_cast %scan3A_280 : i32 to index
            %swap3A_334 = arith.constant 96 : index
            %swap3A_335 = tpu.vector_load %arg11[%swap3A_333, %swap3A_334] {strides = array<i32>} : memref<80x128xf32, #tpu.memory_space<vmem>>, vector<16xf32>,
            tpu.vector_store %arg11[%swap3A_333, %swap3A_334], %mul3A_332 {strides = array<i32>} : memref<80x128xf32, #tpu.memory_space<vmem>>, vector<16xf32>,
            %get3A_336 = arith.index_cast %scan3A_280 : i32 to index
            %get3A_337 = arith.constant 112 : index
            %get3A_338 = tpu.vector_load %arg11[%get3A_336, %get3A_337] {strides = array<i32>} : memref<80x128xf32, #tpu.memory_space<vmem>>, vector<16xf32>,
            %mul3A_339 = arith.mulf %get3A_338, %gather3A_286 : vector<16xf32>
            %swap3A_340 = arith.index_cast %scan3A_280 : i32 to index
            %swap3A_341 = arith.constant 112 : index
            %swap3A_342 = tpu.vector_load %arg11[%swap3A_340, %swap3A_341] {strides = array<i32>} : memref<80x128xf32, #tpu.memory_space<vmem>>, vector<16xf32>,
            tpu.vector_store %arg11[%swap3A_340, %swap3A_341], %mul3A_339 {strides = array<i32>} : memref<80x128xf32, #tpu.memory_space<vmem>>, vector<16xf32>,
            %scan3A_343 = arith.constant 2 : i32
            %scan3A_344 = arith.addi %scan3A_220, %scan3A_343 : i32
            %mul3A_345 = arith.constant 80 : i32
            %mul3A_346 = arith.muli %scan3A_157, %mul3A_345 : i32
            %broadcast_in_dim3A_347 = vector.broadcast %mul3A_346 : i32 to vector<16xi32>
            %add3A_348 = vector.broadcast %scan3A_344 : i32 to vector<16xi32>
            %add3A_349 = arith.addi %broadcast_in_dim3A_347, %add3A_348 : vector<16xi32>
            %gather3A_350 = tpu.vector_load_idx %arg9[%add3A_349] : memref<10000xf32, #tpu.memory_space<vmem>>[vector<16xi32>], vector<16xf32>,
            %get3A_351 = arith.index_cast %scan3A_344 : i32 to index
            %get3A_352 = arith.constant 0 : index
            %get3A_353 = tpu.vector_load %arg11[%get3A_351, %get3A_352] {strides = array<i32>} : memref<80x128xf32, #tpu.memory_space<vmem>>, vector<16xf32>,
            %mul3A_354 = arith.mulf %get3A_353, %gather3A_350 : vector<16xf32>
            %swap3A_355 = arith.index_cast %scan3A_344 : i32 to index
            %swap3A_356 = arith.constant 0 : index
            %swap3A_357 = tpu.vector_load %arg11[%swap3A_355, %swap3A_356] {strides = array<i32>} : memref<80x128xf32, #tpu.memory_space<vmem>>, vector<16xf32>,
            tpu.vector_store %arg11[%swap3A_355, %swap3A_356], %mul3A_354 {strides = array<i32>} : memref<80x128xf32, #tpu.memory_space<vmem>>, vector<16xf32>,
            %get3A_358 = arith.index_cast %scan3A_344 : i32 to index
            %get3A_359 = arith.constant 16 : index
            %get3A_360 = tpu.vector_load %arg11[%get3A_358, %get3A_359] {strides = array<i32>} : memref<80x128xf32, #tpu.memory_space<vmem>>, vector<16xf32>,
            %mul3A_361 = arith.mulf %get3A_360, %gather3A_350 : vector<16xf32>
            %swap3A_362 = arith.index_cast %scan3A_344 : i32 to index
            %swap3A_363 = arith.constant 16 : index
            %swap3A_364 = tpu.vector_load %arg11[%swap3A_362, %swap3A_363] {strides = array<i32>} : memref<80x128xf32, #tpu.memory_space<vmem>>, vector<16xf32>,
            tpu.vector_store %arg11[%swap3A_362, %swap3A_363], %mul3A_361 {strides = array<i32>} : memref<80x128xf32, #tpu.memory_space<vmem>>, vector<16xf32>,
            %get3A_365 = arith.index_cast %scan3A_344 : i32 to index
            %get3A_366 = arith.constant 32 : index
            %get3A_367 = tpu.vector_load %arg11[%get3A_365, %get3A_366] {strides = array<i32>} : memref<80x128xf32, #tpu.memory_space<vmem>>, vector<16xf32>,
            %mul3A_368 = arith.mulf %get3A_367, %gather3A_350 : vector<16xf32>
            %swap3A_369 = arith.index_cast %scan3A_344 : i32 to index
            %swap3A_370 = arith.constant 32 : index
            %swap3A_371 = tpu.vector_load %arg11[%swap3A_369, %swap3A_370] {strides = array<i32>} : memref<80x128xf32, #tpu.memory_space<vmem>>, vector<16xf32>,
            tpu.vector_store %arg11[%swap3A_369, %swap3A_370], %mul3A_368 {strides = array<i32>} : memref<80x128xf32, #tpu.memory_space<vmem>>, vector<16xf32>,
            %get3A_372 = arith.index_cast %scan3A_344 : i32 to index
            %get3A_373 = arith.constant 48 : index
            %get3A_374 = tpu.vector_load %arg11[%get3A_372, %get3A_373] {strides = array<i32>} : memref<80x128xf32, #tpu.memory_space<vmem>>, vector<16xf32>,
            %mul3A_375 = arith.mulf %get3A_374, %gather3A_350 : vector<16xf32>
            %swap3A_376 = arith.index_cast %scan3A_344 : i32 to index
            %swap3A_377 = arith.constant 48 : index
            %swap3A_378 = tpu.vector_load %arg11[%swap3A_376, %swap3A_377] {strides = array<i32>} : memref<80x128xf32, #tpu.memory_space<vmem>>, vector<16xf32>,
            tpu.vector_store %arg11[%swap3A_376, %swap3A_377], %mul3A_375 {strides = array<i32>} : memref<80x128xf32, #tpu.memory_space<vmem>>, vector<16xf32>,
            %get3A_379 = arith.index_cast %scan3A_344 : i32 to index
            %get3A_380 = arith.constant 64 : index
            %get3A_381 = tpu.vector_load %arg11[%get3A_379, %get3A_380] {strides = array<i32>} : memref<80x128xf32, #tpu.memory_space<vmem>>, vector<16xf32>,
            %mul3A_382 = arith.mulf %get3A_381, %gather3A_350 : vector<16xf32>
            %swap3A_383 = arith.index_cast %scan3A_344 : i32 to index
            %swap3A_384 = arith.constant 64 : index
            %swap3A_385 = tpu.vector_load %arg11[%swap3A_383, %swap3A_384] {strides = array<i32>} : memref<80x128xf32, #tpu.memory_space<vmem>>, vector<16xf32>,
            tpu.vector_store %arg11[%swap3A_383, %swap3A_384], %mul3A_382 {strides = array<i32>} : memref<80x128xf32, #tpu.memory_space<vmem>>, vector<16xf32>,
            %get3A_386 = arith.index_cast %scan3A_344 : i32 to index
            %get3A_387 = arith.constant 80 : index
            %get3A_388 = tpu.vector_load %arg11[%get3A_386, %get3A_387] {strides = array<i32>} : memref<80x128xf32, #tpu.memory_space<vmem>>, vector<16xf32>,
            %mul3A_389 = arith.mulf %get3A_388, %gather3A_350 : vector<16xf32>
            %swap3A_390 = arith.index_cast %scan3A_344 : i32 to index
            %swap3A_391 = arith.constant 80 : index
            %swap3A_392 = tpu.vector_load %arg11[%swap3A_390, %swap3A_391] {strides = array<i32>} : memref<80x128xf32, #tpu.memory_space<vmem>>, vector<16xf32>,
            tpu.vector_store %arg11[%swap3A_390, %swap3A_391], %mul3A_389 {strides = array<i32>} : memref<80x128xf32, #tpu.memory_space<vmem>>, vector<16xf32>,
            %get3A_393 = arith.index_cast %scan3A_344 : i32 to index
            %get3A_394 = arith.constant 96 : index
            %get3A_395 = tpu.vector_load %arg11[%get3A_393, %get3A_394] {strides = array<i32>} : memref<80x128xf32, #tpu.memory_space<vmem>>, vector<16xf32>,
            %mul3A_396 = arith.mulf %get3A_395, %gather3A_350 : vector<16xf32>
            %swap3A_397 = arith.index_cast %scan3A_344 : i32 to index
            %swap3A_398 = arith.constant 96 : index
            %swap3A_399 = tpu.vector_load %arg11[%swap3A_397, %swap3A_398] {strides = array<i32>} : memref<80x128xf32, #tpu.memory_space<vmem>>, vector<16xf32>,
            tpu.vector_store %arg11[%swap3A_397, %swap3A_398], %mul3A_396 {strides = array<i32>} : memref<80x128xf32, #tpu.memory_space<vmem>>, vector<16xf32>,
            %get3A_400 = arith.index_cast %scan3A_344 : i32 to index
            %get3A_401 = arith.constant 112 : index
            %get3A_402 = tpu.vector_load %arg11[%get3A_400, %get3A_401] {strides = array<i32>} : memref<80x128xf32, #tpu.memory_space<vmem>>, vector<16xf32>,
            %mul3A_403 = arith.mulf %get3A_402, %gather3A_350 : vector<16xf32>
            %swap3A_404 = arith.index_cast %scan3A_344 : i32 to index
            %swap3A_405 = arith.constant 112 : index
            %swap3A_406 = tpu.vector_load %arg11[%swap3A_404, %swap3A_405] {strides = array<i32>} : memref<80x128xf32, #tpu.memory_space<vmem>>, vector<16xf32>,
            tpu.vector_store %arg11[%swap3A_404, %swap3A_405], %mul3A_403 {strides = array<i32>} : memref<80x128xf32, #tpu.memory_space<vmem>>, vector<16xf32>,
            %scan3A_407 = arith.constant 3 : i32
            %scan3A_408 = arith.addi %scan3A_220, %scan3A_407 : i32
            %mul3A_409 = arith.constant 80 : i32
            %mul3A_410 = arith.muli %scan3A_157, %mul3A_409 : i32
            %broadcast_in_dim3A_411 = vector.broadcast %mul3A_410 : i32 to vector<16xi32>
            %add3A_412 = vector.broadcast %scan3A_408 : i32 to vector<16xi32>
            %add3A_413 = arith.addi %broadcast_in_dim3A_411, %add3A_412 : vector<16xi32>
            %gather3A_414 = tpu.vector_load_idx %arg9[%add3A_413] : memref<10000xf32, #tpu.memory_space<vmem>>[vector<16xi32>], vector<16xf32>,
            %get3A_415 = arith.index_cast %scan3A_408 : i32 to index
            %get3A_416 = arith.constant 0 : index
            %get3A_417 = tpu.vector_load %arg11[%get3A_415, %get3A_416] {strides = array<i32>} : memref<80x128xf32, #tpu.memory_space<vmem>>, vector<16xf32>,
            %mul3A_418 = arith.mulf %get3A_417, %gather3A_414 : vector<16xf32>
            %swap3A_419 = arith.index_cast %scan3A_408 : i32 to index
            %swap3A_420 = arith.constant 0 : index
            %swap3A_421 = tpu.vector_load %arg11[%swap3A_419, %swap3A_420] {strides = array<i32>} : memref<80x128xf32, #tpu.memory_space<vmem>>, vector<16xf32>,
            tpu.vector_store %arg11[%swap3A_419, %swap3A_420], %mul3A_418 {strides = array<i32>} : memref<80x128xf32, #tpu.memory_space<vmem>>, vector<16xf32>,
            %get3A_422 = arith.index_cast %scan3A_408 : i32 to index
            %get3A_423 = arith.constant 16 : index
            %get3A_424 = tpu.vector_load %arg11[%get3A_422, %get3A_423] {strides = array<i32>} : memref<80x128xf32, #tpu.memory_space<vmem>>, vector<16xf32>,
            %mul3A_425 = arith.mulf %get3A_424, %gather3A_414 : vector<16xf32>
            %swap3A_426 = arith.index_cast %scan3A_408 : i32 to index
            %swap3A_427 = arith.constant 16 : index
            %swap3A_428 = tpu.vector_load %arg11[%swap3A_426, %swap3A_427] {strides = array<i32>} : memref<80x128xf32, #tpu.memory_space<vmem>>, vector<16xf32>,
            tpu.vector_store %arg11[%swap3A_426, %swap3A_427], %mul3A_425 {strides = array<i32>} : memref<80x128xf32, #tpu.memory_space<vmem>>, vector<16xf32>,
            %get3A_429 = arith.index_cast %scan3A_408 : i32 to index
            %get3A_430 = arith.constant 32 : index
            %get3A_431 = tpu.vector_load %arg11[%get3A_429, %get3A_430] {strides = array<i32>} : memref<80x128xf32, #tpu.memory_space<vmem>>, vector<16xf32>,
            %mul3A_432 = arith.mulf %get3A_431, %gather3A_414 : vector<16xf32>
            %swap3A_433 = arith.index_cast %scan3A_408 : i32 to index
            %swap3A_434 = arith.constant 32 : index
            %swap3A_435 = tpu.vector_load %arg11[%swap3A_433, %swap3A_434] {strides = array<i32>} : memref<80x128xf32, #tpu.memory_space<vmem>>, vector<16xf32>,
            tpu.vector_store %arg11[%swap3A_433, %swap3A_434], %mul3A_432 {strides = array<i32>} : memref<80x128xf32, #tpu.memory_space<vmem>>, vector<16xf32>,
            %get3A_436 = arith.index_cast %scan3A_408 : i32 to index
            %get3A_437 = arith.constant 48 : index
            %get3A_438 = tpu.vector_load %arg11[%get3A_436, %get3A_437] {strides = array<i32>} : memref<80x128xf32, #tpu.memory_space<vmem>>, vector<16xf32>,
            %mul3A_439 = arith.mulf %get3A_438, %gather3A_414 : vector<16xf32>
            %swap3A_440 = arith.index_cast %scan3A_408 : i32 to index
            %swap3A_441 = arith.constant 48 : index
            %swap3A_442 = tpu.vector_load %arg11[%swap3A_440, %swap3A_441] {strides = array<i32>} : memref<80x128xf32, #tpu.memory_space<vmem>>, vector<16xf32>,
            tpu.vector_store %arg11[%swap3A_440, %swap3A_441], %mul3A_439 {strides = array<i32>} : memref<80x128xf32, #tpu.memory_space<vmem>>, vector<16xf32>,
            %get3A_443 = arith.index_cast %scan3A_408 : i32 to index
            %get3A_444 = arith.constant 64 : index
            %get3A_445 = tpu.vector_load %arg11[%get3A_443, %get3A_444] {strides = array<i32>} : memref<80x128xf32, #tpu.memory_space<vmem>>, vector<16xf32>,
            %mul3A_446 = arith.mulf %get3A_445, %gather3A_414 : vector<16xf32>
            %swap3A_447 = arith.index_cast %scan3A_408 : i32 to index
            %swap3A_448 = arith.constant 64 : index
            %swap3A_449 = tpu.vector_load %arg11[%swap3A_447, %swap3A_448] {strides = array<i32>} : memref<80x128xf32, #tpu.memory_space<vmem>>, vector<16xf32>,
            tpu.vector_store %arg11[%swap3A_447, %swap3A_448], %mul3A_446 {strides = array<i32>} : memref<80x128xf32, #tpu.memory_space<vmem>>, vector<16xf32>,
            %get3A_450 = arith.index_cast %scan3A_408 : i32 to index
            %get3A_451 = arith.constant 80 : index
            %get3A_452 = tpu.vector_load %arg11[%get3A_450, %get3A_451] {strides = array<i32>} : memref<80x128xf32, #tpu.memory_space<vmem>>, vector<16xf32>,
            %mul3A_453 = arith.mulf %get3A_452, %gather3A_414 : vector<16xf32>
            %swap3A_454 = arith.index_cast %scan3A_408 : i32 to index
            %swap3A_455 = arith.constant 80 : index
            %swap3A_456 = tpu.vector_load %arg11[%swap3A_454, %swap3A_455] {strides = array<i32>} : memref<80x128xf32, #tpu.memory_space<vmem>>, vector<16xf32>,
            tpu.vector_store %arg11[%swap3A_454, %swap3A_455], %mul3A_453 {strides = array<i32>} : memref<80x128xf32, #tpu.memory_space<vmem>>, vector<16xf32>,
            %get3A_457 = arith.index_cast %scan3A_408 : i32 to index
            %get3A_458 = arith.constant 96 : index
            %get3A_459 = tpu.vector_load %arg11[%get3A_457, %get3A_458] {strides = array<i32>} : memref<80x128xf32, #tpu.memory_space<vmem>>, vector<16xf32>,
            %mul3A_460 = arith.mulf %get3A_459, %gather3A_414 : vector<16xf32>
            %swap3A_461 = arith.index_cast %scan3A_408 : i32 to index
            %swap3A_462 = arith.constant 96 : index
            %swap3A_463 = tpu.vector_load %arg11[%swap3A_461, %swap3A_462] {strides = array<i32>} : memref<80x128xf32, #tpu.memory_space<vmem>>, vector<16xf32>,
            tpu.vector_store %arg11[%swap3A_461, %swap3A_462], %mul3A_460 {strides = array<i32>} : memref<80x128xf32, #tpu.memory_space<vmem>>, vector<16xf32>,
            %get3A_464 = arith.index_cast %scan3A_408 : i32 to index
            %get3A_465 = arith.constant 112 : index
            %get3A_466 = tpu.vector_load %arg11[%get3A_464, %get3A_465] {strides = array<i32>} : memref<80x128xf32, #tpu.memory_space<vmem>>, vector<16xf32>,
            %mul3A_467 = arith.mulf %get3A_466, %gather3A_414 : vector<16xf32>
            %swap3A_468 = arith.index_cast %scan3A_408 : i32 to index
            %swap3A_469 = arith.constant 112 : index
            %swap3A_470 = tpu.vector_load %arg11[%swap3A_468, %swap3A_469] {strides = array<i32>} : memref<80x128xf32, #tpu.memory_space<vmem>>, vector<16xf32>,
            tpu.vector_store %arg11[%swap3A_468, %swap3A_469], %mul3A_467 {strides = array<i32>} : memref<80x128xf32, #tpu.memory_space<vmem>>, vector<16xf32>,
          }
          %scan3A_210 = arith.constant 80 : i32
          %dma_start3A_211 = arith.constant 0 : i32
          %dma_start3A_212 = tpu.memref_slice %arg8[%scan3A_157, %dma_start3A_211] : memref<125x80xi32, #tpu.memory_space<vmem>> -> memref<1x80xi32, #tpu.memory_space<vmem>>
          %dma_start3A_213 = tpu.memref_squeeze %dma_start3A_212 : memref<1x80xi32, #tpu.memory_space<vmem>> -> memref<80xi32, #tpu.memory_space<vmem>>
          %dma_start3A_214 = arith.constant 0 : i32
          %dma_start3A_215 = arith.constant 0 : i32
          %dma_start3A_216 = tpu.memref_slice %arg12[%dma_start3A_214, %dma_start3A_215] : memref<10000x128xf32, #tpu.memory_space<vmem_shared>> -> memref<10000x128xf32, #tpu.memory_space<vmem_shared>>
          tpu.enqueue_indirect_dma source(%arg11 : memref<80x128xf32, #tpu.memory_space<vmem>>) target(%dma_start3A_216 : memref<10000x128xf32, #tpu.memory_space<vmem_shared>>) offsets(%dma_start3A_213 : memref<80xi32, #tpu.memory_space<vmem>>) semaphore(%arg14 : memref<!tpu.dma_semaphore, #tpu.memory_space<semaphore_mem>>) {add = true}
          %convert_element_type3A_217 = arith.extui %lt3A_197 : i1 to i32
          %cond3A_218 = arith.constant 0 : i32
          %cond3A_219 = arith.cmpi ne, %convert_element_type3A_217, %cond3A_218 : i32
          scf.if %cond3A_219 {
            %add3A_220 = arith.constant 1 : i32
            %add3A_221 = arith.addi %scan3A_157, %add3A_220 : i32
            %dma_wait3A_222 = arith.constant 0 : i32
            %dma_wait3A_223 = tpu.memref_slice %arg7[%add3A_221, %dma_wait3A_222] : memref<125x80xi32, #tpu.memory_space<vmem>> -> memref<1x80xi32, #tpu.memory_space<vmem>>
            %dma_wait3A_224 = tpu.memref_squeeze %dma_wait3A_223 : memref<1x80xi32, #tpu.memory_space<vmem>> -> memref<80xi32, #tpu.memory_space<vmem>>
            %dma_wait3A_225 = arith.constant 0 : i32
            %dma_wait3A_226 = arith.constant 0 : i32
            %dma_wait3A_227 = tpu.memref_slice %arg2[%scan3A_144, %dma_wait3A_225, %dma_wait3A_226] : memref<2x10000x128xf32, #tpu.memory_space<hbm>> -> memref<1x10000x128xf32, #tpu.memory_space<hbm>>
            %dma_wait3A_228 = tpu.memref_squeeze %dma_wait3A_227 : memref<1x10000x128xf32, #tpu.memory_space<hbm>> -> memref<10000x128xf32, #tpu.memory_space<hbm>>
            %dma_wait3A_229 = arith.constant 0 : i32
            %dma_wait3A_230 = arith.constant 0 : i32
            %dma_wait3A_231 = tpu.memref_slice %dma_wait3A_228[%dma_wait3A_229, %dma_wait3A_230] : memref<10000x128xf32, #tpu.memory_space<hbm>> -> memref<10000x128xf32, #tpu.memory_space<hbm>>
            tpu.wait_indirect_dma semaphore(%arg13 : memref<!tpu.dma_semaphore, #tpu.memory_space<semaphore_mem>>) src(%dma_wait3A_231 : memref<10000x128xf32, #tpu.memory_space<hbm>>) dst(%arg10 : memref<80x128xf32, #tpu.memory_space<vmem>>)
          } else {
          }
        } else {
        }
      }
      %scan3A_149 = arith.constant 125 : i32
      %dma_wait3A_150 = arith.constant 124 : i32
      %dma_wait3A_151 = arith.constant 0 : i32
      %dma_wait3A_152 = tpu.memref_slice %arg8[%dma_wait3A_150, %dma_wait3A_151] : memref<125x80xi32, #tpu.memory_space<vmem>> -> memref<1x80xi32, #tpu.memory_space<vmem>>
      %dma_wait3A_153 = tpu.memref_squeeze %dma_wait3A_152 : memref<1x80xi32, #tpu.memory_space<vmem>> -> memref<80xi32, #tpu.memory_space<vmem>>
      %dma_wait3A_154 = arith.constant 0 : i32
      %dma_wait3A_155 = arith.constant 0 : i32
      %dma_wait3A_156 = tpu.memref_slice %arg12[%dma_wait3A_154, %dma_wait3A_155] : memref<10000x128xf32, #tpu.memory_space<vmem_shared>> -> memref<10000x128xf32, #tpu.memory_space<vmem_shared>>
      tpu.wait_indirect_dma semaphore(%arg14 : memref<!tpu.dma_semaphore, #tpu.memory_space<semaphore_mem>>) src(%arg10 : memref<80x128xf32, #tpu.memory_space<vmem>>) dst(%dma_wait3A_156 : memref<10000x128xf32, #tpu.memory_space<vmem_shared>>)
    } else {
    }
    %barrier3A_110 = arith.constant 0 : index
    tpu.barrier barrier_id(%barrier3A_110)
    %eq3A_111 = arith.constant 0 : i32
    %eq3A_112 = arith.cmpi eq, %arg0, %eq3A_111 : i32
    %convert_element_type3A_113 = arith.extui %eq3A_112 : i1 to i32
    %cond3A_114 = arith.constant 0 : i32
    %cond3A_115 = arith.cmpi ne, %convert_element_type3A_113, %cond3A_114 : i32
    scf.if %cond3A_115 {
      %mul3A_121 = arith.constant 625 : i32
      %mul3A_122 = arith.muli %arg1, %mul3A_121 : i32
      %mul3A_123 = arith.constant 625 : i32
      %mul3A_124 = arith.muli %arg1, %mul3A_123 : i32
      %run_scoped3A = arith.constant 0 : i32
      "tpu.region"() ({
        %run_scoped3A_125 = tpu.sem_alloc : memref<!tpu.dma_semaphore, #tpu.memory_space<semaphore_mem>>
        %dma_start3A = arith.constant 0 : i32
        %dma_start3A_126 = arith.constant 0 : i32
        %dma_start3A_127 = tpu.memref_slice %arg6[%run_scoped3A, %dma_start3A, %dma_start3A_126] : memref<2x10000x128xf32, #tpu.memory_space<hbm>> -> memref<1x10000x128xf32, #tpu.memory_space<hbm>>
        %dma_start3A_128 = tpu.memref_squeeze %dma_start3A_127 : memref<1x10000x128xf32, #tpu.memory_space<hbm>> -> memref<10000x128xf32, #tpu.memory_space<hbm>>
        %dma_start3A_129 = arith.constant 0 : i32
        %dma_start3A_130 = tpu.memref_slice %dma_start3A_128[%mul3A_124, %dma_start3A_129] : memref<10000x128xf32, #tpu.memory_space<hbm>> -> memref<625x128xf32, #tpu.memory_space<hbm>>
        %dma_start3A_131 = arith.constant 0 : i32
        %dma_start3A_132 = tpu.memref_slice %arg12[%mul3A_122, %dma_start3A_131] : memref<10000x128xf32, #tpu.memory_space<vmem_shared>> -> memref<625x128xf32, #tpu.memory_space<vmem_shared>>
        tpu.enqueue_dma source(%dma_start3A_132 : memref<625x128xf32, #tpu.memory_space<vmem_shared>>) target(%dma_start3A_130 : memref<625x128xf32, #tpu.memory_space<hbm>>) target_semaphore(%run_scoped3A_125 : memref<!tpu.dma_semaphore, #tpu.memory_space<semaphore_mem>>)
        %dma_wait3A = arith.constant 0 : i32
        %dma_wait3A_133 = arith.constant 0 : i32
        %dma_wait3A_134 = tpu.memref_slice %arg6[%run_scoped3A, %dma_wait3A, %dma_wait3A_133] : memref<2x10000x128xf32, #tpu.memory_space<hbm>> -> memref<1x10000x128xf32, #tpu.memory_space<hbm>>
        %dma_wait3A_135 = tpu.memref_squeeze %dma_wait3A_134 : memref<1x10000x128xf32, #tpu.memory_space<hbm>> -> memref<10000x128xf32, #tpu.memory_space<hbm>>
        %dma_wait3A_136 = arith.constant 0 : i32
        %dma_wait3A_137 = tpu.memref_slice %dma_wait3A_135[%mul3A_124, %dma_wait3A_136] : memref<10000x128xf32, #tpu.memory_space<hbm>> -> memref<625x128xf32, #tpu.memory_space<hbm>>
        %dma_wait3A_138 = arith.constant 0 : i32
        %dma_wait3A_139 = tpu.memref_slice %arg12[%mul3A_122, %dma_wait3A_138] : memref<10000x128xf32, #tpu.memory_space<vmem_shared>> -> memref<625x128xf32, #tpu.memory_space<vmem_shared>>
        tpu.wait_dma2 semaphore(%run_scoped3A_125 : memref<!tpu.dma_semaphore, #tpu.memory_space<semaphore_mem>>) src(%dma_wait3A_139 : memref<625x128xf32, #tpu.memory_space<vmem_shared>>) dst(%dma_wait3A_137 : memref<625x128xf32, #tpu.memory_space<hbm>>)
        tpu.yield
      }) : () -> ()
    } else {
    }
    %eq3A_116 = arith.constant 1 : i32
    %eq3A_117 = arith.cmpi eq, %arg0, %eq3A_116 : i32
    %convert_element_type3A_118 = arith.extui %eq3A_117 : i1 to i32
    %cond3A_119 = arith.constant 0 : i32
    %cond3A_120 = arith.cmpi ne, %convert_element_type3A_118, %cond3A_119 : i32
    scf.if %cond3A_120 {
      %mul3A_121 = arith.constant 625 : i32
      %mul3A_122 = arith.muli %arg1, %mul3A_121 : i32
      %mul3A_123 = arith.constant 625 : i32
      %mul3A_124 = arith.muli %arg1, %mul3A_123 : i32
      %run_scoped3A = arith.constant 1 : i32
      "tpu.region"() ({
        %run_scoped3A_125 = tpu.sem_alloc : memref<!tpu.dma_semaphore, #tpu.memory_space<semaphore_mem>>
        %dma_start3A = arith.constant 0 : i32
        %dma_start3A_126 = arith.constant 0 : i32
        %dma_start3A_127 = tpu.memref_slice %arg6[%run_scoped3A, %dma_start3A, %dma_start3A_126] : memref<2x10000x128xf32, #tpu.memory_space<hbm>> -> memref<1x10000x128xf32, #tpu.memory_space<hbm>>
        %dma_start3A_128 = tpu.memref_squeeze %dma_start3A_127 : memref<1x10000x128xf32, #tpu.memory_space<hbm>> -> memref<10000x128xf32, #tpu.memory_space<hbm>>
        %dma_start3A_129 = arith.constant 0 : i32
        %dma_start3A_130 = tpu.memref_slice %dma_start3A_128[%mul3A_124, %dma_start3A_129] : memref<10000x128xf32, #tpu.memory_space<hbm>> -> memref<625x128xf32, #tpu.memory_space<hbm>>
        %dma_start3A_131 = arith.constant 0 : i32
        %dma_start3A_132 = tpu.memref_slice %arg12[%mul3A_122, %dma_start3A_131] : memref<10000x128xf32, #tpu.memory_space<vmem_shared>> -> memref<625x128xf32, #tpu.memory_space<vmem_shared>>
        tpu.enqueue_dma source(%dma_start3A_132 : memref<625x128xf32, #tpu.memory_space<vmem_shared>>) target(%dma_start3A_130 : memref<625x128xf32, #tpu.memory_space<hbm>>) target_semaphore(%run_scoped3A_125 : memref<!tpu.dma_semaphore, #tpu.memory_space<semaphore_mem>>)
        %dma_wait3A = arith.constant 0 : i32
        %dma_wait3A_133 = arith.constant 0 : i32
        %dma_wait3A_134 = tpu.memref_slice %arg6[%run_scoped3A, %dma_wait3A, %dma_wait3A_133] : memref<2x10000x128xf32, #tpu.memory_space<hbm>> -> memref<1x10000x128xf32, #tpu.memory_space<hbm>>
        %dma_wait3A_135 = tpu.memref_squeeze %dma_wait3A_134 : memref<1x10000x128xf32, #tpu.memory_space<hbm>> -> memref<10000x128xf32, #tpu.memory_space<hbm>>
        %dma_wait3A_136 = arith.constant 0 : i32
        %dma_wait3A_137 = tpu.memref_slice %dma_wait3A_135[%mul3A_124, %dma_wait3A_136] : memref<10000x128xf32, #tpu.memory_space<hbm>> -> memref<625x128xf32, #tpu.memory_space<hbm>>
        %dma_wait3A_138 = arith.constant 0 : i32
        %dma_wait3A_139 = tpu.memref_slice %arg12[%mul3A_122, %dma_wait3A_138] : memref<10000x128xf32, #tpu.memory_space<vmem_shared>> -> memref<625x128xf32, #tpu.memory_space<vmem_shared>>
        tpu.wait_dma2 semaphore(%run_scoped3A_125 : memref<!tpu.dma_semaphore, #tpu.memory_space<semaphore_mem>>) src(%dma_wait3A_139 : memref<625x128xf32, #tpu.memory_space<vmem_shared>>) dst(%dma_wait3A_137 : memref<625x128xf32, #tpu.memory_space<hbm>>)
        tpu.yield
      }) : () -> ()
    } else {
    }
    return
  }
}

module attributes {stable_mosaic.version = 14 : i64} {
  func.func @_act_body(%arg0: i32, %arg1: memref<2x1000x128xf32, #tpu.memory_space<vmem>>, %arg2: memref<1x256xf32, #tpu.memory_space<vmem>>, %arg3: memref<1xf32, #tpu.memory_space<smem>>, %arg4: memref<1000x256xf32, #tpu.memory_space<vmem>>) attributes {dimension_semantics = [#tpu.dimension_semantics<arbitrary>], iteration_bounds = array<i64: 10>, scalar_prefetch = 0 : i64, scratch_operands = 0 : i64, tpu.core_type = #tpu.core_type<tc>, window_params = [{transform_indices = @transform_0, window_bounds = array<i64: 2, 1000, 128>}, {pipeline_mode = #tpu.pipeline_mode<synchronous>, transform_indices = @transform_1, window_bounds = array<i64: 1, 256>}, {transform_indices = @transform_2, window_bounds = array<i64: 1>}, {transform_indices = @transform_3, window_bounds = array<i64: 1000, 256>}]} {
    %get3A = arith.constant 0 : index
    %get3A_0 = arith.constant 0 : index
    %get3A_1 = arith.constant 0 : index
    %get3A_2 = vector.load %arg1[%get3A, %get3A_0, %get3A_1] : memref<2x1000x128xf32, #tpu.memory_space<vmem>>, vector<1x1000x128xf32>
    %get3A_3 = vector.shape_cast %get3A_2 : vector<1x1000x128xf32> to vector<1000x128xf32>
    %get3A_4 = arith.constant 1 : index
    %get3A_5 = arith.constant 0 : index
    %get3A_6 = arith.constant 0 : index
    %get3A_7 = vector.load %arg1[%get3A_4, %get3A_5, %get3A_6] : memref<2x1000x128xf32, #tpu.memory_space<vmem>>, vector<1x1000x128xf32>
    %get3A_8 = vector.shape_cast %get3A_7 : vector<1x1000x128xf32> to vector<1000x128xf32>
    %concatenate3A = tpu.concatenate %get3A_3, %get3A_8 in 1 : vector<1000x128xf32>, vector<1000x128xf32> -> vector<1000x256xf32>
    %get3A_9 = arith.constant 0 : index
    %get3A_10 = arith.constant 0 : index
    %get3A_11 = vector.load %arg2[%get3A_9, %get3A_10] : memref<1x256xf32, #tpu.memory_space<vmem>>, vector<1x256xf32>
    %add3A = vector.broadcast %get3A_11 : vector<1x256xf32> to vector<1000x256xf32>
    %add3A_12 = arith.addf %concatenate3A, %add3A : vector<1000x256xf32>
    %get3A_13 = arith.constant 0 : index
    %get3A_14 = memref.load %arg3[%get3A_13] : memref<1xf32, #tpu.memory_space<smem>>
    %ge3A = arith.constant 0.000000e+00 : f32
    %ge3A_15 = vector.broadcast %ge3A : f32 to vector<1000x256xf32>
    %ge3A_16 = arith.cmpf oge, %add3A_12, %ge3A_15 : vector<1000x256xf32>
    %mul3A = vector.broadcast %get3A_14 : f32 to vector<1000x256xf32>
    %mul3A_17 = arith.mulf %mul3A, %add3A_12 : vector<1000x256xf32>
    %select_n3A = arith.select %ge3A_16, %add3A_12, %mul3A_17 : vector<1000x256xi1>, vector<1000x256xf32>
    %swap3A = arith.constant 0 : index
    %swap3A_18 = arith.constant 0 : index
    %swap3A_19 = vector.load %arg4[%swap3A, %swap3A_18] : memref<1000x256xf32, #tpu.memory_space<vmem>>, vector<1000x256xf32>
    tpu.vector_store %arg4[%swap3A, %swap3A_18], %select_n3A {strides = array<i32>} : memref<1000x256xf32, #tpu.memory_space<vmem>>, vector<1000x256xf32>,
    return
  }
  func.func @transform_0(%arg0: i32) -> (i32, i32, i32) {
    %c0_i32 = arith.constant 0 : i32
    %c0_i32_0 = arith.constant 0 : i32
    %c0_i32_1 = arith.constant 0 : i32
    return %c0_i32, %arg0, %c0_i32_0 : i32, i32, i32
  }
  func.func @transform_1(%arg0: i32) -> (i32, i32) {
    %c0_i32 = arith.constant 0 : i32
    %c0_i32_0 = arith.constant 0 : i32
    %c0_i32_1 = arith.constant 0 : i32
    return %c0_i32, %c0_i32_0 : i32, i32
  }
  func.func @transform_2(%arg0: i32) -> i32 {
    %c0_i32 = arith.constant 0 : i32
    %c0_i32_0 = arith.constant 0 : i32
    return %c0_i32 : i32
  }
  func.func @transform_3(%arg0: i32) -> (i32, i32) {
    %c0_i32 = arith.constant 0 : i32
    %c0_i32_0 = arith.constant 0 : i32
    return %arg0, %c0_i32 : i32, i32
  }
}

module attributes {stable_mosaic.version = 14 : i64} {
  func.func @_mm_body(%arg0: i32, %arg1: memref<1000x256xf32, #tpu.memory_space<vmem>>, %arg2: memref<256x256xf32, #tpu.memory_space<vmem>>, %arg3: memref<2x1000x128xf32, #tpu.memory_space<vmem>>) attributes {dimension_semantics = [#tpu.dimension_semantics<arbitrary>], iteration_bounds = array<i64: 10>, scalar_prefetch = 0 : i64, scratch_operands = 0 : i64, tpu.core_type = #tpu.core_type<tc>, window_params = [{transform_indices = @transform_0, window_bounds = array<i64: 1000, 256>}, {pipeline_mode = #tpu.pipeline_mode<synchronous>, transform_indices = @transform_1, window_bounds = array<i64: 256, 256>}, {transform_indices = @transform_2, window_bounds = array<i64: 2, 1000, 128>}]} {
    %get3A = arith.constant 0 : index
    %get3A_0 = arith.constant 0 : index
    %get3A_1 = vector.load %arg1[%get3A, %get3A_0] : memref<1000x256xf32, #tpu.memory_space<vmem>>, vector<1000x256xf32>
    %get3A_2 = arith.constant 0 : index
    %get3A_3 = arith.constant 0 : index
    %get3A_4 = vector.load %arg2[%get3A_2, %get3A_3] : memref<256x256xf32, #tpu.memory_space<vmem>>, vector<256x256xf32>
    %dot_general3A = arith.constant dense<0.000000e+00> : vector<1000x256xf32>
    %dot_general3A_5 = tpu.matmul %get3A_1, %get3A_4, %dot_general3A {dimension_numbers = #tpu.dot_dimension_numbers<[1], [1], [0], [0], [0, 0, 1, 0], [], []>, transpose_lhs_hint = false} : vector<1000x256xf32>, vector<256x256xf32>, vector<1000x256xf32> -> vector<1000x256xf32>
    %slice3A = vector.extract_strided_slice %dot_general3A_5 {offsets = [0, 0], sizes = [1000, 128], strides = [1, 1]} : vector<1000x256xf32> to vector<1000x128xf32>
    %swap3A = arith.constant 0 : index
    %swap3A_6 = arith.constant 0 : index
    %swap3A_7 = arith.constant 0 : index
    %swap3A_8 = vector.load %arg3[%swap3A, %swap3A_6, %swap3A_7] : memref<2x1000x128xf32, #tpu.memory_space<vmem>>, vector<1x1000x128xf32>
    %swap3A_9 = vector.shape_cast %swap3A_8 : vector<1x1000x128xf32> to vector<1000x128xf32>
    %swap3A_10 = vector.shape_cast %slice3A : vector<1000x128xf32> to vector<1x1000x128xf32>
    tpu.vector_store %arg3[%swap3A, %swap3A_6, %swap3A_7], %swap3A_10 {strides = array<i32>} : memref<2x1000x128xf32, #tpu.memory_space<vmem>>, vector<1x1000x128xf32>,
    %slice3A_11 = vector.extract_strided_slice %dot_general3A_5 {offsets = [0, 128], sizes = [1000, 128], strides = [1, 1]} : vector<1000x256xf32> to vector<1000x128xf32>
    %swap3A_12 = arith.constant 1 : index
    %swap3A_13 = arith.constant 0 : index
    %swap3A_14 = arith.constant 0 : index
    %swap3A_15 = vector.load %arg3[%swap3A_12, %swap3A_13, %swap3A_14] : memref<2x1000x128xf32, #tpu.memory_space<vmem>>, vector<1x1000x128xf32>
    %swap3A_16 = vector.shape_cast %swap3A_15 : vector<1x1000x128xf32> to vector<1000x128xf32>
    %swap3A_17 = vector.shape_cast %slice3A_11 : vector<1000x128xf32> to vector<1x1000x128xf32>
    tpu.vector_store %arg3[%swap3A_12, %swap3A_13, %swap3A_14], %swap3A_17 {strides = array<i32>} : memref<2x1000x128xf32, #tpu.memory_space<vmem>>, vector<1x1000x128xf32>,
    return
  }
  func.func @transform_0(%arg0: i32) -> (i32, i32) {
    %c0_i32 = arith.constant 0 : i32
    %c0_i32_0 = arith.constant 0 : i32
    return %arg0, %c0_i32 : i32, i32
  }
  func.func @transform_1(%arg0: i32) -> (i32, i32) {
    %c0_i32 = arith.constant 0 : i32
    %c0_i32_0 = arith.constant 0 : i32
    %c0_i32_1 = arith.constant 0 : i32
    return %c0_i32, %c0_i32_0 : i32, i32
  }
  func.func @transform_2(%arg0: i32) -> (i32, i32, i32) {
    %c0_i32 = arith.constant 0 : i32
    %c0_i32_0 = arith.constant 0 : i32
    %c0_i32_1 = arith.constant 0 : i32
    return %c0_i32, %arg0, %c0_i32_0 : i32, i32, i32
  }
}

</mosaic_0001>

<sc_bundles>
// kernel: kernel.5.cloned.1.call-start
scs
__scs_entry_jumppad:
0x0: {  	(pc) =	sbr.rel $0x88, $3  }
0x1: {  	(tag) =	ssettag $0x0;
	lr =	simm.s32 $0x1  }
0x2: {  	[smem:$0x3F9B] =	sst lr;
	_ =	strace $0xD0000000  }
0x3: {  	_ = 	snop  }
0x4: {  	_ = 	snop  }
0x5: {  	_ = 	snop  }
0x6: {  	_ = 	snop  }
0x7: {  	_ = 	snop  }
__scs_overlays_trampoline_lowered:
0x8: {  	[smem:$0x3FAA] =	sst s0  }
0x9: {  	[smem:$0x3FAB] =	sst s1  }
0xa: {  	[smem:$0x3FAC] =	sst s2  }
0xb: {  	[smem:$0x3FAD] =	sst s3  }
0xc: {  	[smem:$0x3FAE] =	sst s4  }
0xd: {  	[smem:$0x3FAF] =	sst s5  }
0xe: {  	[smem:$0x3FB0] =	sst s6  }
0xf: {  	[smem:$0x3FB1] =	sst s7  }
0x10: {  	[smem:$0x3FB2] =	sst s8  }
0x11: {  	[smem:$0x3FB3] =	sst s9;
	s0 =	simm.s32 @!p0 $0x0  }
0x12: {  	s1 =	sld [smem:$0x3F99];
	s0 =	simm.s32 @p0 $0x1  }
0x13: {  	[smem:$0x3FB4] =	sst s0;
	s0 =	simm.s32 @!p1 $0x0  }
0x14: {  	s2 =	sld [smem:$0x3F98];
	s0 =	simm.s32 @p1 $0x1  }
0x15: {  	[smem:$0x3FB5] =	sst s0;
	s0 =	simm.s32 @!p2 $0x0  }
0x16: {  	s3 =	sld [smem:$0x3FDB];
	s0 =	simm.s32 @p2 $0x1  }
0x17: {  	s4 =	simm.s32 $0x1BF5;
	[smem:$0x3FB7] =	sst s0  }
0x18: {  	s0 =	sld [smem:$0x3F9A];
	_ =	swait.ge [sflag:s4], $0x0  }
0x19: {  	s7 =	sld [smem:$0x3F9B]  }
0x1a: {  	s8 =	sadd.s32 $0xFFFFE003, lr  }
0x1b: {  	s9 =	sadd.s32 $0xFFFFFEF7, lr;
	s5 =	simm.s32 $0xFFFFFFFF;
	p2 =	slt.u32 s8, $0xFFFFF086  }
0x1c: {  	p1 =	slt.u32 s9, $0xF7A;
	s5 =	simm.s32 @!p2 $0x0  }
0x1d: {  	s5 =	simm.s32 @p1 $0x1;
	p0 =	seq.s32 s7, s2  }
0x1e: {  	s7 =	smul.u32 @!p0 $0xF7A, s2;
	p2 =	seq.s32 @!p0 s5, $0x0  }
0x1f: {  	s9 =	smul.u32 $0xF7A, s1;
	s8 =	simm.s32 @!p0 $0x1BF5;
	p2 =	por !p2, p0  }
0x20: {  	[sflag:s8] =	ssyncset.s32 @!p0 $0xFFFFF086;
	s6 =	sadd.s32 @!p0 s3, s7;
	s7 =	simm.s32 @!p0 $0x108  }
0x21: {  	s3 =	sadd.s32 s3, s9;
	s6 =	sadd.s32 @!p0 $0x88, s6;
	s7 =	simm.s32 @p2 $0x1082  }
0x22: {  	[simem:s7], [sflag:s8] =	dma.local @!p0 [hbm:s6], $0xF7A  }
0x23: {  	s9 =	sor.u32 $0xD0000000, s2;
	s6 =	simm.s32 $0x108;
	_ =	swait.ge @!p0 [sflag:s8], $0x0  }
0x24: {  	s3 =	sadd.s32 $0x88, s3;
	s6 =	simm.s32 @!p1 $0x1082;
	[sflag:s4] =	ssyncset.s32 $0xFFFFF086  }
0x25: {  	[simem:s6], [sflag:s4] =	dma.local [hbm:s3], $0xF7A  }
0x26: {  	[smem:$0x3F9B] =	sst s1;
	(tag) =	ssettag s2;
	_ =	strace s9  }
0x27: {  	s1 =	sld [smem:$0x3FAB]  }
0x28: {  	s2 =	sld [smem:$0x3FAC]  }
0x29: {  	s4 =	sld [smem:$0x3FAE]  }
0x2a: {  	p0 =	seq.s32 s5, $0x0;
	s5 =	sld [smem:$0x3FAF]  }
0x2b: {  	s6 =	sld [smem:$0x3FB0]  }
0x2c: {  	s7 =	sld [smem:$0x3FB1]  }
0x2d: {  	s3 =	simm.s32 $0x108;
	s8 =	sld [smem:$0x3FB2]  }
0x2e: {  	s3 =	simm.s32 @!p0 $0x1082;
	s9 =	sld [smem:$0x3FB3]  }
0x2f: {  	lr =	sadd.s32 s0, s3;
	s0 =	sld [smem:$0x3FAA]  }
0x30: {  	s3 =	sld [smem:$0x3FAD]  }
0x31: {  	[smem:$0x3FB6] =	sst s10  }
0x32: {  	s10 =	sld [smem:$0x3FB4];
	_ =	sdelay $0x3  }
0x33: {  	p0 =	seq.s32 s10, $0x1;
	s10 =	sld [smem:$0x3FB6];
	_ =	sdelay $0x3  }
0x34: {  	[smem:$0x3FB6] =	sst s10  }
0x35: {  	s10 =	sld [smem:$0x3FB5];
	_ =	sdelay $0x3  }
0x36: {  	p1 =	seq.s32 s10, $0x1;
	s10 =	sld [smem:$0x3FB6];
	_ =	sdelay $0x3  }
0x37: {  	[smem:$0x3FB6] =	sst s10  }
0x38: {  	s10 =	sld [smem:$0x3FB7]  }
0x39: {  	_ = 	snop;
	(pc) =	sbr.ind lr, $3  }
0x3a: {  	_ = 	snop  }
0x3b: {  	_ = 	snop  }
0x3c: {  	p2 =	seq.s32 s10, $0x1;
	s10 =	sld [smem:$0x3FB6]  }
0x3d: {  	_ =	shalt  }
0x3e: {  	_ =	shalt  }
0x3f: {  	_ =	shalt  }
0x40: {  	_ =	shalt  }
0x41: {  	_ =	shalt  }
0x42: {  	_ =	shalt  }
0x43: {  	_ =	shalt  }
0x44: {  	_ =	shalt  }
0x45: {  	_ =	shalt  }
0x46: {  	_ =	shalt  }
0x47: {  	_ =	shalt  }
0x48: {  	_ =	shalt  }
0x49: {  	_ =	shalt  }
0x4a: {  	_ =	shalt  }
0x4b: {  	_ =	shalt  }
0x4c: {  	_ =	shalt  }
0x4d: {  	_ =	shalt  }
0x4e: {  	_ =	shalt  }
0x4f: {  	_ =	shalt  }
0x50: {  	_ =	shalt  }
0x51: {  	_ =	shalt  }
0x52: {  	_ =	shalt  }
0x53: {  	_ =	shalt  }
0x54: {  	_ =	shalt  }
0x55: {  	_ =	shalt  }
0x56: {  	_ =	shalt  }
0x57: {  	_ =	shalt  }
0x58: {  	_ =	shalt  }
0x59: {  	_ =	shalt  }
0x5a: {  	_ =	shalt  }
0x5b: {  	_ =	shalt  }
0x5c: {  	_ =	shalt  }
0x5d: {  	_ =	shalt  }
0x5e: {  	_ =	shalt  }
0x5f: {  	_ =	shalt  }
0x60: {  	_ =	shalt  }
0x61: {  	_ =	shalt  }
0x62: {  	_ =	shalt  }
0x63: {  	_ =	shalt  }
0x64: {  	_ =	shalt  }
0x65: {  	_ =	shalt  }
0x66: {  	_ =	shalt  }
0x67: {  	_ =	shalt  }
0x68: {  	_ =	shalt  }
0x69: {  	_ =	shalt  }
0x6a: {  	_ =	shalt  }
0x6b: {  	_ =	shalt  }
0x6c: {  	_ =	shalt  }
0x6d: {  	_ =	shalt  }
0x6e: {  	_ =	shalt  }
0x6f: {  	_ =	shalt  }
0x70: {  	_ =	shalt  }
0x71: {  	_ =	shalt  }
0x72: {  	_ =	shalt  }
0x73: {  	_ =	shalt  }
0x74: {  	_ =	shalt  }
0x75: {  	_ =	shalt  }
0x76: {  	_ =	shalt  }
0x77: {  	_ =	shalt  }
0x78: {  	_ =	shalt  }
0x79: {  	_ =	shalt  }
0x7a: {  	_ =	shalt  }
0x7b: {  	_ =	shalt  }
0x7c: {  	_ =	shalt  }
0x7d: {  	_ =	shalt  }
0x7e: {  	_ =	shalt  }
0x7f: {  	_ =	shalt  }
0x80: {  	_ =	shalt  }
0x81: {  	_ =	shalt  }
0x82: {  	_ =	shalt  }
0x83: {  	_ =	shalt  }
0x84: {  	_ =	shalt  }
0x85: {  	_ =	shalt  }
0x86: {  	_ =	shalt  }
0x87: {  	_ =	shalt  }
.Lfunc_end0:
.L_simem_size_0:
called_computation_lowered:
.L_overlay_start_0:
0x88: {  	s2 =	sld [smem:$0x3FD9]  }
0x89: {  	s3 =	sld [smem:$0x3FFE];
	_ =	sdelay $0x1  }
0x8a: {  	s1 =	srdreg.scid  }
0x8b: {  	s0 =	sand.u32 $0x1, s1  }
0x8c: {  	s17 =	sshll.u32 s0, $0xA;
	s2 =	sadd.s32 s3, s2  }
0x8d: {  	s2 =	sadd.s32 s2, s17  }
0x8e: {  	[smem:$0x3FC2] =	sst s2  }
0x8f: {  	_ = 	snop  }
0x90: {  	s2 =	sld [smem:$0x3FC7]  }
0x91: {  	s18 =	sld [smem:$0x3FD0];
	(tm) =	ssettm $0x1  }
0x92: {  	s4 =	sld [smem:$0x3FFB];
	_ =	sdelay $0x3  }
0x93: {  	_ =	strace s4  }
0x94: {  	s4 =	sld [smem:$0x3FFC];
	_ =	sdelay $0x3  }
0x95: {  	_ =	strace s4  }
0x96: {  	s4 =	sld [smem:$0x3FFD];
	_ =	sdelay $0x3  }
0x97: {  	_ =	strace s4  }
0x98: {  	_ =	strace $0x8FFFFFFF  }
0x99: {  	s19 =	sld [smem:$0x3FDB];
	_ =	sdelay $0x1  }
0x9a: {  	s5 =	simm.s32 $_scs_section_size  }
0x9b: {  	s6 =	simm.s32 $_size__tile_overlayer_lowered;
	s7 =	simm.s32 $_tile_overlayer_lowered  }
0x9c: {  	s22 =	simm.s32 $0x1BFF;
	s21 =	sshll.u32 s7, $0x1;
	s4 =	sadd.s32 s5, s19  }
0x9d: {  	s8 =	simm.s32 $0x0;
	s20 =	sshll.u32 s6, $0x1;
	s6 =	sadd.s32 s21, s4  }
0x9e: {  	[timem:s8], [sflag:s22] =	dma.local [hbm:s6], s20  }
0x9f: {  	_ =	swait.ge [sflag:s22], s20  }
0xa0: {  	s5 =	ssub.s32 $0x0, s20;
	[sflag:s22] =	ssyncset.done $0x0  }
0xa1: {  	[sflag:s22] =	ssyncadd.s32 s5;
	_ =	sdelay $0x1  }
0xa2: {  	s23 =	simm.s32 $0x1B8B  }
0xa3: {  	_ =	swait.ge [sflag:s23], $0x1  }
0xa4: {  	[sflag:s23] =	ssyncset.done $0x0  }
0xa5: {  	s25 =	simm.s32 $0x1B8E;
	s24 =	sld [smem:$0x3FFE];
	[sflag:s23] =	ssyncadd.s32 $0xFFFFFFFF  }
0xa6: {  	s26 =	simm.s32 $execute0_lowered;
	[smem:$0x3FD2] =	sst s25  }
0xa7: {  	s6 =	sshll.u32 s26, $0x1;
	_ =	strace $0x80000046;
	[dreg:$0x1] =	wrdreg $0xFFFFFFFF  }
0xa8: {  	s28 =	simm.s32 $_size_execute0_lowered;
	s4 =	sadd.s32 s4, s6;
	[dreg:$0x0] =	wrdreg $0x0  }
0xa9: {  	s6 =	sshll.u32 s28, $0x1;
	[dreg:$0x2] =	wrdreg s4  }
0xaa: {  	[dreg:$0x3] =	wrdreg s6  }
0xab: {  	[dreg:$0x4] =	wrdreg $0xC0  }
0xac: {  	_ =	task [dreg:s8], $0x5FFFF  }
0xad: {  	[dreg:$0x1] =	wrdreg $0xFFFFFFFF  }
0xae: {  	[dreg:$0x0] =	wrdreg $0x60  }
0xaf: {  	[dreg:$0x2] =	wrdreg s18  }
0xb0: {  	[dreg:$0x3] =	wrdreg s24  }
0xb1: {  	[dreg:$0x4] =	wrdreg s2  }
0xb2: {  	[dreg:$0x5] =	wrdreg $0xC5300  }
0xb3: {  	[dreg:$0x6] =	wrdreg $0x9  }
0xb4: {  	_ =	task.clear_ibuf [dreg:s8], $0x7FFFF;
	_ =	strace $0x90000046  }
0xb5: {  	s29 =	simm.s32 $0x9;
	_ =	strace $0x80000048  }
0xb6: {  	_ =	swait.ge [sflag:s29], $0x1  }
0xb7: {  	[sflag:s29] =	ssyncadd.s32 $0xFFFFFFFF  }
0xb8: {  	_ =	strace $0x90000048  }
0xb9: {  	_ =	sfence  }
0xba: {  	s30 =	sld [smem:$0x0];
	_ =	sdelay $0x2  }
0xbb: {  	s31 =	sshll.u32 s1, $0xD;
	s1 =	sshrl.u32 s1, $0x2  }
0xbc: {  	s3 =	sand.u32 $0x4000, s31;
	s1 =	sadd.s32 s1, s30  }
0xbd: {  	s0 =	sor.u32 s3, s0;
	s1 =	sshll.u32 s1, $0x11  }
0xbe: {  	s0 =	sor.u32 s1, s0  }
0xbf: {  	s0 =	sadd.s32 $0x8F2B, s0  }
0xc0: {  	[sflag:s0] =	ssyncadd.remote.s32 $0x1  }
0xc1: {  	_ =	sfence.sel $0xFFFF  }
0xc2: {  	[dreg:$0x0] =	wrdreg $0xFFFFFFFF;
	(pc) =	sbr.abs _section_cstart, $3  }
0xc3: {  	[dreg:$0x1] =	wrdreg $0xFFFFFFFF  }
0xc4: {  	_ =	task.clear_ibuf [dreg:s8], $0x2FFFF;
	_ =	strace $0x9FFFFFFF  }
0xc5: {  	(tm) =	ssettm $0x7FFFFFFF  }
tec
execute0_lowered:
.L_overlay_start_1:
0x0: {  	(tag) =	ssettag $0x1  }
0x1: {  	s1 =	rddreg [dreg:$0x0]  }
0x2: {  	s0 =	rddreg [dreg:$0x1]  }
0x3: {  	s2 =	rddreg [dreg:$0x2];
	s8 =	stileid.u32  }
0x4: {  	s3 =	rddreg [dreg:$0x3];
	s6 =	smul.u32 $0x4E2, s8  }
0x5: {  	s4 =	simm.s32 $0x0;
	s7 =	srdreg.scid;
	s5 =	smul.u32 $0x13880, s8  }
0x6: {  	[smem:$0x7FF] =	sst s4;
	s7 =	sand.u32 $0x1, s7;
	s8 =	smul.u32 $0x4E200, s8  }
0x7: {  	_ =	strace $0x80000047;
	s11 =	ssub.s32 $0x2, s7;
	p0 =	sne.s32 s7, $0x0  }
0x8: {  	s7 =	sadd.s32 $0x27100, s1;
	s9 =	sadd.s32 s6, s0;
	s8 =	sshrl.u32 s8, $0x2  }
0x9: {  	s10 =	sshrl.u32 s5, $0x3;
	s2 =	sadd.s32 s2, s6;
	s8 =	sadd.s32 s8, s3  }
0xa: {  	s13 =	sshrl.u32 s11, $0x1;
	[dreg:$0x10] =	wrdreg s2;
	s20 =	sadd.s32 $0xC80, s8  }
0xb: {  	s5 =	sadd.s32 s5, s3;
	s21 =	sadd.s32 $0x1900, s8;
	[dreg:$0x5] =	wrdreg s20  }
0xc: {  	s12 =	sadd.s32 s10, s0;
	s22 =	sadd.s32 $0x2580, s8;
	[dreg:$0x6] =	wrdreg s21  }
0xd: {  	s11 =	ssub.s32 s11, s13;
	s23 =	sadd.s32 $0x3200, s8;
	[dreg:$0x7] =	wrdreg s22  }
0xe: {  	s0 =	sadd.s32 $0x31700, s0;
	s24 =	sadd.s32 $0x3E80, s8;
	[dreg:$0x8] =	wrdreg s23  }
0xf: {  	s2 =	sadd.s32 $0x600, s9;
	s25 =	sadd.s32 $0x4B00, s8;
	[dreg:$0x9] =	wrdreg s24  }
0x10: {  	s13 =	simm.s32 $0x2;
	s26 =	sadd.s32 $0x5780, s8;
	[dreg:$0xa] =	wrdreg s25  }
0x11: {  	s14 =	sadd.s32 $0x6400, s8;
	s15 =	sadd.s32 $0x7080, s8;
	[dreg:$0xb] =	wrdreg s26  }
0x12: {  	s16 =	sadd.s32 $0x7D00, s8;
	s17 =	sadd.s32 $0x8980, s8;
	[dreg:$0xc] =	wrdreg s14  }
0x13: {  	s18 =	sadd.s32 $0x9600, s8;
	s19 =	sadd.s32 $0xA280, s8;
	[dreg:$0xd] =	wrdreg s15  }
0x14: {  	s0 =	sadd.s32 s10, s0;
	s28 =	sadd.s32 $0xFA00, s8;
	[dreg:$0xe] =	wrdreg s16  }
0x15: {  	s29 =	sadd.s32 $0x10680, s8;
	s30 =	sadd.s32 $0x11300, s8;
	[dreg:$0xf] =	wrdreg s17  }
0x16: {  	s31 =	sadd.s32 $0x11F80, s8;
	s6 =	smax.u32 s11, $0x1;
	[dreg:$0x11] =	wrdreg s18  }
0x17: {  	s10 =	simm.s32 $0x4E20;
	s11 =	simm.s32 $0x50;
	[dreg:$0x12] =	wrdreg s19  }
0x18: {  	[dreg:$0x13] =	wrdreg s0;
	s20 =	sadd.s32 $0xAF00, s8;
	s21 =	sadd.s32 $0xBB80, s8  }
0x19: {  	s22 =	sadd.s32 $0xC800, s8;
	s23 =	sadd.s32 $0xD480, s8;
	s25 =	sadd.s32 $0xE100, s8  }
.Ltmp0:
0x1a: {  	s26 =	sadd.s32 $0xED80, s8;
	[dreg:$0x14] =	wrdreg s20;
	(pc) =	sbr.rel .LBB2_1-.Ltmp0, $4  }
0x1b: {  	s0 =	sadd.s32 $0x12C00, s8;
	s24 =	sadd.s32 $0xA600, s12;
	[dreg:$0x15] =	wrdreg s21  }
0x1c: {  	s8 =	simm.s32 $0x7530;
	s12 =	simm.s32 $0x1;
	[dreg:$0x16] =	wrdreg s22  }
0x1d: {  	s14 =	simm.s32 $0x9D30;
	s15 =	simm.s32 $0x0;
	[dreg:$0x17] =	wrdreg s23  }
0x1e: {  	v0 =	vimm.f32 $0.0e+00;
	s20 =	sadd.s32 $0x5600, s9;
	[dreg:$0x18] =	wrdreg s24;
	s9 =	simm.s32 $0x3  }
.LBB2_29:
0x1f: {  	_ =	swait.ge [sflag:s13], $0x2800  }
0x20: {  	[sflag:s13] =	ssyncset.done $0x0  }
0x21: {  	[sflag:s13] =	ssyncadd.s32 $0xFFFFD800  }
0x22: {  	[bflag:$0x0] =	sbarrier.arrive $0xFFFF  }
0x23: {  	s16 =	rddreg [dreg:$0x13]  }
.LBB2_30:
0x24: {  	s17 =	stileid.u32;
	s15 =	sadd.s32 $0x1, s15  }
0x25: {  	s17 =	sshll.u32 s17, $0x6;
	p1 =	sne.s32 s15, s6  }
.Ltmp1:
0x26: {  	s18 =	sshrl.u32 s5, $0x3;
	s17 =	sor.u32 $0x1C03, s17;
	(pc) =	sbr.rel @!p1 .LBB2_31-.Ltmp1, $4  }
0x27: {  	[hbm:s16], [sflag:s17] =	dma.local [spmem:s18], $0x2710  }
0x28: {  	_ =	swait.ge [sflag:s9], $0x2710  }
0x29: {  	[sflag:s9] =	ssyncset.done $0x0  }
0x2a: {  	[sflag:s9] =	ssyncadd.s32 $0xFFFFD8F0  }
.LBB2_1:
0x2b: {  	s16 =	simm.s32 $0x0;
	s17 =	simm.s32 $0x200  }
.LBB2_2:
0x2c: {  	p1 =	sne.s32 s17, $0x3000;
	[tilespmem:s16+$0x75A0] =	vst v0  }
0x2d: {  	[tilespmem:s16+$0x7530] =	vst v0  }
0x2e: {  	[tilespmem:s16+$0x7540] =	vst v0  }
.Ltmp2:
0x2f: {  	[tilespmem:s16+$0x7550] =	vst v0;
	(pc) =	sbr.rel @p1 .LBB2_2-.Ltmp2, $4  }
0x30: {  	[tilespmem:s16+$0x7560] =	vst v0  }
0x31: {  	[tilespmem:s16+$0x7570] =	vst v0  }
0x32: {  	[tilespmem:s16+$0x7580] =	vst v0  }
0x33: {  	[tilespmem:s16+$0x7590] =	vst v0;
	s16 =	sshra.s32 s17, $0x2;
	s17 =	sadd.s32 $0x200, s17  }
0x34: {  	[tilespmem:s16+$0x75A0] =	vst v0  }
0x35: {  	[tilespmem:s16+$0x7530] =	vst v0  }
0x36: {  	[tilespmem:s16+$0x7540] =	vst v0  }
0x37: {  	[tilespmem:s16+$0x7550] =	vst v0  }
0x38: {  	[tilespmem:s16+$0x7560] =	vst v0  }
0x39: {  	[tilespmem:s16+$0x7570] =	vst v0  }
0x3a: {  	[tilespmem:s16+$0x7580] =	vst v0  }
0x3b: {  	[tilespmem:s16+$0x7590] =	vst v0  }
0x3c: {  	[spmem:s5] =	stream.linear.scatter [tilespmem:s8], [sflag:$0x3], $0xC80, $0x38;
	[tilespmem:$0x1FDB0] =	vst v63  }
0x3d: {  	_ =	swait.ge [sflag:s9], $0xC80  }
0x3e: {  	[sflag:s9] =	ssyncset.done $0x0  }
0x3f: {  	s19 =	rddreg [dreg:$0x5];
	[sflag:s9] =	ssyncadd.s32 $0xFFFFF380  }
0x40: {  	[spmem:s19] =	stream.linear.scatter [tilespmem:s8], [sflag:$0x3], $0xC80, $0x38;
	[tilespmem:$0x1FDB0] =	vst v63  }
0x41: {  	_ =	swait.ge [sflag:s9], $0xC80  }
0x42: {  	[sflag:s9] =	ssyncset.done $0x0  }
0x43: {  	s21 =	rddreg [dreg:$0x6];
	[sflag:s9] =	ssyncadd.s32 $0xFFFFF380  }
0x44: {  	[spmem:s21] =	stream.linear.scatter [tilespmem:s8], [sflag:$0x3], $0xC80, $0x38;
	[tilespmem:$0x1FDB0] =	vst v63  }
0x45: {  	_ =	swait.ge [sflag:s9], $0xC80  }
0x46: {  	[sflag:s9] =	ssyncset.done $0x0  }
0x47: {  	s22 =	rddreg [dreg:$0x7];
	[sflag:s9] =	ssyncadd.s32 $0xFFFFF380  }
0x48: {  	[spmem:s22] =	stream.linear.scatter [tilespmem:s8], [sflag:$0x3], $0xC80, $0x38;
	[tilespmem:$0x1FDB0] =	vst v63  }
0x49: {  	_ =	swait.ge [sflag:s9], $0xC80  }
0x4a: {  	[sflag:s9] =	ssyncset.done $0x0  }
0x4b: {  	s23 =	rddreg [dreg:$0x8];
	[sflag:s9] =	ssyncadd.s32 $0xFFFFF380  }
0x4c: {  	[spmem:s23] =	stream.linear.scatter [tilespmem:s8], [sflag:$0x3], $0xC80, $0x38;
	[tilespmem:$0x1FDB0] =	vst v63  }
0x4d: {  	_ =	swait.ge [sflag:s9], $0xC80  }
0x4e: {  	[sflag:s9] =	ssyncset.done $0x0  }
0x4f: {  	s24 =	rddreg [dreg:$0x9];
	[sflag:s9] =	ssyncadd.s32 $0xFFFFF380  }
0x50: {  	[spmem:s24] =	stream.linear.scatter [tilespmem:s8], [sflag:$0x3], $0xC80, $0x38;
	[tilespmem:$0x1FDB0] =	vst v63  }
0x51: {  	_ =	swait.ge [sflag:s9], $0xC80  }
0x52: {  	[sflag:s9] =	ssyncset.done $0x0  }
0x53: {  	s17 =	rddreg [dreg:$0xa];
	[sflag:s9] =	ssyncadd.s32 $0xFFFFF380  }
0x54: {  	[spmem:s17] =	stream.linear.scatter [tilespmem:s8], [sflag:$0x3], $0xC80, $0x38;
	[tilespmem:$0x1FDB0] =	vst v63  }
0x55: {  	_ =	swait.ge [sflag:s9], $0xC80  }
0x56: {  	[sflag:s9] =	ssyncset.done $0x0  }
0x57: {  	s18 =	rddreg [dreg:$0xb];
	[sflag:s9] =	ssyncadd.s32 $0xFFFFF380  }
0x58: {  	[spmem:s18] =	stream.linear.scatter [tilespmem:s8], [sflag:$0x3], $0xC80, $0x38;
	[tilespmem:$0x1FDB0] =	vst v63  }
0x59: {  	_ =	swait.ge [sflag:s9], $0xC80  }
0x5a: {  	[sflag:s9] =	ssyncset.done $0x0  }
0x5b: {  	s19 =	rddreg [dreg:$0xc];
	[sflag:s9] =	ssyncadd.s32 $0xFFFFF380  }
0x5c: {  	[spmem:s19] =	stream.linear.scatter [tilespmem:s8], [sflag:$0x3], $0xC80, $0x38;
	[tilespmem:$0x1FDB0] =	vst v63  }
0x5d: {  	_ =	swait.ge [sflag:s9], $0xC80  }
0x5e: {  	[sflag:s9] =	ssyncset.done $0x0  }
0x5f: {  	s21 =	rddreg [dreg:$0xd];
	[sflag:s9] =	ssyncadd.s32 $0xFFFFF380  }
0x60: {  	[spmem:s21] =	stream.linear.scatter [tilespmem:s8], [sflag:$0x3], $0xC80, $0x38;
	[tilespmem:$0x1FDB0] =	vst v63  }
0x61: {  	_ =	swait.ge [sflag:s9], $0xC80  }
0x62: {  	[sflag:s9] =	ssyncset.done $0x0  }
0x63: {  	s22 =	rddreg [dreg:$0xe];
	[sflag:s9] =	ssyncadd.s32 $0xFFFFF380  }
0x64: {  	[spmem:s22] =	stream.linear.scatter [tilespmem:s8], [sflag:$0x3], $0xC80, $0x38;
	[tilespmem:$0x1FDB0] =	vst v63  }
0x65: {  	_ =	swait.ge [sflag:s9], $0xC80  }
0x66: {  	[sflag:s9] =	ssyncset.done $0x0  }
0x67: {  	s23 =	rddreg [dreg:$0xf];
	[sflag:s9] =	ssyncadd.s32 $0xFFFFF380  }
0x68: {  	[spmem:s23] =	stream.linear.scatter [tilespmem:s8], [sflag:$0x3], $0xC80, $0x38;
	[tilespmem:$0x1FDB0] =	vst v63  }
0x69: {  	_ =	swait.ge [sflag:s9], $0xC80  }
0x6a: {  	[sflag:s9] =	ssyncset.done $0x0  }
0x6b: {  	s24 =	rddreg [dreg:$0x11];
	[sflag:s9] =	ssyncadd.s32 $0xFFFFF380  }
0x6c: {  	[spmem:s24] =	stream.linear.scatter [tilespmem:s8], [sflag:$0x3], $0xC80, $0x38;
	[tilespmem:$0x1FDB0] =	vst v63  }
0x6d: {  	_ =	swait.ge [sflag:s9], $0xC80  }
0x6e: {  	[sflag:s9] =	ssyncset.done $0x0  }
0x6f: {  	s17 =	rddreg [dreg:$0x12];
	[sflag:s9] =	ssyncadd.s32 $0xFFFFF380  }
0x70: {  	[spmem:s17] =	stream.linear.scatter [tilespmem:s8], [sflag:$0x3], $0xC80, $0x38;
	[tilespmem:$0x1FDB0] =	vst v63  }
0x71: {  	_ =	swait.ge [sflag:s9], $0xC80  }
0x72: {  	[sflag:s9] =	ssyncset.done $0x0  }
0x73: {  	s18 =	rddreg [dreg:$0x14];
	[sflag:s9] =	ssyncadd.s32 $0xFFFFF380  }
0x74: {  	[spmem:s18] =	stream.linear.scatter [tilespmem:s8], [sflag:$0x3], $0xC80, $0x38;
	[tilespmem:$0x1FDB0] =	vst v63  }
0x75: {  	_ =	swait.ge [sflag:s9], $0xC80  }
0x76: {  	[sflag:s9] =	ssyncset.done $0x0  }
0x77: {  	s19 =	rddreg [dreg:$0x15];
	[sflag:s9] =	ssyncadd.s32 $0xFFFFF380  }
0x78: {  	[spmem:s19] =	stream.linear.scatter [tilespmem:s8], [sflag:$0x3], $0xC80, $0x38;
	[tilespmem:$0x1FDB0] =	vst v63  }
0x79: {  	_ =	swait.ge [sflag:s9], $0xC80  }
0x7a: {  	[sflag:s9] =	ssyncset.done $0x0  }
0x7b: {  	s21 =	rddreg [dreg:$0x16];
	[sflag:s9] =	ssyncadd.s32 $0xFFFFF380  }
0x7c: {  	[spmem:s21] =	stream.linear.scatter [tilespmem:s8], [sflag:$0x3], $0xC80, $0x38;
	[tilespmem:$0x1FDB0] =	vst v63  }
0x7d: {  	_ =	swait.ge [sflag:s9], $0xC80  }
0x7e: {  	[sflag:s9] =	ssyncset.done $0x0  }
0x7f: {  	s22 =	rddreg [dreg:$0x17];
	[sflag:s9] =	ssyncadd.s32 $0xFFFFF380  }
0x80: {  	[spmem:s22] =	stream.linear.scatter [tilespmem:s8], [sflag:$0x3], $0xC80, $0x38;
	[tilespmem:$0x1FDB0] =	vst v63  }
0x81: {  	_ =	swait.ge [sflag:s9], $0xC80  }
0x82: {  	[sflag:s9] =	ssyncset.done $0x0  }
0x83: {  	[sflag:s9] =	ssyncadd.s32 $0xFFFFF380  }
0x84: {  	[spmem:s25] =	stream.linear.scatter [tilespmem:s8], [sflag:$0x3], $0xC80, $0x38;
	[tilespmem:$0x1FDB0] =	vst v63  }
0x85: {  	_ =	swait.ge [sflag:s9], $0xC80  }
0x86: {  	[sflag:s9] =	ssyncset.done $0x0  }
0x87: {  	[sflag:s9] =	ssyncadd.s32 $0xFFFFF380  }
0x88: {  	[spmem:s26] =	stream.linear.scatter [tilespmem:s8], [sflag:$0x3], $0xC80, $0x38;
	[tilespmem:$0x1FDB0] =	vst v63  }
0x89: {  	_ =	swait.ge [sflag:s9], $0xC80  }
0x8a: {  	[sflag:s9] =	ssyncset.done $0x0  }
0x8b: {  	[sflag:s9] =	ssyncadd.s32 $0xFFFFF380  }
0x8c: {  	[spmem:s28] =	stream.linear.scatter [tilespmem:s8], [sflag:$0x3], $0xC80, $0x38;
	[tilespmem:$0x1FDB0] =	vst v63  }
0x8d: {  	_ =	swait.ge [sflag:s9], $0xC80  }
0x8e: {  	[sflag:s9] =	ssyncset.done $0x0  }
0x8f: {  	[sflag:s9] =	ssyncadd.s32 $0xFFFFF380  }
0x90: {  	[spmem:s29] =	stream.linear.scatter [tilespmem:s8], [sflag:$0x3], $0xC80, $0x38;
	[tilespmem:$0x1FDB0] =	vst v63  }
0x91: {  	_ =	swait.ge [sflag:s9], $0xC80  }
0x92: {  	[sflag:s9] =	ssyncset.done $0x0  }
0x93: {  	[sflag:s9] =	ssyncadd.s32 $0xFFFFF380  }
0x94: {  	[spmem:s30] =	stream.linear.scatter [tilespmem:s8], [sflag:$0x3], $0xC80, $0x38;
	[tilespmem:$0x1FDB0] =	vst v63  }
0x95: {  	_ =	swait.ge [sflag:s9], $0xC80  }
0x96: {  	[sflag:s9] =	ssyncset.done $0x0  }
0x97: {  	[sflag:s9] =	ssyncadd.s32 $0xFFFFF380  }
0x98: {  	[spmem:s31] =	stream.linear.scatter [tilespmem:s8], [sflag:$0x3], $0xC80, $0x38;
	[tilespmem:$0x1FDB0] =	vst v63  }
0x99: {  	_ =	swait.ge [sflag:s9], $0xC80  }
0x9a: {  	[sflag:s9] =	ssyncset.done $0x0  }
0x9b: {  	[sflag:s9] =	ssyncadd.s32 $0xFFFFF380  }
0x9c: {  	[spmem:s0] =	stream.linear.scatter [tilespmem:s8], [sflag:$0x3], $0xC80, $0x38;
	[tilespmem:$0x1FDB0] =	vst v63  }
0x9d: {  	_ =	swait.ge [sflag:s9], $0xC80  }
0x9e: {  	[sflag:s9] =	ssyncset.done $0x0  }
0x9f: {  	[sflag:s9] =	ssyncadd.s32 $0xFFFFF380  }
0xa0: {  	[tilespmem:s4], [sflag:$0x3] =	stream.linear.gather [hbm4b:s20+s4], $0x2710, $0x38;
	[tilespmem:$0x1FDB0] =	vst v63  }
0xa1: {  	_ =	swait.ge [sflag:s9], $0x2710  }
0xa2: {  	[sflag:s9] =	ssyncset.done $0x0  }
0xa3: {  	s23 =	simm.s32 $0x2710;
	[sflag:s9] =	ssyncadd.s32 $0xFFFFD8F0  }
0xa4: {  	[tilespmem:s23], [sflag:$0x3] =	stream.linear.gather [hbm4b:s2+s4], $0x2710, $0x38;
	[tilespmem:$0x1FDB0] =	vst v63  }
0xa5: {  	_ =	swait.ge [sflag:s9], $0x2710  }
0xa6: {  	[sflag:s9] =	ssyncset.done $0x0  }
0xa7: {  	s24 =	rddreg [dreg:$0x10];
	[sflag:s9] =	ssyncadd.s32 $0xFFFFD8F0  }
0xa8: {  	[tilespmem:s10], [sflag:$0x3] =	stream.linear.gather [hbm4b:s24+s4], $0x2710, $0x38;
	[tilespmem:$0x1FDB0] =	vst v63  }
.Ltmp3:
0xa9: {  	_ =	swait.ge [sflag:s9], $0x2710;
	(pc) =	sbr.rel @p0 .LBB2_17-.Ltmp3, $4  }
0xaa: {  	[sflag:s9] =	ssyncset.done $0x0  }
0xab: {  	[sflag:s9] =	ssyncadd.s32 $0xFFFFD8F0  }
0xac: {  	[bflag:$0x0] =	sbarrier.arrive $0xFFFF  }
0xad: {  	s16 =	simm.s32 $0x0  }
.Ltmp4:
0xae: {  	(pc) =	sbr.rel .LBB2_5-.Ltmp4, $4  }
0xaf: {  	[tilespmem:s8], [sflag:$0x1] =	stream.indirect.gather [hbm4b:s1+s11], $0x80, s16, s11, $0xb8;
	[tilespmem:$0x1FDB0] =	vst v63  }
0xb0: {  	_ =	swait.ge [sflag:s12], $0x2800  }
0xb1: {  	[sflag:s12] =	ssyncset.done $0x0  }
0xb2: {  	[sflag:s12] =	ssyncadd.s32 $0xFFFFD800  }
.LBB2_14:
0xb3: {  	v6 =	vmul.f32 v6, v4  }
0xb4: {  	v9 =	vld [tilespmem:s18+$0x30];
	v5 =	vmul.f32 v5, v4  }
0xb5: {  	v10 =	vld [tilespmem:s18+$0x60];
	v8 =	vmul.f32 v8, v4;
	s19 =	sadd.s32 $0x3, s19;
	[tilespmem:s18+$0x0] =	vst v6  }
0xb6: {  	v54 =	vmul.f32 v7, v4;
	v1 =	vadd.s32 s19, v1;
	[tilespmem:s18+$0x20] =	vst v5  }
0xb7: {  	v2 =	vmul.f32 v2, v4;
	[tilespmem:s18+$0x10] =	vst v8;
	v1 =	vbroadcast v1, $0x0  }
0xb8: {  	v3 =	vmul.f32 v3, v4;
	[tilespmem:s18+$0x50] =	vst v54  }
0xb9: {  	[tilespmem:s18+$0x40] =	vst v2;
	v55 =	vmul.f32 v9, v4  }
0xba: {  	[tilespmem:s18+$0x70] =	vst v3;
	v57 =	vmul.f32 v10, v4  }
0xbb: {  	[tilespmem:s18+$0x30] =	vst v55  }
0xbc: {  	v56 =	vld [tilespmem:s18+$0x80];
	[tilespmem:s18+$0x60] =	vst v57  }
0xbd: {  	v1 =	vld.idx.msk [tilespmem:v1+s10+$0x0], $0xffff  }
0xbe: {  	v2 =	vld [tilespmem:s18+$0xB0]  }
0xbf: {  	v3 =	vld [tilespmem:s18+$0xD0]  }
0xc0: {  	v58 =	vld [tilespmem:s18+$0xC0]  }
0xc1: {  	v61 =	vld [tilespmem:s18+$0xA0]  }
0xc2: {  	v59 =	vld [tilespmem:s18+$0x90];
	v7 =	vmul.f32 v56, v1  }
0xc3: {  	v60 =	vld [tilespmem:s18+$0xF0];
	v2 =	vmul.f32 v2, v1  }
0xc4: {  	v62 =	vld [tilespmem:s18+$0xE0];
	v3 =	vmul.f32 v3, v1;
	[tilespmem:s18+$0x80] =	vst v7  }
0xc5: {  	v4 =	vmul.f32 v58, v1;
	[tilespmem:s18+$0xB0] =	vst v2  }
0xc6: {  	v63 =	vmul.f32 v61, v1;
	[tilespmem:s18+$0xD0] =	vst v3  }
0xc7: {  	v2 =	vmul.f32 v59, v1;
	[tilespmem:s18+$0xC0] =	vst v4  }
0xc8: {  	v3 =	vmul.f32 v60, v1;
	[tilespmem:s18+$0xA0] =	vst v63  }
0xc9: {  	v1 =	vmul.f32 v62, v1;
	[tilespmem:s18+$0x90] =	vst v2  }
0xca: {  	[tilespmem:s18+$0xF0] =	vst v3  }
0xcb: {  	s17 =	sadd.s32 $0x2710, s17;
	[tilespmem:s18+$0xE0] =	vst v1  }
0xcc: {  	[spmem:s3] =	stream.indirect.scatter.add.f32 [tilespmem:s14], [sflag:$0x2], $0x80, s17, s11, $0xb8;
	[tilespmem:$0x1FDB0] =	vst v63  }
0xcd: {  	_ =	swait.ge [sflag:s12], $0x2800  }
0xce: {  	[sflag:s12] =	ssyncset.done $0x0  }
0xcf: {  	[sflag:s12] =	ssyncadd.s32 $0xFFFFD800  }
.LBB2_15:
0xd0: {  	s16 =	sadd.s32 $0x1, s16  }
0xd1: {  	p1 =	sne.s32 s16, $0x7D  }
.Ltmp5:
0xd2: {  	_ = 	snop;
	(pc) =	sbr.rel @!p1 .LBB2_16-.Ltmp5, $1  }
0xd3: {  	_ =	sdelay $0x3  }
.LBB2_5:
0xd4: {  	s17 =	sand.u32 $0x1, s16  }
0xd5: {  	p1 =	seq.s32 s17, $0x0  }
.Ltmp6:
0xd6: {  	_ = 	snop;
	(pc) =	sbr.rel @p1 .LBB2_7-.Ltmp6, $1  }
0xd7: {  	_ =	sdelay $0x3  }
.Ltmp7:
0xd8: {  	(pc) =	sbr.rel .LBB2_12-.Ltmp7, $4  }
0xd9: {  	_ = 	snop  }
0xda: {  	_ =	swait.ge [sflag:s13], $0x2800;
	s17 =	smul.u32 $0x50, s16  }
0xdb: {  	[sflag:s13] =	ssyncset.done $0x0  }
0xdc: {  	s18 =	smul.u32 $0x140, s16;
	[sflag:s13] =	ssyncadd.s32 $0xFFFFD800;
	v1 =	vmov s17  }
.LBB2_7:
0xdd: {  	p2 =	seq.s32 s16, $0x0;
	s18 =	smul.u32 $0x50, s16  }
0xde: {  	s17 =	simm.s32 @!p2 $0x2  }
0xdf: {  	p3 =	seq.s32 @!p2 s16, $0x7C;
	_ =	swait.ge @!p2 [sflag:s17], $0x2800;
	s21 =	sadd.s32 $0x0, s18  }
0xe0: {  	p3 =	por p2, !p3;
	[sflag:s17] =	ssyncset.done @!p2 $0x0;
	v1 =	vmov s21  }
0xe1: {  	[sflag:s17] =	ssyncadd.s32 @!p2 $0xFFFFD800;
	s17 =	smul.u32 @p3 $0x140, s16;
	v1 =	vand.u32 $0xFFFFFFFC, v1  }
0xe2: {  	v1 =	vbroadcast v1, $0x0  }
0xe3: {  	s17 =	sshra.s32 @p3 s17, $0x2  }
0xe4: {  	s17 =	sadd.s32 @p3 $0x50, s17  }
0xe5: {  	[tilespmem:s14], [sflag:$0x1] =	stream.indirect.gather @p3 [hbm4b:s1+s11], $0x80, s17, s11, $0xb8;
	[tilespmem:$0x1FDB0] =	vst v63  }
0xe6: {  	s17 =	simm.s32 $0x7630  }
0xe7: {  	v2 =	vld [tilespmem:s17+$0xFFFFFF70]  }
0xe8: {  	v1 =	vld.idx.msk [tilespmem:v1+s10+$0x0], $0xffff  }
0xe9: {  	v3 =	vld [tilespmem:s17+$0xFFFFFF00]  }
0xea: {  	v4 =	vld [tilespmem:s17+$0xFFFFFF20]  }
0xeb: {  	v5 =	vld [tilespmem:s17+$0xFFFFFF50]  }
0xec: {  	v6 =	vld [tilespmem:s17+$0xFFFFFF40]  }
0xed: {  	v7 =	vld [tilespmem:s17+$0xFFFFFF60];
	v2 =	vmul.f32 v2, v1  }
0xee: {  	s19 =	sadd.s32 $0x1, s21;
	v8 =	vld [tilespmem:s17+$0xFFFFFF30];
	v3 =	vmul.f32 v3, v1  }
0xef: {  	v9 =	vmov s19;
	v10 =	vld [tilespmem:s17+$0xFFFFFF10];
	v4 =	vmul.f32 v4, v1;
	[tilespmem:s17+$0xFFFFFF70] =	vst v2  }
0xf0: {  	v5 =	vmul.f32 v5, v1;
	v2 =	vand.u32 $0xFFFFFFFD, v9;
	[tilespmem:s17+$0xFFFFFF00] =	vst v3  }
0xf1: {  	v3 =	vmul.f32 v6, v1;
	[tilespmem:s17+$0xFFFFFF20] =	vst v4;
	v2 =	vbroadcast v2, $0x0  }
0xf2: {  	v4 =	vmul.f32 v7, v1;
	[tilespmem:s17+$0xFFFFFF50] =	vst v5  }
0xf3: {  	v5 =	vmul.f32 v8, v1;
	[tilespmem:s17+$0xFFFFFF40] =	vst v3  }
0xf4: {  	v1 =	vmul.f32 v10, v1;
	[tilespmem:s17+$0xFFFFFF60] =	vst v4  }
0xf5: {  	[tilespmem:s17+$0xFFFFFF30] =	vst v5  }
0xf6: {  	[tilespmem:s17+$0xFFFFFF10] =	vst v1;
	v1 =	vld [tilespmem:s17+$0xFFFFFF90]  }
0xf7: {  	v4 =	vld.idx.msk [tilespmem:v2+s10+$0x0], $0xffff  }
0xf8: {  	v2 =	vld [tilespmem:s17+$0xFFFFFFA0]  }
0xf9: {  	v3 =	vld [tilespmem:s17+$0xFFFFFF80]  }
0xfa: {  	v5 =	vld [tilespmem:s17+$0xFFFFFFB0]  }
0xfb: {  	v7 =	vld [tilespmem:s17+$0xFFFFFFD0]  }
0xfc: {  	v6 =	vld [tilespmem:s17+$0xFFFFFFC0];
	v1 =	vmul.f32 v1, v4  }
0xfd: {  	s24 =	sadd.s32 $0x2, s21;
	v8 =	vld [tilespmem:s17+$0xFFFFFFF0];
	v2 =	vmul.f32 v2, v4  }
0xfe: {  	v9 =	vmov s24;
	v10 =	vld [tilespmem:s17+$0xFFFFFFE0];
	v3 =	vmul.f32 v3, v4;
	[tilespmem:s17+$0xFFFFFF90] =	vst v1  }
0xff: {  	v5 =	vmul.f32 v5, v4;
	v1 =	vand.u32 $0xFFFFFFFE, v9;
	[tilespmem:s17+$0xFFFFFFA0] =	vst v2  }
0x100: {  	v7 =	vmul.f32 v7, v4;
	[tilespmem:s17+$0xFFFFFF80] =	vst v3;
	v2 =	vld [tilespmem:s17+$0x20];
	v1 =	vbroadcast v1, $0x0  }
0x101: {  	v6 =	vmul.f32 v6, v4;
	[tilespmem:s17+$0xFFFFFFB0] =	vst v5;
	v3 =	vld [tilespmem:s17+$0x30]  }
0x102: {  	v5 =	vmul.f32 v8, v4;
	[tilespmem:s17+$0xFFFFFFD0] =	vst v7;
	v7 =	vld [tilespmem:s17+$0x60]  }
0x103: {  	[tilespmem:s17+$0xFFFFFFC0] =	vst v6;
	v4 =	vmul.f32 v10, v4;
	v8 =	vld [tilespmem:s17+$0x0]  }
0x104: {  	v6 =	vld [tilespmem:s17+$0x10];
	[tilespmem:s17+$0xFFFFFFF0] =	vst v5  }
0x105: {  	v5 =	vld [tilespmem:s17+$0x40];
	[tilespmem:s17+$0xFFFFFFE0] =	vst v4  }
0x106: {  	s22 =	sadd.s32 $0x3, s21;
	s21 =	simm.s32 $0x7630;
	s19 =	simm.s32 $0x4;
	v4 =	vld.idx.msk [tilespmem:v1+s10+$0x0], $0xffff;
	v1 =	vmov s18  }
.LBB2_8:
0x107: {  	p2 =	slt.u32 s19, $0x4C  }
0x108: {  	v9 =	vld [tilespmem:s17+$0x50];
	s21 =	sadd.s32 $0x200, s21;
	s23 =	smov.u32 s19;
	s19 =	sadd.s32 $0x4, s19  }
0x109: {  	v10 =	vld [tilespmem:s17+$0x70];
	_ =	sdelay $0x1  }
0x10a: {  	v7 =	vmul.f32 v7, v4;
	v8 =	vmul.f32 v8, v4  }
0x10b: {  	v5 =	vmul.f32 v5, v4;
	v6 =	vmul.f32 v6, v4  }
0x10c: {  	v2 =	vmul.f32 v2, v4;
	v3 =	vmul.f32 v3, v4;
	[tilespmem:s17+$0x60] =	vst v7  }
0x10d: {  	[tilespmem:s17+$0x40] =	vst v5;
	v5 =	vmul.f32 v9, v4;
	v4 =	vmul.f32 v10, v4  }
0x10e: {  	[tilespmem:s17+$0x20] =	vst v2;
	v7 =	vld [tilespmem:s17+$0x80]  }
0x10f: {  	v2 =	vld [tilespmem:s21+$0x20];
	[tilespmem:s17+$0x0] =	vst v8;
	v8 =	vmov s22  }
0x110: {  	[tilespmem:s17+$0x50] =	vst v5;
	v5 =	vld [tilespmem:s17+$0xE0]  }
0x111: {  	[tilespmem:s17+$0x30] =	vst v3;
	v9 =	vld [tilespmem:s17+$0xC0]  }
0x112: {  	v3 =	vld [tilespmem:s21+$0x30];
	[tilespmem:s17+$0x10] =	vst v6  }
0x113: {  	[tilespmem:s17+$0x70] =	vst v4;
	v4 =	vld [tilespmem:s17+$0xA0]  }
0x114: {  	v6 =	vld.idx.msk [tilespmem:v8+s10+$0x0], $0xffff  }
0x115: {  	v8 =	vld [tilespmem:s17+$0x90]  }
0x116: {  	v10 =	vld [tilespmem:s17+$0xB0]  }
0x117: {  	v11 =	vld [tilespmem:s17+$0xD0]  }
0x118: {  	v12 =	vld [tilespmem:s17+$0xF0];
	_ =	sdelay $0x1  }
0x119: {  	v7 =	vmul.f32 v7, v6;
	v8 =	vmul.f32 v8, v6  }
0x11a: {  	s22 =	sadd.s32 s18, s23;
	v4 =	vmul.f32 v4, v6;
	v10 =	vmul.f32 v10, v6  }
0x11b: {  	v13 =	vmov s22;
	s23 =	sadd.s32 $0x1, s22;
	s24 =	sadd.s32 $0x2, s22;
	s22 =	sadd.s32 $0x3, s22;
	[tilespmem:s17+$0x80] =	vst v7;
	v7 =	vmul.f32 v9, v6;
	v9 =	vmul.f32 v11, v6  }
0x11c: {  	v11 =	vand.u32 $0xFFFFFFFC, v13;
	[tilespmem:s17+$0xA0] =	vst v4;
	v4 =	vmul.f32 v5, v6;
	v5 =	vmul.f32 v12, v6  }
0x11d: {  	v6 =	vbroadcast v11, $0x0;
	v11 =	vmov s23;
	v12 =	vmov s24;
	[tilespmem:s17+$0xC0] =	vst v7  }
0x11e: {  	v7 =	vand.u32 $0xFFFFFFFD, v11;
	v11 =	vand.u32 $0xFFFFFFFE, v12;
	[tilespmem:s17+$0xF0] =	vst v5  }
0x11f: {  	v5 =	vld [tilespmem:s21+$0xFFFFFF40];
	[tilespmem:s17+$0xE0] =	vst v4  }
0x120: {  	v4 =	vld [tilespmem:s21+$0xFFFFFF50];
	[tilespmem:s17+$0x90] =	vst v8  }
0x121: {  	v8 =	vld [tilespmem:s21+$0xFFFFFF60];
	[tilespmem:s17+$0xB0] =	vst v10  }
0x122: {  	v10 =	vld [tilespmem:s21+$0xFFFFFF70];
	[tilespmem:s17+$0xD0] =	vst v9;
	s17 =	smov.u32 s21  }
0x123: {  	v6 =	vld.idx.msk [tilespmem:v6+s10+$0x0], $0xffff  }
0x124: {  	v9 =	vld [tilespmem:s21+$0xFFFFFF00]  }
0x125: {  	v12 =	vld [tilespmem:s21+$0xFFFFFF20]  }
0x126: {  	v13 =	vld [tilespmem:s21+$0xFFFFFF10]  }
0x127: {  	v14 =	vld [tilespmem:s21+$0xFFFFFF30];
	_ =	sdelay $0x1  }
0x128: {  	v10 =	vmul.f32 v10, v6;
	v9 =	vmul.f32 v9, v6  }
0x129: {  	v8 =	vmul.f32 v8, v6;
	v12 =	vmul.f32 v12, v6  }
0x12a: {  	v4 =	vmul.f32 v4, v6;
	v13 =	vmul.f32 v13, v6;
	[tilespmem:s21+$0xFFFFFF70] =	vst v10  }
0x12b: {  	v5 =	vmul.f32 v5, v6;
	[tilespmem:s21+$0xFFFFFF00] =	vst v9;
	v9 =	vmul.f32 v14, v6  }
0x12c: {  	v6 =	vbroadcast v7, $0x0;
	[tilespmem:s21+$0xFFFFFF20] =	vst v12  }
0x12d: {  	[tilespmem:s21+$0xFFFFFF50] =	vst v4  }
0x12e: {  	[tilespmem:s21+$0xFFFFFF40] =	vst v5;
	v4 =	vld [tilespmem:s21+$0xFFFFFFF0]  }
0x12f: {  	[tilespmem:s21+$0xFFFFFF60] =	vst v8;
	v5 =	vld [tilespmem:s21+$0xFFFFFFC0]  }
0x130: {  	[tilespmem:s21+$0xFFFFFF30] =	vst v9;
	v7 =	vld [tilespmem:s21+$0xFFFFFFD0]  }
0x131: {  	[tilespmem:s21+$0xFFFFFF10] =	vst v13;
	v8 =	vld [tilespmem:s21+$0xFFFFFF90]  }
0x132: {  	v6 =	vld.idx.msk [tilespmem:v6+s10+$0x0], $0xffff  }
0x133: {  	v9 =	vld [tilespmem:s21+$0xFFFFFF80]  }
0x134: {  	v10 =	vld [tilespmem:s21+$0xFFFFFFA0]  }
0x135: {  	v12 =	vld [tilespmem:s21+$0xFFFFFFB0]  }
0x136: {  	v13 =	vld [tilespmem:s21+$0xFFFFFFE0];
	_ =	sdelay $0x1  }
0x137: {  	v8 =	vmul.f32 v8, v6;
	v9 =	vmul.f32 v9, v6  }
0x138: {  	v7 =	vmul.f32 v7, v6;
	v10 =	vmul.f32 v10, v6  }
0x139: {  	v5 =	vmul.f32 v5, v6;
	[tilespmem:s21+$0xFFFFFF90] =	vst v8;
	v8 =	vmul.f32 v12, v6  }
0x13a: {  	v4 =	vmul.f32 v4, v6;
	[tilespmem:s21+$0xFFFFFFA0] =	vst v10;
	v10 =	vmul.f32 v13, v6  }
0x13b: {  	v6 =	vbroadcast v11, $0x0;
	[tilespmem:s21+$0xFFFFFF80] =	vst v9  }
0x13c: {  	[tilespmem:s21+$0xFFFFFFB0] =	vst v8  }
0x13d: {  	[tilespmem:s21+$0xFFFFFFC0] =	vst v5  }
0x13e: {  	[tilespmem:s21+$0xFFFFFFD0] =	vst v7  }
.Ltmp8:
0x13f: {  	[tilespmem:s21+$0xFFFFFFF0] =	vst v4;
	v5 =	vld [tilespmem:s21+$0x40];
	(pc) =	sbr.rel @p2 .LBB2_8-.Ltmp8, $4  }
0x140: {  	[tilespmem:s21+$0xFFFFFFE0] =	vst v10;
	v7 =	vld [tilespmem:s21+$0x60]  }
0x141: {  	v4 =	vld.idx.msk [tilespmem:v6+s10+$0x0], $0xffff  }
0x142: {  	v8 =	vld [tilespmem:s21+$0x0]  }
0x143: {  	v6 =	vld [tilespmem:s21+$0x10]  }
0x144: {  	_ =	sdelay $0x1  }
0x145: {  	v7 =	vmul.f32 v7, v4  }
0x146: {  	v9 =	vld [tilespmem:s17+$0x50];
	v5 =	vmul.f32 v5, v4  }
0x147: {  	v10 =	vld [tilespmem:s17+$0x70];
	v2 =	vmul.f32 v2, v4;
	[tilespmem:s17+$0x60] =	vst v7  }
0x148: {  	v50 =	vmul.f32 v8, v4;
	[tilespmem:s17+$0x40] =	vst v5  }
0x149: {  	[tilespmem:s17+$0x20] =	vst v2;
	v2 =	vmul.f32 v3, v4  }
0x14a: {  	v52 =	vmov s22;
	v6 =	vmul.f32 v6, v4;
	[tilespmem:s17+$0x0] =	vst v50  }
0x14b: {  	v51 =	vmul.f32 v9, v4;
	[tilespmem:s17+$0x30] =	vst v2  }
0x14c: {  	v53 =	vmul.f32 v10, v4;
	[tilespmem:s17+$0x10] =	vst v6  }
0x14d: {  	[tilespmem:s17+$0x50] =	vst v51  }
0x14e: {  	v3 =	vld [tilespmem:s17+$0x80];
	[tilespmem:s17+$0x70] =	vst v53  }
0x14f: {  	v2 =	vld.idx.msk [tilespmem:v52+s10+$0x0], $0xffff  }
0x150: {  	v54 =	vld [tilespmem:s17+$0xA0]  }
0x151: {  	v56 =	vld [tilespmem:s17+$0xF0]  }
0x152: {  	v57 =	vld [tilespmem:s17+$0xE0]  }
0x153: {  	v55 =	vld [tilespmem:s17+$0xC0]  }
0x154: {  	v59 =	vld [tilespmem:s17+$0xB0];
	v3 =	vmul.f32 v3, v2  }
0x155: {  	v58 =	vld [tilespmem:s17+$0x90];
	v4 =	vmul.f32 v54, v2  }
0x156: {  	v60 =	vld [tilespmem:s17+$0xD0];
	v61 =	vmul.f32 v56, v2;
	[tilespmem:s17+$0x80] =	vst v3  }
0x157: {  	v62 =	vmul.f32 v57, v2;
	[tilespmem:s17+$0xA0] =	vst v4  }
0x158: {  	v3 =	vmul.f32 v55, v2;
	[tilespmem:s17+$0xF0] =	vst v61  }
0x159: {  	s18 =	smul.u32 $0x140, s16;
	p2 =	seq.s32 s16, $0x7C;
	v63 =	vmul.f32 v59, v2;
	[tilespmem:s17+$0xE0] =	vst v62  }
.Ltmp9:
0x15a: {  	[tilespmem:s17+$0xC0] =	vst v3;
	v3 =	vmul.f32 v58, v2;
	(pc) =	sbr.rel @p2 .LBB2_16-.Ltmp9, $4  }
0x15b: {  	[tilespmem:s17+$0xB0] =	vst v63;
	v2 =	vmul.f32 v60, v2  }
0x15c: {  	s19 =	sshra.s32 s18, $0x2;
	[tilespmem:s17+$0x90] =	vst v3  }
0x15d: {  	s24 =	sadd.s32 $0x2710, s19;
	[tilespmem:s17+$0xD0] =	vst v2  }
0x15e: {  	[spmem:s3] =	stream.indirect.scatter.add.f32 [tilespmem:s8], [sflag:$0x2], $0x80, s24, s11, $0xb8;
	[tilespmem:$0x1FDB0] =	vst v63  }
.Ltmp10:
0x15f: {  	(pc) =	sbr.rel @p1 .LBB2_15-.Ltmp10, $4  }
0x160: {  	_ = 	snop  }
0x161: {  	_ =	swait.ge [sflag:s12], $0x2800  }
0x162: {  	[sflag:s12] =	ssyncset.done $0x0  }
0x163: {  	[sflag:s12] =	ssyncadd.s32 $0xFFFFD800  }
0x164: {  	_ =	swait.ge [sflag:s13], $0x2800  }
0x165: {  	[sflag:s13] =	ssyncset.done $0x0  }
0x166: {  	[sflag:s13] =	ssyncadd.s32 $0xFFFFD800  }
.LBB2_12:
0x167: {  	s19 =	simm.s32 $0x0  }
0x168: {  	v2 =	vadd.s32 s19, v1  }
0x169: {  	v2 =	vand.u32 $0xFFFFFFFC, v2  }
0x16a: {  	v2 =	vbroadcast v2, $0x0  }
0x16b: {  	s17 =	sshra.s32 s18, $0x2  }
0x16c: {  	s18 =	sadd.s32 $0x50, s17  }
0x16d: {  	[tilespmem:s8], [sflag:$0x1] =	stream.indirect.gather [hbm4b:s1+s11], $0x80, s18, s11, $0xb8;
	[tilespmem:$0x1FDB0] =	vst v63  }
0x16e: {  	s18 =	simm.s32 $0x9E30  }
0x16f: {  	v4 =	vld [tilespmem:s18+$0xFFFFFF70]  }
0x170: {  	v2 =	vld.idx.msk [tilespmem:v2+s10+$0x0], $0xffff  }
0x171: {  	v5 =	vld [tilespmem:s18+$0xFFFFFF00]  }
0x172: {  	v6 =	vld [tilespmem:s18+$0xFFFFFF20]  }
0x173: {  	v7 =	vld [tilespmem:s18+$0xFFFFFF30]  }
0x174: {  	v3 =	vld [tilespmem:s18+$0xFFFFFF50]  }
0x175: {  	v9 =	vld [tilespmem:s18+$0xFFFFFF10];
	v4 =	vmul.f32 v4, v2  }
0x176: {  	s21 =	simm.s32 $0x1;
	v8 =	vld [tilespmem:s18+$0xFFFFFF60];
	v5 =	vmul.f32 v5, v2  }
0x177: {  	v10 =	vld [tilespmem:s18+$0xFFFFFF40];
	v6 =	vmul.f32 v6, v2;
	[tilespmem:s18+$0xFFFFFF70] =	vst v4;
	v4 =	vadd.s32 s21, v1  }
0x178: {  	v7 =	vmul.f32 v7, v2;
	[tilespmem:s18+$0xFFFFFF00] =	vst v5;
	v4 =	vand.u32 $0xFFFFFFFD, v4  }
0x179: {  	v3 =	vmul.f32 v3, v2;
	[tilespmem:s18+$0xFFFFFF20] =	vst v6;
	v4 =	vbroadcast v4, $0x0  }
0x17a: {  	v5 =	vmul.f32 v9, v2;
	[tilespmem:s18+$0xFFFFFF30] =	vst v7  }
0x17b: {  	v6 =	vmul.f32 v8, v2;
	[tilespmem:s18+$0xFFFFFF50] =	vst v3  }
0x17c: {  	v2 =	vmul.f32 v10, v2;
	[tilespmem:s18+$0xFFFFFF10] =	vst v5  }
0x17d: {  	v3 =	vld [tilespmem:s18+$0xFFFFFFB0];
	[tilespmem:s18+$0xFFFFFF60] =	vst v6  }
0x17e: {  	[tilespmem:s18+$0xFFFFFF40] =	vst v2;
	v2 =	vld [tilespmem:s18+$0xFFFFFF80]  }
0x17f: {  	v4 =	vld.idx.msk [tilespmem:v4+s10+$0x0], $0xffff  }
0x180: {  	v5 =	vld [tilespmem:s18+$0xFFFFFFD0]  }
0x181: {  	v6 =	vld [tilespmem:s18+$0xFFFFFFA0]  }
0x182: {  	v8 =	vld [tilespmem:s18+$0xFFFFFF90]  }
0x183: {  	v7 =	vld [tilespmem:s18+$0xFFFFFFF0]  }
0x184: {  	v9 =	vld [tilespmem:s18+$0xFFFFFFE0];
	v2 =	vmul.f32 v2, v4  }
0x185: {  	s24 =	simm.s32 $0x2;
	v3 =	vmul.f32 v3, v4  }
0x186: {  	v10 =	vld [tilespmem:s18+$0xFFFFFFC0];
	v6 =	vmul.f32 v6, v4;
	[tilespmem:s18+$0xFFFFFF80] =	vst v2;
	v2 =	vmul.f32 v5, v4;
	v5 =	vadd.s32 s24, v1  }
0x187: {  	v8 =	vmul.f32 v8, v4;
	[tilespmem:s18+$0xFFFFFFB0] =	vst v3;
	v3 =	vand.u32 $0xFFFFFFFE, v5  }
0x188: {  	[tilespmem:s18+$0xFFFFFFA0] =	vst v6;
	v5 =	vmul.f32 v7, v4;
	v7 =	vbroadcast v3, $0x0  }
0x189: {  	v6 =	vmul.f32 v9, v4;
	[tilespmem:s18+$0xFFFFFF90] =	vst v8;
	v8 =	vld [tilespmem:s18+$0x10]  }
0x18a: {  	[tilespmem:s18+$0xFFFFFFD0] =	vst v2;
	v2 =	vld [tilespmem:s18+$0x40]  }
0x18b: {  	v4 =	vmul.f32 v10, v4;
	v3 =	vld [tilespmem:s18+$0x70];
	[tilespmem:s18+$0xFFFFFFE0] =	vst v6  }
0x18c: {  	v6 =	vld [tilespmem:s18+$0x0];
	[tilespmem:s18+$0xFFFFFFF0] =	vst v5  }
0x18d: {  	v5 =	vld [tilespmem:s18+$0x20];
	[tilespmem:s18+$0xFFFFFFC0] =	vst v4  }
0x18e: {  	v4 =	vld.idx.msk [tilespmem:v7+s10+$0x0], $0xffff  }
0x18f: {  	s22 =	simm.s32 $0x9E30;
	s21 =	simm.s32 $0x4;
	v7 =	vld [tilespmem:s18+$0x50]  }
.LBB2_13:
0x190: {  	p1 =	slt.u32 s21, $0x4C  }
0x191: {  	v9 =	vld [tilespmem:s18+$0x30];
	s22 =	sadd.s32 $0x200, s22;
	s23 =	smov.u32 s21;
	s21 =	sadd.s32 $0x4, s21  }
0x192: {  	v10 =	vld [tilespmem:s18+$0x60];
	_ =	sdelay $0x1  }
0x193: {  	v6 =	vmul.f32 v6, v4;
	v8 =	vmul.f32 v8, v4  }
0x194: {  	v5 =	vmul.f32 v5, v4;
	v7 =	vmul.f32 v7, v4  }
0x195: {  	v2 =	vmul.f32 v2, v4;
	v3 =	vmul.f32 v3, v4;
	s24 =	sadd.s32 $0x3, s19;
	s19 =	smov.u32 s23;
	[tilespmem:s18+$0x0] =	vst v6  }
0x196: {  	v6 =	vadd.s32 s24, v1;
	[tilespmem:s18+$0x20] =	vst v5;
	v5 =	vmul.f32 v9, v4;
	v4 =	vmul.f32 v10, v4  }
0x197: {  	v6 =	vbroadcast v6, $0x0;
	[tilespmem:s18+$0x10] =	vst v8;
	v8 =	vld [tilespmem:s18+$0x80]  }
0x198: {  	[tilespmem:s18+$0x50] =	vst v7;
	v7 =	vld [tilespmem:s18+$0xC0]  }
0x199: {  	[tilespmem:s18+$0x30] =	vst v5;
	v5 =	vld [tilespmem:s18+$0xB0]  }
0x19a: {  	[tilespmem:s18+$0x40] =	vst v2;
	v9 =	vld [tilespmem:s18+$0xF0]  }
0x19b: {  	v2 =	vld [tilespmem:s22+$0x40];
	[tilespmem:s18+$0x70] =	vst v3  }
0x19c: {  	v3 =	vld [tilespmem:s22+$0x70];
	[tilespmem:s18+$0x60] =	vst v4  }
0x19d: {  	v4 =	vld.idx.msk [tilespmem:v6+s10+$0x0], $0xffff  }
0x19e: {  	v6 =	vld [tilespmem:s18+$0x90]  }
0x19f: {  	v10 =	vld [tilespmem:s18+$0xA0]  }
0x1a0: {  	v11 =	vld [tilespmem:s18+$0xD0]  }
0x1a1: {  	v12 =	vld [tilespmem:s18+$0xE0];
	_ =	sdelay $0x1  }
0x1a2: {  	v8 =	vmul.f32 v8, v4;
	v6 =	vmul.f32 v6, v4  }
0x1a3: {  	v5 =	vmul.f32 v5, v4;
	v10 =	vmul.f32 v10, v4  }
0x1a4: {  	v13 =	vadd.s32 s19, v1;
	v7 =	vmul.f32 v7, v4;
	[tilespmem:s18+$0x80] =	vst v8;
	v8 =	vmul.f32 v11, v4  }
0x1a5: {  	v11 =	vand.u32 $0xFFFFFFFC, v13;
	[tilespmem:s18+$0xB0] =	vst v5;
	v5 =	vmul.f32 v12, v4;
	v4 =	vmul.f32 v9, v4  }
0x1a6: {  	v9 =	vbroadcast v11, $0x0;
	[tilespmem:s18+$0xD0] =	vst v8  }
0x1a7: {  	[tilespmem:s18+$0xC0] =	vst v7  }
0x1a8: {  	v7 =	vld [tilespmem:s22+$0xFFFFFF50];
	[tilespmem:s18+$0x90] =	vst v6  }
0x1a9: {  	v6 =	vld [tilespmem:s22+$0xFFFFFF30];
	[tilespmem:s18+$0xF0] =	vst v4  }
0x1aa: {  	v4 =	vld [tilespmem:s22+$0xFFFFFF60];
	[tilespmem:s18+$0xA0] =	vst v10  }
0x1ab: {  	v8 =	vld [tilespmem:s22+$0xFFFFFF70];
	[tilespmem:s18+$0xE0] =	vst v5;
	s18 =	smov.u32 s22  }
0x1ac: {  	v5 =	vld.idx.msk [tilespmem:v9+s10+$0x0], $0xffff  }
0x1ad: {  	v9 =	vld [tilespmem:s22+$0xFFFFFF00]  }
0x1ae: {  	v10 =	vld [tilespmem:s22+$0xFFFFFF20]  }
0x1af: {  	v11 =	vld [tilespmem:s22+$0xFFFFFF10]  }
0x1b0: {  	v12 =	vld [tilespmem:s22+$0xFFFFFF40];
	_ =	sdelay $0x1  }
0x1b1: {  	v8 =	vmul.f32 v8, v5;
	v9 =	vmul.f32 v9, v5  }
0x1b2: {  	s23 =	sadd.s32 $0x1, s19;
	v4 =	vmul.f32 v4, v5;
	v10 =	vmul.f32 v10, v5  }
0x1b3: {  	v6 =	vmul.f32 v6, v5;
	v11 =	vmul.f32 v11, v5;
	[tilespmem:s22+$0xFFFFFF70] =	vst v8;
	v8 =	vadd.s32 s23, v1  }
0x1b4: {  	[tilespmem:s22+$0xFFFFFF00] =	vst v9;
	v9 =	vmul.f32 v12, v5;
	v5 =	vmul.f32 v7, v5;
	v7 =	vand.u32 $0xFFFFFFFD, v8  }
0x1b5: {  	[tilespmem:s22+$0xFFFFFF20] =	vst v10;
	v7 =	vbroadcast v7, $0x0  }
0x1b6: {  	[tilespmem:s22+$0xFFFFFF30] =	vst v6  }
0x1b7: {  	[tilespmem:s22+$0xFFFFFF50] =	vst v5;
	v5 =	vld [tilespmem:s22+$0xFFFFFFF0]  }
0x1b8: {  	[tilespmem:s22+$0xFFFFFF10] =	vst v11;
	v6 =	vld [tilespmem:s22+$0xFFFFFFD0]  }
0x1b9: {  	[tilespmem:s22+$0xFFFFFF60] =	vst v4;
	v4 =	vld [tilespmem:s22+$0xFFFFFFB0]  }
0x1ba: {  	[tilespmem:s22+$0xFFFFFF40] =	vst v9;
	v8 =	vld [tilespmem:s22+$0xFFFFFF90]  }
0x1bb: {  	v7 =	vld.idx.msk [tilespmem:v7+s10+$0x0], $0xffff  }
0x1bc: {  	v9 =	vld [tilespmem:s22+$0xFFFFFF80]  }
0x1bd: {  	v10 =	vld [tilespmem:s22+$0xFFFFFFA0]  }
0x1be: {  	v11 =	vld [tilespmem:s22+$0xFFFFFFC0]  }
0x1bf: {  	v12 =	vld [tilespmem:s22+$0xFFFFFFE0];
	_ =	sdelay $0x1  }
0x1c0: {  	v8 =	vmul.f32 v8, v7;
	v9 =	vmul.f32 v9, v7  }
0x1c1: {  	s23 =	sadd.s32 $0x2, s19;
	v4 =	vmul.f32 v4, v7;
	v10 =	vmul.f32 v10, v7  }
0x1c2: {  	v6 =	vmul.f32 v6, v7;
	[tilespmem:s22+$0xFFFFFF80] =	vst v9;
	v9 =	vmul.f32 v11, v7;
	v11 =	vadd.s32 s23, v1  }
0x1c3: {  	v5 =	vmul.f32 v5, v7;
	[tilespmem:s22+$0xFFFFFFB0] =	vst v4;
	v4 =	vmul.f32 v12, v7;
	v7 =	vand.u32 $0xFFFFFFFE, v11  }
0x1c4: {  	[tilespmem:s22+$0xFFFFFFD0] =	vst v6;
	v7 =	vbroadcast v7, $0x0  }
0x1c5: {  	[tilespmem:s22+$0xFFFFFFA0] =	vst v10  }
0x1c6: {  	[tilespmem:s22+$0xFFFFFFF0] =	vst v5  }
0x1c7: {  	[tilespmem:s22+$0xFFFFFF90] =	vst v8  }
.Ltmp11:
0x1c8: {  	[tilespmem:s22+$0xFFFFFFE0] =	vst v4;
	v5 =	vld [tilespmem:s22+$0x20];
	(pc) =	sbr.rel @p1 .LBB2_13-.Ltmp11, $4  }
0x1c9: {  	[tilespmem:s22+$0xFFFFFFC0] =	vst v9;
	v6 =	vld [tilespmem:s22+$0x0]  }
0x1ca: {  	v4 =	vld.idx.msk [tilespmem:v7+s10+$0x0], $0xffff  }
0x1cb: {  	v8 =	vld [tilespmem:s22+$0x10]  }
0x1cc: {  	v7 =	vld [tilespmem:s22+$0x50]  }
.Ltmp12:
0x1cd: {  	_ = 	snop;
	(pc) =	sbr.rel .LBB2_14-.Ltmp12, $1  }
0x1ce: {  	_ =	sdelay $0x3  }
.LBB2_17:
.Ltmp13:
0x1cf: {  	(pc) =	sbr.rel .LBB2_18-.Ltmp13, $4  }
0x1d0: {  	[tilespmem:s8], [sflag:$0x1] =	stream.indirect.gather [hbm4b:s7+s11], $0x80, s16, s11, $0xb8;
	[tilespmem:$0x1FDB0] =	vst v63  }
0x1d1: {  	_ =	swait.ge [sflag:s12], $0x2800  }
0x1d2: {  	[sflag:s12] =	ssyncset.done $0x0  }
0x1d3: {  	[sflag:s12] =	ssyncadd.s32 $0xFFFFD800  }
.LBB2_27:
0x1d4: {  	v6 =	vmul.f32 v6, v4  }
0x1d5: {  	v9 =	vld [tilespmem:s18+$0x30];
	v5 =	vmul.f32 v5, v4  }
0x1d6: {  	v10 =	vld [tilespmem:s18+$0x60];
	v8 =	vmul.f32 v8, v4;
	s19 =	sadd.s32 $0x3, s19;
	[tilespmem:s18+$0x0] =	vst v6  }
0x1d7: {  	v54 =	vmul.f32 v7, v4;
	v1 =	vadd.s32 s19, v1;
	[tilespmem:s18+$0x20] =	vst v5  }
0x1d8: {  	v2 =	vmul.f32 v2, v4;
	[tilespmem:s18+$0x10] =	vst v8;
	v1 =	vbroadcast v1, $0x0  }
0x1d9: {  	v3 =	vmul.f32 v3, v4;
	[tilespmem:s18+$0x50] =	vst v54  }
0x1da: {  	[tilespmem:s18+$0x40] =	vst v2;
	v55 =	vmul.f32 v9, v4  }
0x1db: {  	[tilespmem:s18+$0x70] =	vst v3;
	v57 =	vmul.f32 v10, v4  }
0x1dc: {  	[tilespmem:s18+$0x30] =	vst v55  }
0x1dd: {  	v56 =	vld [tilespmem:s18+$0x80];
	[tilespmem:s18+$0x60] =	vst v57  }
0x1de: {  	v1 =	vld.idx.msk [tilespmem:v1+s10+$0x0], $0xffff  }
0x1df: {  	v2 =	vld [tilespmem:s18+$0xB0]  }
0x1e0: {  	v3 =	vld [tilespmem:s18+$0xD0]  }
0x1e1: {  	v58 =	vld [tilespmem:s18+$0xC0]  }
0x1e2: {  	v61 =	vld [tilespmem:s18+$0xA0]  }
0x1e3: {  	v59 =	vld [tilespmem:s18+$0x90];
	v7 =	vmul.f32 v56, v1  }
0x1e4: {  	v60 =	vld [tilespmem:s18+$0xF0];
	v2 =	vmul.f32 v2, v1  }
0x1e5: {  	v62 =	vld [tilespmem:s18+$0xE0];
	v3 =	vmul.f32 v3, v1;
	[tilespmem:s18+$0x80] =	vst v7  }
0x1e6: {  	v4 =	vmul.f32 v58, v1;
	[tilespmem:s18+$0xB0] =	vst v2  }
0x1e7: {  	v63 =	vmul.f32 v61, v1;
	[tilespmem:s18+$0xD0] =	vst v3  }
0x1e8: {  	v2 =	vmul.f32 v59, v1;
	[tilespmem:s18+$0xC0] =	vst v4  }
0x1e9: {  	v3 =	vmul.f32 v60, v1;
	[tilespmem:s18+$0xA0] =	vst v63  }
0x1ea: {  	v1 =	vmul.f32 v62, v1;
	[tilespmem:s18+$0x90] =	vst v2  }
0x1eb: {  	[tilespmem:s18+$0xF0] =	vst v3  }
0x1ec: {  	s17 =	sadd.s32 $0x2710, s17;
	[tilespmem:s18+$0xE0] =	vst v1  }
0x1ed: {  	[spmem:s3] =	stream.indirect.scatter.add.f32 [tilespmem:s14], [sflag:$0x2], $0x80, s17, s11, $0xb8;
	[tilespmem:$0x1FDB0] =	vst v63  }
0x1ee: {  	_ =	swait.ge [sflag:s12], $0x2800  }
0x1ef: {  	[sflag:s12] =	ssyncset.done $0x0  }
0x1f0: {  	[sflag:s12] =	ssyncadd.s32 $0xFFFFD800  }
.LBB2_28:
0x1f1: {  	s16 =	sadd.s32 $0x1, s16  }
0x1f2: {  	p1 =	sne.s32 s16, $0x7D  }
.Ltmp14:
0x1f3: {  	_ = 	snop;
	(pc) =	sbr.rel @!p1 .LBB2_29-.Ltmp14, $1  }
0x1f4: {  	_ =	sdelay $0x3  }
.LBB2_18:
0x1f5: {  	s17 =	sand.u32 $0x1, s16  }
0x1f6: {  	p1 =	seq.s32 s17, $0x0  }
.Ltmp15:
0x1f7: {  	_ = 	snop;
	(pc) =	sbr.rel @p1 .LBB2_20-.Ltmp15, $1  }
0x1f8: {  	_ =	sdelay $0x3  }
.Ltmp16:
0x1f9: {  	(pc) =	sbr.rel .LBB2_25-.Ltmp16, $4  }
0x1fa: {  	_ = 	snop  }
0x1fb: {  	_ =	swait.ge [sflag:s13], $0x2800;
	s17 =	smul.u32 $0x50, s16  }
0x1fc: {  	[sflag:s13] =	ssyncset.done $0x0  }
0x1fd: {  	s18 =	smul.u32 $0x140, s16;
	[sflag:s13] =	ssyncadd.s32 $0xFFFFD800;
	v1 =	vmov s17  }
.LBB2_20:
0x1fe: {  	p2 =	seq.s32 s16, $0x0;
	s18 =	smul.u32 $0x50, s16  }
0x1ff: {  	s17 =	simm.s32 @!p2 $0x2  }
0x200: {  	p3 =	seq.s32 @!p2 s16, $0x7C;
	_ =	swait.ge @!p2 [sflag:s17], $0x2800;
	s21 =	sadd.s32 $0x0, s18  }
0x201: {  	p3 =	por p2, !p3;
	[sflag:s17] =	ssyncset.done @!p2 $0x0;
	v1 =	vmov s21  }
0x202: {  	[sflag:s17] =	ssyncadd.s32 @!p2 $0xFFFFD800;
	s17 =	smul.u32 @p3 $0x140, s16;
	v1 =	vand.u32 $0xFFFFFFFC, v1  }
0x203: {  	v1 =	vbroadcast v1, $0x0  }
0x204: {  	s17 =	sshra.s32 @p3 s17, $0x2  }
0x205: {  	s17 =	sadd.s32 @p3 $0x50, s17  }
0x206: {  	[tilespmem:s14], [sflag:$0x1] =	stream.indirect.gather @p3 [hbm4b:s7+s11], $0x80, s17, s11, $0xb8;
	[tilespmem:$0x1FDB0] =	vst v63  }
0x207: {  	s17 =	simm.s32 $0x7630  }
0x208: {  	v2 =	vld [tilespmem:s17+$0xFFFFFF70]  }
0x209: {  	v1 =	vld.idx.msk [tilespmem:v1+s10+$0x0], $0xffff  }
0x20a: {  	v3 =	vld [tilespmem:s17+$0xFFFFFF00]  }
0x20b: {  	v4 =	vld [tilespmem:s17+$0xFFFFFF20]  }
0x20c: {  	v5 =	vld [tilespmem:s17+$0xFFFFFF50]  }
0x20d: {  	v6 =	vld [tilespmem:s17+$0xFFFFFF40]  }
0x20e: {  	v7 =	vld [tilespmem:s17+$0xFFFFFF60];
	v2 =	vmul.f32 v2, v1  }
0x20f: {  	s19 =	sadd.s32 $0x1, s21;
	v8 =	vld [tilespmem:s17+$0xFFFFFF30];
	v3 =	vmul.f32 v3, v1  }
0x210: {  	v9 =	vmov s19;
	v10 =	vld [tilespmem:s17+$0xFFFFFF10];
	v4 =	vmul.f32 v4, v1;
	[tilespmem:s17+$0xFFFFFF70] =	vst v2  }
0x211: {  	v5 =	vmul.f32 v5, v1;
	v2 =	vand.u32 $0xFFFFFFFD, v9;
	[tilespmem:s17+$0xFFFFFF00] =	vst v3  }
0x212: {  	v3 =	vmul.f32 v6, v1;
	[tilespmem:s17+$0xFFFFFF20] =	vst v4;
	v2 =	vbroadcast v2, $0x0  }
0x213: {  	v4 =	vmul.f32 v7, v1;
	[tilespmem:s17+$0xFFFFFF50] =	vst v5  }
0x214: {  	v5 =	vmul.f32 v8, v1;
	[tilespmem:s17+$0xFFFFFF40] =	vst v3  }
0x215: {  	v1 =	vmul.f32 v10, v1;
	[tilespmem:s17+$0xFFFFFF60] =	vst v4  }
0x216: {  	[tilespmem:s17+$0xFFFFFF30] =	vst v5  }
0x217: {  	[tilespmem:s17+$0xFFFFFF10] =	vst v1;
	v1 =	vld [tilespmem:s17+$0xFFFFFF90]  }
0x218: {  	v4 =	vld.idx.msk [tilespmem:v2+s10+$0x0], $0xffff  }
0x219: {  	v2 =	vld [tilespmem:s17+$0xFFFFFFA0]  }
0x21a: {  	v3 =	vld [tilespmem:s17+$0xFFFFFF80]  }
0x21b: {  	v5 =	vld [tilespmem:s17+$0xFFFFFFB0]  }
0x21c: {  	v7 =	vld [tilespmem:s17+$0xFFFFFFD0]  }
0x21d: {  	v6 =	vld [tilespmem:s17+$0xFFFFFFC0];
	v1 =	vmul.f32 v1, v4  }
0x21e: {  	s24 =	sadd.s32 $0x2, s21;
	v8 =	vld [tilespmem:s17+$0xFFFFFFF0];
	v2 =	vmul.f32 v2, v4  }
0x21f: {  	v9 =	vmov s24;
	v10 =	vld [tilespmem:s17+$0xFFFFFFE0];
	v3 =	vmul.f32 v3, v4;
	[tilespmem:s17+$0xFFFFFF90] =	vst v1  }
0x220: {  	v5 =	vmul.f32 v5, v4;
	v1 =	vand.u32 $0xFFFFFFFE, v9;
	[tilespmem:s17+$0xFFFFFFA0] =	vst v2  }
0x221: {  	v7 =	vmul.f32 v7, v4;
	[tilespmem:s17+$0xFFFFFF80] =	vst v3;
	v2 =	vld [tilespmem:s17+$0x20];
	v1 =	vbroadcast v1, $0x0  }
0x222: {  	v6 =	vmul.f32 v6, v4;
	[tilespmem:s17+$0xFFFFFFB0] =	vst v5;
	v3 =	vld [tilespmem:s17+$0x30]  }
0x223: {  	v5 =	vmul.f32 v8, v4;
	[tilespmem:s17+$0xFFFFFFD0] =	vst v7;
	v7 =	vld [tilespmem:s17+$0x60]  }
0x224: {  	[tilespmem:s17+$0xFFFFFFC0] =	vst v6;
	v4 =	vmul.f32 v10, v4;
	v8 =	vld [tilespmem:s17+$0x0]  }
0x225: {  	v6 =	vld [tilespmem:s17+$0x10];
	[tilespmem:s17+$0xFFFFFFF0] =	vst v5  }
0x226: {  	v5 =	vld [tilespmem:s17+$0x40];
	[tilespmem:s17+$0xFFFFFFE0] =	vst v4  }
0x227: {  	s22 =	sadd.s32 $0x3, s21;
	s21 =	simm.s32 $0x7630;
	s19 =	simm.s32 $0x4;
	v4 =	vld.idx.msk [tilespmem:v1+s10+$0x0], $0xffff;
	v1 =	vmov s18  }
.LBB2_21:
0x228: {  	p2 =	slt.u32 s19, $0x4C  }
0x229: {  	v9 =	vld [tilespmem:s17+$0x50];
	s21 =	sadd.s32 $0x200, s21;
	s23 =	smov.u32 s19;
	s19 =	sadd.s32 $0x4, s19  }
0x22a: {  	v10 =	vld [tilespmem:s17+$0x70];
	_ =	sdelay $0x1  }
0x22b: {  	v7 =	vmul.f32 v7, v4;
	v8 =	vmul.f32 v8, v4  }
0x22c: {  	v5 =	vmul.f32 v5, v4;
	v6 =	vmul.f32 v6, v4  }
0x22d: {  	v2 =	vmul.f32 v2, v4;
	v3 =	vmul.f32 v3, v4;
	[tilespmem:s17+$0x60] =	vst v7  }
0x22e: {  	[tilespmem:s17+$0x40] =	vst v5;
	v5 =	vmul.f32 v9, v4;
	v4 =	vmul.f32 v10, v4  }
0x22f: {  	[tilespmem:s17+$0x20] =	vst v2;
	v7 =	vld [tilespmem:s17+$0x80]  }
0x230: {  	v2 =	vld [tilespmem:s21+$0x20];
	[tilespmem:s17+$0x0] =	vst v8;
	v8 =	vmov s22  }
0x231: {  	[tilespmem:s17+$0x50] =	vst v5;
	v5 =	vld [tilespmem:s17+$0xE0]  }
0x232: {  	[tilespmem:s17+$0x30] =	vst v3;
	v9 =	vld [tilespmem:s17+$0xC0]  }
0x233: {  	v3 =	vld [tilespmem:s21+$0x30];
	[tilespmem:s17+$0x10] =	vst v6  }
0x234: {  	[tilespmem:s17+$0x70] =	vst v4;
	v4 =	vld [tilespmem:s17+$0xA0]  }
0x235: {  	v6 =	vld.idx.msk [tilespmem:v8+s10+$0x0], $0xffff  }
0x236: {  	v8 =	vld [tilespmem:s17+$0x90]  }
0x237: {  	v10 =	vld [tilespmem:s17+$0xB0]  }
0x238: {  	v11 =	vld [tilespmem:s17+$0xD0]  }
0x239: {  	v12 =	vld [tilespmem:s17+$0xF0];
	_ =	sdelay $0x1  }
0x23a: {  	v7 =	vmul.f32 v7, v6;
	v8 =	vmul.f32 v8, v6  }
0x23b: {  	s22 =	sadd.s32 s18, s23;
	v4 =	vmul.f32 v4, v6;
	v10 =	vmul.f32 v10, v6  }
0x23c: {  	v13 =	vmov s22;
	s23 =	sadd.s32 $0x1, s22;
	s24 =	sadd.s32 $0x2, s22;
	s22 =	sadd.s32 $0x3, s22;
	[tilespmem:s17+$0x80] =	vst v7;
	v7 =	vmul.f32 v9, v6;
	v9 =	vmul.f32 v11, v6  }
0x23d: {  	v11 =	vand.u32 $0xFFFFFFFC, v13;
	[tilespmem:s17+$0xA0] =	vst v4;
	v4 =	vmul.f32 v5, v6;
	v5 =	vmul.f32 v12, v6  }
0x23e: {  	v6 =	vbroadcast v11, $0x0;
	v11 =	vmov s23;
	v12 =	vmov s24;
	[tilespmem:s17+$0xC0] =	vst v7  }
0x23f: {  	v7 =	vand.u32 $0xFFFFFFFD, v11;
	v11 =	vand.u32 $0xFFFFFFFE, v12;
	[tilespmem:s17+$0xF0] =	vst v5  }
0x240: {  	v5 =	vld [tilespmem:s21+$0xFFFFFF40];
	[tilespmem:s17+$0xE0] =	vst v4  }
0x241: {  	v4 =	vld [tilespmem:s21+$0xFFFFFF50];
	[tilespmem:s17+$0x90] =	vst v8  }
0x242: {  	v8 =	vld [tilespmem:s21+$0xFFFFFF60];
	[tilespmem:s17+$0xB0] =	vst v10  }
0x243: {  	v10 =	vld [tilespmem:s21+$0xFFFFFF70];
	[tilespmem:s17+$0xD0] =	vst v9;
	s17 =	smov.u32 s21  }
0x244: {  	v6 =	vld.idx.msk [tilespmem:v6+s10+$0x0], $0xffff  }
0x245: {  	v9 =	vld [tilespmem:s21+$0xFFFFFF00]  }
0x246: {  	v12 =	vld [tilespmem:s21+$0xFFFFFF20]  }
0x247: {  	v13 =	vld [tilespmem:s21+$0xFFFFFF10]  }
0x248: {  	v14 =	vld [tilespmem:s21+$0xFFFFFF30];
	_ =	sdelay $0x1  }
0x249: {  	v10 =	vmul.f32 v10, v6;
	v9 =	vmul.f32 v9, v6  }
0x24a: {  	v8 =	vmul.f32 v8, v6;
	v12 =	vmul.f32 v12, v6  }
0x24b: {  	v4 =	vmul.f32 v4, v6;
	v13 =	vmul.f32 v13, v6;
	[tilespmem:s21+$0xFFFFFF70] =	vst v10  }
0x24c: {  	v5 =	vmul.f32 v5, v6;
	[tilespmem:s21+$0xFFFFFF00] =	vst v9;
	v9 =	vmul.f32 v14, v6  }
0x24d: {  	v6 =	vbroadcast v7, $0x0;
	[tilespmem:s21+$0xFFFFFF20] =	vst v12  }
0x24e: {  	[tilespmem:s21+$0xFFFFFF50] =	vst v4  }
0x24f: {  	[tilespmem:s21+$0xFFFFFF40] =	vst v5;
	v4 =	vld [tilespmem:s21+$0xFFFFFFF0]  }
0x250: {  	[tilespmem:s21+$0xFFFFFF60] =	vst v8;
	v5 =	vld [tilespmem:s21+$0xFFFFFFC0]  }
0x251: {  	[tilespmem:s21+$0xFFFFFF30] =	vst v9;
	v7 =	vld [tilespmem:s21+$0xFFFFFFD0]  }
0x252: {  	[tilespmem:s21+$0xFFFFFF10] =	vst v13;
	v8 =	vld [tilespmem:s21+$0xFFFFFF90]  }
0x253: {  	v6 =	vld.idx.msk [tilespmem:v6+s10+$0x0], $0xffff  }
0x254: {  	v9 =	vld [tilespmem:s21+$0xFFFFFF80]  }
0x255: {  	v10 =	vld [tilespmem:s21+$0xFFFFFFA0]  }
0x256: {  	v12 =	vld [tilespmem:s21+$0xFFFFFFB0]  }
0x257: {  	v13 =	vld [tilespmem:s21+$0xFFFFFFE0];
	_ =	sdelay $0x1  }
0x258: {  	v8 =	vmul.f32 v8, v6;
	v9 =	vmul.f32 v9, v6  }
0x259: {  	v7 =	vmul.f32 v7, v6;
	v10 =	vmul.f32 v10, v6  }
0x25a: {  	v5 =	vmul.f32 v5, v6;
	[tilespmem:s21+$0xFFFFFF90] =	vst v8;
	v8 =	vmul.f32 v12, v6  }
0x25b: {  	v4 =	vmul.f32 v4, v6;
	[tilespmem:s21+$0xFFFFFFA0] =	vst v10;
	v10 =	vmul.f32 v13, v6  }
0x25c: {  	v6 =	vbroadcast v11, $0x0;
	[tilespmem:s21+$0xFFFFFF80] =	vst v9  }
0x25d: {  	[tilespmem:s21+$0xFFFFFFB0] =	vst v8  }
0x25e: {  	[tilespmem:s21+$0xFFFFFFC0] =	vst v5  }
0x25f: {  	[tilespmem:s21+$0xFFFFFFD0] =	vst v7  }
.Ltmp17:
0x260: {  	[tilespmem:s21+$0xFFFFFFF0] =	vst v4;
	v5 =	vld [tilespmem:s21+$0x40];
	(pc) =	sbr.rel @p2 .LBB2_21-.Ltmp17, $4  }
0x261: {  	[tilespmem:s21+$0xFFFFFFE0] =	vst v10;
	v7 =	vld [tilespmem:s21+$0x60]  }
0x262: {  	v4 =	vld.idx.msk [tilespmem:v6+s10+$0x0], $0xffff  }
0x263: {  	v8 =	vld [tilespmem:s21+$0x0]  }
0x264: {  	v6 =	vld [tilespmem:s21+$0x10]  }
0x265: {  	_ =	sdelay $0x1  }
0x266: {  	v7 =	vmul.f32 v7, v4  }
0x267: {  	v9 =	vld [tilespmem:s17+$0x50];
	v5 =	vmul.f32 v5, v4  }
0x268: {  	v10 =	vld [tilespmem:s17+$0x70];
	v2 =	vmul.f32 v2, v4;
	[tilespmem:s17+$0x60] =	vst v7  }
0x269: {  	v50 =	vmul.f32 v8, v4;
	[tilespmem:s17+$0x40] =	vst v5  }
0x26a: {  	[tilespmem:s17+$0x20] =	vst v2;
	v2 =	vmul.f32 v3, v4  }
0x26b: {  	v52 =	vmov s22;
	v6 =	vmul.f32 v6, v4;
	[tilespmem:s17+$0x0] =	vst v50  }
0x26c: {  	v51 =	vmul.f32 v9, v4;
	[tilespmem:s17+$0x30] =	vst v2  }
0x26d: {  	v53 =	vmul.f32 v10, v4;
	[tilespmem:s17+$0x10] =	vst v6  }
0x26e: {  	[tilespmem:s17+$0x50] =	vst v51  }
0x26f: {  	v3 =	vld [tilespmem:s17+$0x80];
	[tilespmem:s17+$0x70] =	vst v53  }
0x270: {  	v2 =	vld.idx.msk [tilespmem:v52+s10+$0x0], $0xffff  }
0x271: {  	v54 =	vld [tilespmem:s17+$0xA0]  }
0x272: {  	v56 =	vld [tilespmem:s17+$0xF0]  }
0x273: {  	v57 =	vld [tilespmem:s17+$0xE0]  }
0x274: {  	v55 =	vld [tilespmem:s17+$0xC0]  }
0x275: {  	v59 =	vld [tilespmem:s17+$0xB0];
	v3 =	vmul.f32 v3, v2  }
0x276: {  	v58 =	vld [tilespmem:s17+$0x90];
	v4 =	vmul.f32 v54, v2  }
0x277: {  	v60 =	vld [tilespmem:s17+$0xD0];
	v61 =	vmul.f32 v56, v2;
	[tilespmem:s17+$0x80] =	vst v3  }
0x278: {  	v62 =	vmul.f32 v57, v2;
	[tilespmem:s17+$0xA0] =	vst v4  }
0x279: {  	v3 =	vmul.f32 v55, v2;
	[tilespmem:s17+$0xF0] =	vst v61  }
0x27a: {  	s18 =	smul.u32 $0x140, s16;
	p2 =	seq.s32 s16, $0x7C;
	v63 =	vmul.f32 v59, v2;
	[tilespmem:s17+$0xE0] =	vst v62  }
.Ltmp18:
0x27b: {  	[tilespmem:s17+$0xC0] =	vst v3;
	v3 =	vmul.f32 v58, v2;
	(pc) =	sbr.rel @p2 .LBB2_29-.Ltmp18, $4  }
0x27c: {  	[tilespmem:s17+$0xB0] =	vst v63;
	v2 =	vmul.f32 v60, v2  }
0x27d: {  	s19 =	sshra.s32 s18, $0x2;
	[tilespmem:s17+$0x90] =	vst v3  }
0x27e: {  	s24 =	sadd.s32 $0x2710, s19;
	[tilespmem:s17+$0xD0] =	vst v2  }
0x27f: {  	[spmem:s3] =	stream.indirect.scatter.add.f32 [tilespmem:s8], [sflag:$0x2], $0x80, s24, s11, $0xb8;
	[tilespmem:$0x1FDB0] =	vst v63  }
.Ltmp19:
0x280: {  	(pc) =	sbr.rel @p1 .LBB2_28-.Ltmp19, $4  }
0x281: {  	_ = 	snop  }
0x282: {  	_ =	swait.ge [sflag:s12], $0x2800  }
0x283: {  	[sflag:s12] =	ssyncset.done $0x0  }
0x284: {  	[sflag:s12] =	ssyncadd.s32 $0xFFFFD800  }
0x285: {  	_ =	swait.ge [sflag:s13], $0x2800  }
0x286: {  	[sflag:s13] =	ssyncset.done $0x0  }
0x287: {  	[sflag:s13] =	ssyncadd.s32 $0xFFFFD800  }
.LBB2_25:
0x288: {  	s19 =	simm.s32 $0x0  }
0x289: {  	v2 =	vadd.s32 s19, v1  }
0x28a: {  	v2 =	vand.u32 $0xFFFFFFFC, v2  }
0x28b: {  	v2 =	vbroadcast v2, $0x0  }
0x28c: {  	s17 =	sshra.s32 s18, $0x2  }
0x28d: {  	s18 =	sadd.s32 $0x50, s17  }
0x28e: {  	[tilespmem:s8], [sflag:$0x1] =	stream.indirect.gather [hbm4b:s7+s11], $0x80, s18, s11, $0xb8;
	[tilespmem:$0x1FDB0] =	vst v63  }
0x28f: {  	s18 =	simm.s32 $0x9E30  }
0x290: {  	v4 =	vld [tilespmem:s18+$0xFFFFFF70]  }
0x291: {  	v2 =	vld.idx.msk [tilespmem:v2+s10+$0x0], $0xffff  }
0x292: {  	v5 =	vld [tilespmem:s18+$0xFFFFFF00]  }
0x293: {  	v6 =	vld [tilespmem:s18+$0xFFFFFF20]  }
0x294: {  	v7 =	vld [tilespmem:s18+$0xFFFFFF30]  }
0x295: {  	v3 =	vld [tilespmem:s18+$0xFFFFFF50]  }
0x296: {  	v9 =	vld [tilespmem:s18+$0xFFFFFF10];
	v4 =	vmul.f32 v4, v2  }
0x297: {  	s21 =	simm.s32 $0x1;
	v8 =	vld [tilespmem:s18+$0xFFFFFF60];
	v5 =	vmul.f32 v5, v2  }
0x298: {  	v10 =	vld [tilespmem:s18+$0xFFFFFF40];
	v6 =	vmul.f32 v6, v2;
	[tilespmem:s18+$0xFFFFFF70] =	vst v4;
	v4 =	vadd.s32 s21, v1  }
0x299: {  	v7 =	vmul.f32 v7, v2;
	[tilespmem:s18+$0xFFFFFF00] =	vst v5;
	v4 =	vand.u32 $0xFFFFFFFD, v4  }
0x29a: {  	v3 =	vmul.f32 v3, v2;
	[tilespmem:s18+$0xFFFFFF20] =	vst v6;
	v4 =	vbroadcast v4, $0x0  }
0x29b: {  	v5 =	vmul.f32 v9, v2;
	[tilespmem:s18+$0xFFFFFF30] =	vst v7  }
0x29c: {  	v6 =	vmul.f32 v8, v2;
	[tilespmem:s18+$0xFFFFFF50] =	vst v3  }
0x29d: {  	v2 =	vmul.f32 v10, v2;
	[tilespmem:s18+$0xFFFFFF10] =	vst v5  }
0x29e: {  	v3 =	vld [tilespmem:s18+$0xFFFFFFB0];
	[tilespmem:s18+$0xFFFFFF60] =	vst v6  }
0x29f: {  	[tilespmem:s18+$0xFFFFFF40] =	vst v2;
	v2 =	vld [tilespmem:s18+$0xFFFFFF80]  }
0x2a0: {  	v4 =	vld.idx.msk [tilespmem:v4+s10+$0x0], $0xffff  }
0x2a1: {  	v5 =	vld [tilespmem:s18+$0xFFFFFFD0]  }
0x2a2: {  	v6 =	vld [tilespmem:s18+$0xFFFFFFA0]  }
0x2a3: {  	v8 =	vld [tilespmem:s18+$0xFFFFFF90]  }
0x2a4: {  	v7 =	vld [tilespmem:s18+$0xFFFFFFF0]  }
0x2a5: {  	v9 =	vld [tilespmem:s18+$0xFFFFFFE0];
	v2 =	vmul.f32 v2, v4  }
0x2a6: {  	s24 =	simm.s32 $0x2;
	v3 =	vmul.f32 v3, v4  }
0x2a7: {  	v10 =	vld [tilespmem:s18+$0xFFFFFFC0];
	v6 =	vmul.f32 v6, v4;
	[tilespmem:s18+$0xFFFFFF80] =	vst v2;
	v2 =	vmul.f32 v5, v4;
	v5 =	vadd.s32 s24, v1  }
0x2a8: {  	v8 =	vmul.f32 v8, v4;
	[tilespmem:s18+$0xFFFFFFB0] =	vst v3;
	v3 =	vand.u32 $0xFFFFFFFE, v5  }
0x2a9: {  	[tilespmem:s18+$0xFFFFFFA0] =	vst v6;
	v5 =	vmul.f32 v7, v4;
	v7 =	vbroadcast v3, $0x0  }
0x2aa: {  	v6 =	vmul.f32 v9, v4;
	[tilespmem:s18+$0xFFFFFF90] =	vst v8;
	v8 =	vld [tilespmem:s18+$0x10]  }
0x2ab: {  	[tilespmem:s18+$0xFFFFFFD0] =	vst v2;
	v2 =	vld [tilespmem:s18+$0x40]  }
0x2ac: {  	v4 =	vmul.f32 v10, v4;
	v3 =	vld [tilespmem:s18+$0x70];
	[tilespmem:s18+$0xFFFFFFE0] =	vst v6  }
0x2ad: {  	v6 =	vld [tilespmem:s18+$0x0];
	[tilespmem:s18+$0xFFFFFFF0] =	vst v5  }
0x2ae: {  	v5 =	vld [tilespmem:s18+$0x20];
	[tilespmem:s18+$0xFFFFFFC0] =	vst v4  }
0x2af: {  	v4 =	vld.idx.msk [tilespmem:v7+s10+$0x0], $0xffff  }
0x2b0: {  	s22 =	simm.s32 $0x9E30;
	s21 =	simm.s32 $0x4;
	v7 =	vld [tilespmem:s18+$0x50]  }
.LBB2_26:
0x2b1: {  	p1 =	slt.u32 s21, $0x4C  }
0x2b2: {  	v9 =	vld [tilespmem:s18+$0x30];
	s22 =	sadd.s32 $0x200, s22;
	s23 =	smov.u32 s21;
	s21 =	sadd.s32 $0x4, s21  }
0x2b3: {  	v10 =	vld [tilespmem:s18+$0x60];
	_ =	sdelay $0x1  }
0x2b4: {  	v6 =	vmul.f32 v6, v4;
	v8 =	vmul.f32 v8, v4  }
0x2b5: {  	v5 =	vmul.f32 v5, v4;
	v7 =	vmul.f32 v7, v4  }
0x2b6: {  	v2 =	vmul.f32 v2, v4;
	v3 =	vmul.f32 v3, v4;
	s24 =	sadd.s32 $0x3, s19;
	s19 =	smov.u32 s23;
	[tilespmem:s18+$0x0] =	vst v6  }
0x2b7: {  	v6 =	vadd.s32 s24, v1;
	[tilespmem:s18+$0x20] =	vst v5;
	v5 =	vmul.f32 v9, v4;
	v4 =	vmul.f32 v10, v4  }
0x2b8: {  	v6 =	vbroadcast v6, $0x0;
	[tilespmem:s18+$0x10] =	vst v8;
	v8 =	vld [tilespmem:s18+$0x80]  }
0x2b9: {  	[tilespmem:s18+$0x50] =	vst v7;
	v7 =	vld [tilespmem:s18+$0xC0]  }
0x2ba: {  	[tilespmem:s18+$0x30] =	vst v5;
	v5 =	vld [tilespmem:s18+$0xB0]  }
0x2bb: {  	[tilespmem:s18+$0x40] =	vst v2;
	v9 =	vld [tilespmem:s18+$0xF0]  }
0x2bc: {  	v2 =	vld [tilespmem:s22+$0x40];
	[tilespmem:s18+$0x70] =	vst v3  }
0x2bd: {  	v3 =	vld [tilespmem:s22+$0x70];
	[tilespmem:s18+$0x60] =	vst v4  }
0x2be: {  	v4 =	vld.idx.msk [tilespmem:v6+s10+$0x0], $0xffff  }
0x2bf: {  	v6 =	vld [tilespmem:s18+$0x90]  }
0x2c0: {  	v10 =	vld [tilespmem:s18+$0xA0]  }
0x2c1: {  	v11 =	vld [tilespmem:s18+$0xD0]  }
0x2c2: {  	v12 =	vld [tilespmem:s18+$0xE0];
	_ =	sdelay $0x1  }
0x2c3: {  	v8 =	vmul.f32 v8, v4;
	v6 =	vmul.f32 v6, v4  }
0x2c4: {  	v5 =	vmul.f32 v5, v4;
	v10 =	vmul.f32 v10, v4  }
0x2c5: {  	v13 =	vadd.s32 s19, v1;
	v7 =	vmul.f32 v7, v4;
	[tilespmem:s18+$0x80] =	vst v8;
	v8 =	vmul.f32 v11, v4  }
0x2c6: {  	v11 =	vand.u32 $0xFFFFFFFC, v13;
	[tilespmem:s18+$0xB0] =	vst v5;
	v5 =	vmul.f32 v12, v4;
	v4 =	vmul.f32 v9, v4  }
0x2c7: {  	v9 =	vbroadcast v11, $0x0;
	[tilespmem:s18+$0xD0] =	vst v8  }
0x2c8: {  	[tilespmem:s18+$0xC0] =	vst v7  }
0x2c9: {  	v7 =	vld [tilespmem:s22+$0xFFFFFF50];
	[tilespmem:s18+$0x90] =	vst v6  }
0x2ca: {  	v6 =	vld [tilespmem:s22+$0xFFFFFF30];
	[tilespmem:s18+$0xF0] =	vst v4  }
0x2cb: {  	v4 =	vld [tilespmem:s22+$0xFFFFFF60];
	[tilespmem:s18+$0xA0] =	vst v10  }
0x2cc: {  	v8 =	vld [tilespmem:s22+$0xFFFFFF70];
	[tilespmem:s18+$0xE0] =	vst v5;
	s18 =	smov.u32 s22  }
0x2cd: {  	v5 =	vld.idx.msk [tilespmem:v9+s10+$0x0], $0xffff  }
0x2ce: {  	v9 =	vld [tilespmem:s22+$0xFFFFFF00]  }
0x2cf: {  	v10 =	vld [tilespmem:s22+$0xFFFFFF20]  }
0x2d0: {  	v11 =	vld [tilespmem:s22+$0xFFFFFF10]  }
0x2d1: {  	v12 =	vld [tilespmem:s22+$0xFFFFFF40];
	_ =	sdelay $0x1  }
0x2d2: {  	v8 =	vmul.f32 v8, v5;
	v9 =	vmul.f32 v9, v5  }
0x2d3: {  	s23 =	sadd.s32 $0x1, s19;
	v4 =	vmul.f32 v4, v5;
	v10 =	vmul.f32 v10, v5  }
0x2d4: {  	v6 =	vmul.f32 v6, v5;
	v11 =	vmul.f32 v11, v5;
	[tilespmem:s22+$0xFFFFFF70] =	vst v8;
	v8 =	vadd.s32 s23, v1  }
0x2d5: {  	[tilespmem:s22+$0xFFFFFF00] =	vst v9;
	v9 =	vmul.f32 v12, v5;
	v5 =	vmul.f32 v7, v5;
	v7 =	vand.u32 $0xFFFFFFFD, v8  }
0x2d6: {  	[tilespmem:s22+$0xFFFFFF20] =	vst v10;
	v7 =	vbroadcast v7, $0x0  }
0x2d7: {  	[tilespmem:s22+$0xFFFFFF30] =	vst v6  }
0x2d8: {  	[tilespmem:s22+$0xFFFFFF50] =	vst v5;
	v5 =	vld [tilespmem:s22+$0xFFFFFFF0]  }
0x2d9: {  	[tilespmem:s22+$0xFFFFFF10] =	vst v11;
	v6 =	vld [tilespmem:s22+$0xFFFFFFD0]  }
0x2da: {  	[tilespmem:s22+$0xFFFFFF60] =	vst v4;
	v4 =	vld [tilespmem:s22+$0xFFFFFFB0]  }
0x2db: {  	[tilespmem:s22+$0xFFFFFF40] =	vst v9;
	v8 =	vld [tilespmem:s22+$0xFFFFFF90]  }
0x2dc: {  	v7 =	vld.idx.msk [tilespmem:v7+s10+$0x0], $0xffff  }
0x2dd: {  	v9 =	vld [tilespmem:s22+$0xFFFFFF80]  }
0x2de: {  	v10 =	vld [tilespmem:s22+$0xFFFFFFA0]  }
0x2df: {  	v11 =	vld [tilespmem:s22+$0xFFFFFFC0]  }
0x2e0: {  	v12 =	vld [tilespmem:s22+$0xFFFFFFE0];
	_ =	sdelay $0x1  }
0x2e1: {  	v8 =	vmul.f32 v8, v7;
	v9 =	vmul.f32 v9, v7  }
0x2e2: {  	s23 =	sadd.s32 $0x2, s19;
	v4 =	vmul.f32 v4, v7;
	v10 =	vmul.f32 v10, v7  }
0x2e3: {  	v6 =	vmul.f32 v6, v7;
	[tilespmem:s22+$0xFFFFFF80] =	vst v9;
	v9 =	vmul.f32 v11, v7;
	v11 =	vadd.s32 s23, v1  }
0x2e4: {  	v5 =	vmul.f32 v5, v7;
	[tilespmem:s22+$0xFFFFFFB0] =	vst v4;
	v4 =	vmul.f32 v12, v7;
	v7 =	vand.u32 $0xFFFFFFFE, v11  }
0x2e5: {  	[tilespmem:s22+$0xFFFFFFD0] =	vst v6;
	v7 =	vbroadcast v7, $0x0  }
0x2e6: {  	[tilespmem:s22+$0xFFFFFFA0] =	vst v10  }
0x2e7: {  	[tilespmem:s22+$0xFFFFFFF0] =	vst v5  }
0x2e8: {  	[tilespmem:s22+$0xFFFFFF90] =	vst v8  }
.Ltmp20:
0x2e9: {  	[tilespmem:s22+$0xFFFFFFE0] =	vst v4;
	v5 =	vld [tilespmem:s22+$0x20];
	(pc) =	sbr.rel @p1 .LBB2_26-.Ltmp20, $4  }
0x2ea: {  	[tilespmem:s22+$0xFFFFFFC0] =	vst v9;
	v6 =	vld [tilespmem:s22+$0x0]  }
0x2eb: {  	v4 =	vld.idx.msk [tilespmem:v7+s10+$0x0], $0xffff  }
0x2ec: {  	v8 =	vld [tilespmem:s22+$0x10]  }
0x2ed: {  	v7 =	vld [tilespmem:s22+$0x50]  }
.Ltmp21:
0x2ee: {  	_ = 	snop;
	(pc) =	sbr.rel .LBB2_27-.Ltmp21, $1  }
0x2ef: {  	_ =	sdelay $0x3  }
.LBB2_16:
.Ltmp22:
0x2f0: {  	_ =	swait.ge [sflag:s13], $0x2800;
	(pc) =	sbr.rel .LBB2_30-.Ltmp22, $4  }
0x2f1: {  	[sflag:s13] =	ssyncset.done $0x0  }
0x2f2: {  	[sflag:s13] =	ssyncadd.s32 $0xFFFFD800  }
0x2f3: {  	[bflag:$0x0] =	sbarrier.arrive $0xFFFF  }
0x2f4: {  	s16 =	rddreg [dreg:$0x18]  }
.LBB2_31:
0x2f5: {  	_ =	sfence.sel $0x180000  }
0x2f6: {  	[bflag:$0x0] =	sbarrier.arrive $0xFFFF  }
0x2f7: {  	_ =	strace $0x90000047  }
0x2f8: {  	s0 =	stileid.u32;
	[bflag:$0x2] =	sbarrier.arrive $0xFFFF  }
0x2f9: {  	p0 =	sne.s32 s0, $0x0;
	s0 =	rddreg [dreg:$0x4]  }
0x2fa: {  	s0 =	sadd.s32 @!p0 $0x100000, s0  }
0x2fb: {  	[sflag:s0] =	ssyncadd.tile.s32 @!p0 $0x1;
	_ =	shalt  }
.Lfunc_end2:
_tile_overlayer_lowered:
.L_overlay_start_2:
0x2fc: {  	(tag) =	ssettag $0x2  }
0x2fd: {  	s0 =	rddreg [dreg:$0x0];
	s2 =	stileid.u32  }
0x2fe: {  	s1 =	rddreg [dreg:$0x1];
	p0 =	sne.s32 s2, $0x0  }
0x2ff: {  	s3 =	rddreg [dreg:$0x2];
	[bflag:$0x3] =	sbarrier.arrive $0xFFFF;
	s2 =	simm.s32 @!p0 $0x1C03  }
0x300: {  	[timem:s3], [sflag:s2] =	dma.local @!p0 [hbm:s0], s1  }
0x301: {  	s0 =	simm.s32 @!p0 $0x3  }
0x302: {  	_ =	swait.ge @!p0 [sflag:s0], s1  }
0x303: {  	s1 =	ssub.s32 @!p0 $0x0, s1;
	[sflag:s0] =	ssyncset.done @!p0 $0x0  }
0x304: {  	[sflag:s0] =	ssyncadd.s32 @!p0 s1  }
0x305: {  	[bflag:$0x3] =	sbarrier.arrive $0xFFFF  }
0x306: {  	_ =	shalt  }

</sc_bundles>
